<compile_context>
chip_gen: v7x
topology: tpu7x:2x2x1
jax: 0.10.2.dev20260603
libtpu: 0.0.44.dev20260713+nightly
codegen_flags: <defaults>
</compile_context>

<pallas_src>
import functools

import jax
import jax.numpy as jnp
from jax import lax
from jax.experimental import pallas as pl
from jax.experimental.pallas import tpu as pltpu
from jax.experimental.pallas import tpu_sc as plsc

N = 10000
D = 128
E = 320000
NC = 2
NS = 16
NW = NC * NS
LANES = 16
CHUNK = 128
CH = 79
EPT = CH * CHUNK
E_PAD = NW * EPT
N_PAD = 10112
ROWS_PT = N_PAD // NS
EPS = 1e-5

_sc_mesh = plsc.VectorSubcoreMesh(core_axis_name="c", subcore_axis_name="s")


@functools.partial(
    pl.kernel,
    out_type=jax.ShapeDtypeStruct((NW, N_PAD), jnp.float32),
    mesh=_sc_mesh,
    compiler_params=pltpu.CompilerParams(needs_layout_passes=False),
    scratch_types=[
        pltpu.VMEM((CH, CHUNK), jnp.int32),
        pltpu.VMEM((CH, CHUNK), jnp.float32),
        pltpu.VMEM((N_PAD,), jnp.float32),
    ],
)
def _sc_degree(dst_hbm, w_hbm, deg_out, dst_v, w_v, deg_v):
    c = lax.axis_index("c")
    s = lax.axis_index("s")
    wid = c * NS + s
    pltpu.sync_copy(dst_hbm.at[wid], dst_v)
    pltpu.sync_copy(w_hbm.at[wid], w_v)

    zero16 = jnp.zeros((LANES,), jnp.float32)

    def zbody(i, carry):
        deg_v[pl.ds(i * LANES, LANES)] = zero16
        return carry

    lax.fori_loop(0, N_PAD // LANES, zbody, 0)

    def ebody(i, carry):
        j = i // (CHUNK // LANES)
        k = i % (CHUNK // LANES)
        idx = dst_v[j, pl.ds(k * LANES, LANES)]
        wv = w_v[j, pl.ds(k * LANES, LANES)]
        plsc.addupdate_scatter(deg_v, [idx], wv)
        return carry

    lax.fori_loop(0, CH * (CHUNK // LANES), ebody, 0)
    pltpu.sync_copy(deg_v, deg_out.at[wid])


@functools.partial(
    pl.kernel,
    out_type=jax.ShapeDtypeStruct((NC, N_PAD, D), jnp.float32),
    mesh=_sc_mesh,
    compiler_params=pltpu.CompilerParams(needs_layout_passes=False),
    scratch_types=[
        pltpu.VMEM((CH, CHUNK), jnp.int32),
        pltpu.VMEM((1, CHUNK), jnp.int32),
        pltpu.VMEM((1, CHUNK), jnp.int32),
        pltpu.VMEM((1, CHUNK), jnp.float32),
        pltpu.VMEM((1, CHUNK), jnp.float32),
        pltpu.VMEM((CHUNK, D), jnp.float32),
        pltpu.VMEM((CHUNK, D), jnp.float32),
        pltpu.VMEM_SHARED((N_PAD, D), jnp.float32),
        pltpu.SemaphoreType.DMA,
        pltpu.SemaphoreType.DMA,
        pltpu.SemaphoreType.DMA,
        pltpu.SemaphoreType.DMA,
        pltpu.SemaphoreType.DMA,
    ],
)
def _sc_aggregate(h_hbm, src_hbm, dst_hbm, w_hbm, out_hbm,
                  src_v, dst_ca, dst_cb, w_ca, w_cb, rows_a, rows_b, acc_sp,
                  g_sem_a, g_sem_b, s_sem, st_sem_a, st_sem_b):
    c = lax.axis_index("c")
    s = lax.axis_index("s")
    wid = c * NS + s
    pltpu.sync_copy(src_hbm.at[wid], src_v)

    def stage(j, dst_c, w_c, sem):
        pltpu.async_copy(dst_hbm.at[wid, pl.ds(j, 1)], dst_c, sem)
        pltpu.async_copy(w_hbm.at[wid, pl.ds(j, 1)], w_c, sem)

    def wait_stage(j, dst_c, w_c, sem):
        pltpu.make_async_copy(dst_hbm.at[wid, pl.ds(j, 1)], dst_c, sem).wait()
        pltpu.make_async_copy(w_hbm.at[wid, pl.ds(j, 1)], w_c, sem).wait()

    stage(0, dst_ca, w_ca, st_sem_a)
    pltpu.async_copy(h_hbm.at[src_v.at[0]], rows_a, g_sem_a)

    zero16 = jnp.zeros((LANES,), jnp.float32)

    def zbody(i, carry):
        r = i // (D // LANES)
        q = i % (D // LANES)
        rows_b[r, pl.ds(q * LANES, LANES)] = zero16
        return carry

    lax.fori_loop(0, CHUNK * (D // LANES), zbody, 0)

    base = s * ROWS_PT
    n_full = ROWS_PT // CHUNK
    rem = ROWS_PT % CHUNK
    for t in range(n_full):
        pltpu.sync_copy(rows_b, acc_sp.at[pl.ds(base + t * CHUNK, CHUNK)])
    if rem:
        pltpu.sync_copy(rows_b.at[pl.ds(0, rem)],
                        acc_sp.at[pl.ds(base + n_full * CHUNK, rem)])
    plsc.subcore_barrier()

    def _scale(w_c, rows):
        zv = jnp.zeros((LANES,), jnp.int32)

        @plsc.parallel_loop(0, CHUNK, 1, unroll=4)
        def _(e):
            wvec = plsc.load_gather(w_c, [zv, jnp.full((LANES,), e, jnp.int32)])
            for q in range(D // LANES):
                sl = pl.ds(q * LANES, LANES)
                rows[e, sl] = rows[e, sl] * wvec

    def _scatter(dst_c, rows):
        pltpu.async_copy(rows, acc_sp.at[dst_c.at[0]], s_sem, add=True)
        pltpu.make_async_copy(rows, acc_sp.at[dst_c.at[0]], s_sem).wait()

    def pair_body(t, carry):
        j0 = 2 * t
        j1 = j0 + 1
        stage(j1, dst_cb, w_cb, st_sem_b)
        pltpu.async_copy(h_hbm.at[src_v.at[j1]], rows_b, g_sem_b)
        pltpu.make_async_copy(h_hbm.at[src_v.at[j0]], rows_a, g_sem_a).wait()
        wait_stage(j0, dst_ca, w_ca, st_sem_a)
        _scale(w_ca, rows_a)
        _scatter(dst_ca, rows_a)
        stage(j0 + 2, dst_ca, w_ca, st_sem_a)
        pltpu.async_copy(h_hbm.at[src_v.at[j0 + 2]], rows_a, g_sem_a)
        pltpu.make_async_copy(h_hbm.at[src_v.at[j1]], rows_b, g_sem_b).wait()
        wait_stage(j1, dst_cb, w_cb, st_sem_b)
        _scale(w_cb, rows_b)
        _scatter(dst_cb, rows_b)
        return carry

    lax.fori_loop(0, (CH - 1) // 2, pair_body, 0)
    pltpu.make_async_copy(h_hbm.at[src_v.at[CH - 1]], rows_a, g_sem_a).wait()
    wait_stage(CH - 1, dst_ca, w_ca, st_sem_a)
    _scale(w_ca, rows_a)
    _scatter(dst_ca, rows_a)
    plsc.subcore_barrier()
    pltpu.sync_copy(acc_sp.at[pl.ds(base, ROWS_PT)],
                    out_hbm.at[c, pl.ds(base, ROWS_PT)])


def _tc_pre_body(x_ref, w1_ref, degt_ref, h_ref, dinv_ref):
    deg = jnp.sum(degt_ref[...], axis=1, keepdims=True) + 1.0
    dinv = lax.rsqrt(deg)
    h = jnp.dot(x_ref[...], w1_ref[...], preferred_element_type=jnp.float32)
    h_ref[...] = h * dinv
    dinv_ref[...] = dinv


def _tc_mid_body(aggp_ref, h_ref, dinv_ref, b_ref, g_ref, be_ref, w2_ref,
                 out_ref):
    agg = aggp_ref[0, :N, :] + aggp_ref[1, :N, :]
    dinv = dinv_ref[...]
    y = (agg + h_ref[...]) * dinv + b_ref[...]
    mean = jnp.mean(y, axis=0, keepdims=True)
    var = jnp.mean((y - mean) ** 2, axis=0, keepdims=True)
    y = (y - mean) * lax.rsqrt(var + EPS) * g_ref[...] + be_ref[...]
    y = jnp.maximum(y, 0.0)
    out_ref[...] = jnp.dot(
        y, w2_ref[...], preferred_element_type=jnp.float32) * dinv


def _tc_post_body(aggp_ref, h_ref, dinv_ref, b_ref, g_ref, be_ref, out_ref):
    agg = aggp_ref[0, :N, :] + aggp_ref[1, :N, :]
    y = (agg + h_ref[...]) * dinv_ref[...] + b_ref[...]
    mean = jnp.mean(y, axis=0, keepdims=True)
    var = jnp.mean((y - mean) ** 2, axis=0, keepdims=True)
    y = (y - mean) * lax.rsqrt(var + EPS) * g_ref[...] + be_ref[...]
    out_ref[...] = jnp.maximum(y, 0.0)


_tc_pre = pl.pallas_call(
    _tc_pre_body,
    out_shape=[jax.ShapeDtypeStruct((N, D), jnp.float32),
               jax.ShapeDtypeStruct((N, 1), jnp.float32)],
)

_tc_mid = pl.pallas_call(
    _tc_mid_body,
    out_shape=jax.ShapeDtypeStruct((N, D), jnp.float32),
)

_tc_post = pl.pallas_call(
    _tc_post_body,
    out_shape=jax.ShapeDtypeStruct((N, D), jnp.float32),
)


def kernel(x, edge_index, edge_weight, W1, b1, g1, be1, W2, b2, g2, be2):
    src = edge_index[0].astype(jnp.int32)
    dst = edge_index[1].astype(jnp.int32)
    pad = E_PAD - E
    srcp = jnp.concatenate([src, jnp.zeros((pad,), jnp.int32)]).reshape(NW, CH, CHUNK)
    pad_dst = N + (jnp.arange(pad, dtype=jnp.int32) % (N_PAD - N))
    dstp = jnp.concatenate([dst, pad_dst]).reshape(NW, CH, CHUNK)
    wp = jnp.concatenate(
        [edge_weight.astype(jnp.float32), jnp.zeros((pad,), jnp.float32)]
    ).reshape(NW, CH, CHUNK)

    degp = _sc_degree(dstp, wp)
    degt = degp.T[:N]

    h1, dinv = _tc_pre(x, W1, degt)
    agg1 = _sc_aggregate(h1, srcp, dstp, wp)
    h2 = _tc_mid(agg1, h1, dinv, b1[None], g1[None], be1[None], W2)
    agg2 = _sc_aggregate(h2, srcp, dstp, wp)
    return _tc_post(agg2, h2, dinv, b2[None], g2[None], be2[None])

# --- scband reference (transcript-rebuilt; emitter-appended) ---
"""Pipeline reference for scband-base-graph-network-87497073754972 (READ-ONLY COPY).

The authoritative reference and input builder live on the scoring server;
editing this copy changes nothing except your own understanding.
"""

import jax, jax.numpy as jnp
import numpy as np

N_NODES = 10000
N_EDGES = 320000
D_IN = 128
D_HID = 128
EPS = 1e-5


def gcn_conv(x, edge_index, edge_weight, W, b):
    n = x.shape[0]
    src = edge_index[0]
    dst = edge_index[1]
    # add self loops with weight 1 (PyG GCNConv default)
    loop = jnp.arange(n, dtype=edge_index.dtype)
    src = jnp.concatenate([src, loop])
    dst = jnp.concatenate([dst, loop])
    w = jnp.concatenate([edge_weight, jnp.ones((n,), dtype=edge_weight.dtype)])
    # symmetric normalization: deg computed at destination
    deg = jnp.zeros((n,), dtype=x.dtype).at[dst].add(w)
    dinv = jnp.where(deg > 0, jax.lax.rsqrt(deg), 0.0)
    norm = dinv[src] * w * dinv[dst]
    h = x @ W
    msg = h[src] * norm[:, None]
    out = jnp.zeros((n, W.shape[1]), dtype=x.dtype).at[dst].add(msg)
    return out + b


def batchnorm(x, gamma, beta):
    mean = jnp.mean(x, axis=0)
    var = jnp.var(x, axis=0)
    return (x - mean) * jax.lax.rsqrt(var + EPS) * gamma + beta


def setup_inputs(seed: int = 0) -> dict:
    key = jax.random.key(seed)
    ks = jax.random.split(key, 8)
    x = jax.random.normal(ks[0], (N_NODES, D_IN), dtype=jnp.float32)
    edge_index = jax.random.randint(ks[1], (2, N_EDGES), 0, N_NODES, dtype=jnp.int64)
    edge_weight = jax.random.uniform(ks[2], (N_EDGES,), dtype=jnp.float32)
    # GCN layer weights (xavier uniform)
    lim1 = float(np.sqrt(6.0 / (D_IN + D_HID)))
    W1 = jax.random.uniform(ks[3], (D_IN, D_HID), minval=-lim1, maxval=lim1, dtype=jnp.float32)
    b1 = jnp.zeros((D_HID,), dtype=jnp.float32)
    g1 = jnp.ones((D_HID,), dtype=jnp.float32)
    be1 = jnp.zeros((D_HID,), dtype=jnp.float32)
    lim2 = float(np.sqrt(6.0 / (D_HID + D_HID)))
    W2 = jax.random.uniform(ks[4], (D_HID, D_HID), minval=-lim2, maxval=lim2, dtype=jnp.float32)
    b2 = jnp.zeros((D_HID,), dtype=jnp.float32)
    g2 = jnp.ones((D_HID,), dtype=jnp.float32)
    be2 = jnp.zeros((D_HID,), dtype=jnp.float32)
    return {"x": x, "edge_index": edge_index, "edge_weight": edge_weight,
            "W1": W1, "b1": b1, "g1": g1, "be1": be1,
            "W2": W2, "b2": b2, "g2": g2, "be2": be2}


def reference(x, edge_index, edge_weight, W1, b1, g1, be1, W2, b2, g2, be2):
    # layer 1: conv -> bn -> relu (dropout is identity in eval)
    h = gcn_conv(x, edge_index, edge_weight, W1, b1)
    h = batchnorm(h, g1, be1)
    h = jax.nn.relu(h)
    # layer 2
    h = gcn_conv(h, edge_index, edge_weight, W2, b2)
    h = batchnorm(h, g2, be2)
    h = jax.nn.relu(h)
    return h

if __name__ == "__main__":
    import jax
    _d = setup_inputs()
    print(jax.jit(kernel)(*tuple(_d.values())))

</pallas_src>

<mosaic_0001>
#map = affine_map<(d0, d1) -> (0, 0, 0)>
#map1 = affine_map<(d0, d1) -> (0, 0)>
module attributes {stable_mosaic.version = 14 : i64} {
  func.func @_sc_degree(%arg0: i32, %arg1: i32, %arg2: memref<32x79x128xi32, #tpu.memory_space<hbm>>, %arg3: memref<32x79x128xf32, #tpu.memory_space<hbm>>, %arg4: memref<32x10112xf32, #tpu.memory_space<hbm>>, %arg5: memref<79x128xi32, #tpu.memory_space<vmem>>, %arg6: memref<79x128xf32, #tpu.memory_space<vmem>>, %arg7: memref<10112xf32, #tpu.memory_space<vmem>>) attributes {dimension_semantics = [#tpu.dimension_semantics<core_parallel>, #tpu.dimension_semantics<subcore_parallel>], iteration_bounds = array<i64: 2, 16>, scalar_prefetch = 0 : i64, scratch_operands = 3 : i64, tpu.core_type = #tpu.core_type<sc_vector_subcore>, window_params = [{transform_indices = #map}, {transform_indices = #map}, {transform_indices = #map1}]} {
    %mul3A = arith.constant 16 : i32
    %mul3A_0 = arith.muli %arg0, %mul3A : i32
    %add3A = arith.addi %mul3A_0, %arg1 : i32
    "tpu.region"() ({
      %run_scoped3A = tpu.sem_alloc : memref<!tpu.dma_semaphore, #tpu.memory_space<semaphore_mem>>
      %dma_start3A = arith.constant 0 : i32
      %dma_start3A_13 = arith.constant 0 : i32
      %dma_start3A_14 = tpu.memref_slice %arg2[%add3A, %dma_start3A, %dma_start3A_13] : memref<32x79x128xi32, #tpu.memory_space<hbm>> -> memref<1x79x128xi32, #tpu.memory_space<hbm>>
      %dma_start3A_15 = tpu.memref_squeeze %dma_start3A_14 : memref<1x79x128xi32, #tpu.memory_space<hbm>> -> memref<79x128xi32, #tpu.memory_space<hbm>>
      %dma_start3A_16 = arith.constant 0 : i32
      %dma_start3A_17 = arith.constant 0 : i32
      %dma_start3A_18 = tpu.memref_slice %arg2[%add3A, %dma_start3A_16, %dma_start3A_17] : memref<32x79x128xi32, #tpu.memory_space<hbm>> -> memref<1x79x128xi32, #tpu.memory_space<hbm>>
      %dma_start3A_19 = tpu.memref_squeeze %dma_start3A_18 : memref<1x79x128xi32, #tpu.memory_space<hbm>> -> memref<79x128xi32, #tpu.memory_space<hbm>>
      tpu.enqueue_dma source(%dma_start3A_19 : memref<79x128xi32, #tpu.memory_space<hbm>>) target(%arg5 : memref<79x128xi32, #tpu.memory_space<vmem>>) target_semaphore(%run_scoped3A : memref<!tpu.dma_semaphore, #tpu.memory_space<semaphore_mem>>)
      %dma_wait3A = arith.constant 0 : i32
      %dma_wait3A_20 = arith.constant 0 : i32
      %dma_wait3A_21 = tpu.memref_slice %arg2[%add3A, %dma_wait3A, %dma_wait3A_20] : memref<32x79x128xi32, #tpu.memory_space<hbm>> -> memref<1x79x128xi32, #tpu.memory_space<hbm>>
      %dma_wait3A_22 = tpu.memref_squeeze %dma_wait3A_21 : memref<1x79x128xi32, #tpu.memory_space<hbm>> -> memref<79x128xi32, #tpu.memory_space<hbm>>
      %dma_wait3A_23 = arith.constant 0 : i32
      %dma_wait3A_24 = arith.constant 0 : i32
      %dma_wait3A_25 = tpu.memref_slice %arg2[%add3A, %dma_wait3A_23, %dma_wait3A_24] : memref<32x79x128xi32, #tpu.memory_space<hbm>> -> memref<1x79x128xi32, #tpu.memory_space<hbm>>
      %dma_wait3A_26 = tpu.memref_squeeze %dma_wait3A_25 : memref<1x79x128xi32, #tpu.memory_space<hbm>> -> memref<79x128xi32, #tpu.memory_space<hbm>>
      tpu.wait_dma2 semaphore(%run_scoped3A : memref<!tpu.dma_semaphore, #tpu.memory_space<semaphore_mem>>) src(%dma_wait3A_26 : memref<79x128xi32, #tpu.memory_space<hbm>>) dst(%arg5 : memref<79x128xi32, #tpu.memory_space<vmem>>)
      tpu.yield
    }) : () -> ()
    "tpu.region"() ({
      %run_scoped3A = tpu.sem_alloc : memref<!tpu.dma_semaphore, #tpu.memory_space<semaphore_mem>>
      %dma_start3A = arith.constant 0 : i32
      %dma_start3A_13 = arith.constant 0 : i32
      %dma_start3A_14 = tpu.memref_slice %arg3[%add3A, %dma_start3A, %dma_start3A_13] : memref<32x79x128xf32, #tpu.memory_space<hbm>> -> memref<1x79x128xf32, #tpu.memory_space<hbm>>
      %dma_start3A_15 = tpu.memref_squeeze %dma_start3A_14 : memref<1x79x128xf32, #tpu.memory_space<hbm>> -> memref<79x128xf32, #tpu.memory_space<hbm>>
      %dma_start3A_16 = arith.constant 0 : i32
      %dma_start3A_17 = arith.constant 0 : i32
      %dma_start3A_18 = tpu.memref_slice %arg3[%add3A, %dma_start3A_16, %dma_start3A_17] : memref<32x79x128xf32, #tpu.memory_space<hbm>> -> memref<1x79x128xf32, #tpu.memory_space<hbm>>
      %dma_start3A_19 = tpu.memref_squeeze %dma_start3A_18 : memref<1x79x128xf32, #tpu.memory_space<hbm>> -> memref<79x128xf32, #tpu.memory_space<hbm>>
      tpu.enqueue_dma source(%dma_start3A_19 : memref<79x128xf32, #tpu.memory_space<hbm>>) target(%arg6 : memref<79x128xf32, #tpu.memory_space<vmem>>) target_semaphore(%run_scoped3A : memref<!tpu.dma_semaphore, #tpu.memory_space<semaphore_mem>>)
      %dma_wait3A = arith.constant 0 : i32
      %dma_wait3A_20 = arith.constant 0 : i32
      %dma_wait3A_21 = tpu.memref_slice %arg3[%add3A, %dma_wait3A, %dma_wait3A_20] : memref<32x79x128xf32, #tpu.memory_space<hbm>> -> memref<1x79x128xf32, #tpu.memory_space<hbm>>
      %dma_wait3A_22 = tpu.memref_squeeze %dma_wait3A_21 : memref<1x79x128xf32, #tpu.memory_space<hbm>> -> memref<79x128xf32, #tpu.memory_space<hbm>>
      %dma_wait3A_23 = arith.constant 0 : i32
      %dma_wait3A_24 = arith.constant 0 : i32
      %dma_wait3A_25 = tpu.memref_slice %arg3[%add3A, %dma_wait3A_23, %dma_wait3A_24] : memref<32x79x128xf32, #tpu.memory_space<hbm>> -> memref<1x79x128xf32, #tpu.memory_space<hbm>>
      %dma_wait3A_26 = tpu.memref_squeeze %dma_wait3A_25 : memref<1x79x128xf32, #tpu.memory_space<hbm>> -> memref<79x128xf32, #tpu.memory_space<hbm>>
      tpu.wait_dma2 semaphore(%run_scoped3A : memref<!tpu.dma_semaphore, #tpu.memory_space<semaphore_mem>>) src(%dma_wait3A_26 : memref<79x128xf32, #tpu.memory_space<hbm>>) dst(%arg6 : memref<79x128xf32, #tpu.memory_space<vmem>>)
      tpu.yield
    }) : () -> ()
    %broadcast_in_dim3A = arith.constant 0.000000e+00 : f32
    %broadcast_in_dim3A_1 = vector.broadcast %broadcast_in_dim3A : f32 to vector<16xf32>
    %scan3A = arith.constant 0 : i32
    %scan3A_2 = arith.constant 0 : i32
    %scan3A_3 = arith.constant 632 : i32
    %scan3A_4 = arith.addi %scan3A_2, %scan3A_3 : i32
    %scan3A_5 = arith.constant 1 : i32
    scf.for %scan3A_13 = %scan3A_2 to %scan3A_4 step %scan3A_5  : i32 {
      %mul3A_14 = arith.constant 16 : i32
      %mul3A_15 = arith.muli %scan3A_13, %mul3A_14 : i32
      %swap3A = arith.index_cast %mul3A_15 : i32 to index
      %swap3A_16 = tpu.vector_load %arg7[%swap3A] {strides = array<i32>} : memref<10112xf32, #tpu.memory_space<vmem>>, vector<16xf32>,
      tpu.vector_store %arg7[%swap3A], %broadcast_in_dim3A_1 {strides = array<i32>} : memref<10112xf32, #tpu.memory_space<vmem>>, vector<16xf32>,
    }
    %scan3A_6 = arith.constant 632 : i32
    %scan3A_7 = arith.constant 0 : i32
    %scan3A_8 = arith.constant 0 : i32
    %scan3A_9 = arith.constant 632 : i32
    %scan3A_10 = arith.addi %scan3A_8, %scan3A_9 : i32
    %scan3A_11 = arith.constant 1 : i32
    scf.for %scan3A_13 = %scan3A_8 to %scan3A_10 step %scan3A_11  : i32 {
      %jit3A = arith.constant 8 : i32
      %div3A = arith.divsi %scan3A_13, %jit3A : i32
      %sign3A = arith.constant 0 : i32
      %sign3A_14 = arith.cmpi sgt, %scan3A_13, %sign3A : i32
      %sign3A_15 = arith.extui %sign3A_14 : i1 to i32
      %sign3A_16 = arith.constant 0 : i32
      %sign3A_17 = arith.cmpi slt, %scan3A_13, %sign3A_16 : i32
      %sign3A_18 = arith.extui %sign3A_17 : i1 to i32
      %sign3A_19 = arith.subi %sign3A_15, %sign3A_18 : i32
      %sign3A_20 = arith.constant 0 : i32
      %sign3A_21 = arith.cmpi sgt, %jit3A, %sign3A_20 : i32
      %sign3A_22 = arith.extui %sign3A_21 : i1 to i32
      %sign3A_23 = arith.constant 0 : i32
      %sign3A_24 = arith.cmpi slt, %jit3A, %sign3A_23 : i32
      %sign3A_25 = arith.extui %sign3A_24 : i1 to i32
      %sign3A_26 = arith.subi %sign3A_22, %sign3A_25 : i32
      %ne3A = arith.cmpi ne, %sign3A_19, %sign3A_26 : i32
      %rem3A = arith.remsi %scan3A_13, %jit3A : i32
      %ne3A_27 = arith.constant 0 : i32
      %ne3A_28 = arith.cmpi ne, %rem3A, %ne3A_27 : i32
      %and3A = arith.andi %ne3A, %ne3A_28 : i1
      %sub3A = arith.constant 1 : i32
      %sub3A_29 = arith.subi %div3A, %sub3A : i32
      %select_n3A = arith.select %and3A, %sub3A_29, %div3A : i32
      %jit3A_30 = arith.constant 8 : i32
      %eq3A = arith.constant 0 : i32
      %eq3A_31 = arith.cmpi eq, %jit3A_30, %eq3A : i32
      %jit3A_32 = arith.constant 1 : i32
      %select_n3A_33 = arith.select %eq3A_31, %jit3A_32, %jit3A_30 : i32
      %rem3A_34 = arith.remsi %scan3A_13, %select_n3A_33 : i32
      %ne3A_35 = arith.constant 0 : i32
      %ne3A_36 = arith.cmpi ne, %rem3A_34, %ne3A_35 : i32
      %lt3A = arith.constant 0 : i32
      %lt3A_37 = arith.cmpi slt, %rem3A_34, %lt3A : i32
      %lt3A_38 = arith.constant 0 : i32
      %lt3A_39 = arith.cmpi slt, %select_n3A_33, %lt3A_38 : i32
      %ne3A_40 = arith.xori %lt3A_37, %lt3A_39 : i1
      %and3A_41 = arith.andi %ne3A_40, %ne3A_36 : i1
      %add3A_42 = arith.addi %rem3A_34, %select_n3A_33 : i32
      %select_n3A_43 = arith.select %and3A_41, %add3A_42, %rem3A_34 : i32
      %mul3A_44 = arith.constant 16 : i32
      %mul3A_45 = arith.muli %select_n3A_43, %mul3A_44 : i32
      %get3A = arith.index_cast %select_n3A : i32 to index
      %get3A_46 = arith.index_cast %mul3A_45 : i32 to index
      %get3A_47 = tpu.vector_load %arg5[%get3A, %get3A_46] {strides = array<i32>} : memref<79x128xi32, #tpu.memory_space<vmem>>, vector<16xi32>,
      %mul3A_48 = arith.constant 16 : i32
      %mul3A_49 = arith.muli %select_n3A_43, %mul3A_48 : i32
      %get3A_50 = arith.index_cast %select_n3A : i32 to index
      %get3A_51 = arith.index_cast %mul3A_49 : i32 to index
      %get3A_52 = tpu.vector_load %arg6[%get3A_50, %get3A_51] {strides = array<i32>} : memref<79x128xf32, #tpu.memory_space<vmem>>, vector<16xf32>,
      tpu.vector_store_idx %arg7[%get3A_47], %get3A_52 {add = true} : memref<10112xf32, #tpu.memory_space<vmem>>[vector<16xi32>], vector<16xf32>,
    }
    %scan3A_12 = arith.constant 632 : i32
    "tpu.region"() ({
      %run_scoped3A = tpu.sem_alloc : memref<!tpu.dma_semaphore, #tpu.memory_space<semaphore_mem>>
      %dma_start3A = arith.constant 0 : i32
      %dma_start3A_13 = tpu.memref_slice %arg4[%add3A, %dma_start3A] : memref<32x10112xf32, #tpu.memory_space<hbm>> -> memref<1x10112xf32, #tpu.memory_space<hbm>>
      %dma_start3A_14 = tpu.memref_squeeze %dma_start3A_13 : memref<1x10112xf32, #tpu.memory_space<hbm>> -> memref<10112xf32, #tpu.memory_space<hbm>>
      %dma_start3A_15 = arith.constant 0 : i32
      %dma_start3A_16 = tpu.memref_slice %arg4[%add3A, %dma_start3A_15] : memref<32x10112xf32, #tpu.memory_space<hbm>> -> memref<1x10112xf32, #tpu.memory_space<hbm>>
      %dma_start3A_17 = tpu.memref_squeeze %dma_start3A_16 : memref<1x10112xf32, #tpu.memory_space<hbm>> -> memref<10112xf32, #tpu.memory_space<hbm>>
      tpu.enqueue_dma source(%arg7 : memref<10112xf32, #tpu.memory_space<vmem>>) target(%dma_start3A_17 : memref<10112xf32, #tpu.memory_space<hbm>>) target_semaphore(%run_scoped3A : memref<!tpu.dma_semaphore, #tpu.memory_space<semaphore_mem>>)
      %dma_wait3A = arith.constant 0 : i32
      %dma_wait3A_18 = tpu.memref_slice %arg4[%add3A, %dma_wait3A] : memref<32x10112xf32, #tpu.memory_space<hbm>> -> memref<1x10112xf32, #tpu.memory_space<hbm>>
      %dma_wait3A_19 = tpu.memref_squeeze %dma_wait3A_18 : memref<1x10112xf32, #tpu.memory_space<hbm>> -> memref<10112xf32, #tpu.memory_space<hbm>>
      %dma_wait3A_20 = arith.constant 0 : i32
      %dma_wait3A_21 = tpu.memref_slice %arg4[%add3A, %dma_wait3A_20] : memref<32x10112xf32, #tpu.memory_space<hbm>> -> memref<1x10112xf32, #tpu.memory_space<hbm>>
      %dma_wait3A_22 = tpu.memref_squeeze %dma_wait3A_21 : memref<1x10112xf32, #tpu.memory_space<hbm>> -> memref<10112xf32, #tpu.memory_space<hbm>>
      tpu.wait_dma2 semaphore(%run_scoped3A : memref<!tpu.dma_semaphore, #tpu.memory_space<semaphore_mem>>) src(%arg7 : memref<10112xf32, #tpu.memory_space<vmem>>) dst(%dma_wait3A_22 : memref<10112xf32, #tpu.memory_space<hbm>>)
      tpu.yield
    }) : () -> ()
    return
  }
}

#map = affine_map<(d0, d1) -> (0, 0)>
#map1 = affine_map<(d0, d1) -> (0, 0, 0)>
module attributes {stable_mosaic.version = 14 : i64} {
  func.func @_sc_aggregate(%arg0: i32, %arg1: i32, %arg2: memref<10000x128xf32, #tpu.memory_space<hbm>>, %arg3: memref<32x79x128xi32, #tpu.memory_space<hbm>>, %arg4: memref<32x79x128xi32, #tpu.memory_space<hbm>>, %arg5: memref<32x79x128xf32, #tpu.memory_space<hbm>>, %arg6: memref<2x10112x128xf32, #tpu.memory_space<hbm>>, %arg7: memref<79x128xi32, #tpu.memory_space<vmem>>, %arg8: memref<1x128xi32, #tpu.memory_space<vmem>>, %arg9: memref<1x128xi32, #tpu.memory_space<vmem>>, %arg10: memref<1x128xf32, #tpu.memory_space<vmem>>, %arg11: memref<1x128xf32, #tpu.memory_space<vmem>>, %arg12: memref<128x128xf32, #tpu.memory_space<vmem>>, %arg13: memref<128x128xf32, #tpu.memory_space<vmem>>, %arg14: memref<10112x128xf32, #tpu.memory_space<vmem_shared>>, %arg15: memref<!tpu.dma_semaphore, #tpu.memory_space<semaphore_mem>>, %arg16: memref<!tpu.dma_semaphore, #tpu.memory_space<semaphore_mem>>, %arg17: memref<!tpu.dma_semaphore, #tpu.memory_space<semaphore_mem>>, %arg18: memref<!tpu.dma_semaphore, #tpu.memory_space<semaphore_mem>>, %arg19: memref<!tpu.dma_semaphore, #tpu.memory_space<semaphore_mem>>) attributes {dimension_semantics = [#tpu.dimension_semantics<core_parallel>, #tpu.dimension_semantics<subcore_parallel>], iteration_bounds = array<i64: 2, 16>, scalar_prefetch = 0 : i64, scratch_operands = 13 : i64, tpu.core_type = #tpu.core_type<sc_vector_subcore>, window_params = [{transform_indices = #map}, {transform_indices = #map1}, {transform_indices = #map1}, {transform_indices = #map1}, {transform_indices = #map1}]} {
    %mul3A = arith.constant 16 : i32
    %mul3A_0 = arith.muli %arg0, %mul3A : i32
    %add3A = arith.addi %mul3A_0, %arg1 : i32
    "tpu.region"() ({
      %run_scoped3A = tpu.sem_alloc : memref<!tpu.dma_semaphore, #tpu.memory_space<semaphore_mem>>
      %dma_start3A_88 = arith.constant 0 : i32
      %dma_start3A_89 = arith.constant 0 : i32
      %dma_start3A_90 = tpu.memref_slice %arg3[%add3A, %dma_start3A_88, %dma_start3A_89] : memref<32x79x128xi32, #tpu.memory_space<hbm>> -> memref<1x79x128xi32, #tpu.memory_space<hbm>>
      %dma_start3A_91 = tpu.memref_squeeze %dma_start3A_90 : memref<1x79x128xi32, #tpu.memory_space<hbm>> -> memref<79x128xi32, #tpu.memory_space<hbm>>
      %dma_start3A_92 = arith.constant 0 : i32
      %dma_start3A_93 = arith.constant 0 : i32
      %dma_start3A_94 = tpu.memref_slice %arg3[%add3A, %dma_start3A_92, %dma_start3A_93] : memref<32x79x128xi32, #tpu.memory_space<hbm>> -> memref<1x79x128xi32, #tpu.memory_space<hbm>>
      %dma_start3A_95 = tpu.memref_squeeze %dma_start3A_94 : memref<1x79x128xi32, #tpu.memory_space<hbm>> -> memref<79x128xi32, #tpu.memory_space<hbm>>
      tpu.enqueue_dma source(%dma_start3A_95 : memref<79x128xi32, #tpu.memory_space<hbm>>) target(%arg7 : memref<79x128xi32, #tpu.memory_space<vmem>>) target_semaphore(%run_scoped3A : memref<!tpu.dma_semaphore, #tpu.memory_space<semaphore_mem>>)
      %dma_wait3A_96 = arith.constant 0 : i32
      %dma_wait3A_97 = arith.constant 0 : i32
      %dma_wait3A_98 = tpu.memref_slice %arg3[%add3A, %dma_wait3A_96, %dma_wait3A_97] : memref<32x79x128xi32, #tpu.memory_space<hbm>> -> memref<1x79x128xi32, #tpu.memory_space<hbm>>
      %dma_wait3A_99 = tpu.memref_squeeze %dma_wait3A_98 : memref<1x79x128xi32, #tpu.memory_space<hbm>> -> memref<79x128xi32, #tpu.memory_space<hbm>>
      %dma_wait3A_100 = arith.constant 0 : i32
      %dma_wait3A_101 = arith.constant 0 : i32
      %dma_wait3A_102 = tpu.memref_slice %arg3[%add3A, %dma_wait3A_100, %dma_wait3A_101] : memref<32x79x128xi32, #tpu.memory_space<hbm>> -> memref<1x79x128xi32, #tpu.memory_space<hbm>>
      %dma_wait3A_103 = tpu.memref_squeeze %dma_wait3A_102 : memref<1x79x128xi32, #tpu.memory_space<hbm>> -> memref<79x128xi32, #tpu.memory_space<hbm>>
      tpu.wait_dma2 semaphore(%run_scoped3A : memref<!tpu.dma_semaphore, #tpu.memory_space<semaphore_mem>>) src(%dma_wait3A_103 : memref<79x128xi32, #tpu.memory_space<hbm>>) dst(%arg7 : memref<79x128xi32, #tpu.memory_space<vmem>>)
      tpu.yield
    }) : () -> ()
    %dma_start3A = arith.constant 0 : i32
    %dma_start3A_1 = arith.constant 0 : i32
    %dma_start3A_2 = tpu.memref_slice %arg4[%add3A, %dma_start3A, %dma_start3A_1] : memref<32x79x128xi32, #tpu.memory_space<hbm>> -> memref<1x1x128xi32, #tpu.memory_space<hbm>>
    %dma_start3A_3 = tpu.memref_squeeze %dma_start3A_2 : memref<1x1x128xi32, #tpu.memory_space<hbm>> -> memref<1x128xi32, #tpu.memory_space<hbm>>
    %dma_start3A_4 = arith.constant 0 : i32
    %dma_start3A_5 = arith.constant 0 : i32
    %dma_start3A_6 = tpu.memref_slice %arg4[%add3A, %dma_start3A_4, %dma_start3A_5] : memref<32x79x128xi32, #tpu.memory_space<hbm>> -> memref<1x1x128xi32, #tpu.memory_space<hbm>>
    %dma_start3A_7 = tpu.memref_squeeze %dma_start3A_6 : memref<1x1x128xi32, #tpu.memory_space<hbm>> -> memref<1x128xi32, #tpu.memory_space<hbm>>
    tpu.enqueue_dma source(%dma_start3A_7 : memref<1x128xi32, #tpu.memory_space<hbm>>) target(%arg8 : memref<1x128xi32, #tpu.memory_space<vmem>>) target_semaphore(%arg18 : memref<!tpu.dma_semaphore, #tpu.memory_space<semaphore_mem>>)
    %dma_start3A_8 = arith.constant 0 : i32
    %dma_start3A_9 = arith.constant 0 : i32
    %dma_start3A_10 = tpu.memref_slice %arg5[%add3A, %dma_start3A_8, %dma_start3A_9] : memref<32x79x128xf32, #tpu.memory_space<hbm>> -> memref<1x1x128xf32, #tpu.memory_space<hbm>>
    %dma_start3A_11 = tpu.memref_squeeze %dma_start3A_10 : memref<1x1x128xf32, #tpu.memory_space<hbm>> -> memref<1x128xf32, #tpu.memory_space<hbm>>
    %dma_start3A_12 = arith.constant 0 : i32
    %dma_start3A_13 = arith.constant 0 : i32
    %dma_start3A_14 = tpu.memref_slice %arg5[%add3A, %dma_start3A_12, %dma_start3A_13] : memref<32x79x128xf32, #tpu.memory_space<hbm>> -> memref<1x1x128xf32, #tpu.memory_space<hbm>>
    %dma_start3A_15 = tpu.memref_squeeze %dma_start3A_14 : memref<1x1x128xf32, #tpu.memory_space<hbm>> -> memref<1x128xf32, #tpu.memory_space<hbm>>
    tpu.enqueue_dma source(%dma_start3A_15 : memref<1x128xf32, #tpu.memory_space<hbm>>) target(%arg10 : memref<1x128xf32, #tpu.memory_space<vmem>>) target_semaphore(%arg18 : memref<!tpu.dma_semaphore, #tpu.memory_space<semaphore_mem>>)
    %dma_start3A_16 = arith.constant 0 : i32
    %dma_start3A_17 = arith.constant 0 : i32
    %dma_start3A_18 = tpu.memref_slice %arg7[%dma_start3A_16, %dma_start3A_17] : memref<79x128xi32, #tpu.memory_space<vmem>> -> memref<1x128xi32, #tpu.memory_space<vmem>>
    %dma_start3A_19 = tpu.memref_squeeze %dma_start3A_18 : memref<1x128xi32, #tpu.memory_space<vmem>> -> memref<128xi32, #tpu.memory_space<vmem>>
    %dma_start3A_20 = arith.constant 0 : i32
    %dma_start3A_21 = arith.constant 0 : i32
    %dma_start3A_22 = tpu.memref_slice %arg2[%dma_start3A_20, %dma_start3A_21] : memref<10000x128xf32, #tpu.memory_space<hbm>> -> memref<10000x128xf32, #tpu.memory_space<hbm>>
    tpu.enqueue_indirect_dma source(%dma_start3A_22 : memref<10000x128xf32, #tpu.memory_space<hbm>>) target(%arg12 : memref<128x128xf32, #tpu.memory_space<vmem>>) offsets(%dma_start3A_19 : memref<128xi32, #tpu.memory_space<vmem>>) semaphore(%arg15 : memref<!tpu.dma_semaphore, #tpu.memory_space<semaphore_mem>>)
    %broadcast_in_dim3A = arith.constant 0.000000e+00 : f32
    %broadcast_in_dim3A_23 = vector.broadcast %broadcast_in_dim3A : f32 to vector<16xf32>
    %scan3A = arith.constant 0 : i32
    %scan3A_24 = arith.constant 0 : i32
    %scan3A_25 = arith.constant 1024 : i32
    %scan3A_26 = arith.addi %scan3A_24, %scan3A_25 : i32
    %scan3A_27 = arith.constant 1 : i32
    scf.for %scan3A_88 = %scan3A_24 to %scan3A_26 step %scan3A_27  : i32 {
      %jit3A = arith.constant 8 : i32
      %div3A = arith.divsi %scan3A_88, %jit3A : i32
      %sign3A = arith.constant 0 : i32
      %sign3A_89 = arith.cmpi sgt, %scan3A_88, %sign3A : i32
      %sign3A_90 = arith.extui %sign3A_89 : i1 to i32
      %sign3A_91 = arith.constant 0 : i32
      %sign3A_92 = arith.cmpi slt, %scan3A_88, %sign3A_91 : i32
      %sign3A_93 = arith.extui %sign3A_92 : i1 to i32
      %sign3A_94 = arith.subi %sign3A_90, %sign3A_93 : i32
      %sign3A_95 = arith.constant 0 : i32
      %sign3A_96 = arith.cmpi sgt, %jit3A, %sign3A_95 : i32
      %sign3A_97 = arith.extui %sign3A_96 : i1 to i32
      %sign3A_98 = arith.constant 0 : i32
      %sign3A_99 = arith.cmpi slt, %jit3A, %sign3A_98 : i32
      %sign3A_100 = arith.extui %sign3A_99 : i1 to i32
      %sign3A_101 = arith.subi %sign3A_97, %sign3A_100 : i32
      %ne3A = arith.cmpi ne, %sign3A_94, %sign3A_101 : i32
      %rem3A = arith.remsi %scan3A_88, %jit3A : i32
      %ne3A_102 = arith.constant 0 : i32
      %ne3A_103 = arith.cmpi ne, %rem3A, %ne3A_102 : i32
      %and3A = arith.andi %ne3A, %ne3A_103 : i1
      %sub3A = arith.constant 1 : i32
      %sub3A_104 = arith.subi %div3A, %sub3A : i32
      %select_n3A = arith.select %and3A, %sub3A_104, %div3A : i32
      %jit3A_105 = arith.constant 8 : i32
      %eq3A = arith.constant 0 : i32
      %eq3A_106 = arith.cmpi eq, %jit3A_105, %eq3A : i32
      %jit3A_107 = arith.constant 1 : i32
      %select_n3A_108 = arith.select %eq3A_106, %jit3A_107, %jit3A_105 : i32
      %rem3A_109 = arith.remsi %scan3A_88, %select_n3A_108 : i32
      %ne3A_110 = arith.constant 0 : i32
      %ne3A_111 = arith.cmpi ne, %rem3A_109, %ne3A_110 : i32
      %lt3A = arith.constant 0 : i32
      %lt3A_112 = arith.cmpi slt, %rem3A_109, %lt3A : i32
      %lt3A_113 = arith.constant 0 : i32
      %lt3A_114 = arith.cmpi slt, %select_n3A_108, %lt3A_113 : i32
      %ne3A_115 = arith.xori %lt3A_112, %lt3A_114 : i1
      %and3A_116 = arith.andi %ne3A_115, %ne3A_111 : i1
      %add3A_117 = arith.addi %rem3A_109, %select_n3A_108 : i32
      %select_n3A_118 = arith.select %and3A_116, %add3A_117, %rem3A_109 : i32
      %mul3A_119 = arith.constant 16 : i32
      %mul3A_120 = arith.muli %select_n3A_118, %mul3A_119 : i32
      %swap3A = arith.index_cast %select_n3A : i32 to index
      %swap3A_121 = arith.index_cast %mul3A_120 : i32 to index
      %swap3A_122 = tpu.vector_load %arg13[%swap3A, %swap3A_121] {strides = array<i32>} : memref<128x128xf32, #tpu.memory_space<vmem>>, vector<16xf32>,
      tpu.vector_store %arg13[%swap3A, %swap3A_121], %broadcast_in_dim3A_23 {strides = array<i32>} : memref<128x128xf32, #tpu.memory_space<vmem>>, vector<16xf32>,
    }
    %scan3A_28 = arith.constant 1024 : i32
    %mul3A_29 = arith.constant 632 : i32
    %mul3A_30 = arith.muli %arg1, %mul3A_29 : i32
    %add3A_31 = arith.constant 0 : i32
    %add3A_32 = arith.addi %mul3A_30, %add3A_31 : i32
    "tpu.region"() ({
      %run_scoped3A = tpu.sem_alloc : memref<!tpu.dma_semaphore, #tpu.memory_space<semaphore_mem>>
      %dma_start3A_88 = arith.constant 0 : i32
      %dma_start3A_89 = tpu.memref_slice %arg14[%add3A_32, %dma_start3A_88] : memref<10112x128xf32, #tpu.memory_space<vmem_shared>> -> memref<128x128xf32, #tpu.memory_space<vmem_shared>>
      %dma_start3A_90 = arith.constant 0 : i32
      %dma_start3A_91 = tpu.memref_slice %arg14[%add3A_32, %dma_start3A_90] : memref<10112x128xf32, #tpu.memory_space<vmem_shared>> -> memref<128x128xf32, #tpu.memory_space<vmem_shared>>
      tpu.enqueue_dma source(%arg13 : memref<128x128xf32, #tpu.memory_space<vmem>>) target(%dma_start3A_91 : memref<128x128xf32, #tpu.memory_space<vmem_shared>>) target_semaphore(%run_scoped3A : memref<!tpu.dma_semaphore, #tpu.memory_space<semaphore_mem>>)
      %dma_wait3A_92 = arith.constant 0 : i32
      %dma_wait3A_93 = tpu.memref_slice %arg14[%add3A_32, %dma_wait3A_92] : memref<10112x128xf32, #tpu.memory_space<vmem_shared>> -> memref<128x128xf32, #tpu.memory_space<vmem_shared>>
      %dma_wait3A_94 = arith.constant 0 : i32
      %dma_wait3A_95 = tpu.memref_slice %arg14[%add3A_32, %dma_wait3A_94] : memref<10112x128xf32, #tpu.memory_space<vmem_shared>> -> memref<128x128xf32, #tpu.memory_space<vmem_shared>>
      tpu.wait_dma2 semaphore(%run_scoped3A : memref<!tpu.dma_semaphore, #tpu.memory_space<semaphore_mem>>) src(%arg13 : memref<128x128xf32, #tpu.memory_space<vmem>>) dst(%dma_wait3A_95 : memref<128x128xf32, #tpu.memory_space<vmem_shared>>)
      tpu.yield
    }) : () -> ()
    %add3A_33 = arith.constant 128 : i32
    %add3A_34 = arith.addi %mul3A_30, %add3A_33 : i32
    "tpu.region"() ({
      %run_scoped3A = tpu.sem_alloc : memref<!tpu.dma_semaphore, #tpu.memory_space<semaphore_mem>>
      %dma_start3A_88 = arith.constant 0 : i32
      %dma_start3A_89 = tpu.memref_slice %arg14[%add3A_34, %dma_start3A_88] : memref<10112x128xf32, #tpu.memory_space<vmem_shared>> -> memref<128x128xf32, #tpu.memory_space<vmem_shared>>
      %dma_start3A_90 = arith.constant 0 : i32
      %dma_start3A_91 = tpu.memref_slice %arg14[%add3A_34, %dma_start3A_90] : memref<10112x128xf32, #tpu.memory_space<vmem_shared>> -> memref<128x128xf32, #tpu.memory_space<vmem_shared>>
      tpu.enqueue_dma source(%arg13 : memref<128x128xf32, #tpu.memory_space<vmem>>) target(%dma_start3A_91 : memref<128x128xf32, #tpu.memory_space<vmem_shared>>) target_semaphore(%run_scoped3A : memref<!tpu.dma_semaphore, #tpu.memory_space<semaphore_mem>>)
      %dma_wait3A_92 = arith.constant 0 : i32
      %dma_wait3A_93 = tpu.memref_slice %arg14[%add3A_34, %dma_wait3A_92] : memref<10112x128xf32, #tpu.memory_space<vmem_shared>> -> memref<128x128xf32, #tpu.memory_space<vmem_shared>>
      %dma_wait3A_94 = arith.constant 0 : i32
      %dma_wait3A_95 = tpu.memref_slice %arg14[%add3A_34, %dma_wait3A_94] : memref<10112x128xf32, #tpu.memory_space<vmem_shared>> -> memref<128x128xf32, #tpu.memory_space<vmem_shared>>
      tpu.wait_dma2 semaphore(%run_scoped3A : memref<!tpu.dma_semaphore, #tpu.memory_space<semaphore_mem>>) src(%arg13 : memref<128x128xf32, #tpu.memory_space<vmem>>) dst(%dma_wait3A_95 : memref<128x128xf32, #tpu.memory_space<vmem_shared>>)
      tpu.yield
    }) : () -> ()
    %add3A_35 = arith.constant 256 : i32
    %add3A_36 = arith.addi %mul3A_30, %add3A_35 : i32
    "tpu.region"() ({
      %run_scoped3A = tpu.sem_alloc : memref<!tpu.dma_semaphore, #tpu.memory_space<semaphore_mem>>
      %dma_start3A_88 = arith.constant 0 : i32
      %dma_start3A_89 = tpu.memref_slice %arg14[%add3A_36, %dma_start3A_88] : memref<10112x128xf32, #tpu.memory_space<vmem_shared>> -> memref<128x128xf32, #tpu.memory_space<vmem_shared>>
      %dma_start3A_90 = arith.constant 0 : i32
      %dma_start3A_91 = tpu.memref_slice %arg14[%add3A_36, %dma_start3A_90] : memref<10112x128xf32, #tpu.memory_space<vmem_shared>> -> memref<128x128xf32, #tpu.memory_space<vmem_shared>>
      tpu.enqueue_dma source(%arg13 : memref<128x128xf32, #tpu.memory_space<vmem>>) target(%dma_start3A_91 : memref<128x128xf32, #tpu.memory_space<vmem_shared>>) target_semaphore(%run_scoped3A : memref<!tpu.dma_semaphore, #tpu.memory_space<semaphore_mem>>)
      %dma_wait3A_92 = arith.constant 0 : i32
      %dma_wait3A_93 = tpu.memref_slice %arg14[%add3A_36, %dma_wait3A_92] : memref<10112x128xf32, #tpu.memory_space<vmem_shared>> -> memref<128x128xf32, #tpu.memory_space<vmem_shared>>
      %dma_wait3A_94 = arith.constant 0 : i32
      %dma_wait3A_95 = tpu.memref_slice %arg14[%add3A_36, %dma_wait3A_94] : memref<10112x128xf32, #tpu.memory_space<vmem_shared>> -> memref<128x128xf32, #tpu.memory_space<vmem_shared>>
      tpu.wait_dma2 semaphore(%run_scoped3A : memref<!tpu.dma_semaphore, #tpu.memory_space<semaphore_mem>>) src(%arg13 : memref<128x128xf32, #tpu.memory_space<vmem>>) dst(%dma_wait3A_95 : memref<128x128xf32, #tpu.memory_space<vmem_shared>>)
      tpu.yield
    }) : () -> ()
    %add3A_37 = arith.constant 384 : i32
    %add3A_38 = arith.addi %mul3A_30, %add3A_37 : i32
    "tpu.region"() ({
      %run_scoped3A = tpu.sem_alloc : memref<!tpu.dma_semaphore, #tpu.memory_space<semaphore_mem>>
      %dma_start3A_88 = arith.constant 0 : i32
      %dma_start3A_89 = tpu.memref_slice %arg14[%add3A_38, %dma_start3A_88] : memref<10112x128xf32, #tpu.memory_space<vmem_shared>> -> memref<128x128xf32, #tpu.memory_space<vmem_shared>>
      %dma_start3A_90 = arith.constant 0 : i32
      %dma_start3A_91 = tpu.memref_slice %arg14[%add3A_38, %dma_start3A_90] : memref<10112x128xf32, #tpu.memory_space<vmem_shared>> -> memref<128x128xf32, #tpu.memory_space<vmem_shared>>
      tpu.enqueue_dma source(%arg13 : memref<128x128xf32, #tpu.memory_space<vmem>>) target(%dma_start3A_91 : memref<128x128xf32, #tpu.memory_space<vmem_shared>>) target_semaphore(%run_scoped3A : memref<!tpu.dma_semaphore, #tpu.memory_space<semaphore_mem>>)
      %dma_wait3A_92 = arith.constant 0 : i32
      %dma_wait3A_93 = tpu.memref_slice %arg14[%add3A_38, %dma_wait3A_92] : memref<10112x128xf32, #tpu.memory_space<vmem_shared>> -> memref<128x128xf32, #tpu.memory_space<vmem_shared>>
      %dma_wait3A_94 = arith.constant 0 : i32
      %dma_wait3A_95 = tpu.memref_slice %arg14[%add3A_38, %dma_wait3A_94] : memref<10112x128xf32, #tpu.memory_space<vmem_shared>> -> memref<128x128xf32, #tpu.memory_space<vmem_shared>>
      tpu.wait_dma2 semaphore(%run_scoped3A : memref<!tpu.dma_semaphore, #tpu.memory_space<semaphore_mem>>) src(%arg13 : memref<128x128xf32, #tpu.memory_space<vmem>>) dst(%dma_wait3A_95 : memref<128x128xf32, #tpu.memory_space<vmem_shared>>)
      tpu.yield
    }) : () -> ()
    %add3A_39 = arith.constant 512 : i32
    %add3A_40 = arith.addi %mul3A_30, %add3A_39 : i32
    "tpu.region"() ({
      %run_scoped3A = tpu.sem_alloc : memref<!tpu.dma_semaphore, #tpu.memory_space<semaphore_mem>>
      %dma_start3A_88 = arith.constant 0 : i32
      %dma_start3A_89 = arith.constant 0 : i32
      %dma_start3A_90 = tpu.memref_slice %arg13[%dma_start3A_88, %dma_start3A_89] : memref<128x128xf32, #tpu.memory_space<vmem>> -> memref<120x128xf32, #tpu.memory_space<vmem>>
      %dma_start3A_91 = arith.constant 0 : i32
      %dma_start3A_92 = tpu.memref_slice %arg14[%add3A_40, %dma_start3A_91] : memref<10112x128xf32, #tpu.memory_space<vmem_shared>> -> memref<120x128xf32, #tpu.memory_space<vmem_shared>>
      %dma_start3A_93 = arith.constant 0 : i32
      %dma_start3A_94 = tpu.memref_slice %arg14[%add3A_40, %dma_start3A_93] : memref<10112x128xf32, #tpu.memory_space<vmem_shared>> -> memref<120x128xf32, #tpu.memory_space<vmem_shared>>
      %dma_start3A_95 = arith.constant 0 : i32
      %dma_start3A_96 = arith.constant 0 : i32
      %dma_start3A_97 = tpu.memref_slice %arg13[%dma_start3A_95, %dma_start3A_96] : memref<128x128xf32, #tpu.memory_space<vmem>> -> memref<120x128xf32, #tpu.memory_space<vmem>>
      tpu.enqueue_dma source(%dma_start3A_97 : memref<120x128xf32, #tpu.memory_space<vmem>>) target(%dma_start3A_94 : memref<120x128xf32, #tpu.memory_space<vmem_shared>>) target_semaphore(%run_scoped3A : memref<!tpu.dma_semaphore, #tpu.memory_space<semaphore_mem>>)
      %dma_wait3A_98 = arith.constant 0 : i32
      %dma_wait3A_99 = arith.constant 0 : i32
      %dma_wait3A_100 = tpu.memref_slice %arg13[%dma_wait3A_98, %dma_wait3A_99] : memref<128x128xf32, #tpu.memory_space<vmem>> -> memref<120x128xf32, #tpu.memory_space<vmem>>
      %dma_wait3A_101 = arith.constant 0 : i32
      %dma_wait3A_102 = tpu.memref_slice %arg14[%add3A_40, %dma_wait3A_101] : memref<10112x128xf32, #tpu.memory_space<vmem_shared>> -> memref<120x128xf32, #tpu.memory_space<vmem_shared>>
      %dma_wait3A_103 = arith.constant 0 : i32
      %dma_wait3A_104 = tpu.memref_slice %arg14[%add3A_40, %dma_wait3A_103] : memref<10112x128xf32, #tpu.memory_space<vmem_shared>> -> memref<120x128xf32, #tpu.memory_space<vmem_shared>>
      %dma_wait3A_105 = arith.constant 0 : i32
      %dma_wait3A_106 = arith.constant 0 : i32
      %dma_wait3A_107 = tpu.memref_slice %arg13[%dma_wait3A_105, %dma_wait3A_106] : memref<128x128xf32, #tpu.memory_space<vmem>> -> memref<120x128xf32, #tpu.memory_space<vmem>>
      tpu.wait_dma2 semaphore(%run_scoped3A : memref<!tpu.dma_semaphore, #tpu.memory_space<semaphore_mem>>) src(%dma_wait3A_107 : memref<120x128xf32, #tpu.memory_space<vmem>>) dst(%dma_wait3A_104 : memref<120x128xf32, #tpu.memory_space<vmem_shared>>)
      tpu.yield
    }) : () -> ()
    %barrier3A = arith.constant 0 : index
    tpu.barrier barrier_id(%barrier3A)
    %scan3A_41 = arith.constant 0 : i32
    %scan3A_42 = arith.constant 0 : i32
    %scan3A_43 = arith.constant 39 : i32
    %scan3A_44 = arith.addi %scan3A_42, %scan3A_43 : i32
    %scan3A_45 = arith.constant 1 : i32
    scf.for %scan3A_88 = %scan3A_42 to %scan3A_44 step %scan3A_45  : i32 {
      %mul3A_89 = arith.constant 2 : i32
      %mul3A_90 = arith.muli %mul3A_89, %scan3A_88 : i32
      %add3A_91 = arith.constant 1 : i32
      %add3A_92 = arith.addi %mul3A_90, %add3A_91 : i32
      %dma_start3A_93 = arith.constant 0 : i32
      %dma_start3A_94 = tpu.memref_slice %arg4[%add3A, %add3A_92, %dma_start3A_93] : memref<32x79x128xi32, #tpu.memory_space<hbm>> -> memref<1x1x128xi32, #tpu.memory_space<hbm>>
      %dma_start3A_95 = tpu.memref_squeeze %dma_start3A_94 : memref<1x1x128xi32, #tpu.memory_space<hbm>> -> memref<1x128xi32, #tpu.memory_space<hbm>>
      %dma_start3A_96 = arith.constant 0 : i32
      %dma_start3A_97 = tpu.memref_slice %arg4[%add3A, %add3A_92, %dma_start3A_96] : memref<32x79x128xi32, #tpu.memory_space<hbm>> -> memref<1x1x128xi32, #tpu.memory_space<hbm>>
      %dma_start3A_98 = tpu.memref_squeeze %dma_start3A_97 : memref<1x1x128xi32, #tpu.memory_space<hbm>> -> memref<1x128xi32, #tpu.memory_space<hbm>>
      tpu.enqueue_dma source(%dma_start3A_98 : memref<1x128xi32, #tpu.memory_space<hbm>>) target(%arg9 : memref<1x128xi32, #tpu.memory_space<vmem>>) target_semaphore(%arg19 : memref<!tpu.dma_semaphore, #tpu.memory_space<semaphore_mem>>)
      %dma_start3A_99 = arith.constant 0 : i32
      %dma_start3A_100 = tpu.memref_slice %arg5[%add3A, %add3A_92, %dma_start3A_99] : memref<32x79x128xf32, #tpu.memory_space<hbm>> -> memref<1x1x128xf32, #tpu.memory_space<hbm>>
      %dma_start3A_101 = tpu.memref_squeeze %dma_start3A_100 : memref<1x1x128xf32, #tpu.memory_space<hbm>> -> memref<1x128xf32, #tpu.memory_space<hbm>>
      %dma_start3A_102 = arith.constant 0 : i32
      %dma_start3A_103 = tpu.memref_slice %arg5[%add3A, %add3A_92, %dma_start3A_102] : memref<32x79x128xf32, #tpu.memory_space<hbm>> -> memref<1x1x128xf32, #tpu.memory_space<hbm>>
      %dma_start3A_104 = tpu.memref_squeeze %dma_start3A_103 : memref<1x1x128xf32, #tpu.memory_space<hbm>> -> memref<1x128xf32, #tpu.memory_space<hbm>>
      tpu.enqueue_dma source(%dma_start3A_104 : memref<1x128xf32, #tpu.memory_space<hbm>>) target(%arg11 : memref<1x128xf32, #tpu.memory_space<vmem>>) target_semaphore(%arg19 : memref<!tpu.dma_semaphore, #tpu.memory_space<semaphore_mem>>)
      %dma_start3A_105 = arith.constant 0 : i32
      %dma_start3A_106 = tpu.memref_slice %arg7[%add3A_92, %dma_start3A_105] : memref<79x128xi32, #tpu.memory_space<vmem>> -> memref<1x128xi32, #tpu.memory_space<vmem>>
      %dma_start3A_107 = tpu.memref_squeeze %dma_start3A_106 : memref<1x128xi32, #tpu.memory_space<vmem>> -> memref<128xi32, #tpu.memory_space<vmem>>
      %dma_start3A_108 = arith.constant 0 : i32
      %dma_start3A_109 = arith.constant 0 : i32
      %dma_start3A_110 = tpu.memref_slice %arg2[%dma_start3A_108, %dma_start3A_109] : memref<10000x128xf32, #tpu.memory_space<hbm>> -> memref<10000x128xf32, #tpu.memory_space<hbm>>
      tpu.enqueue_indirect_dma source(%dma_start3A_110 : memref<10000x128xf32, #tpu.memory_space<hbm>>) target(%arg13 : memref<128x128xf32, #tpu.memory_space<vmem>>) offsets(%dma_start3A_107 : memref<128xi32, #tpu.memory_space<vmem>>) semaphore(%arg16 : memref<!tpu.dma_semaphore, #tpu.memory_space<semaphore_mem>>)
      %dma_wait3A_111 = arith.constant 0 : i32
      %dma_wait3A_112 = tpu.memref_slice %arg7[%mul3A_90, %dma_wait3A_111] : memref<79x128xi32, #tpu.memory_space<vmem>> -> memref<1x128xi32, #tpu.memory_space<vmem>>
      %dma_wait3A_113 = tpu.memref_squeeze %dma_wait3A_112 : memref<1x128xi32, #tpu.memory_space<vmem>> -> memref<128xi32, #tpu.memory_space<vmem>>
      %dma_wait3A_114 = arith.constant 0 : i32
      %dma_wait3A_115 = arith.constant 0 : i32
      %dma_wait3A_116 = tpu.memref_slice %arg2[%dma_wait3A_114, %dma_wait3A_115] : memref<10000x128xf32, #tpu.memory_space<hbm>> -> memref<10000x128xf32, #tpu.memory_space<hbm>>
      tpu.wait_indirect_dma semaphore(%arg15 : memref<!tpu.dma_semaphore, #tpu.memory_space<semaphore_mem>>) src(%dma_wait3A_116 : memref<10000x128xf32, #tpu.memory_space<hbm>>) dst(%arg12 : memref<128x128xf32, #tpu.memory_space<vmem>>)
      %dma_wait3A_117 = arith.constant 0 : i32
      %dma_wait3A_118 = tpu.memref_slice %arg4[%add3A, %mul3A_90, %dma_wait3A_117] : memref<32x79x128xi32, #tpu.memory_space<hbm>> -> memref<1x1x128xi32, #tpu.memory_space<hbm>>
      %dma_wait3A_119 = tpu.memref_squeeze %dma_wait3A_118 : memref<1x1x128xi32, #tpu.memory_space<hbm>> -> memref<1x128xi32, #tpu.memory_space<hbm>>
      %dma_wait3A_120 = arith.constant 0 : i32
      %dma_wait3A_121 = tpu.memref_slice %arg4[%add3A, %mul3A_90, %dma_wait3A_120] : memref<32x79x128xi32, #tpu.memory_space<hbm>> -> memref<1x1x128xi32, #tpu.memory_space<hbm>>
      %dma_wait3A_122 = tpu.memref_squeeze %dma_wait3A_121 : memref<1x1x128xi32, #tpu.memory_space<hbm>> -> memref<1x128xi32, #tpu.memory_space<hbm>>
      tpu.wait_dma2 semaphore(%arg18 : memref<!tpu.dma_semaphore, #tpu.memory_space<semaphore_mem>>) src(%dma_wait3A_122 : memref<1x128xi32, #tpu.memory_space<hbm>>) dst(%arg8 : memref<1x128xi32, #tpu.memory_space<vmem>>)
      %dma_wait3A_123 = arith.constant 0 : i32
      %dma_wait3A_124 = tpu.memref_slice %arg5[%add3A, %mul3A_90, %dma_wait3A_123] : memref<32x79x128xf32, #tpu.memory_space<hbm>> -> memref<1x1x128xf32, #tpu.memory_space<hbm>>
      %dma_wait3A_125 = tpu.memref_squeeze %dma_wait3A_124 : memref<1x1x128xf32, #tpu.memory_space<hbm>> -> memref<1x128xf32, #tpu.memory_space<hbm>>
      %dma_wait3A_126 = arith.constant 0 : i32
      %dma_wait3A_127 = tpu.memref_slice %arg5[%add3A, %mul3A_90, %dma_wait3A_126] : memref<32x79x128xf32, #tpu.memory_space<hbm>> -> memref<1x1x128xf32, #tpu.memory_space<hbm>>
      %dma_wait3A_128 = tpu.memref_squeeze %dma_wait3A_127 : memref<1x1x128xf32, #tpu.memory_space<hbm>> -> memref<1x128xf32, #tpu.memory_space<hbm>>
      tpu.wait_dma2 semaphore(%arg18 : memref<!tpu.dma_semaphore, #tpu.memory_space<semaphore_mem>>) src(%dma_wait3A_128 : memref<1x128xf32, #tpu.memory_space<hbm>>) dst(%arg10 : memref<1x128xf32, #tpu.memory_space<vmem>>)
      %broadcast_in_dim3A_129 = arith.constant 0 : i32
      %broadcast_in_dim3A_130 = vector.broadcast %broadcast_in_dim3A_129 : i32 to vector<16xi32>
      %parallel_loop3A_131 = arith.constant 0 : i32
      %parallel_loop3A_132 = arith.constant 128 : i32
      %parallel_loop3A_133 = arith.constant 1 : i32
      scf.for %parallel_loop3A_207 = %parallel_loop3A_131 to %parallel_loop3A_132 step %parallel_loop3A_133  : i32 {
        %parallel_loop3A_208 = vector.broadcast %parallel_loop3A_207 : i32 to vector<16xi32>
        %parallel_loop3A_209 = tpu.vector_load_idx %arg10[%broadcast_in_dim3A_130, %parallel_loop3A_208] : memref<1x128xf32, #tpu.memory_space<vmem>>[vector<16xi32>, vector<16xi32>], vector<16xf32>,
        %parallel_loop3A_210 = arith.index_cast %parallel_loop3A_207 : i32 to index
        %parallel_loop3A_211 = arith.constant 0 : index
        %parallel_loop3A_212 = tpu.vector_load %arg12[%parallel_loop3A_210, %parallel_loop3A_211] {strides = array<i32>} : memref<128x128xf32, #tpu.memory_space<vmem>>, vector<16xf32>,
        %parallel_loop3A_213 = arith.mulf %parallel_loop3A_212, %parallel_loop3A_209 : vector<16xf32>
        %parallel_loop3A_214 = arith.index_cast %parallel_loop3A_207 : i32 to index
        %parallel_loop3A_215 = arith.constant 0 : index
        %parallel_loop3A_216 = tpu.vector_load %arg12[%parallel_loop3A_214, %parallel_loop3A_215] {strides = array<i32>} : memref<128x128xf32, #tpu.memory_space<vmem>>, vector<16xf32>,
        tpu.vector_store %arg12[%parallel_loop3A_214, %parallel_loop3A_215], %parallel_loop3A_213 {strides = array<i32>} : memref<128x128xf32, #tpu.memory_space<vmem>>, vector<16xf32>,
        %parallel_loop3A_217 = arith.index_cast %parallel_loop3A_207 : i32 to index
        %parallel_loop3A_218 = arith.constant 16 : index
        %parallel_loop3A_219 = tpu.vector_load %arg12[%parallel_loop3A_217, %parallel_loop3A_218] {strides = array<i32>} : memref<128x128xf32, #tpu.memory_space<vmem>>, vector<16xf32>,
        %parallel_loop3A_220 = arith.mulf %parallel_loop3A_219, %parallel_loop3A_209 : vector<16xf32>
        %parallel_loop3A_221 = arith.index_cast %parallel_loop3A_207 : i32 to index
        %parallel_loop3A_222 = arith.constant 16 : index
        %parallel_loop3A_223 = tpu.vector_load %arg12[%parallel_loop3A_221, %parallel_loop3A_222] {strides = array<i32>} : memref<128x128xf32, #tpu.memory_space<vmem>>, vector<16xf32>,
        tpu.vector_store %arg12[%parallel_loop3A_221, %parallel_loop3A_222], %parallel_loop3A_220 {strides = array<i32>} : memref<128x128xf32, #tpu.memory_space<vmem>>, vector<16xf32>,
        %parallel_loop3A_224 = arith.index_cast %parallel_loop3A_207 : i32 to index
        %parallel_loop3A_225 = arith.constant 32 : index
        %parallel_loop3A_226 = tpu.vector_load %arg12[%parallel_loop3A_224, %parallel_loop3A_225] {strides = array<i32>} : memref<128x128xf32, #tpu.memory_space<vmem>>, vector<16xf32>,
        %parallel_loop3A_227 = arith.mulf %parallel_loop3A_226, %parallel_loop3A_209 : vector<16xf32>
        %parallel_loop3A_228 = arith.index_cast %parallel_loop3A_207 : i32 to index
        %parallel_loop3A_229 = arith.constant 32 : index
        %parallel_loop3A_230 = tpu.vector_load %arg12[%parallel_loop3A_228, %parallel_loop3A_229] {strides = array<i32>} : memref<128x128xf32, #tpu.memory_space<vmem>>, vector<16xf32>,
        tpu.vector_store %arg12[%parallel_loop3A_228, %parallel_loop3A_229], %parallel_loop3A_227 {strides = array<i32>} : memref<128x128xf32, #tpu.memory_space<vmem>>, vector<16xf32>,
        %parallel_loop3A_231 = arith.index_cast %parallel_loop3A_207 : i32 to index
        %parallel_loop3A_232 = arith.constant 48 : index
        %parallel_loop3A_233 = tpu.vector_load %arg12[%parallel_loop3A_231, %parallel_loop3A_232] {strides = array<i32>} : memref<128x128xf32, #tpu.memory_space<vmem>>, vector<16xf32>,
        %parallel_loop3A_234 = arith.mulf %parallel_loop3A_233, %parallel_loop3A_209 : vector<16xf32>
        %parallel_loop3A_235 = arith.index_cast %parallel_loop3A_207 : i32 to index
        %parallel_loop3A_236 = arith.constant 48 : index
        %parallel_loop3A_237 = tpu.vector_load %arg12[%parallel_loop3A_235, %parallel_loop3A_236] {strides = array<i32>} : memref<128x128xf32, #tpu.memory_space<vmem>>, vector<16xf32>,
        tpu.vector_store %arg12[%parallel_loop3A_235, %parallel_loop3A_236], %parallel_loop3A_234 {strides = array<i32>} : memref<128x128xf32, #tpu.memory_space<vmem>>, vector<16xf32>,
        %parallel_loop3A_238 = arith.index_cast %parallel_loop3A_207 : i32 to index
        %parallel_loop3A_239 = arith.constant 64 : index
        %parallel_loop3A_240 = tpu.vector_load %arg12[%parallel_loop3A_238, %parallel_loop3A_239] {strides = array<i32>} : memref<128x128xf32, #tpu.memory_space<vmem>>, vector<16xf32>,
        %parallel_loop3A_241 = arith.mulf %parallel_loop3A_240, %parallel_loop3A_209 : vector<16xf32>
        %parallel_loop3A_242 = arith.index_cast %parallel_loop3A_207 : i32 to index
        %parallel_loop3A_243 = arith.constant 64 : index
        %parallel_loop3A_244 = tpu.vector_load %arg12[%parallel_loop3A_242, %parallel_loop3A_243] {strides = array<i32>} : memref<128x128xf32, #tpu.memory_space<vmem>>, vector<16xf32>,
        tpu.vector_store %arg12[%parallel_loop3A_242, %parallel_loop3A_243], %parallel_loop3A_241 {strides = array<i32>} : memref<128x128xf32, #tpu.memory_space<vmem>>, vector<16xf32>,
        %parallel_loop3A_245 = arith.index_cast %parallel_loop3A_207 : i32 to index
        %parallel_loop3A_246 = arith.constant 80 : index
        %parallel_loop3A_247 = tpu.vector_load %arg12[%parallel_loop3A_245, %parallel_loop3A_246] {strides = array<i32>} : memref<128x128xf32, #tpu.memory_space<vmem>>, vector<16xf32>,
        %parallel_loop3A_248 = arith.mulf %parallel_loop3A_247, %parallel_loop3A_209 : vector<16xf32>
        %parallel_loop3A_249 = arith.index_cast %parallel_loop3A_207 : i32 to index
        %parallel_loop3A_250 = arith.constant 80 : index
        %parallel_loop3A_251 = tpu.vector_load %arg12[%parallel_loop3A_249, %parallel_loop3A_250] {strides = array<i32>} : memref<128x128xf32, #tpu.memory_space<vmem>>, vector<16xf32>,
        tpu.vector_store %arg12[%parallel_loop3A_249, %parallel_loop3A_250], %parallel_loop3A_248 {strides = array<i32>} : memref<128x128xf32, #tpu.memory_space<vmem>>, vector<16xf32>,
        %parallel_loop3A_252 = arith.index_cast %parallel_loop3A_207 : i32 to index
        %parallel_loop3A_253 = arith.constant 96 : index
        %parallel_loop3A_254 = tpu.vector_load %arg12[%parallel_loop3A_252, %parallel_loop3A_253] {strides = array<i32>} : memref<128x128xf32, #tpu.memory_space<vmem>>, vector<16xf32>,
        %parallel_loop3A_255 = arith.mulf %parallel_loop3A_254, %parallel_loop3A_209 : vector<16xf32>
        %parallel_loop3A_256 = arith.index_cast %parallel_loop3A_207 : i32 to index
        %parallel_loop3A_257 = arith.constant 96 : index
        %parallel_loop3A_258 = tpu.vector_load %arg12[%parallel_loop3A_256, %parallel_loop3A_257] {strides = array<i32>} : memref<128x128xf32, #tpu.memory_space<vmem>>, vector<16xf32>,
        tpu.vector_store %arg12[%parallel_loop3A_256, %parallel_loop3A_257], %parallel_loop3A_255 {strides = array<i32>} : memref<128x128xf32, #tpu.memory_space<vmem>>, vector<16xf32>,
        %parallel_loop3A_259 = arith.index_cast %parallel_loop3A_207 : i32 to index
        %parallel_loop3A_260 = arith.constant 112 : index
        %parallel_loop3A_261 = tpu.vector_load %arg12[%parallel_loop3A_259, %parallel_loop3A_260] {strides = array<i32>} : memref<128x128xf32, #tpu.memory_space<vmem>>, vector<16xf32>,
        %parallel_loop3A_262 = arith.mulf %parallel_loop3A_261, %parallel_loop3A_209 : vector<16xf32>
        %parallel_loop3A_263 = arith.index_cast %parallel_loop3A_207 : i32 to index
        %parallel_loop3A_264 = arith.constant 112 : index
        %parallel_loop3A_265 = tpu.vector_load %arg12[%parallel_loop3A_263, %parallel_loop3A_264] {strides = array<i32>} : memref<128x128xf32, #tpu.memory_space<vmem>>, vector<16xf32>,
        tpu.vector_store %arg12[%parallel_loop3A_263, %parallel_loop3A_264], %parallel_loop3A_262 {strides = array<i32>} : memref<128x128xf32, #tpu.memory_space<vmem>>, vector<16xf32>,
      } {sc.loop_unroll_factor = 4 : i64, sc.parallel_access}
      %dma_start3A_134 = arith.constant 0 : i32
      %dma_start3A_135 = arith.constant 0 : i32
      %dma_start3A_136 = tpu.memref_slice %arg8[%dma_start3A_134, %dma_start3A_135] : memref<1x128xi32, #tpu.memory_space<vmem>> -> memref<1x128xi32, #tpu.memory_space<vmem>>
      %dma_start3A_137 = tpu.memref_squeeze %dma_start3A_136 : memref<1x128xi32, #tpu.memory_space<vmem>> -> memref<128xi32, #tpu.memory_space<vmem>>
      %dma_start3A_138 = arith.constant 0 : i32
      %dma_start3A_139 = arith.constant 0 : i32
      %dma_start3A_140 = tpu.memref_slice %arg14[%dma_start3A_138, %dma_start3A_139] : memref<10112x128xf32, #tpu.memory_space<vmem_shared>> -> memref<10112x128xf32, #tpu.memory_space<vmem_shared>>
      tpu.enqueue_indirect_dma source(%arg12 : memref<128x128xf32, #tpu.memory_space<vmem>>) target(%dma_start3A_140 : memref<10112x128xf32, #tpu.memory_space<vmem_shared>>) offsets(%dma_start3A_137 : memref<128xi32, #tpu.memory_space<vmem>>) semaphore(%arg17 : memref<!tpu.dma_semaphore, #tpu.memory_space<semaphore_mem>>) {add = true}
      %dma_wait3A_141 = arith.constant 0 : i32
      %dma_wait3A_142 = arith.constant 0 : i32
      %dma_wait3A_143 = tpu.memref_slice %arg8[%dma_wait3A_141, %dma_wait3A_142] : memref<1x128xi32, #tpu.memory_space<vmem>> -> memref<1x128xi32, #tpu.memory_space<vmem>>
      %dma_wait3A_144 = tpu.memref_squeeze %dma_wait3A_143 : memref<1x128xi32, #tpu.memory_space<vmem>> -> memref<128xi32, #tpu.memory_space<vmem>>
      %dma_wait3A_145 = arith.constant 0 : i32
      %dma_wait3A_146 = arith.constant 0 : i32
      %dma_wait3A_147 = tpu.memref_slice %arg14[%dma_wait3A_145, %dma_wait3A_146] : memref<10112x128xf32, #tpu.memory_space<vmem_shared>> -> memref<10112x128xf32, #tpu.memory_space<vmem_shared>>
      tpu.wait_indirect_dma semaphore(%arg17 : memref<!tpu.dma_semaphore, #tpu.memory_space<semaphore_mem>>) src(%arg12 : memref<128x128xf32, #tpu.memory_space<vmem>>) dst(%dma_wait3A_147 : memref<10112x128xf32, #tpu.memory_space<vmem_shared>>)
      %add3A_148 = arith.constant 2 : i32
      %add3A_149 = arith.addi %mul3A_90, %add3A_148 : i32
      %dma_start3A_150 = arith.constant 0 : i32
      %dma_start3A_151 = tpu.memref_slice %arg4[%add3A, %add3A_149, %dma_start3A_150] : memref<32x79x128xi32, #tpu.memory_space<hbm>> -> memref<1x1x128xi32, #tpu.memory_space<hbm>>
      %dma_start3A_152 = tpu.memref_squeeze %dma_start3A_151 : memref<1x1x128xi32, #tpu.memory_space<hbm>> -> memref<1x128xi32, #tpu.memory_space<hbm>>
      %dma_start3A_153 = arith.constant 0 : i32
      %dma_start3A_154 = tpu.memref_slice %arg4[%add3A, %add3A_149, %dma_start3A_153] : memref<32x79x128xi32, #tpu.memory_space<hbm>> -> memref<1x1x128xi32, #tpu.memory_space<hbm>>
      %dma_start3A_155 = tpu.memref_squeeze %dma_start3A_154 : memref<1x1x128xi32, #tpu.memory_space<hbm>> -> memref<1x128xi32, #tpu.memory_space<hbm>>
      tpu.enqueue_dma source(%dma_start3A_155 : memref<1x128xi32, #tpu.memory_space<hbm>>) target(%arg8 : memref<1x128xi32, #tpu.memory_space<vmem>>) target_semaphore(%arg18 : memref<!tpu.dma_semaphore, #tpu.memory_space<semaphore_mem>>)
      %dma_start3A_156 = arith.constant 0 : i32
      %dma_start3A_157 = tpu.memref_slice %arg5[%add3A, %add3A_149, %dma_start3A_156] : memref<32x79x128xf32, #tpu.memory_space<hbm>> -> memref<1x1x128xf32, #tpu.memory_space<hbm>>
      %dma_start3A_158 = tpu.memref_squeeze %dma_start3A_157 : memref<1x1x128xf32, #tpu.memory_space<hbm>> -> memref<1x128xf32, #tpu.memory_space<hbm>>
      %dma_start3A_159 = arith.constant 0 : i32
      %dma_start3A_160 = tpu.memref_slice %arg5[%add3A, %add3A_149, %dma_start3A_159] : memref<32x79x128xf32, #tpu.memory_space<hbm>> -> memref<1x1x128xf32, #tpu.memory_space<hbm>>
      %dma_start3A_161 = tpu.memref_squeeze %dma_start3A_160 : memref<1x1x128xf32, #tpu.memory_space<hbm>> -> memref<1x128xf32, #tpu.memory_space<hbm>>
      tpu.enqueue_dma source(%dma_start3A_161 : memref<1x128xf32, #tpu.memory_space<hbm>>) target(%arg10 : memref<1x128xf32, #tpu.memory_space<vmem>>) target_semaphore(%arg18 : memref<!tpu.dma_semaphore, #tpu.memory_space<semaphore_mem>>)
      %add3A_162 = arith.constant 2 : i32
      %add3A_163 = arith.addi %mul3A_90, %add3A_162 : i32
      %dma_start3A_164 = arith.constant 0 : i32
      %dma_start3A_165 = tpu.memref_slice %arg7[%add3A_163, %dma_start3A_164] : memref<79x128xi32, #tpu.memory_space<vmem>> -> memref<1x128xi32, #tpu.memory_space<vmem>>
      %dma_start3A_166 = tpu.memref_squeeze %dma_start3A_165 : memref<1x128xi32, #tpu.memory_space<vmem>> -> memref<128xi32, #tpu.memory_space<vmem>>
      %dma_start3A_167 = arith.constant 0 : i32
      %dma_start3A_168 = arith.constant 0 : i32
      %dma_start3A_169 = tpu.memref_slice %arg2[%dma_start3A_167, %dma_start3A_168] : memref<10000x128xf32, #tpu.memory_space<hbm>> -> memref<10000x128xf32, #tpu.memory_space<hbm>>
      tpu.enqueue_indirect_dma source(%dma_start3A_169 : memref<10000x128xf32, #tpu.memory_space<hbm>>) target(%arg12 : memref<128x128xf32, #tpu.memory_space<vmem>>) offsets(%dma_start3A_166 : memref<128xi32, #tpu.memory_space<vmem>>) semaphore(%arg15 : memref<!tpu.dma_semaphore, #tpu.memory_space<semaphore_mem>>)
      %dma_wait3A_170 = arith.constant 0 : i32
      %dma_wait3A_171 = tpu.memref_slice %arg7[%add3A_92, %dma_wait3A_170] : memref<79x128xi32, #tpu.memory_space<vmem>> -> memref<1x128xi32, #tpu.memory_space<vmem>>
      %dma_wait3A_172 = tpu.memref_squeeze %dma_wait3A_171 : memref<1x128xi32, #tpu.memory_space<vmem>> -> memref<128xi32, #tpu.memory_space<vmem>>
      %dma_wait3A_173 = arith.constant 0 : i32
      %dma_wait3A_174 = arith.constant 0 : i32
      %dma_wait3A_175 = tpu.memref_slice %arg2[%dma_wait3A_173, %dma_wait3A_174] : memref<10000x128xf32, #tpu.memory_space<hbm>> -> memref<10000x128xf32, #tpu.memory_space<hbm>>
      tpu.wait_indirect_dma semaphore(%arg16 : memref<!tpu.dma_semaphore, #tpu.memory_space<semaphore_mem>>) src(%dma_wait3A_175 : memref<10000x128xf32, #tpu.memory_space<hbm>>) dst(%arg13 : memref<128x128xf32, #tpu.memory_space<vmem>>)
      %dma_wait3A_176 = arith.constant 0 : i32
      %dma_wait3A_177 = tpu.memref_slice %arg4[%add3A, %add3A_92, %dma_wait3A_176] : memref<32x79x128xi32, #tpu.memory_space<hbm>> -> memref<1x1x128xi32, #tpu.memory_space<hbm>>
      %dma_wait3A_178 = tpu.memref_squeeze %dma_wait3A_177 : memref<1x1x128xi32, #tpu.memory_space<hbm>> -> memref<1x128xi32, #tpu.memory_space<hbm>>
      %dma_wait3A_179 = arith.constant 0 : i32
      %dma_wait3A_180 = tpu.memref_slice %arg4[%add3A, %add3A_92, %dma_wait3A_179] : memref<32x79x128xi32, #tpu.memory_space<hbm>> -> memref<1x1x128xi32, #tpu.memory_space<hbm>>
      %dma_wait3A_181 = tpu.memref_squeeze %dma_wait3A_180 : memref<1x1x128xi32, #tpu.memory_space<hbm>> -> memref<1x128xi32, #tpu.memory_space<hbm>>
      tpu.wait_dma2 semaphore(%arg19 : memref<!tpu.dma_semaphore, #tpu.memory_space<semaphore_mem>>) src(%dma_wait3A_181 : memref<1x128xi32, #tpu.memory_space<hbm>>) dst(%arg9 : memref<1x128xi32, #tpu.memory_space<vmem>>)
      %dma_wait3A_182 = arith.constant 0 : i32
      %dma_wait3A_183 = tpu.memref_slice %arg5[%add3A, %add3A_92, %dma_wait3A_182] : memref<32x79x128xf32, #tpu.memory_space<hbm>> -> memref<1x1x128xf32, #tpu.memory_space<hbm>>
      %dma_wait3A_184 = tpu.memref_squeeze %dma_wait3A_183 : memref<1x1x128xf32, #tpu.memory_space<hbm>> -> memref<1x128xf32, #tpu.memory_space<hbm>>
      %dma_wait3A_185 = arith.constant 0 : i32
      %dma_wait3A_186 = tpu.memref_slice %arg5[%add3A, %add3A_92, %dma_wait3A_185] : memref<32x79x128xf32, #tpu.memory_space<hbm>> -> memref<1x1x128xf32, #tpu.memory_space<hbm>>
      %dma_wait3A_187 = tpu.memref_squeeze %dma_wait3A_186 : memref<1x1x128xf32, #tpu.memory_space<hbm>> -> memref<1x128xf32, #tpu.memory_space<hbm>>
      tpu.wait_dma2 semaphore(%arg19 : memref<!tpu.dma_semaphore, #tpu.memory_space<semaphore_mem>>) src(%dma_wait3A_187 : memref<1x128xf32, #tpu.memory_space<hbm>>) dst(%arg11 : memref<1x128xf32, #tpu.memory_space<vmem>>)
      %broadcast_in_dim3A_188 = arith.constant 0 : i32
      %broadcast_in_dim3A_189 = vector.broadcast %broadcast_in_dim3A_188 : i32 to vector<16xi32>
      %parallel_loop3A_190 = arith.constant 0 : i32
      %parallel_loop3A_191 = arith.constant 128 : i32
      %parallel_loop3A_192 = arith.constant 1 : i32
      scf.for %parallel_loop3A_207 = %parallel_loop3A_190 to %parallel_loop3A_191 step %parallel_loop3A_192  : i32 {
        %parallel_loop3A_208 = vector.broadcast %parallel_loop3A_207 : i32 to vector<16xi32>
        %parallel_loop3A_209 = tpu.vector_load_idx %arg11[%broadcast_in_dim3A_189, %parallel_loop3A_208] : memref<1x128xf32, #tpu.memory_space<vmem>>[vector<16xi32>, vector<16xi32>], vector<16xf32>,
        %parallel_loop3A_210 = arith.index_cast %parallel_loop3A_207 : i32 to index
        %parallel_loop3A_211 = arith.constant 0 : index
        %parallel_loop3A_212 = tpu.vector_load %arg13[%parallel_loop3A_210, %parallel_loop3A_211] {strides = array<i32>} : memref<128x128xf32, #tpu.memory_space<vmem>>, vector<16xf32>,
        %parallel_loop3A_213 = arith.mulf %parallel_loop3A_212, %parallel_loop3A_209 : vector<16xf32>
        %parallel_loop3A_214 = arith.index_cast %parallel_loop3A_207 : i32 to index
        %parallel_loop3A_215 = arith.constant 0 : index
        %parallel_loop3A_216 = tpu.vector_load %arg13[%parallel_loop3A_214, %parallel_loop3A_215] {strides = array<i32>} : memref<128x128xf32, #tpu.memory_space<vmem>>, vector<16xf32>,
        tpu.vector_store %arg13[%parallel_loop3A_214, %parallel_loop3A_215], %parallel_loop3A_213 {strides = array<i32>} : memref<128x128xf32, #tpu.memory_space<vmem>>, vector<16xf32>,
        %parallel_loop3A_217 = arith.index_cast %parallel_loop3A_207 : i32 to index
        %parallel_loop3A_218 = arith.constant 16 : index
        %parallel_loop3A_219 = tpu.vector_load %arg13[%parallel_loop3A_217, %parallel_loop3A_218] {strides = array<i32>} : memref<128x128xf32, #tpu.memory_space<vmem>>, vector<16xf32>,
        %parallel_loop3A_220 = arith.mulf %parallel_loop3A_219, %parallel_loop3A_209 : vector<16xf32>
        %parallel_loop3A_221 = arith.index_cast %parallel_loop3A_207 : i32 to index
        %parallel_loop3A_222 = arith.constant 16 : index
        %parallel_loop3A_223 = tpu.vector_load %arg13[%parallel_loop3A_221, %parallel_loop3A_222] {strides = array<i32>} : memref<128x128xf32, #tpu.memory_space<vmem>>, vector<16xf32>,
        tpu.vector_store %arg13[%parallel_loop3A_221, %parallel_loop3A_222], %parallel_loop3A_220 {strides = array<i32>} : memref<128x128xf32, #tpu.memory_space<vmem>>, vector<16xf32>,
        %parallel_loop3A_224 = arith.index_cast %parallel_loop3A_207 : i32 to index
        %parallel_loop3A_225 = arith.constant 32 : index
        %parallel_loop3A_226 = tpu.vector_load %arg13[%parallel_loop3A_224, %parallel_loop3A_225] {strides = array<i32>} : memref<128x128xf32, #tpu.memory_space<vmem>>, vector<16xf32>,
        %parallel_loop3A_227 = arith.mulf %parallel_loop3A_226, %parallel_loop3A_209 : vector<16xf32>
        %parallel_loop3A_228 = arith.index_cast %parallel_loop3A_207 : i32 to index
        %parallel_loop3A_229 = arith.constant 32 : index
        %parallel_loop3A_230 = tpu.vector_load %arg13[%parallel_loop3A_228, %parallel_loop3A_229] {strides = array<i32>} : memref<128x128xf32, #tpu.memory_space<vmem>>, vector<16xf32>,
        tpu.vector_store %arg13[%parallel_loop3A_228, %parallel_loop3A_229], %parallel_loop3A_227 {strides = array<i32>} : memref<128x128xf32, #tpu.memory_space<vmem>>, vector<16xf32>,
        %parallel_loop3A_231 = arith.index_cast %parallel_loop3A_207 : i32 to index
        %parallel_loop3A_232 = arith.constant 48 : index
        %parallel_loop3A_233 = tpu.vector_load %arg13[%parallel_loop3A_231, %parallel_loop3A_232] {strides = array<i32>} : memref<128x128xf32, #tpu.memory_space<vmem>>, vector<16xf32>,
        %parallel_loop3A_234 = arith.mulf %parallel_loop3A_233, %parallel_loop3A_209 : vector<16xf32>
        %parallel_loop3A_235 = arith.index_cast %parallel_loop3A_207 : i32 to index
        %parallel_loop3A_236 = arith.constant 48 : index
        %parallel_loop3A_237 = tpu.vector_load %arg13[%parallel_loop3A_235, %parallel_loop3A_236] {strides = array<i32>} : memref<128x128xf32, #tpu.memory_space<vmem>>, vector<16xf32>,
        tpu.vector_store %arg13[%parallel_loop3A_235, %parallel_loop3A_236], %parallel_loop3A_234 {strides = array<i32>} : memref<128x128xf32, #tpu.memory_space<vmem>>, vector<16xf32>,
        %parallel_loop3A_238 = arith.index_cast %parallel_loop3A_207 : i32 to index
        %parallel_loop3A_239 = arith.constant 64 : index
        %parallel_loop3A_240 = tpu.vector_load %arg13[%parallel_loop3A_238, %parallel_loop3A_239] {strides = array<i32>} : memref<128x128xf32, #tpu.memory_space<vmem>>, vector<16xf32>,
        %parallel_loop3A_241 = arith.mulf %parallel_loop3A_240, %parallel_loop3A_209 : vector<16xf32>
        %parallel_loop3A_242 = arith.index_cast %parallel_loop3A_207 : i32 to index
        %parallel_loop3A_243 = arith.constant 64 : index
        %parallel_loop3A_244 = tpu.vector_load %arg13[%parallel_loop3A_242, %parallel_loop3A_243] {strides = array<i32>} : memref<128x128xf32, #tpu.memory_space<vmem>>, vector<16xf32>,
        tpu.vector_store %arg13[%parallel_loop3A_242, %parallel_loop3A_243], %parallel_loop3A_241 {strides = array<i32>} : memref<128x128xf32, #tpu.memory_space<vmem>>, vector<16xf32>,
        %parallel_loop3A_245 = arith.index_cast %parallel_loop3A_207 : i32 to index
        %parallel_loop3A_246 = arith.constant 80 : index
        %parallel_loop3A_247 = tpu.vector_load %arg13[%parallel_loop3A_245, %parallel_loop3A_246] {strides = array<i32>} : memref<128x128xf32, #tpu.memory_space<vmem>>, vector<16xf32>,
        %parallel_loop3A_248 = arith.mulf %parallel_loop3A_247, %parallel_loop3A_209 : vector<16xf32>
        %parallel_loop3A_249 = arith.index_cast %parallel_loop3A_207 : i32 to index
        %parallel_loop3A_250 = arith.constant 80 : index
        %parallel_loop3A_251 = tpu.vector_load %arg13[%parallel_loop3A_249, %parallel_loop3A_250] {strides = array<i32>} : memref<128x128xf32, #tpu.memory_space<vmem>>, vector<16xf32>,
        tpu.vector_store %arg13[%parallel_loop3A_249, %parallel_loop3A_250], %parallel_loop3A_248 {strides = array<i32>} : memref<128x128xf32, #tpu.memory_space<vmem>>, vector<16xf32>,
        %parallel_loop3A_252 = arith.index_cast %parallel_loop3A_207 : i32 to index
        %parallel_loop3A_253 = arith.constant 96 : index
        %parallel_loop3A_254 = tpu.vector_load %arg13[%parallel_loop3A_252, %parallel_loop3A_253] {strides = array<i32>} : memref<128x128xf32, #tpu.memory_space<vmem>>, vector<16xf32>,
        %parallel_loop3A_255 = arith.mulf %parallel_loop3A_254, %parallel_loop3A_209 : vector<16xf32>
        %parallel_loop3A_256 = arith.index_cast %parallel_loop3A_207 : i32 to index
        %parallel_loop3A_257 = arith.constant 96 : index
        %parallel_loop3A_258 = tpu.vector_load %arg13[%parallel_loop3A_256, %parallel_loop3A_257] {strides = array<i32>} : memref<128x128xf32, #tpu.memory_space<vmem>>, vector<16xf32>,
        tpu.vector_store %arg13[%parallel_loop3A_256, %parallel_loop3A_257], %parallel_loop3A_255 {strides = array<i32>} : memref<128x128xf32, #tpu.memory_space<vmem>>, vector<16xf32>,
        %parallel_loop3A_259 = arith.index_cast %parallel_loop3A_207 : i32 to index
        %parallel_loop3A_260 = arith.constant 112 : index
        %parallel_loop3A_261 = tpu.vector_load %arg13[%parallel_loop3A_259, %parallel_loop3A_260] {strides = array<i32>} : memref<128x128xf32, #tpu.memory_space<vmem>>, vector<16xf32>,
        %parallel_loop3A_262 = arith.mulf %parallel_loop3A_261, %parallel_loop3A_209 : vector<16xf32>
        %parallel_loop3A_263 = arith.index_cast %parallel_loop3A_207 : i32 to index
        %parallel_loop3A_264 = arith.constant 112 : index
        %parallel_loop3A_265 = tpu.vector_load %arg13[%parallel_loop3A_263, %parallel_loop3A_264] {strides = array<i32>} : memref<128x128xf32, #tpu.memory_space<vmem>>, vector<16xf32>,
        tpu.vector_store %arg13[%parallel_loop3A_263, %parallel_loop3A_264], %parallel_loop3A_262 {strides = array<i32>} : memref<128x128xf32, #tpu.memory_space<vmem>>, vector<16xf32>,
      } {sc.loop_unroll_factor = 4 : i64, sc.parallel_access}
      %dma_start3A_193 = arith.constant 0 : i32
      %dma_start3A_194 = arith.constant 0 : i32
      %dma_start3A_195 = tpu.memref_slice %arg9[%dma_start3A_193, %dma_start3A_194] : memref<1x128xi32, #tpu.memory_space<vmem>> -> memref<1x128xi32, #tpu.memory_space<vmem>>
      %dma_start3A_196 = tpu.memref_squeeze %dma_start3A_195 : memref<1x128xi32, #tpu.memory_space<vmem>> -> memref<128xi32, #tpu.memory_space<vmem>>
      %dma_start3A_197 = arith.constant 0 : i32
      %dma_start3A_198 = arith.constant 0 : i32
      %dma_start3A_199 = tpu.memref_slice %arg14[%dma_start3A_197, %dma_start3A_198] : memref<10112x128xf32, #tpu.memory_space<vmem_shared>> -> memref<10112x128xf32, #tpu.memory_space<vmem_shared>>
      tpu.enqueue_indirect_dma source(%arg13 : memref<128x128xf32, #tpu.memory_space<vmem>>) target(%dma_start3A_199 : memref<10112x128xf32, #tpu.memory_space<vmem_shared>>) offsets(%dma_start3A_196 : memref<128xi32, #tpu.memory_space<vmem>>) semaphore(%arg17 : memref<!tpu.dma_semaphore, #tpu.memory_space<semaphore_mem>>) {add = true}
      %dma_wait3A_200 = arith.constant 0 : i32
      %dma_wait3A_201 = arith.constant 0 : i32
      %dma_wait3A_202 = tpu.memref_slice %arg9[%dma_wait3A_200, %dma_wait3A_201] : memref<1x128xi32, #tpu.memory_space<vmem>> -> memref<1x128xi32, #tpu.memory_space<vmem>>
      %dma_wait3A_203 = tpu.memref_squeeze %dma_wait3A_202 : memref<1x128xi32, #tpu.memory_space<vmem>> -> memref<128xi32, #tpu.memory_space<vmem>>
      %dma_wait3A_204 = arith.constant 0 : i32
      %dma_wait3A_205 = arith.constant 0 : i32
      %dma_wait3A_206 = tpu.memref_slice %arg14[%dma_wait3A_204, %dma_wait3A_205] : memref<10112x128xf32, #tpu.memory_space<vmem_shared>> -> memref<10112x128xf32, #tpu.memory_space<vmem_shared>>
      tpu.wait_indirect_dma semaphore(%arg17 : memref<!tpu.dma_semaphore, #tpu.memory_space<semaphore_mem>>) src(%arg13 : memref<128x128xf32, #tpu.memory_space<vmem>>) dst(%dma_wait3A_206 : memref<10112x128xf32, #tpu.memory_space<vmem_shared>>)
    }
    %scan3A_46 = arith.constant 39 : i32
    %dma_wait3A = arith.constant 78 : i32
    %dma_wait3A_47 = arith.constant 0 : i32
    %dma_wait3A_48 = tpu.memref_slice %arg7[%dma_wait3A, %dma_wait3A_47] : memref<79x128xi32, #tpu.memory_space<vmem>> -> memref<1x128xi32, #tpu.memory_space<vmem>>
    %dma_wait3A_49 = tpu.memref_squeeze %dma_wait3A_48 : memref<1x128xi32, #tpu.memory_space<vmem>> -> memref<128xi32, #tpu.memory_space<vmem>>
    %dma_wait3A_50 = arith.constant 0 : i32
    %dma_wait3A_51 = arith.constant 0 : i32
    %dma_wait3A_52 = tpu.memref_slice %arg2[%dma_wait3A_50, %dma_wait3A_51] : memref<10000x128xf32, #tpu.memory_space<hbm>> -> memref<10000x128xf32, #tpu.memory_space<hbm>>
    tpu.wait_indirect_dma semaphore(%arg15 : memref<!tpu.dma_semaphore, #tpu.memory_space<semaphore_mem>>) src(%dma_wait3A_52 : memref<10000x128xf32, #tpu.memory_space<hbm>>) dst(%arg12 : memref<128x128xf32, #tpu.memory_space<vmem>>)
    %dma_wait3A_53 = arith.constant 78 : i32
    %dma_wait3A_54 = arith.constant 0 : i32
    %dma_wait3A_55 = tpu.memref_slice %arg4[%add3A, %dma_wait3A_53, %dma_wait3A_54] : memref<32x79x128xi32, #tpu.memory_space<hbm>> -> memref<1x1x128xi32, #tpu.memory_space<hbm>>
    %dma_wait3A_56 = tpu.memref_squeeze %dma_wait3A_55 : memref<1x1x128xi32, #tpu.memory_space<hbm>> -> memref<1x128xi32, #tpu.memory_space<hbm>>
    %dma_wait3A_57 = arith.constant 78 : i32
    %dma_wait3A_58 = arith.constant 0 : i32
    %dma_wait3A_59 = tpu.memref_slice %arg4[%add3A, %dma_wait3A_57, %dma_wait3A_58] : memref<32x79x128xi32, #tpu.memory_space<hbm>> -> memref<1x1x128xi32, #tpu.memory_space<hbm>>
    %dma_wait3A_60 = tpu.memref_squeeze %dma_wait3A_59 : memref<1x1x128xi32, #tpu.memory_space<hbm>> -> memref<1x128xi32, #tpu.memory_space<hbm>>
    tpu.wait_dma2 semaphore(%arg18 : memref<!tpu.dma_semaphore, #tpu.memory_space<semaphore_mem>>) src(%dma_wait3A_60 : memref<1x128xi32, #tpu.memory_space<hbm>>) dst(%arg8 : memref<1x128xi32, #tpu.memory_space<vmem>>)
    %dma_wait3A_61 = arith.constant 78 : i32
    %dma_wait3A_62 = arith.constant 0 : i32
    %dma_wait3A_63 = tpu.memref_slice %arg5[%add3A, %dma_wait3A_61, %dma_wait3A_62] : memref<32x79x128xf32, #tpu.memory_space<hbm>> -> memref<1x1x128xf32, #tpu.memory_space<hbm>>
    %dma_wait3A_64 = tpu.memref_squeeze %dma_wait3A_63 : memref<1x1x128xf32, #tpu.memory_space<hbm>> -> memref<1x128xf32, #tpu.memory_space<hbm>>
    %dma_wait3A_65 = arith.constant 78 : i32
    %dma_wait3A_66 = arith.constant 0 : i32
    %dma_wait3A_67 = tpu.memref_slice %arg5[%add3A, %dma_wait3A_65, %dma_wait3A_66] : memref<32x79x128xf32, #tpu.memory_space<hbm>> -> memref<1x1x128xf32, #tpu.memory_space<hbm>>
    %dma_wait3A_68 = tpu.memref_squeeze %dma_wait3A_67 : memref<1x1x128xf32, #tpu.memory_space<hbm>> -> memref<1x128xf32, #tpu.memory_space<hbm>>
    tpu.wait_dma2 semaphore(%arg18 : memref<!tpu.dma_semaphore, #tpu.memory_space<semaphore_mem>>) src(%dma_wait3A_68 : memref<1x128xf32, #tpu.memory_space<hbm>>) dst(%arg10 : memref<1x128xf32, #tpu.memory_space<vmem>>)
    %broadcast_in_dim3A_69 = arith.constant 0 : i32
    %broadcast_in_dim3A_70 = vector.broadcast %broadcast_in_dim3A_69 : i32 to vector<16xi32>
    %parallel_loop3A = arith.constant 0 : i32
    %parallel_loop3A_71 = arith.constant 128 : i32
    %parallel_loop3A_72 = arith.constant 1 : i32
    scf.for %parallel_loop3A_88 = %parallel_loop3A to %parallel_loop3A_71 step %parallel_loop3A_72  : i32 {
      %parallel_loop3A_89 = vector.broadcast %parallel_loop3A_88 : i32 to vector<16xi32>
      %parallel_loop3A_90 = tpu.vector_load_idx %arg10[%broadcast_in_dim3A_70, %parallel_loop3A_89] : memref<1x128xf32, #tpu.memory_space<vmem>>[vector<16xi32>, vector<16xi32>], vector<16xf32>,
      %parallel_loop3A_91 = arith.index_cast %parallel_loop3A_88 : i32 to index
      %parallel_loop3A_92 = arith.constant 0 : index
      %parallel_loop3A_93 = tpu.vector_load %arg12[%parallel_loop3A_91, %parallel_loop3A_92] {strides = array<i32>} : memref<128x128xf32, #tpu.memory_space<vmem>>, vector<16xf32>,
      %parallel_loop3A_94 = arith.mulf %parallel_loop3A_93, %parallel_loop3A_90 : vector<16xf32>
      %parallel_loop3A_95 = arith.index_cast %parallel_loop3A_88 : i32 to index
      %parallel_loop3A_96 = arith.constant 0 : index
      %parallel_loop3A_97 = tpu.vector_load %arg12[%parallel_loop3A_95, %parallel_loop3A_96] {strides = array<i32>} : memref<128x128xf32, #tpu.memory_space<vmem>>, vector<16xf32>,
      tpu.vector_store %arg12[%parallel_loop3A_95, %parallel_loop3A_96], %parallel_loop3A_94 {strides = array<i32>} : memref<128x128xf32, #tpu.memory_space<vmem>>, vector<16xf32>,
      %parallel_loop3A_98 = arith.index_cast %parallel_loop3A_88 : i32 to index
      %parallel_loop3A_99 = arith.constant 16 : index
      %parallel_loop3A_100 = tpu.vector_load %arg12[%parallel_loop3A_98, %parallel_loop3A_99] {strides = array<i32>} : memref<128x128xf32, #tpu.memory_space<vmem>>, vector<16xf32>,
      %parallel_loop3A_101 = arith.mulf %parallel_loop3A_100, %parallel_loop3A_90 : vector<16xf32>
      %parallel_loop3A_102 = arith.index_cast %parallel_loop3A_88 : i32 to index
      %parallel_loop3A_103 = arith.constant 16 : index
      %parallel_loop3A_104 = tpu.vector_load %arg12[%parallel_loop3A_102, %parallel_loop3A_103] {strides = array<i32>} : memref<128x128xf32, #tpu.memory_space<vmem>>, vector<16xf32>,
      tpu.vector_store %arg12[%parallel_loop3A_102, %parallel_loop3A_103], %parallel_loop3A_101 {strides = array<i32>} : memref<128x128xf32, #tpu.memory_space<vmem>>, vector<16xf32>,
      %parallel_loop3A_105 = arith.index_cast %parallel_loop3A_88 : i32 to index
      %parallel_loop3A_106 = arith.constant 32 : index
      %parallel_loop3A_107 = tpu.vector_load %arg12[%parallel_loop3A_105, %parallel_loop3A_106] {strides = array<i32>} : memref<128x128xf32, #tpu.memory_space<vmem>>, vector<16xf32>,
      %parallel_loop3A_108 = arith.mulf %parallel_loop3A_107, %parallel_loop3A_90 : vector<16xf32>
      %parallel_loop3A_109 = arith.index_cast %parallel_loop3A_88 : i32 to index
      %parallel_loop3A_110 = arith.constant 32 : index
      %parallel_loop3A_111 = tpu.vector_load %arg12[%parallel_loop3A_109, %parallel_loop3A_110] {strides = array<i32>} : memref<128x128xf32, #tpu.memory_space<vmem>>, vector<16xf32>,
      tpu.vector_store %arg12[%parallel_loop3A_109, %parallel_loop3A_110], %parallel_loop3A_108 {strides = array<i32>} : memref<128x128xf32, #tpu.memory_space<vmem>>, vector<16xf32>,
      %parallel_loop3A_112 = arith.index_cast %parallel_loop3A_88 : i32 to index
      %parallel_loop3A_113 = arith.constant 48 : index
      %parallel_loop3A_114 = tpu.vector_load %arg12[%parallel_loop3A_112, %parallel_loop3A_113] {strides = array<i32>} : memref<128x128xf32, #tpu.memory_space<vmem>>, vector<16xf32>,
      %parallel_loop3A_115 = arith.mulf %parallel_loop3A_114, %parallel_loop3A_90 : vector<16xf32>
      %parallel_loop3A_116 = arith.index_cast %parallel_loop3A_88 : i32 to index
      %parallel_loop3A_117 = arith.constant 48 : index
      %parallel_loop3A_118 = tpu.vector_load %arg12[%parallel_loop3A_116, %parallel_loop3A_117] {strides = array<i32>} : memref<128x128xf32, #tpu.memory_space<vmem>>, vector<16xf32>,
      tpu.vector_store %arg12[%parallel_loop3A_116, %parallel_loop3A_117], %parallel_loop3A_115 {strides = array<i32>} : memref<128x128xf32, #tpu.memory_space<vmem>>, vector<16xf32>,
      %parallel_loop3A_119 = arith.index_cast %parallel_loop3A_88 : i32 to index
      %parallel_loop3A_120 = arith.constant 64 : index
      %parallel_loop3A_121 = tpu.vector_load %arg12[%parallel_loop3A_119, %parallel_loop3A_120] {strides = array<i32>} : memref<128x128xf32, #tpu.memory_space<vmem>>, vector<16xf32>,
      %parallel_loop3A_122 = arith.mulf %parallel_loop3A_121, %parallel_loop3A_90 : vector<16xf32>
      %parallel_loop3A_123 = arith.index_cast %parallel_loop3A_88 : i32 to index
      %parallel_loop3A_124 = arith.constant 64 : index
      %parallel_loop3A_125 = tpu.vector_load %arg12[%parallel_loop3A_123, %parallel_loop3A_124] {strides = array<i32>} : memref<128x128xf32, #tpu.memory_space<vmem>>, vector<16xf32>,
      tpu.vector_store %arg12[%parallel_loop3A_123, %parallel_loop3A_124], %parallel_loop3A_122 {strides = array<i32>} : memref<128x128xf32, #tpu.memory_space<vmem>>, vector<16xf32>,
      %parallel_loop3A_126 = arith.index_cast %parallel_loop3A_88 : i32 to index
      %parallel_loop3A_127 = arith.constant 80 : index
      %parallel_loop3A_128 = tpu.vector_load %arg12[%parallel_loop3A_126, %parallel_loop3A_127] {strides = array<i32>} : memref<128x128xf32, #tpu.memory_space<vmem>>, vector<16xf32>,
      %parallel_loop3A_129 = arith.mulf %parallel_loop3A_128, %parallel_loop3A_90 : vector<16xf32>
      %parallel_loop3A_130 = arith.index_cast %parallel_loop3A_88 : i32 to index
      %parallel_loop3A_131 = arith.constant 80 : index
      %parallel_loop3A_132 = tpu.vector_load %arg12[%parallel_loop3A_130, %parallel_loop3A_131] {strides = array<i32>} : memref<128x128xf32, #tpu.memory_space<vmem>>, vector<16xf32>,
      tpu.vector_store %arg12[%parallel_loop3A_130, %parallel_loop3A_131], %parallel_loop3A_129 {strides = array<i32>} : memref<128x128xf32, #tpu.memory_space<vmem>>, vector<16xf32>,
      %parallel_loop3A_133 = arith.index_cast %parallel_loop3A_88 : i32 to index
      %parallel_loop3A_134 = arith.constant 96 : index
      %parallel_loop3A_135 = tpu.vector_load %arg12[%parallel_loop3A_133, %parallel_loop3A_134] {strides = array<i32>} : memref<128x128xf32, #tpu.memory_space<vmem>>, vector<16xf32>,
      %parallel_loop3A_136 = arith.mulf %parallel_loop3A_135, %parallel_loop3A_90 : vector<16xf32>
      %parallel_loop3A_137 = arith.index_cast %parallel_loop3A_88 : i32 to index
      %parallel_loop3A_138 = arith.constant 96 : index
      %parallel_loop3A_139 = tpu.vector_load %arg12[%parallel_loop3A_137, %parallel_loop3A_138] {strides = array<i32>} : memref<128x128xf32, #tpu.memory_space<vmem>>, vector<16xf32>,
      tpu.vector_store %arg12[%parallel_loop3A_137, %parallel_loop3A_138], %parallel_loop3A_136 {strides = array<i32>} : memref<128x128xf32, #tpu.memory_space<vmem>>, vector<16xf32>,
      %parallel_loop3A_140 = arith.index_cast %parallel_loop3A_88 : i32 to index
      %parallel_loop3A_141 = arith.constant 112 : index
      %parallel_loop3A_142 = tpu.vector_load %arg12[%parallel_loop3A_140, %parallel_loop3A_141] {strides = array<i32>} : memref<128x128xf32, #tpu.memory_space<vmem>>, vector<16xf32>,
      %parallel_loop3A_143 = arith.mulf %parallel_loop3A_142, %parallel_loop3A_90 : vector<16xf32>
      %parallel_loop3A_144 = arith.index_cast %parallel_loop3A_88 : i32 to index
      %parallel_loop3A_145 = arith.constant 112 : index
      %parallel_loop3A_146 = tpu.vector_load %arg12[%parallel_loop3A_144, %parallel_loop3A_145] {strides = array<i32>} : memref<128x128xf32, #tpu.memory_space<vmem>>, vector<16xf32>,
      tpu.vector_store %arg12[%parallel_loop3A_144, %parallel_loop3A_145], %parallel_loop3A_143 {strides = array<i32>} : memref<128x128xf32, #tpu.memory_space<vmem>>, vector<16xf32>,
    } {sc.loop_unroll_factor = 4 : i64, sc.parallel_access}
    %dma_start3A_73 = arith.constant 0 : i32
    %dma_start3A_74 = arith.constant 0 : i32
    %dma_start3A_75 = tpu.memref_slice %arg8[%dma_start3A_73, %dma_start3A_74] : memref<1x128xi32, #tpu.memory_space<vmem>> -> memref<1x128xi32, #tpu.memory_space<vmem>>
    %dma_start3A_76 = tpu.memref_squeeze %dma_start3A_75 : memref<1x128xi32, #tpu.memory_space<vmem>> -> memref<128xi32, #tpu.memory_space<vmem>>
    %dma_start3A_77 = arith.constant 0 : i32
    %dma_start3A_78 = arith.constant 0 : i32
    %dma_start3A_79 = tpu.memref_slice %arg14[%dma_start3A_77, %dma_start3A_78] : memref<10112x128xf32, #tpu.memory_space<vmem_shared>> -> memref<10112x128xf32, #tpu.memory_space<vmem_shared>>
    tpu.enqueue_indirect_dma source(%arg12 : memref<128x128xf32, #tpu.memory_space<vmem>>) target(%dma_start3A_79 : memref<10112x128xf32, #tpu.memory_space<vmem_shared>>) offsets(%dma_start3A_76 : memref<128xi32, #tpu.memory_space<vmem>>) semaphore(%arg17 : memref<!tpu.dma_semaphore, #tpu.memory_space<semaphore_mem>>) {add = true}
    %dma_wait3A_80 = arith.constant 0 : i32
    %dma_wait3A_81 = arith.constant 0 : i32
    %dma_wait3A_82 = tpu.memref_slice %arg8[%dma_wait3A_80, %dma_wait3A_81] : memref<1x128xi32, #tpu.memory_space<vmem>> -> memref<1x128xi32, #tpu.memory_space<vmem>>
    %dma_wait3A_83 = tpu.memref_squeeze %dma_wait3A_82 : memref<1x128xi32, #tpu.memory_space<vmem>> -> memref<128xi32, #tpu.memory_space<vmem>>
    %dma_wait3A_84 = arith.constant 0 : i32
    %dma_wait3A_85 = arith.constant 0 : i32
    %dma_wait3A_86 = tpu.memref_slice %arg14[%dma_wait3A_84, %dma_wait3A_85] : memref<10112x128xf32, #tpu.memory_space<vmem_shared>> -> memref<10112x128xf32, #tpu.memory_space<vmem_shared>>
    tpu.wait_indirect_dma semaphore(%arg17 : memref<!tpu.dma_semaphore, #tpu.memory_space<semaphore_mem>>) src(%arg12 : memref<128x128xf32, #tpu.memory_space<vmem>>) dst(%dma_wait3A_86 : memref<10112x128xf32, #tpu.memory_space<vmem_shared>>)
    %barrier3A_87 = arith.constant 0 : index
    tpu.barrier barrier_id(%barrier3A_87)
    "tpu.region"() ({
      %run_scoped3A = tpu.sem_alloc : memref<!tpu.dma_semaphore, #tpu.memory_space<semaphore_mem>>
      %dma_start3A_88 = arith.constant 0 : i32
      %dma_start3A_89 = tpu.memref_slice %arg6[%arg0, %mul3A_30, %dma_start3A_88] : memref<2x10112x128xf32, #tpu.memory_space<hbm>> -> memref<1x632x128xf32, #tpu.memory_space<hbm>>
      %dma_start3A_90 = tpu.memref_squeeze %dma_start3A_89 : memref<1x632x128xf32, #tpu.memory_space<hbm>> -> memref<632x128xf32, #tpu.memory_space<hbm>>
      %dma_start3A_91 = arith.constant 0 : i32
      %dma_start3A_92 = tpu.memref_slice %arg14[%mul3A_30, %dma_start3A_91] : memref<10112x128xf32, #tpu.memory_space<vmem_shared>> -> memref<632x128xf32, #tpu.memory_space<vmem_shared>>
      tpu.enqueue_dma source(%dma_start3A_92 : memref<632x128xf32, #tpu.memory_space<vmem_shared>>) target(%dma_start3A_90 : memref<632x128xf32, #tpu.memory_space<hbm>>) target_semaphore(%run_scoped3A : memref<!tpu.dma_semaphore, #tpu.memory_space<semaphore_mem>>)
      %dma_wait3A_93 = arith.constant 0 : i32
      %dma_wait3A_94 = tpu.memref_slice %arg6[%arg0, %mul3A_30, %dma_wait3A_93] : memref<2x10112x128xf32, #tpu.memory_space<hbm>> -> memref<1x632x128xf32, #tpu.memory_space<hbm>>
      %dma_wait3A_95 = tpu.memref_squeeze %dma_wait3A_94 : memref<1x632x128xf32, #tpu.memory_space<hbm>> -> memref<632x128xf32, #tpu.memory_space<hbm>>
      %dma_wait3A_96 = arith.constant 0 : i32
      %dma_wait3A_97 = tpu.memref_slice %arg14[%mul3A_30, %dma_wait3A_96] : memref<10112x128xf32, #tpu.memory_space<vmem_shared>> -> memref<632x128xf32, #tpu.memory_space<vmem_shared>>
      tpu.wait_dma2 semaphore(%run_scoped3A : memref<!tpu.dma_semaphore, #tpu.memory_space<semaphore_mem>>) src(%dma_wait3A_97 : memref<632x128xf32, #tpu.memory_space<vmem_shared>>) dst(%dma_wait3A_95 : memref<632x128xf32, #tpu.memory_space<hbm>>)
      tpu.yield
    }) : () -> ()
    return
  }
}

#map = affine_map<(d0, d1) -> (0, 0)>
#map1 = affine_map<(d0, d1) -> (0, 0, 0)>
module attributes {stable_mosaic.version = 14 : i64} {
  func.func @_sc_aggregate(%arg0: i32, %arg1: i32, %arg2: memref<10000x128xf32, #tpu.memory_space<hbm>>, %arg3: memref<32x79x128xi32, #tpu.memory_space<hbm>>, %arg4: memref<32x79x128xi32, #tpu.memory_space<hbm>>, %arg5: memref<32x79x128xf32, #tpu.memory_space<hbm>>, %arg6: memref<2x10112x128xf32, #tpu.memory_space<hbm>>, %arg7: memref<79x128xi32, #tpu.memory_space<vmem>>, %arg8: memref<1x128xi32, #tpu.memory_space<vmem>>, %arg9: memref<1x128xi32, #tpu.memory_space<vmem>>, %arg10: memref<1x128xf32, #tpu.memory_space<vmem>>, %arg11: memref<1x128xf32, #tpu.memory_space<vmem>>, %arg12: memref<128x128xf32, #tpu.memory_space<vmem>>, %arg13: memref<128x128xf32, #tpu.memory_space<vmem>>, %arg14: memref<10112x128xf32, #tpu.memory_space<vmem_shared>>, %arg15: memref<!tpu.dma_semaphore, #tpu.memory_space<semaphore_mem>>, %arg16: memref<!tpu.dma_semaphore, #tpu.memory_space<semaphore_mem>>, %arg17: memref<!tpu.dma_semaphore, #tpu.memory_space<semaphore_mem>>, %arg18: memref<!tpu.dma_semaphore, #tpu.memory_space<semaphore_mem>>, %arg19: memref<!tpu.dma_semaphore, #tpu.memory_space<semaphore_mem>>) attributes {dimension_semantics = [#tpu.dimension_semantics<core_parallel>, #tpu.dimension_semantics<subcore_parallel>], iteration_bounds = array<i64: 2, 16>, scalar_prefetch = 0 : i64, scratch_operands = 13 : i64, tpu.core_type = #tpu.core_type<sc_vector_subcore>, window_params = [{transform_indices = #map}, {transform_indices = #map1}, {transform_indices = #map1}, {transform_indices = #map1}, {transform_indices = #map1}]} {
    %mul3A = arith.constant 16 : i32
    %mul3A_0 = arith.muli %arg0, %mul3A : i32
    %add3A = arith.addi %mul3A_0, %arg1 : i32
    "tpu.region"() ({
      %run_scoped3A = tpu.sem_alloc : memref<!tpu.dma_semaphore, #tpu.memory_space<semaphore_mem>>
      %dma_start3A_88 = arith.constant 0 : i32
      %dma_start3A_89 = arith.constant 0 : i32
      %dma_start3A_90 = tpu.memref_slice %arg3[%add3A, %dma_start3A_88, %dma_start3A_89] : memref<32x79x128xi32, #tpu.memory_space<hbm>> -> memref<1x79x128xi32, #tpu.memory_space<hbm>>
      %dma_start3A_91 = tpu.memref_squeeze %dma_start3A_90 : memref<1x79x128xi32, #tpu.memory_space<hbm>> -> memref<79x128xi32, #tpu.memory_space<hbm>>
      %dma_start3A_92 = arith.constant 0 : i32
      %dma_start3A_93 = arith.constant 0 : i32
      %dma_start3A_94 = tpu.memref_slice %arg3[%add3A, %dma_start3A_92, %dma_start3A_93] : memref<32x79x128xi32, #tpu.memory_space<hbm>> -> memref<1x79x128xi32, #tpu.memory_space<hbm>>
      %dma_start3A_95 = tpu.memref_squeeze %dma_start3A_94 : memref<1x79x128xi32, #tpu.memory_space<hbm>> -> memref<79x128xi32, #tpu.memory_space<hbm>>
      tpu.enqueue_dma source(%dma_start3A_95 : memref<79x128xi32, #tpu.memory_space<hbm>>) target(%arg7 : memref<79x128xi32, #tpu.memory_space<vmem>>) target_semaphore(%run_scoped3A : memref<!tpu.dma_semaphore, #tpu.memory_space<semaphore_mem>>)
      %dma_wait3A_96 = arith.constant 0 : i32
      %dma_wait3A_97 = arith.constant 0 : i32
      %dma_wait3A_98 = tpu.memref_slice %arg3[%add3A, %dma_wait3A_96, %dma_wait3A_97] : memref<32x79x128xi32, #tpu.memory_space<hbm>> -> memref<1x79x128xi32, #tpu.memory_space<hbm>>
      %dma_wait3A_99 = tpu.memref_squeeze %dma_wait3A_98 : memref<1x79x128xi32, #tpu.memory_space<hbm>> -> memref<79x128xi32, #tpu.memory_space<hbm>>
      %dma_wait3A_100 = arith.constant 0 : i32
      %dma_wait3A_101 = arith.constant 0 : i32
      %dma_wait3A_102 = tpu.memref_slice %arg3[%add3A, %dma_wait3A_100, %dma_wait3A_101] : memref<32x79x128xi32, #tpu.memory_space<hbm>> -> memref<1x79x128xi32, #tpu.memory_space<hbm>>
      %dma_wait3A_103 = tpu.memref_squeeze %dma_wait3A_102 : memref<1x79x128xi32, #tpu.memory_space<hbm>> -> memref<79x128xi32, #tpu.memory_space<hbm>>
      tpu.wait_dma2 semaphore(%run_scoped3A : memref<!tpu.dma_semaphore, #tpu.memory_space<semaphore_mem>>) src(%dma_wait3A_103 : memref<79x128xi32, #tpu.memory_space<hbm>>) dst(%arg7 : memref<79x128xi32, #tpu.memory_space<vmem>>)
      tpu.yield
    }) : () -> ()
    %dma_start3A = arith.constant 0 : i32
    %dma_start3A_1 = arith.constant 0 : i32
    %dma_start3A_2 = tpu.memref_slice %arg4[%add3A, %dma_start3A, %dma_start3A_1] : memref<32x79x128xi32, #tpu.memory_space<hbm>> -> memref<1x1x128xi32, #tpu.memory_space<hbm>>
    %dma_start3A_3 = tpu.memref_squeeze %dma_start3A_2 : memref<1x1x128xi32, #tpu.memory_space<hbm>> -> memref<1x128xi32, #tpu.memory_space<hbm>>
    %dma_start3A_4 = arith.constant 0 : i32
    %dma_start3A_5 = arith.constant 0 : i32
    %dma_start3A_6 = tpu.memref_slice %arg4[%add3A, %dma_start3A_4, %dma_start3A_5] : memref<32x79x128xi32, #tpu.memory_space<hbm>> -> memref<1x1x128xi32, #tpu.memory_space<hbm>>
    %dma_start3A_7 = tpu.memref_squeeze %dma_start3A_6 : memref<1x1x128xi32, #tpu.memory_space<hbm>> -> memref<1x128xi32, #tpu.memory_space<hbm>>
    tpu.enqueue_dma source(%dma_start3A_7 : memref<1x128xi32, #tpu.memory_space<hbm>>) target(%arg8 : memref<1x128xi32, #tpu.memory_space<vmem>>) target_semaphore(%arg18 : memref<!tpu.dma_semaphore, #tpu.memory_space<semaphore_mem>>)
    %dma_start3A_8 = arith.constant 0 : i32
    %dma_start3A_9 = arith.constant 0 : i32
    %dma_start3A_10 = tpu.memref_slice %arg5[%add3A, %dma_start3A_8, %dma_start3A_9] : memref<32x79x128xf32, #tpu.memory_space<hbm>> -> memref<1x1x128xf32, #tpu.memory_space<hbm>>
    %dma_start3A_11 = tpu.memref_squeeze %dma_start3A_10 : memref<1x1x128xf32, #tpu.memory_space<hbm>> -> memref<1x128xf32, #tpu.memory_space<hbm>>
    %dma_start3A_12 = arith.constant 0 : i32
    %dma_start3A_13 = arith.constant 0 : i32
    %dma_start3A_14 = tpu.memref_slice %arg5[%add3A, %dma_start3A_12, %dma_start3A_13] : memref<32x79x128xf32, #tpu.memory_space<hbm>> -> memref<1x1x128xf32, #tpu.memory_space<hbm>>
    %dma_start3A_15 = tpu.memref_squeeze %dma_start3A_14 : memref<1x1x128xf32, #tpu.memory_space<hbm>> -> memref<1x128xf32, #tpu.memory_space<hbm>>
    tpu.enqueue_dma source(%dma_start3A_15 : memref<1x128xf32, #tpu.memory_space<hbm>>) target(%arg10 : memref<1x128xf32, #tpu.memory_space<vmem>>) target_semaphore(%arg18 : memref<!tpu.dma_semaphore, #tpu.memory_space<semaphore_mem>>)
    %dma_start3A_16 = arith.constant 0 : i32
    %dma_start3A_17 = arith.constant 0 : i32
    %dma_start3A_18 = tpu.memref_slice %arg7[%dma_start3A_16, %dma_start3A_17] : memref<79x128xi32, #tpu.memory_space<vmem>> -> memref<1x128xi32, #tpu.memory_space<vmem>>
    %dma_start3A_19 = tpu.memref_squeeze %dma_start3A_18 : memref<1x128xi32, #tpu.memory_space<vmem>> -> memref<128xi32, #tpu.memory_space<vmem>>
    %dma_start3A_20 = arith.constant 0 : i32
    %dma_start3A_21 = arith.constant 0 : i32
    %dma_start3A_22 = tpu.memref_slice %arg2[%dma_start3A_20, %dma_start3A_21] : memref<10000x128xf32, #tpu.memory_space<hbm>> -> memref<10000x128xf32, #tpu.memory_space<hbm>>
    tpu.enqueue_indirect_dma source(%dma_start3A_22 : memref<10000x128xf32, #tpu.memory_space<hbm>>) target(%arg12 : memref<128x128xf32, #tpu.memory_space<vmem>>) offsets(%dma_start3A_19 : memref<128xi32, #tpu.memory_space<vmem>>) semaphore(%arg15 : memref<!tpu.dma_semaphore, #tpu.memory_space<semaphore_mem>>)
    %broadcast_in_dim3A = arith.constant 0.000000e+00 : f32
    %broadcast_in_dim3A_23 = vector.broadcast %broadcast_in_dim3A : f32 to vector<16xf32>
    %scan3A = arith.constant 0 : i32
    %scan3A_24 = arith.constant 0 : i32
    %scan3A_25 = arith.constant 1024 : i32
    %scan3A_26 = arith.addi %scan3A_24, %scan3A_25 : i32
    %scan3A_27 = arith.constant 1 : i32
    scf.for %scan3A_88 = %scan3A_24 to %scan3A_26 step %scan3A_27  : i32 {
      %jit3A = arith.constant 8 : i32
      %div3A = arith.divsi %scan3A_88, %jit3A : i32
      %sign3A = arith.constant 0 : i32
      %sign3A_89 = arith.cmpi sgt, %scan3A_88, %sign3A : i32
      %sign3A_90 = arith.extui %sign3A_89 : i1 to i32
      %sign3A_91 = arith.constant 0 : i32
      %sign3A_92 = arith.cmpi slt, %scan3A_88, %sign3A_91 : i32
      %sign3A_93 = arith.extui %sign3A_92 : i1 to i32
      %sign3A_94 = arith.subi %sign3A_90, %sign3A_93 : i32
      %sign3A_95 = arith.constant 0 : i32
      %sign3A_96 = arith.cmpi sgt, %jit3A, %sign3A_95 : i32
      %sign3A_97 = arith.extui %sign3A_96 : i1 to i32
      %sign3A_98 = arith.constant 0 : i32
      %sign3A_99 = arith.cmpi slt, %jit3A, %sign3A_98 : i32
      %sign3A_100 = arith.extui %sign3A_99 : i1 to i32
      %sign3A_101 = arith.subi %sign3A_97, %sign3A_100 : i32
      %ne3A = arith.cmpi ne, %sign3A_94, %sign3A_101 : i32
      %rem3A = arith.remsi %scan3A_88, %jit3A : i32
      %ne3A_102 = arith.constant 0 : i32
      %ne3A_103 = arith.cmpi ne, %rem3A, %ne3A_102 : i32
      %and3A = arith.andi %ne3A, %ne3A_103 : i1
      %sub3A = arith.constant 1 : i32
      %sub3A_104 = arith.subi %div3A, %sub3A : i32
      %select_n3A = arith.select %and3A, %sub3A_104, %div3A : i32
      %jit3A_105 = arith.constant 8 : i32
      %eq3A = arith.constant 0 : i32
      %eq3A_106 = arith.cmpi eq, %jit3A_105, %eq3A : i32
      %jit3A_107 = arith.constant 1 : i32
      %select_n3A_108 = arith.select %eq3A_106, %jit3A_107, %jit3A_105 : i32
      %rem3A_109 = arith.remsi %scan3A_88, %select_n3A_108 : i32
      %ne3A_110 = arith.constant 0 : i32
      %ne3A_111 = arith.cmpi ne, %rem3A_109, %ne3A_110 : i32
      %lt3A = arith.constant 0 : i32
      %lt3A_112 = arith.cmpi slt, %rem3A_109, %lt3A : i32
      %lt3A_113 = arith.constant 0 : i32
      %lt3A_114 = arith.cmpi slt, %select_n3A_108, %lt3A_113 : i32
      %ne3A_115 = arith.xori %lt3A_112, %lt3A_114 : i1
      %and3A_116 = arith.andi %ne3A_115, %ne3A_111 : i1
      %add3A_117 = arith.addi %rem3A_109, %select_n3A_108 : i32
      %select_n3A_118 = arith.select %and3A_116, %add3A_117, %rem3A_109 : i32
      %mul3A_119 = arith.constant 16 : i32
      %mul3A_120 = arith.muli %select_n3A_118, %mul3A_119 : i32
      %swap3A = arith.index_cast %select_n3A : i32 to index
      %swap3A_121 = arith.index_cast %mul3A_120 : i32 to index
      %swap3A_122 = tpu.vector_load %arg13[%swap3A, %swap3A_121] {strides = array<i32>} : memref<128x128xf32, #tpu.memory_space<vmem>>, vector<16xf32>,
      tpu.vector_store %arg13[%swap3A, %swap3A_121], %broadcast_in_dim3A_23 {strides = array<i32>} : memref<128x128xf32, #tpu.memory_space<vmem>>, vector<16xf32>,
    }
    %scan3A_28 = arith.constant 1024 : i32
    %mul3A_29 = arith.constant 632 : i32
    %mul3A_30 = arith.muli %arg1, %mul3A_29 : i32
    %add3A_31 = arith.constant 0 : i32
    %add3A_32 = arith.addi %mul3A_30, %add3A_31 : i32
    "tpu.region"() ({
      %run_scoped3A = tpu.sem_alloc : memref<!tpu.dma_semaphore, #tpu.memory_space<semaphore_mem>>
      %dma_start3A_88 = arith.constant 0 : i32
      %dma_start3A_89 = tpu.memref_slice %arg14[%add3A_32, %dma_start3A_88] : memref<10112x128xf32, #tpu.memory_space<vmem_shared>> -> memref<128x128xf32, #tpu.memory_space<vmem_shared>>
      %dma_start3A_90 = arith.constant 0 : i32
      %dma_start3A_91 = tpu.memref_slice %arg14[%add3A_32, %dma_start3A_90] : memref<10112x128xf32, #tpu.memory_space<vmem_shared>> -> memref<128x128xf32, #tpu.memory_space<vmem_shared>>
      tpu.enqueue_dma source(%arg13 : memref<128x128xf32, #tpu.memory_space<vmem>>) target(%dma_start3A_91 : memref<128x128xf32, #tpu.memory_space<vmem_shared>>) target_semaphore(%run_scoped3A : memref<!tpu.dma_semaphore, #tpu.memory_space<semaphore_mem>>)
      %dma_wait3A_92 = arith.constant 0 : i32
      %dma_wait3A_93 = tpu.memref_slice %arg14[%add3A_32, %dma_wait3A_92] : memref<10112x128xf32, #tpu.memory_space<vmem_shared>> -> memref<128x128xf32, #tpu.memory_space<vmem_shared>>
      %dma_wait3A_94 = arith.constant 0 : i32
      %dma_wait3A_95 = tpu.memref_slice %arg14[%add3A_32, %dma_wait3A_94] : memref<10112x128xf32, #tpu.memory_space<vmem_shared>> -> memref<128x128xf32, #tpu.memory_space<vmem_shared>>
      tpu.wait_dma2 semaphore(%run_scoped3A : memref<!tpu.dma_semaphore, #tpu.memory_space<semaphore_mem>>) src(%arg13 : memref<128x128xf32, #tpu.memory_space<vmem>>) dst(%dma_wait3A_95 : memref<128x128xf32, #tpu.memory_space<vmem_shared>>)
      tpu.yield
    }) : () -> ()
    %add3A_33 = arith.constant 128 : i32
    %add3A_34 = arith.addi %mul3A_30, %add3A_33 : i32
    "tpu.region"() ({
      %run_scoped3A = tpu.sem_alloc : memref<!tpu.dma_semaphore, #tpu.memory_space<semaphore_mem>>
      %dma_start3A_88 = arith.constant 0 : i32
      %dma_start3A_89 = tpu.memref_slice %arg14[%add3A_34, %dma_start3A_88] : memref<10112x128xf32, #tpu.memory_space<vmem_shared>> -> memref<128x128xf32, #tpu.memory_space<vmem_shared>>
      %dma_start3A_90 = arith.constant 0 : i32
      %dma_start3A_91 = tpu.memref_slice %arg14[%add3A_34, %dma_start3A_90] : memref<10112x128xf32, #tpu.memory_space<vmem_shared>> -> memref<128x128xf32, #tpu.memory_space<vmem_shared>>
      tpu.enqueue_dma source(%arg13 : memref<128x128xf32, #tpu.memory_space<vmem>>) target(%dma_start3A_91 : memref<128x128xf32, #tpu.memory_space<vmem_shared>>) target_semaphore(%run_scoped3A : memref<!tpu.dma_semaphore, #tpu.memory_space<semaphore_mem>>)
      %dma_wait3A_92 = arith.constant 0 : i32
      %dma_wait3A_93 = tpu.memref_slice %arg14[%add3A_34, %dma_wait3A_92] : memref<10112x128xf32, #tpu.memory_space<vmem_shared>> -> memref<128x128xf32, #tpu.memory_space<vmem_shared>>
      %dma_wait3A_94 = arith.constant 0 : i32
      %dma_wait3A_95 = tpu.memref_slice %arg14[%add3A_34, %dma_wait3A_94] : memref<10112x128xf32, #tpu.memory_space<vmem_shared>> -> memref<128x128xf32, #tpu.memory_space<vmem_shared>>
      tpu.wait_dma2 semaphore(%run_scoped3A : memref<!tpu.dma_semaphore, #tpu.memory_space<semaphore_mem>>) src(%arg13 : memref<128x128xf32, #tpu.memory_space<vmem>>) dst(%dma_wait3A_95 : memref<128x128xf32, #tpu.memory_space<vmem_shared>>)
      tpu.yield
    }) : () -> ()
    %add3A_35 = arith.constant 256 : i32
    %add3A_36 = arith.addi %mul3A_30, %add3A_35 : i32
    "tpu.region"() ({
      %run_scoped3A = tpu.sem_alloc : memref<!tpu.dma_semaphore, #tpu.memory_space<semaphore_mem>>
      %dma_start3A_88 = arith.constant 0 : i32
      %dma_start3A_89 = tpu.memref_slice %arg14[%add3A_36, %dma_start3A_88] : memref<10112x128xf32, #tpu.memory_space<vmem_shared>> -> memref<128x128xf32, #tpu.memory_space<vmem_shared>>
      %dma_start3A_90 = arith.constant 0 : i32
      %dma_start3A_91 = tpu.memref_slice %arg14[%add3A_36, %dma_start3A_90] : memref<10112x128xf32, #tpu.memory_space<vmem_shared>> -> memref<128x128xf32, #tpu.memory_space<vmem_shared>>
      tpu.enqueue_dma source(%arg13 : memref<128x128xf32, #tpu.memory_space<vmem>>) target(%dma_start3A_91 : memref<128x128xf32, #tpu.memory_space<vmem_shared>>) target_semaphore(%run_scoped3A : memref<!tpu.dma_semaphore, #tpu.memory_space<semaphore_mem>>)
      %dma_wait3A_92 = arith.constant 0 : i32
      %dma_wait3A_93 = tpu.memref_slice %arg14[%add3A_36, %dma_wait3A_92] : memref<10112x128xf32, #tpu.memory_space<vmem_shared>> -> memref<128x128xf32, #tpu.memory_space<vmem_shared>>
      %dma_wait3A_94 = arith.constant 0 : i32
      %dma_wait3A_95 = tpu.memref_slice %arg14[%add3A_36, %dma_wait3A_94] : memref<10112x128xf32, #tpu.memory_space<vmem_shared>> -> memref<128x128xf32, #tpu.memory_space<vmem_shared>>
      tpu.wait_dma2 semaphore(%run_scoped3A : memref<!tpu.dma_semaphore, #tpu.memory_space<semaphore_mem>>) src(%arg13 : memref<128x128xf32, #tpu.memory_space<vmem>>) dst(%dma_wait3A_95 : memref<128x128xf32, #tpu.memory_space<vmem_shared>>)
      tpu.yield
    }) : () -> ()
    %add3A_37 = arith.constant 384 : i32
    %add3A_38 = arith.addi %mul3A_30, %add3A_37 : i32
    "tpu.region"() ({
      %run_scoped3A = tpu.sem_alloc : memref<!tpu.dma_semaphore, #tpu.memory_space<semaphore_mem>>
      %dma_start3A_88 = arith.constant 0 : i32
      %dma_start3A_89 = tpu.memref_slice %arg14[%add3A_38, %dma_start3A_88] : memref<10112x128xf32, #tpu.memory_space<vmem_shared>> -> memref<128x128xf32, #tpu.memory_space<vmem_shared>>
      %dma_start3A_90 = arith.constant 0 : i32
      %dma_start3A_91 = tpu.memref_slice %arg14[%add3A_38, %dma_start3A_90] : memref<10112x128xf32, #tpu.memory_space<vmem_shared>> -> memref<128x128xf32, #tpu.memory_space<vmem_shared>>
      tpu.enqueue_dma source(%arg13 : memref<128x128xf32, #tpu.memory_space<vmem>>) target(%dma_start3A_91 : memref<128x128xf32, #tpu.memory_space<vmem_shared>>) target_semaphore(%run_scoped3A : memref<!tpu.dma_semaphore, #tpu.memory_space<semaphore_mem>>)
      %dma_wait3A_92 = arith.constant 0 : i32
      %dma_wait3A_93 = tpu.memref_slice %arg14[%add3A_38, %dma_wait3A_92] : memref<10112x128xf32, #tpu.memory_space<vmem_shared>> -> memref<128x128xf32, #tpu.memory_space<vmem_shared>>
      %dma_wait3A_94 = arith.constant 0 : i32
      %dma_wait3A_95 = tpu.memref_slice %arg14[%add3A_38, %dma_wait3A_94] : memref<10112x128xf32, #tpu.memory_space<vmem_shared>> -> memref<128x128xf32, #tpu.memory_space<vmem_shared>>
      tpu.wait_dma2 semaphore(%run_scoped3A : memref<!tpu.dma_semaphore, #tpu.memory_space<semaphore_mem>>) src(%arg13 : memref<128x128xf32, #tpu.memory_space<vmem>>) dst(%dma_wait3A_95 : memref<128x128xf32, #tpu.memory_space<vmem_shared>>)
      tpu.yield
    }) : () -> ()
    %add3A_39 = arith.constant 512 : i32
    %add3A_40 = arith.addi %mul3A_30, %add3A_39 : i32
    "tpu.region"() ({
      %run_scoped3A = tpu.sem_alloc : memref<!tpu.dma_semaphore, #tpu.memory_space<semaphore_mem>>
      %dma_start3A_88 = arith.constant 0 : i32
      %dma_start3A_89 = arith.constant 0 : i32
      %dma_start3A_90 = tpu.memref_slice %arg13[%dma_start3A_88, %dma_start3A_89] : memref<128x128xf32, #tpu.memory_space<vmem>> -> memref<120x128xf32, #tpu.memory_space<vmem>>
      %dma_start3A_91 = arith.constant 0 : i32
      %dma_start3A_92 = tpu.memref_slice %arg14[%add3A_40, %dma_start3A_91] : memref<10112x128xf32, #tpu.memory_space<vmem_shared>> -> memref<120x128xf32, #tpu.memory_space<vmem_shared>>
      %dma_start3A_93 = arith.constant 0 : i32
      %dma_start3A_94 = tpu.memref_slice %arg14[%add3A_40, %dma_start3A_93] : memref<10112x128xf32, #tpu.memory_space<vmem_shared>> -> memref<120x128xf32, #tpu.memory_space<vmem_shared>>
      %dma_start3A_95 = arith.constant 0 : i32
      %dma_start3A_96 = arith.constant 0 : i32
      %dma_start3A_97 = tpu.memref_slice %arg13[%dma_start3A_95, %dma_start3A_96] : memref<128x128xf32, #tpu.memory_space<vmem>> -> memref<120x128xf32, #tpu.memory_space<vmem>>
      tpu.enqueue_dma source(%dma_start3A_97 : memref<120x128xf32, #tpu.memory_space<vmem>>) target(%dma_start3A_94 : memref<120x128xf32, #tpu.memory_space<vmem_shared>>) target_semaphore(%run_scoped3A : memref<!tpu.dma_semaphore, #tpu.memory_space<semaphore_mem>>)
      %dma_wait3A_98 = arith.constant 0 : i32
      %dma_wait3A_99 = arith.constant 0 : i32
      %dma_wait3A_100 = tpu.memref_slice %arg13[%dma_wait3A_98, %dma_wait3A_99] : memref<128x128xf32, #tpu.memory_space<vmem>> -> memref<120x128xf32, #tpu.memory_space<vmem>>
      %dma_wait3A_101 = arith.constant 0 : i32
      %dma_wait3A_102 = tpu.memref_slice %arg14[%add3A_40, %dma_wait3A_101] : memref<10112x128xf32, #tpu.memory_space<vmem_shared>> -> memref<120x128xf32, #tpu.memory_space<vmem_shared>>
      %dma_wait3A_103 = arith.constant 0 : i32
      %dma_wait3A_104 = tpu.memref_slice %arg14[%add3A_40, %dma_wait3A_103] : memref<10112x128xf32, #tpu.memory_space<vmem_shared>> -> memref<120x128xf32, #tpu.memory_space<vmem_shared>>
      %dma_wait3A_105 = arith.constant 0 : i32
      %dma_wait3A_106 = arith.constant 0 : i32
      %dma_wait3A_107 = tpu.memref_slice %arg13[%dma_wait3A_105, %dma_wait3A_106] : memref<128x128xf32, #tpu.memory_space<vmem>> -> memref<120x128xf32, #tpu.memory_space<vmem>>
      tpu.wait_dma2 semaphore(%run_scoped3A : memref<!tpu.dma_semaphore, #tpu.memory_space<semaphore_mem>>) src(%dma_wait3A_107 : memref<120x128xf32, #tpu.memory_space<vmem>>) dst(%dma_wait3A_104 : memref<120x128xf32, #tpu.memory_space<vmem_shared>>)
      tpu.yield
    }) : () -> ()
    %barrier3A = arith.constant 0 : index
    tpu.barrier barrier_id(%barrier3A)
    %scan3A_41 = arith.constant 0 : i32
    %scan3A_42 = arith.constant 0 : i32
    %scan3A_43 = arith.constant 39 : i32
    %scan3A_44 = arith.addi %scan3A_42, %scan3A_43 : i32
    %scan3A_45 = arith.constant 1 : i32
    scf.for %scan3A_88 = %scan3A_42 to %scan3A_44 step %scan3A_45  : i32 {
      %mul3A_89 = arith.constant 2 : i32
      %mul3A_90 = arith.muli %mul3A_89, %scan3A_88 : i32
      %add3A_91 = arith.constant 1 : i32
      %add3A_92 = arith.addi %mul3A_90, %add3A_91 : i32
      %dma_start3A_93 = arith.constant 0 : i32
      %dma_start3A_94 = tpu.memref_slice %arg4[%add3A, %add3A_92, %dma_start3A_93] : memref<32x79x128xi32, #tpu.memory_space<hbm>> -> memref<1x1x128xi32, #tpu.memory_space<hbm>>
      %dma_start3A_95 = tpu.memref_squeeze %dma_start3A_94 : memref<1x1x128xi32, #tpu.memory_space<hbm>> -> memref<1x128xi32, #tpu.memory_space<hbm>>
      %dma_start3A_96 = arith.constant 0 : i32
      %dma_start3A_97 = tpu.memref_slice %arg4[%add3A, %add3A_92, %dma_start3A_96] : memref<32x79x128xi32, #tpu.memory_space<hbm>> -> memref<1x1x128xi32, #tpu.memory_space<hbm>>
      %dma_start3A_98 = tpu.memref_squeeze %dma_start3A_97 : memref<1x1x128xi32, #tpu.memory_space<hbm>> -> memref<1x128xi32, #tpu.memory_space<hbm>>
      tpu.enqueue_dma source(%dma_start3A_98 : memref<1x128xi32, #tpu.memory_space<hbm>>) target(%arg9 : memref<1x128xi32, #tpu.memory_space<vmem>>) target_semaphore(%arg19 : memref<!tpu.dma_semaphore, #tpu.memory_space<semaphore_mem>>)
      %dma_start3A_99 = arith.constant 0 : i32
      %dma_start3A_100 = tpu.memref_slice %arg5[%add3A, %add3A_92, %dma_start3A_99] : memref<32x79x128xf32, #tpu.memory_space<hbm>> -> memref<1x1x128xf32, #tpu.memory_space<hbm>>
      %dma_start3A_101 = tpu.memref_squeeze %dma_start3A_100 : memref<1x1x128xf32, #tpu.memory_space<hbm>> -> memref<1x128xf32, #tpu.memory_space<hbm>>
      %dma_start3A_102 = arith.constant 0 : i32
      %dma_start3A_103 = tpu.memref_slice %arg5[%add3A, %add3A_92, %dma_start3A_102] : memref<32x79x128xf32, #tpu.memory_space<hbm>> -> memref<1x1x128xf32, #tpu.memory_space<hbm>>
      %dma_start3A_104 = tpu.memref_squeeze %dma_start3A_103 : memref<1x1x128xf32, #tpu.memory_space<hbm>> -> memref<1x128xf32, #tpu.memory_space<hbm>>
      tpu.enqueue_dma source(%dma_start3A_104 : memref<1x128xf32, #tpu.memory_space<hbm>>) target(%arg11 : memref<1x128xf32, #tpu.memory_space<vmem>>) target_semaphore(%arg19 : memref<!tpu.dma_semaphore, #tpu.memory_space<semaphore_mem>>)
      %dma_start3A_105 = arith.constant 0 : i32
      %dma_start3A_106 = tpu.memref_slice %arg7[%add3A_92, %dma_start3A_105] : memref<79x128xi32, #tpu.memory_space<vmem>> -> memref<1x128xi32, #tpu.memory_space<vmem>>
      %dma_start3A_107 = tpu.memref_squeeze %dma_start3A_106 : memref<1x128xi32, #tpu.memory_space<vmem>> -> memref<128xi32, #tpu.memory_space<vmem>>
      %dma_start3A_108 = arith.constant 0 : i32
      %dma_start3A_109 = arith.constant 0 : i32
      %dma_start3A_110 = tpu.memref_slice %arg2[%dma_start3A_108, %dma_start3A_109] : memref<10000x128xf32, #tpu.memory_space<hbm>> -> memref<10000x128xf32, #tpu.memory_space<hbm>>
      tpu.enqueue_indirect_dma source(%dma_start3A_110 : memref<10000x128xf32, #tpu.memory_space<hbm>>) target(%arg13 : memref<128x128xf32, #tpu.memory_space<vmem>>) offsets(%dma_start3A_107 : memref<128xi32, #tpu.memory_space<vmem>>) semaphore(%arg16 : memref<!tpu.dma_semaphore, #tpu.memory_space<semaphore_mem>>)
      %dma_wait3A_111 = arith.constant 0 : i32
      %dma_wait3A_112 = tpu.memref_slice %arg7[%mul3A_90, %dma_wait3A_111] : memref<79x128xi32, #tpu.memory_space<vmem>> -> memref<1x128xi32, #tpu.memory_space<vmem>>
      %dma_wait3A_113 = tpu.memref_squeeze %dma_wait3A_112 : memref<1x128xi32, #tpu.memory_space<vmem>> -> memref<128xi32, #tpu.memory_space<vmem>>
      %dma_wait3A_114 = arith.constant 0 : i32
      %dma_wait3A_115 = arith.constant 0 : i32
      %dma_wait3A_116 = tpu.memref_slice %arg2[%dma_wait3A_114, %dma_wait3A_115] : memref<10000x128xf32, #tpu.memory_space<hbm>> -> memref<10000x128xf32, #tpu.memory_space<hbm>>
      tpu.wait_indirect_dma semaphore(%arg15 : memref<!tpu.dma_semaphore, #tpu.memory_space<semaphore_mem>>) src(%dma_wait3A_116 : memref<10000x128xf32, #tpu.memory_space<hbm>>) dst(%arg12 : memref<128x128xf32, #tpu.memory_space<vmem>>)
      %dma_wait3A_117 = arith.constant 0 : i32
      %dma_wait3A_118 = tpu.memref_slice %arg4[%add3A, %mul3A_90, %dma_wait3A_117] : memref<32x79x128xi32, #tpu.memory_space<hbm>> -> memref<1x1x128xi32, #tpu.memory_space<hbm>>
      %dma_wait3A_119 = tpu.memref_squeeze %dma_wait3A_118 : memref<1x1x128xi32, #tpu.memory_space<hbm>> -> memref<1x128xi32, #tpu.memory_space<hbm>>
      %dma_wait3A_120 = arith.constant 0 : i32
      %dma_wait3A_121 = tpu.memref_slice %arg4[%add3A, %mul3A_90, %dma_wait3A_120] : memref<32x79x128xi32, #tpu.memory_space<hbm>> -> memref<1x1x128xi32, #tpu.memory_space<hbm>>
      %dma_wait3A_122 = tpu.memref_squeeze %dma_wait3A_121 : memref<1x1x128xi32, #tpu.memory_space<hbm>> -> memref<1x128xi32, #tpu.memory_space<hbm>>
      tpu.wait_dma2 semaphore(%arg18 : memref<!tpu.dma_semaphore, #tpu.memory_space<semaphore_mem>>) src(%dma_wait3A_122 : memref<1x128xi32, #tpu.memory_space<hbm>>) dst(%arg8 : memref<1x128xi32, #tpu.memory_space<vmem>>)
      %dma_wait3A_123 = arith.constant 0 : i32
      %dma_wait3A_124 = tpu.memref_slice %arg5[%add3A, %mul3A_90, %dma_wait3A_123] : memref<32x79x128xf32, #tpu.memory_space<hbm>> -> memref<1x1x128xf32, #tpu.memory_space<hbm>>
      %dma_wait3A_125 = tpu.memref_squeeze %dma_wait3A_124 : memref<1x1x128xf32, #tpu.memory_space<hbm>> -> memref<1x128xf32, #tpu.memory_space<hbm>>
      %dma_wait3A_126 = arith.constant 0 : i32
      %dma_wait3A_127 = tpu.memref_slice %arg5[%add3A, %mul3A_90, %dma_wait3A_126] : memref<32x79x128xf32, #tpu.memory_space<hbm>> -> memref<1x1x128xf32, #tpu.memory_space<hbm>>
      %dma_wait3A_128 = tpu.memref_squeeze %dma_wait3A_127 : memref<1x1x128xf32, #tpu.memory_space<hbm>> -> memref<1x128xf32, #tpu.memory_space<hbm>>
      tpu.wait_dma2 semaphore(%arg18 : memref<!tpu.dma_semaphore, #tpu.memory_space<semaphore_mem>>) src(%dma_wait3A_128 : memref<1x128xf32, #tpu.memory_space<hbm>>) dst(%arg10 : memref<1x128xf32, #tpu.memory_space<vmem>>)
      %broadcast_in_dim3A_129 = arith.constant 0 : i32
      %broadcast_in_dim3A_130 = vector.broadcast %broadcast_in_dim3A_129 : i32 to vector<16xi32>
      %parallel_loop3A_131 = arith.constant 0 : i32
      %parallel_loop3A_132 = arith.constant 128 : i32
      %parallel_loop3A_133 = arith.constant 1 : i32
      scf.for %parallel_loop3A_207 = %parallel_loop3A_131 to %parallel_loop3A_132 step %parallel_loop3A_133  : i32 {
        %parallel_loop3A_208 = vector.broadcast %parallel_loop3A_207 : i32 to vector<16xi32>
        %parallel_loop3A_209 = tpu.vector_load_idx %arg10[%broadcast_in_dim3A_130, %parallel_loop3A_208] : memref<1x128xf32, #tpu.memory_space<vmem>>[vector<16xi32>, vector<16xi32>], vector<16xf32>,
        %parallel_loop3A_210 = arith.index_cast %parallel_loop3A_207 : i32 to index
        %parallel_loop3A_211 = arith.constant 0 : index
        %parallel_loop3A_212 = tpu.vector_load %arg12[%parallel_loop3A_210, %parallel_loop3A_211] {strides = array<i32>} : memref<128x128xf32, #tpu.memory_space<vmem>>, vector<16xf32>,
        %parallel_loop3A_213 = arith.mulf %parallel_loop3A_212, %parallel_loop3A_209 : vector<16xf32>
        %parallel_loop3A_214 = arith.index_cast %parallel_loop3A_207 : i32 to index
        %parallel_loop3A_215 = arith.constant 0 : index
        %parallel_loop3A_216 = tpu.vector_load %arg12[%parallel_loop3A_214, %parallel_loop3A_215] {strides = array<i32>} : memref<128x128xf32, #tpu.memory_space<vmem>>, vector<16xf32>,
        tpu.vector_store %arg12[%parallel_loop3A_214, %parallel_loop3A_215], %parallel_loop3A_213 {strides = array<i32>} : memref<128x128xf32, #tpu.memory_space<vmem>>, vector<16xf32>,
        %parallel_loop3A_217 = arith.index_cast %parallel_loop3A_207 : i32 to index
        %parallel_loop3A_218 = arith.constant 16 : index
        %parallel_loop3A_219 = tpu.vector_load %arg12[%parallel_loop3A_217, %parallel_loop3A_218] {strides = array<i32>} : memref<128x128xf32, #tpu.memory_space<vmem>>, vector<16xf32>,
        %parallel_loop3A_220 = arith.mulf %parallel_loop3A_219, %parallel_loop3A_209 : vector<16xf32>
        %parallel_loop3A_221 = arith.index_cast %parallel_loop3A_207 : i32 to index
        %parallel_loop3A_222 = arith.constant 16 : index
        %parallel_loop3A_223 = tpu.vector_load %arg12[%parallel_loop3A_221, %parallel_loop3A_222] {strides = array<i32>} : memref<128x128xf32, #tpu.memory_space<vmem>>, vector<16xf32>,
        tpu.vector_store %arg12[%parallel_loop3A_221, %parallel_loop3A_222], %parallel_loop3A_220 {strides = array<i32>} : memref<128x128xf32, #tpu.memory_space<vmem>>, vector<16xf32>,
        %parallel_loop3A_224 = arith.index_cast %parallel_loop3A_207 : i32 to index
        %parallel_loop3A_225 = arith.constant 32 : index
        %parallel_loop3A_226 = tpu.vector_load %arg12[%parallel_loop3A_224, %parallel_loop3A_225] {strides = array<i32>} : memref<128x128xf32, #tpu.memory_space<vmem>>, vector<16xf32>,
        %parallel_loop3A_227 = arith.mulf %parallel_loop3A_226, %parallel_loop3A_209 : vector<16xf32>
        %parallel_loop3A_228 = arith.index_cast %parallel_loop3A_207 : i32 to index
        %parallel_loop3A_229 = arith.constant 32 : index
        %parallel_loop3A_230 = tpu.vector_load %arg12[%parallel_loop3A_228, %parallel_loop3A_229] {strides = array<i32>} : memref<128x128xf32, #tpu.memory_space<vmem>>, vector<16xf32>,
        tpu.vector_store %arg12[%parallel_loop3A_228, %parallel_loop3A_229], %parallel_loop3A_227 {strides = array<i32>} : memref<128x128xf32, #tpu.memory_space<vmem>>, vector<16xf32>,
        %parallel_loop3A_231 = arith.index_cast %parallel_loop3A_207 : i32 to index
        %parallel_loop3A_232 = arith.constant 48 : index
        %parallel_loop3A_233 = tpu.vector_load %arg12[%parallel_loop3A_231, %parallel_loop3A_232] {strides = array<i32>} : memref<128x128xf32, #tpu.memory_space<vmem>>, vector<16xf32>,
        %parallel_loop3A_234 = arith.mulf %parallel_loop3A_233, %parallel_loop3A_209 : vector<16xf32>
        %parallel_loop3A_235 = arith.index_cast %parallel_loop3A_207 : i32 to index
        %parallel_loop3A_236 = arith.constant 48 : index
        %parallel_loop3A_237 = tpu.vector_load %arg12[%parallel_loop3A_235, %parallel_loop3A_236] {strides = array<i32>} : memref<128x128xf32, #tpu.memory_space<vmem>>, vector<16xf32>,
        tpu.vector_store %arg12[%parallel_loop3A_235, %parallel_loop3A_236], %parallel_loop3A_234 {strides = array<i32>} : memref<128x128xf32, #tpu.memory_space<vmem>>, vector<16xf32>,
        %parallel_loop3A_238 = arith.index_cast %parallel_loop3A_207 : i32 to index
        %parallel_loop3A_239 = arith.constant 64 : index
        %parallel_loop3A_240 = tpu.vector_load %arg12[%parallel_loop3A_238, %parallel_loop3A_239] {strides = array<i32>} : memref<128x128xf32, #tpu.memory_space<vmem>>, vector<16xf32>,
        %parallel_loop3A_241 = arith.mulf %parallel_loop3A_240, %parallel_loop3A_209 : vector<16xf32>
        %parallel_loop3A_242 = arith.index_cast %parallel_loop3A_207 : i32 to index
        %parallel_loop3A_243 = arith.constant 64 : index
        %parallel_loop3A_244 = tpu.vector_load %arg12[%parallel_loop3A_242, %parallel_loop3A_243] {strides = array<i32>} : memref<128x128xf32, #tpu.memory_space<vmem>>, vector<16xf32>,
        tpu.vector_store %arg12[%parallel_loop3A_242, %parallel_loop3A_243], %parallel_loop3A_241 {strides = array<i32>} : memref<128x128xf32, #tpu.memory_space<vmem>>, vector<16xf32>,
        %parallel_loop3A_245 = arith.index_cast %parallel_loop3A_207 : i32 to index
        %parallel_loop3A_246 = arith.constant 80 : index
        %parallel_loop3A_247 = tpu.vector_load %arg12[%parallel_loop3A_245, %parallel_loop3A_246] {strides = array<i32>} : memref<128x128xf32, #tpu.memory_space<vmem>>, vector<16xf32>,
        %parallel_loop3A_248 = arith.mulf %parallel_loop3A_247, %parallel_loop3A_209 : vector<16xf32>
        %parallel_loop3A_249 = arith.index_cast %parallel_loop3A_207 : i32 to index
        %parallel_loop3A_250 = arith.constant 80 : index
        %parallel_loop3A_251 = tpu.vector_load %arg12[%parallel_loop3A_249, %parallel_loop3A_250] {strides = array<i32>} : memref<128x128xf32, #tpu.memory_space<vmem>>, vector<16xf32>,
        tpu.vector_store %arg12[%parallel_loop3A_249, %parallel_loop3A_250], %parallel_loop3A_248 {strides = array<i32>} : memref<128x128xf32, #tpu.memory_space<vmem>>, vector<16xf32>,
        %parallel_loop3A_252 = arith.index_cast %parallel_loop3A_207 : i32 to index
        %parallel_loop3A_253 = arith.constant 96 : index
        %parallel_loop3A_254 = tpu.vector_load %arg12[%parallel_loop3A_252, %parallel_loop3A_253] {strides = array<i32>} : memref<128x128xf32, #tpu.memory_space<vmem>>, vector<16xf32>,
        %parallel_loop3A_255 = arith.mulf %parallel_loop3A_254, %parallel_loop3A_209 : vector<16xf32>
        %parallel_loop3A_256 = arith.index_cast %parallel_loop3A_207 : i32 to index
        %parallel_loop3A_257 = arith.constant 96 : index
        %parallel_loop3A_258 = tpu.vector_load %arg12[%parallel_loop3A_256, %parallel_loop3A_257] {strides = array<i32>} : memref<128x128xf32, #tpu.memory_space<vmem>>, vector<16xf32>,
        tpu.vector_store %arg12[%parallel_loop3A_256, %parallel_loop3A_257], %parallel_loop3A_255 {strides = array<i32>} : memref<128x128xf32, #tpu.memory_space<vmem>>, vector<16xf32>,
        %parallel_loop3A_259 = arith.index_cast %parallel_loop3A_207 : i32 to index
        %parallel_loop3A_260 = arith.constant 112 : index
        %parallel_loop3A_261 = tpu.vector_load %arg12[%parallel_loop3A_259, %parallel_loop3A_260] {strides = array<i32>} : memref<128x128xf32, #tpu.memory_space<vmem>>, vector<16xf32>,
        %parallel_loop3A_262 = arith.mulf %parallel_loop3A_261, %parallel_loop3A_209 : vector<16xf32>
        %parallel_loop3A_263 = arith.index_cast %parallel_loop3A_207 : i32 to index
        %parallel_loop3A_264 = arith.constant 112 : index
        %parallel_loop3A_265 = tpu.vector_load %arg12[%parallel_loop3A_263, %parallel_loop3A_264] {strides = array<i32>} : memref<128x128xf32, #tpu.memory_space<vmem>>, vector<16xf32>,
        tpu.vector_store %arg12[%parallel_loop3A_263, %parallel_loop3A_264], %parallel_loop3A_262 {strides = array<i32>} : memref<128x128xf32, #tpu.memory_space<vmem>>, vector<16xf32>,
      } {sc.loop_unroll_factor = 4 : i64, sc.parallel_access}
      %dma_start3A_134 = arith.constant 0 : i32
      %dma_start3A_135 = arith.constant 0 : i32
      %dma_start3A_136 = tpu.memref_slice %arg8[%dma_start3A_134, %dma_start3A_135] : memref<1x128xi32, #tpu.memory_space<vmem>> -> memref<1x128xi32, #tpu.memory_space<vmem>>
      %dma_start3A_137 = tpu.memref_squeeze %dma_start3A_136 : memref<1x128xi32, #tpu.memory_space<vmem>> -> memref<128xi32, #tpu.memory_space<vmem>>
      %dma_start3A_138 = arith.constant 0 : i32
      %dma_start3A_139 = arith.constant 0 : i32
      %dma_start3A_140 = tpu.memref_slice %arg14[%dma_start3A_138, %dma_start3A_139] : memref<10112x128xf32, #tpu.memory_space<vmem_shared>> -> memref<10112x128xf32, #tpu.memory_space<vmem_shared>>
      tpu.enqueue_indirect_dma source(%arg12 : memref<128x128xf32, #tpu.memory_space<vmem>>) target(%dma_start3A_140 : memref<10112x128xf32, #tpu.memory_space<vmem_shared>>) offsets(%dma_start3A_137 : memref<128xi32, #tpu.memory_space<vmem>>) semaphore(%arg17 : memref<!tpu.dma_semaphore, #tpu.memory_space<semaphore_mem>>) {add = true}
      %dma_wait3A_141 = arith.constant 0 : i32
      %dma_wait3A_142 = arith.constant 0 : i32
      %dma_wait3A_143 = tpu.memref_slice %arg8[%dma_wait3A_141, %dma_wait3A_142] : memref<1x128xi32, #tpu.memory_space<vmem>> -> memref<1x128xi32, #tpu.memory_space<vmem>>
      %dma_wait3A_144 = tpu.memref_squeeze %dma_wait3A_143 : memref<1x128xi32, #tpu.memory_space<vmem>> -> memref<128xi32, #tpu.memory_space<vmem>>
      %dma_wait3A_145 = arith.constant 0 : i32
      %dma_wait3A_146 = arith.constant 0 : i32
      %dma_wait3A_147 = tpu.memref_slice %arg14[%dma_wait3A_145, %dma_wait3A_146] : memref<10112x128xf32, #tpu.memory_space<vmem_shared>> -> memref<10112x128xf32, #tpu.memory_space<vmem_shared>>
      tpu.wait_indirect_dma semaphore(%arg17 : memref<!tpu.dma_semaphore, #tpu.memory_space<semaphore_mem>>) src(%arg12 : memref<128x128xf32, #tpu.memory_space<vmem>>) dst(%dma_wait3A_147 : memref<10112x128xf32, #tpu.memory_space<vmem_shared>>)
      %add3A_148 = arith.constant 2 : i32
      %add3A_149 = arith.addi %mul3A_90, %add3A_148 : i32
      %dma_start3A_150 = arith.constant 0 : i32
      %dma_start3A_151 = tpu.memref_slice %arg4[%add3A, %add3A_149, %dma_start3A_150] : memref<32x79x128xi32, #tpu.memory_space<hbm>> -> memref<1x1x128xi32, #tpu.memory_space<hbm>>
      %dma_start3A_152 = tpu.memref_squeeze %dma_start3A_151 : memref<1x1x128xi32, #tpu.memory_space<hbm>> -> memref<1x128xi32, #tpu.memory_space<hbm>>
      %dma_start3A_153 = arith.constant 0 : i32
      %dma_start3A_154 = tpu.memref_slice %arg4[%add3A, %add3A_149, %dma_start3A_153] : memref<32x79x128xi32, #tpu.memory_space<hbm>> -> memref<1x1x128xi32, #tpu.memory_space<hbm>>
      %dma_start3A_155 = tpu.memref_squeeze %dma_start3A_154 : memref<1x1x128xi32, #tpu.memory_space<hbm>> -> memref<1x128xi32, #tpu.memory_space<hbm>>
      tpu.enqueue_dma source(%dma_start3A_155 : memref<1x128xi32, #tpu.memory_space<hbm>>) target(%arg8 : memref<1x128xi32, #tpu.memory_space<vmem>>) target_semaphore(%arg18 : memref<!tpu.dma_semaphore, #tpu.memory_space<semaphore_mem>>)
      %dma_start3A_156 = arith.constant 0 : i32
      %dma_start3A_157 = tpu.memref_slice %arg5[%add3A, %add3A_149, %dma_start3A_156] : memref<32x79x128xf32, #tpu.memory_space<hbm>> -> memref<1x1x128xf32, #tpu.memory_space<hbm>>
      %dma_start3A_158 = tpu.memref_squeeze %dma_start3A_157 : memref<1x1x128xf32, #tpu.memory_space<hbm>> -> memref<1x128xf32, #tpu.memory_space<hbm>>
      %dma_start3A_159 = arith.constant 0 : i32
      %dma_start3A_160 = tpu.memref_slice %arg5[%add3A, %add3A_149, %dma_start3A_159] : memref<32x79x128xf32, #tpu.memory_space<hbm>> -> memref<1x1x128xf32, #tpu.memory_space<hbm>>
      %dma_start3A_161 = tpu.memref_squeeze %dma_start3A_160 : memref<1x1x128xf32, #tpu.memory_space<hbm>> -> memref<1x128xf32, #tpu.memory_space<hbm>>
      tpu.enqueue_dma source(%dma_start3A_161 : memref<1x128xf32, #tpu.memory_space<hbm>>) target(%arg10 : memref<1x128xf32, #tpu.memory_space<vmem>>) target_semaphore(%arg18 : memref<!tpu.dma_semaphore, #tpu.memory_space<semaphore_mem>>)
      %add3A_162 = arith.constant 2 : i32
      %add3A_163 = arith.addi %mul3A_90, %add3A_162 : i32
      %dma_start3A_164 = arith.constant 0 : i32
      %dma_start3A_165 = tpu.memref_slice %arg7[%add3A_163, %dma_start3A_164] : memref<79x128xi32, #tpu.memory_space<vmem>> -> memref<1x128xi32, #tpu.memory_space<vmem>>
      %dma_start3A_166 = tpu.memref_squeeze %dma_start3A_165 : memref<1x128xi32, #tpu.memory_space<vmem>> -> memref<128xi32, #tpu.memory_space<vmem>>
      %dma_start3A_167 = arith.constant 0 : i32
      %dma_start3A_168 = arith.constant 0 : i32
      %dma_start3A_169 = tpu.memref_slice %arg2[%dma_start3A_167, %dma_start3A_168] : memref<10000x128xf32, #tpu.memory_space<hbm>> -> memref<10000x128xf32, #tpu.memory_space<hbm>>
      tpu.enqueue_indirect_dma source(%dma_start3A_169 : memref<10000x128xf32, #tpu.memory_space<hbm>>) target(%arg12 : memref<128x128xf32, #tpu.memory_space<vmem>>) offsets(%dma_start3A_166 : memref<128xi32, #tpu.memory_space<vmem>>) semaphore(%arg15 : memref<!tpu.dma_semaphore, #tpu.memory_space<semaphore_mem>>)
      %dma_wait3A_170 = arith.constant 0 : i32
      %dma_wait3A_171 = tpu.memref_slice %arg7[%add3A_92, %dma_wait3A_170] : memref<79x128xi32, #tpu.memory_space<vmem>> -> memref<1x128xi32, #tpu.memory_space<vmem>>
      %dma_wait3A_172 = tpu.memref_squeeze %dma_wait3A_171 : memref<1x128xi32, #tpu.memory_space<vmem>> -> memref<128xi32, #tpu.memory_space<vmem>>
      %dma_wait3A_173 = arith.constant 0 : i32
      %dma_wait3A_174 = arith.constant 0 : i32
      %dma_wait3A_175 = tpu.memref_slice %arg2[%dma_wait3A_173, %dma_wait3A_174] : memref<10000x128xf32, #tpu.memory_space<hbm>> -> memref<10000x128xf32, #tpu.memory_space<hbm>>
      tpu.wait_indirect_dma semaphore(%arg16 : memref<!tpu.dma_semaphore, #tpu.memory_space<semaphore_mem>>) src(%dma_wait3A_175 : memref<10000x128xf32, #tpu.memory_space<hbm>>) dst(%arg13 : memref<128x128xf32, #tpu.memory_space<vmem>>)
      %dma_wait3A_176 = arith.constant 0 : i32
      %dma_wait3A_177 = tpu.memref_slice %arg4[%add3A, %add3A_92, %dma_wait3A_176] : memref<32x79x128xi32, #tpu.memory_space<hbm>> -> memref<1x1x128xi32, #tpu.memory_space<hbm>>
      %dma_wait3A_178 = tpu.memref_squeeze %dma_wait3A_177 : memref<1x1x128xi32, #tpu.memory_space<hbm>> -> memref<1x128xi32, #tpu.memory_space<hbm>>
      %dma_wait3A_179 = arith.constant 0 : i32
      %dma_wait3A_180 = tpu.memref_slice %arg4[%add3A, %add3A_92, %dma_wait3A_179] : memref<32x79x128xi32, #tpu.memory_space<hbm>> -> memref<1x1x128xi32, #tpu.memory_space<hbm>>
      %dma_wait3A_181 = tpu.memref_squeeze %dma_wait3A_180 : memref<1x1x128xi32, #tpu.memory_space<hbm>> -> memref<1x128xi32, #tpu.memory_space<hbm>>
      tpu.wait_dma2 semaphore(%arg19 : memref<!tpu.dma_semaphore, #tpu.memory_space<semaphore_mem>>) src(%dma_wait3A_181 : memref<1x128xi32, #tpu.memory_space<hbm>>) dst(%arg9 : memref<1x128xi32, #tpu.memory_space<vmem>>)
      %dma_wait3A_182 = arith.constant 0 : i32
      %dma_wait3A_183 = tpu.memref_slice %arg5[%add3A, %add3A_92, %dma_wait3A_182] : memref<32x79x128xf32, #tpu.memory_space<hbm>> -> memref<1x1x128xf32, #tpu.memory_space<hbm>>
      %dma_wait3A_184 = tpu.memref_squeeze %dma_wait3A_183 : memref<1x1x128xf32, #tpu.memory_space<hbm>> -> memref<1x128xf32, #tpu.memory_space<hbm>>
      %dma_wait3A_185 = arith.constant 0 : i32
      %dma_wait3A_186 = tpu.memref_slice %arg5[%add3A, %add3A_92, %dma_wait3A_185] : memref<32x79x128xf32, #tpu.memory_space<hbm>> -> memref<1x1x128xf32, #tpu.memory_space<hbm>>
      %dma_wait3A_187 = tpu.memref_squeeze %dma_wait3A_186 : memref<1x1x128xf32, #tpu.memory_space<hbm>> -> memref<1x128xf32, #tpu.memory_space<hbm>>
      tpu.wait_dma2 semaphore(%arg19 : memref<!tpu.dma_semaphore, #tpu.memory_space<semaphore_mem>>) src(%dma_wait3A_187 : memref<1x128xf32, #tpu.memory_space<hbm>>) dst(%arg11 : memref<1x128xf32, #tpu.memory_space<vmem>>)
      %broadcast_in_dim3A_188 = arith.constant 0 : i32
      %broadcast_in_dim3A_189 = vector.broadcast %broadcast_in_dim3A_188 : i32 to vector<16xi32>
      %parallel_loop3A_190 = arith.constant 0 : i32
      %parallel_loop3A_191 = arith.constant 128 : i32
      %parallel_loop3A_192 = arith.constant 1 : i32
      scf.for %parallel_loop3A_207 = %parallel_loop3A_190 to %parallel_loop3A_191 step %parallel_loop3A_192  : i32 {
        %parallel_loop3A_208 = vector.broadcast %parallel_loop3A_207 : i32 to vector<16xi32>
        %parallel_loop3A_209 = tpu.vector_load_idx %arg11[%broadcast_in_dim3A_189, %parallel_loop3A_208] : memref<1x128xf32, #tpu.memory_space<vmem>>[vector<16xi32>, vector<16xi32>], vector<16xf32>,
        %parallel_loop3A_210 = arith.index_cast %parallel_loop3A_207 : i32 to index
        %parallel_loop3A_211 = arith.constant 0 : index
        %parallel_loop3A_212 = tpu.vector_load %arg13[%parallel_loop3A_210, %parallel_loop3A_211] {strides = array<i32>} : memref<128x128xf32, #tpu.memory_space<vmem>>, vector<16xf32>,
        %parallel_loop3A_213 = arith.mulf %parallel_loop3A_212, %parallel_loop3A_209 : vector<16xf32>
        %parallel_loop3A_214 = arith.index_cast %parallel_loop3A_207 : i32 to index
        %parallel_loop3A_215 = arith.constant 0 : index
        %parallel_loop3A_216 = tpu.vector_load %arg13[%parallel_loop3A_214, %parallel_loop3A_215] {strides = array<i32>} : memref<128x128xf32, #tpu.memory_space<vmem>>, vector<16xf32>,
        tpu.vector_store %arg13[%parallel_loop3A_214, %parallel_loop3A_215], %parallel_loop3A_213 {strides = array<i32>} : memref<128x128xf32, #tpu.memory_space<vmem>>, vector<16xf32>,
        %parallel_loop3A_217 = arith.index_cast %parallel_loop3A_207 : i32 to index
        %parallel_loop3A_218 = arith.constant 16 : index
        %parallel_loop3A_219 = tpu.vector_load %arg13[%parallel_loop3A_217, %parallel_loop3A_218] {strides = array<i32>} : memref<128x128xf32, #tpu.memory_space<vmem>>, vector<16xf32>,
        %parallel_loop3A_220 = arith.mulf %parallel_loop3A_219, %parallel_loop3A_209 : vector<16xf32>
        %parallel_loop3A_221 = arith.index_cast %parallel_loop3A_207 : i32 to index
        %parallel_loop3A_222 = arith.constant 16 : index
        %parallel_loop3A_223 = tpu.vector_load %arg13[%parallel_loop3A_221, %parallel_loop3A_222] {strides = array<i32>} : memref<128x128xf32, #tpu.memory_space<vmem>>, vector<16xf32>,
        tpu.vector_store %arg13[%parallel_loop3A_221, %parallel_loop3A_222], %parallel_loop3A_220 {strides = array<i32>} : memref<128x128xf32, #tpu.memory_space<vmem>>, vector<16xf32>,
        %parallel_loop3A_224 = arith.index_cast %parallel_loop3A_207 : i32 to index
        %parallel_loop3A_225 = arith.constant 32 : index
        %parallel_loop3A_226 = tpu.vector_load %arg13[%parallel_loop3A_224, %parallel_loop3A_225] {strides = array<i32>} : memref<128x128xf32, #tpu.memory_space<vmem>>, vector<16xf32>,
        %parallel_loop3A_227 = arith.mulf %parallel_loop3A_226, %parallel_loop3A_209 : vector<16xf32>
        %parallel_loop3A_228 = arith.index_cast %parallel_loop3A_207 : i32 to index
        %parallel_loop3A_229 = arith.constant 32 : index
        %parallel_loop3A_230 = tpu.vector_load %arg13[%parallel_loop3A_228, %parallel_loop3A_229] {strides = array<i32>} : memref<128x128xf32, #tpu.memory_space<vmem>>, vector<16xf32>,
        tpu.vector_store %arg13[%parallel_loop3A_228, %parallel_loop3A_229], %parallel_loop3A_227 {strides = array<i32>} : memref<128x128xf32, #tpu.memory_space<vmem>>, vector<16xf32>,
        %parallel_loop3A_231 = arith.index_cast %parallel_loop3A_207 : i32 to index
        %parallel_loop3A_232 = arith.constant 48 : index
        %parallel_loop3A_233 = tpu.vector_load %arg13[%parallel_loop3A_231, %parallel_loop3A_232] {strides = array<i32>} : memref<128x128xf32, #tpu.memory_space<vmem>>, vector<16xf32>,
        %parallel_loop3A_234 = arith.mulf %parallel_loop3A_233, %parallel_loop3A_209 : vector<16xf32>
        %parallel_loop3A_235 = arith.index_cast %parallel_loop3A_207 : i32 to index
        %parallel_loop3A_236 = arith.constant 48 : index
        %parallel_loop3A_237 = tpu.vector_load %arg13[%parallel_loop3A_235, %parallel_loop3A_236] {strides = array<i32>} : memref<128x128xf32, #tpu.memory_space<vmem>>, vector<16xf32>,
        tpu.vector_store %arg13[%parallel_loop3A_235, %parallel_loop3A_236], %parallel_loop3A_234 {strides = array<i32>} : memref<128x128xf32, #tpu.memory_space<vmem>>, vector<16xf32>,
        %parallel_loop3A_238 = arith.index_cast %parallel_loop3A_207 : i32 to index
        %parallel_loop3A_239 = arith.constant 64 : index
        %parallel_loop3A_240 = tpu.vector_load %arg13[%parallel_loop3A_238, %parallel_loop3A_239] {strides = array<i32>} : memref<128x128xf32, #tpu.memory_space<vmem>>, vector<16xf32>,
        %parallel_loop3A_241 = arith.mulf %parallel_loop3A_240, %parallel_loop3A_209 : vector<16xf32>
        %parallel_loop3A_242 = arith.index_cast %parallel_loop3A_207 : i32 to index
        %parallel_loop3A_243 = arith.constant 64 : index
        %parallel_loop3A_244 = tpu.vector_load %arg13[%parallel_loop3A_242, %parallel_loop3A_243] {strides = array<i32>} : memref<128x128xf32, #tpu.memory_space<vmem>>, vector<16xf32>,
        tpu.vector_store %arg13[%parallel_loop3A_242, %parallel_loop3A_243], %parallel_loop3A_241 {strides = array<i32>} : memref<128x128xf32, #tpu.memory_space<vmem>>, vector<16xf32>,
        %parallel_loop3A_245 = arith.index_cast %parallel_loop3A_207 : i32 to index
        %parallel_loop3A_246 = arith.constant 80 : index
        %parallel_loop3A_247 = tpu.vector_load %arg13[%parallel_loop3A_245, %parallel_loop3A_246] {strides = array<i32>} : memref<128x128xf32, #tpu.memory_space<vmem>>, vector<16xf32>,
        %parallel_loop3A_248 = arith.mulf %parallel_loop3A_247, %parallel_loop3A_209 : vector<16xf32>
        %parallel_loop3A_249 = arith.index_cast %parallel_loop3A_207 : i32 to index
        %parallel_loop3A_250 = arith.constant 80 : index
        %parallel_loop3A_251 = tpu.vector_load %arg13[%parallel_loop3A_249, %parallel_loop3A_250] {strides = array<i32>} : memref<128x128xf32, #tpu.memory_space<vmem>>, vector<16xf32>,
        tpu.vector_store %arg13[%parallel_loop3A_249, %parallel_loop3A_250], %parallel_loop3A_248 {strides = array<i32>} : memref<128x128xf32, #tpu.memory_space<vmem>>, vector<16xf32>,
        %parallel_loop3A_252 = arith.index_cast %parallel_loop3A_207 : i32 to index
        %parallel_loop3A_253 = arith.constant 96 : index
        %parallel_loop3A_254 = tpu.vector_load %arg13[%parallel_loop3A_252, %parallel_loop3A_253] {strides = array<i32>} : memref<128x128xf32, #tpu.memory_space<vmem>>, vector<16xf32>,
        %parallel_loop3A_255 = arith.mulf %parallel_loop3A_254, %parallel_loop3A_209 : vector<16xf32>
        %parallel_loop3A_256 = arith.index_cast %parallel_loop3A_207 : i32 to index
        %parallel_loop3A_257 = arith.constant 96 : index
        %parallel_loop3A_258 = tpu.vector_load %arg13[%parallel_loop3A_256, %parallel_loop3A_257] {strides = array<i32>} : memref<128x128xf32, #tpu.memory_space<vmem>>, vector<16xf32>,
        tpu.vector_store %arg13[%parallel_loop3A_256, %parallel_loop3A_257], %parallel_loop3A_255 {strides = array<i32>} : memref<128x128xf32, #tpu.memory_space<vmem>>, vector<16xf32>,
        %parallel_loop3A_259 = arith.index_cast %parallel_loop3A_207 : i32 to index
        %parallel_loop3A_260 = arith.constant 112 : index
        %parallel_loop3A_261 = tpu.vector_load %arg13[%parallel_loop3A_259, %parallel_loop3A_260] {strides = array<i32>} : memref<128x128xf32, #tpu.memory_space<vmem>>, vector<16xf32>,
        %parallel_loop3A_262 = arith.mulf %parallel_loop3A_261, %parallel_loop3A_209 : vector<16xf32>
        %parallel_loop3A_263 = arith.index_cast %parallel_loop3A_207 : i32 to index
        %parallel_loop3A_264 = arith.constant 112 : index
        %parallel_loop3A_265 = tpu.vector_load %arg13[%parallel_loop3A_263, %parallel_loop3A_264] {strides = array<i32>} : memref<128x128xf32, #tpu.memory_space<vmem>>, vector<16xf32>,
        tpu.vector_store %arg13[%parallel_loop3A_263, %parallel_loop3A_264], %parallel_loop3A_262 {strides = array<i32>} : memref<128x128xf32, #tpu.memory_space<vmem>>, vector<16xf32>,
      } {sc.loop_unroll_factor = 4 : i64, sc.parallel_access}
      %dma_start3A_193 = arith.constant 0 : i32
      %dma_start3A_194 = arith.constant 0 : i32
      %dma_start3A_195 = tpu.memref_slice %arg9[%dma_start3A_193, %dma_start3A_194] : memref<1x128xi32, #tpu.memory_space<vmem>> -> memref<1x128xi32, #tpu.memory_space<vmem>>
      %dma_start3A_196 = tpu.memref_squeeze %dma_start3A_195 : memref<1x128xi32, #tpu.memory_space<vmem>> -> memref<128xi32, #tpu.memory_space<vmem>>
      %dma_start3A_197 = arith.constant 0 : i32
      %dma_start3A_198 = arith.constant 0 : i32
      %dma_start3A_199 = tpu.memref_slice %arg14[%dma_start3A_197, %dma_start3A_198] : memref<10112x128xf32, #tpu.memory_space<vmem_shared>> -> memref<10112x128xf32, #tpu.memory_space<vmem_shared>>
      tpu.enqueue_indirect_dma source(%arg13 : memref<128x128xf32, #tpu.memory_space<vmem>>) target(%dma_start3A_199 : memref<10112x128xf32, #tpu.memory_space<vmem_shared>>) offsets(%dma_start3A_196 : memref<128xi32, #tpu.memory_space<vmem>>) semaphore(%arg17 : memref<!tpu.dma_semaphore, #tpu.memory_space<semaphore_mem>>) {add = true}
      %dma_wait3A_200 = arith.constant 0 : i32
      %dma_wait3A_201 = arith.constant 0 : i32
      %dma_wait3A_202 = tpu.memref_slice %arg9[%dma_wait3A_200, %dma_wait3A_201] : memref<1x128xi32, #tpu.memory_space<vmem>> -> memref<1x128xi32, #tpu.memory_space<vmem>>
      %dma_wait3A_203 = tpu.memref_squeeze %dma_wait3A_202 : memref<1x128xi32, #tpu.memory_space<vmem>> -> memref<128xi32, #tpu.memory_space<vmem>>
      %dma_wait3A_204 = arith.constant 0 : i32
      %dma_wait3A_205 = arith.constant 0 : i32
      %dma_wait3A_206 = tpu.memref_slice %arg14[%dma_wait3A_204, %dma_wait3A_205] : memref<10112x128xf32, #tpu.memory_space<vmem_shared>> -> memref<10112x128xf32, #tpu.memory_space<vmem_shared>>
      tpu.wait_indirect_dma semaphore(%arg17 : memref<!tpu.dma_semaphore, #tpu.memory_space<semaphore_mem>>) src(%arg13 : memref<128x128xf32, #tpu.memory_space<vmem>>) dst(%dma_wait3A_206 : memref<10112x128xf32, #tpu.memory_space<vmem_shared>>)
    }
    %scan3A_46 = arith.constant 39 : i32
    %dma_wait3A = arith.constant 78 : i32
    %dma_wait3A_47 = arith.constant 0 : i32
    %dma_wait3A_48 = tpu.memref_slice %arg7[%dma_wait3A, %dma_wait3A_47] : memref<79x128xi32, #tpu.memory_space<vmem>> -> memref<1x128xi32, #tpu.memory_space<vmem>>
    %dma_wait3A_49 = tpu.memref_squeeze %dma_wait3A_48 : memref<1x128xi32, #tpu.memory_space<vmem>> -> memref<128xi32, #tpu.memory_space<vmem>>
    %dma_wait3A_50 = arith.constant 0 : i32
    %dma_wait3A_51 = arith.constant 0 : i32
    %dma_wait3A_52 = tpu.memref_slice %arg2[%dma_wait3A_50, %dma_wait3A_51] : memref<10000x128xf32, #tpu.memory_space<hbm>> -> memref<10000x128xf32, #tpu.memory_space<hbm>>
    tpu.wait_indirect_dma semaphore(%arg15 : memref<!tpu.dma_semaphore, #tpu.memory_space<semaphore_mem>>) src(%dma_wait3A_52 : memref<10000x128xf32, #tpu.memory_space<hbm>>) dst(%arg12 : memref<128x128xf32, #tpu.memory_space<vmem>>)
    %dma_wait3A_53 = arith.constant 78 : i32
    %dma_wait3A_54 = arith.constant 0 : i32
    %dma_wait3A_55 = tpu.memref_slice %arg4[%add3A, %dma_wait3A_53, %dma_wait3A_54] : memref<32x79x128xi32, #tpu.memory_space<hbm>> -> memref<1x1x128xi32, #tpu.memory_space<hbm>>
    %dma_wait3A_56 = tpu.memref_squeeze %dma_wait3A_55 : memref<1x1x128xi32, #tpu.memory_space<hbm>> -> memref<1x128xi32, #tpu.memory_space<hbm>>
    %dma_wait3A_57 = arith.constant 78 : i32
    %dma_wait3A_58 = arith.constant 0 : i32
    %dma_wait3A_59 = tpu.memref_slice %arg4[%add3A, %dma_wait3A_57, %dma_wait3A_58] : memref<32x79x128xi32, #tpu.memory_space<hbm>> -> memref<1x1x128xi32, #tpu.memory_space<hbm>>
    %dma_wait3A_60 = tpu.memref_squeeze %dma_wait3A_59 : memref<1x1x128xi32, #tpu.memory_space<hbm>> -> memref<1x128xi32, #tpu.memory_space<hbm>>
    tpu.wait_dma2 semaphore(%arg18 : memref<!tpu.dma_semaphore, #tpu.memory_space<semaphore_mem>>) src(%dma_wait3A_60 : memref<1x128xi32, #tpu.memory_space<hbm>>) dst(%arg8 : memref<1x128xi32, #tpu.memory_space<vmem>>)
    %dma_wait3A_61 = arith.constant 78 : i32
    %dma_wait3A_62 = arith.constant 0 : i32
    %dma_wait3A_63 = tpu.memref_slice %arg5[%add3A, %dma_wait3A_61, %dma_wait3A_62] : memref<32x79x128xf32, #tpu.memory_space<hbm>> -> memref<1x1x128xf32, #tpu.memory_space<hbm>>
    %dma_wait3A_64 = tpu.memref_squeeze %dma_wait3A_63 : memref<1x1x128xf32, #tpu.memory_space<hbm>> -> memref<1x128xf32, #tpu.memory_space<hbm>>
    %dma_wait3A_65 = arith.constant 78 : i32
    %dma_wait3A_66 = arith.constant 0 : i32
    %dma_wait3A_67 = tpu.memref_slice %arg5[%add3A, %dma_wait3A_65, %dma_wait3A_66] : memref<32x79x128xf32, #tpu.memory_space<hbm>> -> memref<1x1x128xf32, #tpu.memory_space<hbm>>
    %dma_wait3A_68 = tpu.memref_squeeze %dma_wait3A_67 : memref<1x1x128xf32, #tpu.memory_space<hbm>> -> memref<1x128xf32, #tpu.memory_space<hbm>>
    tpu.wait_dma2 semaphore(%arg18 : memref<!tpu.dma_semaphore, #tpu.memory_space<semaphore_mem>>) src(%dma_wait3A_68 : memref<1x128xf32, #tpu.memory_space<hbm>>) dst(%arg10 : memref<1x128xf32, #tpu.memory_space<vmem>>)
    %broadcast_in_dim3A_69 = arith.constant 0 : i32
    %broadcast_in_dim3A_70 = vector.broadcast %broadcast_in_dim3A_69 : i32 to vector<16xi32>
    %parallel_loop3A = arith.constant 0 : i32
    %parallel_loop3A_71 = arith.constant 128 : i32
    %parallel_loop3A_72 = arith.constant 1 : i32
    scf.for %parallel_loop3A_88 = %parallel_loop3A to %parallel_loop3A_71 step %parallel_loop3A_72  : i32 {
      %parallel_loop3A_89 = vector.broadcast %parallel_loop3A_88 : i32 to vector<16xi32>
      %parallel_loop3A_90 = tpu.vector_load_idx %arg10[%broadcast_in_dim3A_70, %parallel_loop3A_89] : memref<1x128xf32, #tpu.memory_space<vmem>>[vector<16xi32>, vector<16xi32>], vector<16xf32>,
      %parallel_loop3A_91 = arith.index_cast %parallel_loop3A_88 : i32 to index
      %parallel_loop3A_92 = arith.constant 0 : index
      %parallel_loop3A_93 = tpu.vector_load %arg12[%parallel_loop3A_91, %parallel_loop3A_92] {strides = array<i32>} : memref<128x128xf32, #tpu.memory_space<vmem>>, vector<16xf32>,
      %parallel_loop3A_94 = arith.mulf %parallel_loop3A_93, %parallel_loop3A_90 : vector<16xf32>
      %parallel_loop3A_95 = arith.index_cast %parallel_loop3A_88 : i32 to index
      %parallel_loop3A_96 = arith.constant 0 : index
      %parallel_loop3A_97 = tpu.vector_load %arg12[%parallel_loop3A_95, %parallel_loop3A_96] {strides = array<i32>} : memref<128x128xf32, #tpu.memory_space<vmem>>, vector<16xf32>,
      tpu.vector_store %arg12[%parallel_loop3A_95, %parallel_loop3A_96], %parallel_loop3A_94 {strides = array<i32>} : memref<128x128xf32, #tpu.memory_space<vmem>>, vector<16xf32>,
      %parallel_loop3A_98 = arith.index_cast %parallel_loop3A_88 : i32 to index
      %parallel_loop3A_99 = arith.constant 16 : index
      %parallel_loop3A_100 = tpu.vector_load %arg12[%parallel_loop3A_98, %parallel_loop3A_99] {strides = array<i32>} : memref<128x128xf32, #tpu.memory_space<vmem>>, vector<16xf32>,
      %parallel_loop3A_101 = arith.mulf %parallel_loop3A_100, %parallel_loop3A_90 : vector<16xf32>
      %parallel_loop3A_102 = arith.index_cast %parallel_loop3A_88 : i32 to index
      %parallel_loop3A_103 = arith.constant 16 : index
      %parallel_loop3A_104 = tpu.vector_load %arg12[%parallel_loop3A_102, %parallel_loop3A_103] {strides = array<i32>} : memref<128x128xf32, #tpu.memory_space<vmem>>, vector<16xf32>,
      tpu.vector_store %arg12[%parallel_loop3A_102, %parallel_loop3A_103], %parallel_loop3A_101 {strides = array<i32>} : memref<128x128xf32, #tpu.memory_space<vmem>>, vector<16xf32>,
      %parallel_loop3A_105 = arith.index_cast %parallel_loop3A_88 : i32 to index
      %parallel_loop3A_106 = arith.constant 32 : index
      %parallel_loop3A_107 = tpu.vector_load %arg12[%parallel_loop3A_105, %parallel_loop3A_106] {strides = array<i32>} : memref<128x128xf32, #tpu.memory_space<vmem>>, vector<16xf32>,
      %parallel_loop3A_108 = arith.mulf %parallel_loop3A_107, %parallel_loop3A_90 : vector<16xf32>
      %parallel_loop3A_109 = arith.index_cast %parallel_loop3A_88 : i32 to index
      %parallel_loop3A_110 = arith.constant 32 : index
      %parallel_loop3A_111 = tpu.vector_load %arg12[%parallel_loop3A_109, %parallel_loop3A_110] {strides = array<i32>} : memref<128x128xf32, #tpu.memory_space<vmem>>, vector<16xf32>,
      tpu.vector_store %arg12[%parallel_loop3A_109, %parallel_loop3A_110], %parallel_loop3A_108 {strides = array<i32>} : memref<128x128xf32, #tpu.memory_space<vmem>>, vector<16xf32>,
      %parallel_loop3A_112 = arith.index_cast %parallel_loop3A_88 : i32 to index
      %parallel_loop3A_113 = arith.constant 48 : index
      %parallel_loop3A_114 = tpu.vector_load %arg12[%parallel_loop3A_112, %parallel_loop3A_113] {strides = array<i32>} : memref<128x128xf32, #tpu.memory_space<vmem>>, vector<16xf32>,
      %parallel_loop3A_115 = arith.mulf %parallel_loop3A_114, %parallel_loop3A_90 : vector<16xf32>
      %parallel_loop3A_116 = arith.index_cast %parallel_loop3A_88 : i32 to index
      %parallel_loop3A_117 = arith.constant 48 : index
      %parallel_loop3A_118 = tpu.vector_load %arg12[%parallel_loop3A_116, %parallel_loop3A_117] {strides = array<i32>} : memref<128x128xf32, #tpu.memory_space<vmem>>, vector<16xf32>,
      tpu.vector_store %arg12[%parallel_loop3A_116, %parallel_loop3A_117], %parallel_loop3A_115 {strides = array<i32>} : memref<128x128xf32, #tpu.memory_space<vmem>>, vector<16xf32>,
      %parallel_loop3A_119 = arith.index_cast %parallel_loop3A_88 : i32 to index
      %parallel_loop3A_120 = arith.constant 64 : index
      %parallel_loop3A_121 = tpu.vector_load %arg12[%parallel_loop3A_119, %parallel_loop3A_120] {strides = array<i32>} : memref<128x128xf32, #tpu.memory_space<vmem>>, vector<16xf32>,
      %parallel_loop3A_122 = arith.mulf %parallel_loop3A_121, %parallel_loop3A_90 : vector<16xf32>
      %parallel_loop3A_123 = arith.index_cast %parallel_loop3A_88 : i32 to index
      %parallel_loop3A_124 = arith.constant 64 : index
      %parallel_loop3A_125 = tpu.vector_load %arg12[%parallel_loop3A_123, %parallel_loop3A_124] {strides = array<i32>} : memref<128x128xf32, #tpu.memory_space<vmem>>, vector<16xf32>,
      tpu.vector_store %arg12[%parallel_loop3A_123, %parallel_loop3A_124], %parallel_loop3A_122 {strides = array<i32>} : memref<128x128xf32, #tpu.memory_space<vmem>>, vector<16xf32>,
      %parallel_loop3A_126 = arith.index_cast %parallel_loop3A_88 : i32 to index
      %parallel_loop3A_127 = arith.constant 80 : index
      %parallel_loop3A_128 = tpu.vector_load %arg12[%parallel_loop3A_126, %parallel_loop3A_127] {strides = array<i32>} : memref<128x128xf32, #tpu.memory_space<vmem>>, vector<16xf32>,
      %parallel_loop3A_129 = arith.mulf %parallel_loop3A_128, %parallel_loop3A_90 : vector<16xf32>
      %parallel_loop3A_130 = arith.index_cast %parallel_loop3A_88 : i32 to index
      %parallel_loop3A_131 = arith.constant 80 : index
      %parallel_loop3A_132 = tpu.vector_load %arg12[%parallel_loop3A_130, %parallel_loop3A_131] {strides = array<i32>} : memref<128x128xf32, #tpu.memory_space<vmem>>, vector<16xf32>,
      tpu.vector_store %arg12[%parallel_loop3A_130, %parallel_loop3A_131], %parallel_loop3A_129 {strides = array<i32>} : memref<128x128xf32, #tpu.memory_space<vmem>>, vector<16xf32>,
      %parallel_loop3A_133 = arith.index_cast %parallel_loop3A_88 : i32 to index
      %parallel_loop3A_134 = arith.constant 96 : index
      %parallel_loop3A_135 = tpu.vector_load %arg12[%parallel_loop3A_133, %parallel_loop3A_134] {strides = array<i32>} : memref<128x128xf32, #tpu.memory_space<vmem>>, vector<16xf32>,
      %parallel_loop3A_136 = arith.mulf %parallel_loop3A_135, %parallel_loop3A_90 : vector<16xf32>
      %parallel_loop3A_137 = arith.index_cast %parallel_loop3A_88 : i32 to index
      %parallel_loop3A_138 = arith.constant 96 : index
      %parallel_loop3A_139 = tpu.vector_load %arg12[%parallel_loop3A_137, %parallel_loop3A_138] {strides = array<i32>} : memref<128x128xf32, #tpu.memory_space<vmem>>, vector<16xf32>,
      tpu.vector_store %arg12[%parallel_loop3A_137, %parallel_loop3A_138], %parallel_loop3A_136 {strides = array<i32>} : memref<128x128xf32, #tpu.memory_space<vmem>>, vector<16xf32>,
      %parallel_loop3A_140 = arith.index_cast %parallel_loop3A_88 : i32 to index
      %parallel_loop3A_141 = arith.constant 112 : index
      %parallel_loop3A_142 = tpu.vector_load %arg12[%parallel_loop3A_140, %parallel_loop3A_141] {strides = array<i32>} : memref<128x128xf32, #tpu.memory_space<vmem>>, vector<16xf32>,
      %parallel_loop3A_143 = arith.mulf %parallel_loop3A_142, %parallel_loop3A_90 : vector<16xf32>
      %parallel_loop3A_144 = arith.index_cast %parallel_loop3A_88 : i32 to index
      %parallel_loop3A_145 = arith.constant 112 : index
      %parallel_loop3A_146 = tpu.vector_load %arg12[%parallel_loop3A_144, %parallel_loop3A_145] {strides = array<i32>} : memref<128x128xf32, #tpu.memory_space<vmem>>, vector<16xf32>,
      tpu.vector_store %arg12[%parallel_loop3A_144, %parallel_loop3A_145], %parallel_loop3A_143 {strides = array<i32>} : memref<128x128xf32, #tpu.memory_space<vmem>>, vector<16xf32>,
    } {sc.loop_unroll_factor = 4 : i64, sc.parallel_access}
    %dma_start3A_73 = arith.constant 0 : i32
    %dma_start3A_74 = arith.constant 0 : i32
    %dma_start3A_75 = tpu.memref_slice %arg8[%dma_start3A_73, %dma_start3A_74] : memref<1x128xi32, #tpu.memory_space<vmem>> -> memref<1x128xi32, #tpu.memory_space<vmem>>
    %dma_start3A_76 = tpu.memref_squeeze %dma_start3A_75 : memref<1x128xi32, #tpu.memory_space<vmem>> -> memref<128xi32, #tpu.memory_space<vmem>>
    %dma_start3A_77 = arith.constant 0 : i32
    %dma_start3A_78 = arith.constant 0 : i32
    %dma_start3A_79 = tpu.memref_slice %arg14[%dma_start3A_77, %dma_start3A_78] : memref<10112x128xf32, #tpu.memory_space<vmem_shared>> -> memref<10112x128xf32, #tpu.memory_space<vmem_shared>>
    tpu.enqueue_indirect_dma source(%arg12 : memref<128x128xf32, #tpu.memory_space<vmem>>) target(%dma_start3A_79 : memref<10112x128xf32, #tpu.memory_space<vmem_shared>>) offsets(%dma_start3A_76 : memref<128xi32, #tpu.memory_space<vmem>>) semaphore(%arg17 : memref<!tpu.dma_semaphore, #tpu.memory_space<semaphore_mem>>) {add = true}
    %dma_wait3A_80 = arith.constant 0 : i32
    %dma_wait3A_81 = arith.constant 0 : i32
    %dma_wait3A_82 = tpu.memref_slice %arg8[%dma_wait3A_80, %dma_wait3A_81] : memref<1x128xi32, #tpu.memory_space<vmem>> -> memref<1x128xi32, #tpu.memory_space<vmem>>
    %dma_wait3A_83 = tpu.memref_squeeze %dma_wait3A_82 : memref<1x128xi32, #tpu.memory_space<vmem>> -> memref<128xi32, #tpu.memory_space<vmem>>
    %dma_wait3A_84 = arith.constant 0 : i32
    %dma_wait3A_85 = arith.constant 0 : i32
    %dma_wait3A_86 = tpu.memref_slice %arg14[%dma_wait3A_84, %dma_wait3A_85] : memref<10112x128xf32, #tpu.memory_space<vmem_shared>> -> memref<10112x128xf32, #tpu.memory_space<vmem_shared>>
    tpu.wait_indirect_dma semaphore(%arg17 : memref<!tpu.dma_semaphore, #tpu.memory_space<semaphore_mem>>) src(%arg12 : memref<128x128xf32, #tpu.memory_space<vmem>>) dst(%dma_wait3A_86 : memref<10112x128xf32, #tpu.memory_space<vmem_shared>>)
    %barrier3A_87 = arith.constant 0 : index
    tpu.barrier barrier_id(%barrier3A_87)
    "tpu.region"() ({
      %run_scoped3A = tpu.sem_alloc : memref<!tpu.dma_semaphore, #tpu.memory_space<semaphore_mem>>
      %dma_start3A_88 = arith.constant 0 : i32
      %dma_start3A_89 = tpu.memref_slice %arg6[%arg0, %mul3A_30, %dma_start3A_88] : memref<2x10112x128xf32, #tpu.memory_space<hbm>> -> memref<1x632x128xf32, #tpu.memory_space<hbm>>
      %dma_start3A_90 = tpu.memref_squeeze %dma_start3A_89 : memref<1x632x128xf32, #tpu.memory_space<hbm>> -> memref<632x128xf32, #tpu.memory_space<hbm>>
      %dma_start3A_91 = arith.constant 0 : i32
      %dma_start3A_92 = tpu.memref_slice %arg14[%mul3A_30, %dma_start3A_91] : memref<10112x128xf32, #tpu.memory_space<vmem_shared>> -> memref<632x128xf32, #tpu.memory_space<vmem_shared>>
      tpu.enqueue_dma source(%dma_start3A_92 : memref<632x128xf32, #tpu.memory_space<vmem_shared>>) target(%dma_start3A_90 : memref<632x128xf32, #tpu.memory_space<hbm>>) target_semaphore(%run_scoped3A : memref<!tpu.dma_semaphore, #tpu.memory_space<semaphore_mem>>)
      %dma_wait3A_93 = arith.constant 0 : i32
      %dma_wait3A_94 = tpu.memref_slice %arg6[%arg0, %mul3A_30, %dma_wait3A_93] : memref<2x10112x128xf32, #tpu.memory_space<hbm>> -> memref<1x632x128xf32, #tpu.memory_space<hbm>>
      %dma_wait3A_95 = tpu.memref_squeeze %dma_wait3A_94 : memref<1x632x128xf32, #tpu.memory_space<hbm>> -> memref<632x128xf32, #tpu.memory_space<hbm>>
      %dma_wait3A_96 = arith.constant 0 : i32
      %dma_wait3A_97 = tpu.memref_slice %arg14[%mul3A_30, %dma_wait3A_96] : memref<10112x128xf32, #tpu.memory_space<vmem_shared>> -> memref<632x128xf32, #tpu.memory_space<vmem_shared>>
      tpu.wait_dma2 semaphore(%run_scoped3A : memref<!tpu.dma_semaphore, #tpu.memory_space<semaphore_mem>>) src(%dma_wait3A_97 : memref<632x128xf32, #tpu.memory_space<vmem_shared>>) dst(%dma_wait3A_95 : memref<632x128xf32, #tpu.memory_space<hbm>>)
      tpu.yield
    }) : () -> ()
    return
  }
}

module attributes {stable_mosaic.version = 14 : i64} {
  func.func @_tc_pre_body(%arg0: memref<10000x128xf32, #tpu.memory_space<vmem>>, %arg1: memref<128x128xf32, #tpu.memory_space<vmem>>, %arg2: memref<10000x32xf32, #tpu.memory_space<vmem>>, %arg3: memref<10000x128xf32, #tpu.memory_space<vmem>>, %arg4: memref<10000x1xf32, #tpu.memory_space<vmem>>) attributes {dimension_semantics = [], scalar_prefetch = 0 : i64, scratch_operands = 0 : i64, tpu.core_type = #tpu.core_type<tc>} {
    %get3A = arith.constant 0 : index
    %get3A_0 = arith.constant 0 : index
    %get3A_1 = vector.load %arg2[%get3A, %get3A_0] : memref<10000x32xf32, #tpu.memory_space<vmem>>, vector<10000x32xf32>
    %reduce_sum3A = arith.constant dense<0.000000e+00> : vector<10000xf32>
    %reduce_sum3A_2 = vector.multi_reduction <add>, %get3A_1, %reduce_sum3A [1] : vector<10000x32xf32> to vector<10000xf32>
    %broadcast_in_dim3A = vector.shape_cast %reduce_sum3A_2 : vector<10000xf32> to vector<10000x1xf32>
    %add3A = arith.constant 1.000000e+00 : f32
    %add3A_3 = vector.broadcast %add3A : f32 to vector<10000x1xf32>
    %add3A_4 = arith.addf %broadcast_in_dim3A, %add3A_3 : vector<10000x1xf32>
    %rsqrt3A = math.rsqrt %add3A_4 : vector<10000x1xf32>
    %get3A_5 = arith.constant 0 : index
    %get3A_6 = arith.constant 0 : index
    %get3A_7 = vector.load %arg0[%get3A_5, %get3A_6] : memref<10000x128xf32, #tpu.memory_space<vmem>>, vector<10000x128xf32>
    %get3A_8 = arith.constant 0 : index
    %get3A_9 = arith.constant 0 : index
    %get3A_10 = vector.load %arg1[%get3A_8, %get3A_9] : memref<128x128xf32, #tpu.memory_space<vmem>>, vector<128x128xf32>
    %dot_general3A = arith.constant dense<0.000000e+00> : vector<10000x128xf32>
    %dot_general3A_11 = tpu.matmul %get3A_7, %get3A_10, %dot_general3A {dimension_numbers = #tpu.dot_dimension_numbers<[1], [0], [0], [1], [0, 0, 1, 1], [], []>, transpose_lhs_hint = false} : vector<10000x128xf32>, vector<128x128xf32>, vector<10000x128xf32> -> vector<10000x128xf32>
    %mul3A = vector.broadcast %rsqrt3A : vector<10000x1xf32> to vector<10000x128xf32>
    %mul3A_12 = arith.mulf %dot_general3A_11, %mul3A : vector<10000x128xf32>
    %swap3A = arith.constant 0 : index
    %swap3A_13 = arith.constant 0 : index
    %swap3A_14 = vector.load %arg3[%swap3A, %swap3A_13] : memref<10000x128xf32, #tpu.memory_space<vmem>>, vector<10000x128xf32>
    tpu.vector_store %arg3[%swap3A, %swap3A_13], %mul3A_12 {strides = array<i32>} : memref<10000x128xf32, #tpu.memory_space<vmem>>, vector<10000x128xf32>,
    %swap3A_15 = arith.constant 0 : index
    %swap3A_16 = arith.constant 0 : index
    %swap3A_17 = vector.load %arg4[%swap3A_15, %swap3A_16] : memref<10000x1xf32, #tpu.memory_space<vmem>>, vector<10000x1xf32>
    tpu.vector_store %arg4[%swap3A_15, %swap3A_16], %rsqrt3A {strides = array<i32>} : memref<10000x1xf32, #tpu.memory_space<vmem>>, vector<10000x1xf32>,
    return
  }
}

module attributes {stable_mosaic.version = 14 : i64} {
  func.func @_tc_mid_body(%arg0: memref<2x10112x128xf32, #tpu.memory_space<vmem>>, %arg1: memref<10000x128xf32, #tpu.memory_space<vmem>>, %arg2: memref<10000x1xf32, #tpu.memory_space<vmem>>, %arg3: memref<1x128xf32, #tpu.memory_space<vmem>>, %arg4: memref<1x128xf32, #tpu.memory_space<vmem>>, %arg5: memref<1x128xf32, #tpu.memory_space<vmem>>, %arg6: memref<128x128xf32, #tpu.memory_space<vmem>>, %arg7: memref<10000x128xf32, #tpu.memory_space<vmem>>) attributes {dimension_semantics = [], scalar_prefetch = 0 : i64, scratch_operands = 0 : i64, tpu.core_type = #tpu.core_type<tc>} {
    %get3A = arith.constant 0 : index
    %get3A_0 = arith.constant 0 : index
    %get3A_1 = arith.constant 0 : index
    %get3A_2 = vector.load %arg0[%get3A, %get3A_0, %get3A_1] : memref<2x10112x128xf32, #tpu.memory_space<vmem>>, vector<1x10000x128xf32>
    %get3A_3 = vector.shape_cast %get3A_2 : vector<1x10000x128xf32> to vector<10000x128xf32>
    %get3A_4 = arith.constant 1 : index
    %get3A_5 = arith.constant 0 : index
    %get3A_6 = arith.constant 0 : index
    %get3A_7 = vector.load %arg0[%get3A_4, %get3A_5, %get3A_6] : memref<2x10112x128xf32, #tpu.memory_space<vmem>>, vector<1x10000x128xf32>
    %get3A_8 = vector.shape_cast %get3A_7 : vector<1x10000x128xf32> to vector<10000x128xf32>
    %add3A = arith.addf %get3A_3, %get3A_8 : vector<10000x128xf32>
    %get3A_9 = arith.constant 0 : index
    %get3A_10 = arith.constant 0 : index
    %get3A_11 = vector.load %arg2[%get3A_9, %get3A_10] : memref<10000x1xf32, #tpu.memory_space<vmem>>, vector<10000x1xf32>
    %get3A_12 = arith.constant 0 : index
    %get3A_13 = arith.constant 0 : index
    %get3A_14 = vector.load %arg1[%get3A_12, %get3A_13] : memref<10000x128xf32, #tpu.memory_space<vmem>>, vector<10000x128xf32>
    %add3A_15 = arith.addf %add3A, %get3A_14 : vector<10000x128xf32>
    %mul3A = vector.broadcast %get3A_11 : vector<10000x1xf32> to vector<10000x128xf32>
    %mul3A_16 = arith.mulf %add3A_15, %mul3A : vector<10000x128xf32>
    %get3A_17 = arith.constant 0 : index
    %get3A_18 = arith.constant 0 : index
    %get3A_19 = vector.load %arg3[%get3A_17, %get3A_18] : memref<1x128xf32, #tpu.memory_space<vmem>>, vector<1x128xf32>
    %add3A_20 = vector.broadcast %get3A_19 : vector<1x128xf32> to vector<10000x128xf32>
    %add3A_21 = arith.addf %mul3A_16, %add3A_20 : vector<10000x128xf32>
    %reduce_sum3A = arith.constant dense<0.000000e+00> : vector<128xf32>
    %reduce_sum3A_22 = vector.multi_reduction <add>, %add3A_21, %reduce_sum3A [0] : vector<10000x128xf32> to vector<128xf32>
    %broadcast_in_dim3A = vector.shape_cast %reduce_sum3A_22 : vector<128xf32> to vector<1x128xf32>
    %div3A = arith.constant 1.000000e+04 : f32
    %div3A_23 = vector.broadcast %div3A : f32 to vector<1x128xf32>
    %div3A_24 = arith.divf %broadcast_in_dim3A, %div3A_23 : vector<1x128xf32>
    %sub3A = vector.broadcast %div3A_24 : vector<1x128xf32> to vector<10000x128xf32>
    %sub3A_25 = arith.subf %add3A_21, %sub3A : vector<10000x128xf32>
    %integer_pow3A = arith.mulf %sub3A_25, %sub3A_25 : vector<10000x128xf32>
    %reduce_sum3A_26 = arith.constant dense<0.000000e+00> : vector<128xf32>
    %reduce_sum3A_27 = vector.multi_reduction <add>, %integer_pow3A, %reduce_sum3A_26 [0] : vector<10000x128xf32> to vector<128xf32>
    %broadcast_in_dim3A_28 = vector.shape_cast %reduce_sum3A_27 : vector<128xf32> to vector<1x128xf32>
    %div3A_29 = arith.constant 1.000000e+04 : f32
    %div3A_30 = vector.broadcast %div3A_29 : f32 to vector<1x128xf32>
    %div3A_31 = arith.divf %broadcast_in_dim3A_28, %div3A_30 : vector<1x128xf32>
    %sub3A_32 = vector.broadcast %div3A_24 : vector<1x128xf32> to vector<10000x128xf32>
    %sub3A_33 = arith.subf %add3A_21, %sub3A_32 : vector<10000x128xf32>
    %add3A_34 = arith.constant 9.99999974E-6 : f32
    %add3A_35 = vector.broadcast %add3A_34 : f32 to vector<1x128xf32>
    %add3A_36 = arith.addf %div3A_31, %add3A_35 : vector<1x128xf32>
    %rsqrt3A = math.rsqrt %add3A_36 : vector<1x128xf32>
    %mul3A_37 = vector.broadcast %rsqrt3A : vector<1x128xf32> to vector<10000x128xf32>
    %mul3A_38 = arith.mulf %sub3A_33, %mul3A_37 : vector<10000x128xf32>
    %get3A_39 = arith.constant 0 : index
    %get3A_40 = arith.constant 0 : index
    %get3A_41 = vector.load %arg4[%get3A_39, %get3A_40] : memref<1x128xf32, #tpu.memory_space<vmem>>, vector<1x128xf32>
    %mul3A_42 = vector.broadcast %get3A_41 : vector<1x128xf32> to vector<10000x128xf32>
    %mul3A_43 = arith.mulf %mul3A_38, %mul3A_42 : vector<10000x128xf32>
    %get3A_44 = arith.constant 0 : index
    %get3A_45 = arith.constant 0 : index
    %get3A_46 = vector.load %arg5[%get3A_44, %get3A_45] : memref<1x128xf32, #tpu.memory_space<vmem>>, vector<1x128xf32>
    %add3A_47 = vector.broadcast %get3A_46 : vector<1x128xf32> to vector<10000x128xf32>
    %add3A_48 = arith.addf %mul3A_43, %add3A_47 : vector<10000x128xf32>
    %max3A = arith.constant 0.000000e+00 : f32
    %max3A_49 = vector.broadcast %max3A : f32 to vector<10000x128xf32>
    %max3A_50 = arith.maximumf %add3A_48, %max3A_49 : vector<10000x128xf32>
    %get3A_51 = arith.constant 0 : index
    %get3A_52 = arith.constant 0 : index
    %get3A_53 = vector.load %arg6[%get3A_51, %get3A_52] : memref<128x128xf32, #tpu.memory_space<vmem>>, vector<128x128xf32>
    %dot_general3A = arith.constant dense<0.000000e+00> : vector<10000x128xf32>
    %dot_general3A_54 = tpu.matmul %max3A_50, %get3A_53, %dot_general3A {dimension_numbers = #tpu.dot_dimension_numbers<[1], [0], [0], [1], [0, 0, 1, 1], [], []>, transpose_lhs_hint = false} : vector<10000x128xf32>, vector<128x128xf32>, vector<10000x128xf32> -> vector<10000x128xf32>
    %mul3A_55 = vector.broadcast %get3A_11 : vector<10000x1xf32> to vector<10000x128xf32>
    %mul3A_56 = arith.mulf %dot_general3A_54, %mul3A_55 : vector<10000x128xf32>
    %swap3A = arith.constant 0 : index
    %swap3A_57 = arith.constant 0 : index
    %swap3A_58 = vector.load %arg7[%swap3A, %swap3A_57] : memref<10000x128xf32, #tpu.memory_space<vmem>>, vector<10000x128xf32>
    tpu.vector_store %arg7[%swap3A, %swap3A_57], %mul3A_56 {strides = array<i32>} : memref<10000x128xf32, #tpu.memory_space<vmem>>, vector<10000x128xf32>,
    return
  }
}

module attributes {stable_mosaic.version = 14 : i64} {
  func.func @_tc_post_body(%arg0: memref<2x10112x128xf32, #tpu.memory_space<vmem>>, %arg1: memref<10000x128xf32, #tpu.memory_space<vmem>>, %arg2: memref<10000x1xf32, #tpu.memory_space<vmem>>, %arg3: memref<1x128xf32, #tpu.memory_space<vmem>>, %arg4: memref<1x128xf32, #tpu.memory_space<vmem>>, %arg5: memref<1x128xf32, #tpu.memory_space<vmem>>, %arg6: memref<10000x128xf32, #tpu.memory_space<vmem>>) attributes {dimension_semantics = [], scalar_prefetch = 0 : i64, scratch_operands = 0 : i64, tpu.core_type = #tpu.core_type<tc>} {
    %get3A = arith.constant 0 : index
    %get3A_0 = arith.constant 0 : index
    %get3A_1 = arith.constant 0 : index
    %get3A_2 = vector.load %arg0[%get3A, %get3A_0, %get3A_1] : memref<2x10112x128xf32, #tpu.memory_space<vmem>>, vector<1x10000x128xf32>
    %get3A_3 = vector.shape_cast %get3A_2 : vector<1x10000x128xf32> to vector<10000x128xf32>
    %get3A_4 = arith.constant 1 : index
    %get3A_5 = arith.constant 0 : index
    %get3A_6 = arith.constant 0 : index
    %get3A_7 = vector.load %arg0[%get3A_4, %get3A_5, %get3A_6] : memref<2x10112x128xf32, #tpu.memory_space<vmem>>, vector<1x10000x128xf32>
    %get3A_8 = vector.shape_cast %get3A_7 : vector<1x10000x128xf32> to vector<10000x128xf32>
    %add3A = arith.addf %get3A_3, %get3A_8 : vector<10000x128xf32>
    %get3A_9 = arith.constant 0 : index
    %get3A_10 = arith.constant 0 : index
    %get3A_11 = vector.load %arg1[%get3A_9, %get3A_10] : memref<10000x128xf32, #tpu.memory_space<vmem>>, vector<10000x128xf32>
    %add3A_12 = arith.addf %add3A, %get3A_11 : vector<10000x128xf32>
    %get3A_13 = arith.constant 0 : index
    %get3A_14 = arith.constant 0 : index
    %get3A_15 = vector.load %arg2[%get3A_13, %get3A_14] : memref<10000x1xf32, #tpu.memory_space<vmem>>, vector<10000x1xf32>
    %mul3A = vector.broadcast %get3A_15 : vector<10000x1xf32> to vector<10000x128xf32>
    %mul3A_16 = arith.mulf %add3A_12, %mul3A : vector<10000x128xf32>
    %get3A_17 = arith.constant 0 : index
    %get3A_18 = arith.constant 0 : index
    %get3A_19 = vector.load %arg3[%get3A_17, %get3A_18] : memref<1x128xf32, #tpu.memory_space<vmem>>, vector<1x128xf32>
    %add3A_20 = vector.broadcast %get3A_19 : vector<1x128xf32> to vector<10000x128xf32>
    %add3A_21 = arith.addf %mul3A_16, %add3A_20 : vector<10000x128xf32>
    %reduce_sum3A = arith.constant dense<0.000000e+00> : vector<128xf32>
    %reduce_sum3A_22 = vector.multi_reduction <add>, %add3A_21, %reduce_sum3A [0] : vector<10000x128xf32> to vector<128xf32>
    %broadcast_in_dim3A = vector.shape_cast %reduce_sum3A_22 : vector<128xf32> to vector<1x128xf32>
    %div3A = arith.constant 1.000000e+04 : f32
    %div3A_23 = vector.broadcast %div3A : f32 to vector<1x128xf32>
    %div3A_24 = arith.divf %broadcast_in_dim3A, %div3A_23 : vector<1x128xf32>
    %sub3A = vector.broadcast %div3A_24 : vector<1x128xf32> to vector<10000x128xf32>
    %sub3A_25 = arith.subf %add3A_21, %sub3A : vector<10000x128xf32>
    %integer_pow3A = arith.mulf %sub3A_25, %sub3A_25 : vector<10000x128xf32>
    %reduce_sum3A_26 = arith.constant dense<0.000000e+00> : vector<128xf32>
    %reduce_sum3A_27 = vector.multi_reduction <add>, %integer_pow3A, %reduce_sum3A_26 [0] : vector<10000x128xf32> to vector<128xf32>
    %broadcast_in_dim3A_28 = vector.shape_cast %reduce_sum3A_27 : vector<128xf32> to vector<1x128xf32>
    %div3A_29 = arith.constant 1.000000e+04 : f32
    %div3A_30 = vector.broadcast %div3A_29 : f32 to vector<1x128xf32>
    %div3A_31 = arith.divf %broadcast_in_dim3A_28, %div3A_30 : vector<1x128xf32>
    %sub3A_32 = vector.broadcast %div3A_24 : vector<1x128xf32> to vector<10000x128xf32>
    %sub3A_33 = arith.subf %add3A_21, %sub3A_32 : vector<10000x128xf32>
    %add3A_34 = arith.constant 9.99999974E-6 : f32
    %add3A_35 = vector.broadcast %add3A_34 : f32 to vector<1x128xf32>
    %add3A_36 = arith.addf %div3A_31, %add3A_35 : vector<1x128xf32>
    %rsqrt3A = math.rsqrt %add3A_36 : vector<1x128xf32>
    %mul3A_37 = vector.broadcast %rsqrt3A : vector<1x128xf32> to vector<10000x128xf32>
    %mul3A_38 = arith.mulf %sub3A_33, %mul3A_37 : vector<10000x128xf32>
    %get3A_39 = arith.constant 0 : index
    %get3A_40 = arith.constant 0 : index
    %get3A_41 = vector.load %arg4[%get3A_39, %get3A_40] : memref<1x128xf32, #tpu.memory_space<vmem>>, vector<1x128xf32>
    %mul3A_42 = vector.broadcast %get3A_41 : vector<1x128xf32> to vector<10000x128xf32>
    %mul3A_43 = arith.mulf %mul3A_38, %mul3A_42 : vector<10000x128xf32>
    %get3A_44 = arith.constant 0 : index
    %get3A_45 = arith.constant 0 : index
    %get3A_46 = vector.load %arg5[%get3A_44, %get3A_45] : memref<1x128xf32, #tpu.memory_space<vmem>>, vector<1x128xf32>
    %add3A_47 = vector.broadcast %get3A_46 : vector<1x128xf32> to vector<10000x128xf32>
    %add3A_48 = arith.addf %mul3A_43, %add3A_47 : vector<10000x128xf32>
    %max3A = arith.constant 0.000000e+00 : f32
    %max3A_49 = vector.broadcast %max3A : f32 to vector<10000x128xf32>
    %max3A_50 = arith.maximumf %add3A_48, %max3A_49 : vector<10000x128xf32>
    %swap3A = arith.constant 0 : index
    %swap3A_51 = arith.constant 0 : index
    %swap3A_52 = vector.load %arg6[%swap3A, %swap3A_51] : memref<10000x128xf32, #tpu.memory_space<vmem>>, vector<10000x128xf32>
    tpu.vector_store %arg6[%swap3A, %swap3A_51], %max3A_50 {strides = array<i32>} : memref<10000x128xf32, #tpu.memory_space<vmem>>, vector<10000x128xf32>,
    return
  }
}

</mosaic_0001>

<sc_bundles>
// kernel: kernel.11.cloned.1.call-start
scs
__scs_entry_jumppad:
0x0: {  	(pc) =	sbr.rel $0x88, $3  }
0x1: {  	(tag) =	ssettag $0x0;
	lr =	simm.s32 $0x1  }
0x2: {  	[smem:$0x3F96] =	sst lr;
	_ =	strace $0xD0000000  }
0x3: {  	_ = 	snop  }
0x4: {  	_ = 	snop  }
0x5: {  	_ = 	snop  }
0x6: {  	_ = 	snop  }
0x7: {  	_ = 	snop  }
__scs_overlays_trampoline_lowered:
0x8: {  	[smem:$0x3FA5] =	sst s0  }
0x9: {  	[smem:$0x3FA6] =	sst s1  }
0xa: {  	[smem:$0x3FA7] =	sst s2  }
0xb: {  	[smem:$0x3FA8] =	sst s3  }
0xc: {  	[smem:$0x3FA9] =	sst s4  }
0xd: {  	[smem:$0x3FAA] =	sst s5  }
0xe: {  	[smem:$0x3FAB] =	sst s6  }
0xf: {  	[smem:$0x3FAC] =	sst s7  }
0x10: {  	[smem:$0x3FAD] =	sst s8  }
0x11: {  	[smem:$0x3FAE] =	sst s9;
	s0 =	simm.s32 @!p0 $0x0  }
0x12: {  	s1 =	sld [smem:$0x3F94];
	s0 =	simm.s32 @p0 $0x1  }
0x13: {  	[smem:$0x3FAF] =	sst s0;
	s0 =	simm.s32 @!p1 $0x0  }
0x14: {  	s2 =	sld [smem:$0x3F93];
	s0 =	simm.s32 @p1 $0x1  }
0x15: {  	[smem:$0x3FB0] =	sst s0;
	s0 =	simm.s32 @!p2 $0x0  }
0x16: {  	s3 =	sld [smem:$0x3FDB];
	s0 =	simm.s32 @p2 $0x1  }
0x17: {  	s4 =	simm.s32 $0x1BF5;
	[smem:$0x3FB2] =	sst s0  }
0x18: {  	s0 =	sld [smem:$0x3F95];
	_ =	swait.ge [sflag:s4], $0x0  }
0x19: {  	s7 =	sld [smem:$0x3F96]  }
0x1a: {  	s8 =	sadd.s32 $0xFFFFE003, lr  }
0x1b: {  	s9 =	sadd.s32 $0xFFFFFEF7, lr;
	s5 =	simm.s32 $0xFFFFFFFF;
	p2 =	slt.u32 s8, $0xFFFFF086  }
0x1c: {  	p1 =	slt.u32 s9, $0xF7A;
	s5 =	simm.s32 @!p2 $0x0  }
0x1d: {  	s5 =	simm.s32 @p1 $0x1;
	p0 =	seq.s32 s7, s2  }
0x1e: {  	s7 =	smul.u32 @!p0 $0xF7A, s2;
	p2 =	seq.s32 @!p0 s5, $0x0  }
0x1f: {  	s9 =	smul.u32 $0xF7A, s1;
	s8 =	simm.s32 @!p0 $0x1BF5;
	p2 =	por !p2, p0  }
0x20: {  	[sflag:s8] =	ssyncset.s32 @!p0 $0xFFFFF086;
	s6 =	sadd.s32 @!p0 s3, s7;
	s7 =	simm.s32 @!p0 $0x108  }
0x21: {  	s3 =	sadd.s32 s3, s9;
	s6 =	sadd.s32 @!p0 $0x88, s6;
	s7 =	simm.s32 @p2 $0x1082  }
0x22: {  	[simem:s7], [sflag:s8] =	dma.local @!p0 [hbm:s6], $0xF7A  }
0x23: {  	s9 =	sor.u32 $0xD0000000, s2;
	s6 =	simm.s32 $0x108;
	_ =	swait.ge @!p0 [sflag:s8], $0x0  }
0x24: {  	s3 =	sadd.s32 $0x88, s3;
	s6 =	simm.s32 @!p1 $0x1082;
	[sflag:s4] =	ssyncset.s32 $0xFFFFF086  }
0x25: {  	[simem:s6], [sflag:s4] =	dma.local [hbm:s3], $0xF7A  }
0x26: {  	[smem:$0x3F96] =	sst s1;
	(tag) =	ssettag s2;
	_ =	strace s9  }
0x27: {  	s1 =	sld [smem:$0x3FA6]  }
0x28: {  	s2 =	sld [smem:$0x3FA7]  }
0x29: {  	s4 =	sld [smem:$0x3FA9]  }
0x2a: {  	p0 =	seq.s32 s5, $0x0;
	s5 =	sld [smem:$0x3FAA]  }
0x2b: {  	s6 =	sld [smem:$0x3FAB]  }
0x2c: {  	s7 =	sld [smem:$0x3FAC]  }
0x2d: {  	s3 =	simm.s32 $0x108;
	s8 =	sld [smem:$0x3FAD]  }
0x2e: {  	s3 =	simm.s32 @!p0 $0x1082;
	s9 =	sld [smem:$0x3FAE]  }
0x2f: {  	lr =	sadd.s32 s0, s3;
	s0 =	sld [smem:$0x3FA5]  }
0x30: {  	s3 =	sld [smem:$0x3FA8]  }
0x31: {  	[smem:$0x3FB1] =	sst s10  }
0x32: {  	s10 =	sld [smem:$0x3FAF];
	_ =	sdelay $0x3  }
0x33: {  	p0 =	seq.s32 s10, $0x1;
	s10 =	sld [smem:$0x3FB1];
	_ =	sdelay $0x3  }
0x34: {  	[smem:$0x3FB1] =	sst s10  }
0x35: {  	s10 =	sld [smem:$0x3FB0];
	_ =	sdelay $0x3  }
0x36: {  	p1 =	seq.s32 s10, $0x1;
	s10 =	sld [smem:$0x3FB1];
	_ =	sdelay $0x3  }
0x37: {  	[smem:$0x3FB1] =	sst s10  }
0x38: {  	s10 =	sld [smem:$0x3FB2]  }
0x39: {  	_ = 	snop;
	(pc) =	sbr.ind lr, $3  }
0x3a: {  	_ = 	snop  }
0x3b: {  	_ = 	snop  }
0x3c: {  	p2 =	seq.s32 s10, $0x1;
	s10 =	sld [smem:$0x3FB1]  }
0x3d: {  	_ =	shalt  }
0x3e: {  	_ =	shalt  }
0x3f: {  	_ =	shalt  }
0x40: {  	_ =	shalt  }
0x41: {  	_ =	shalt  }
0x42: {  	_ =	shalt  }
0x43: {  	_ =	shalt  }
0x44: {  	_ =	shalt  }
0x45: {  	_ =	shalt  }
0x46: {  	_ =	shalt  }
0x47: {  	_ =	shalt  }
0x48: {  	_ =	shalt  }
0x49: {  	_ =	shalt  }
0x4a: {  	_ =	shalt  }
0x4b: {  	_ =	shalt  }
0x4c: {  	_ =	shalt  }
0x4d: {  	_ =	shalt  }
0x4e: {  	_ =	shalt  }
0x4f: {  	_ =	shalt  }
0x50: {  	_ =	shalt  }
0x51: {  	_ =	shalt  }
0x52: {  	_ =	shalt  }
0x53: {  	_ =	shalt  }
0x54: {  	_ =	shalt  }
0x55: {  	_ =	shalt  }
0x56: {  	_ =	shalt  }
0x57: {  	_ =	shalt  }
0x58: {  	_ =	shalt  }
0x59: {  	_ =	shalt  }
0x5a: {  	_ =	shalt  }
0x5b: {  	_ =	shalt  }
0x5c: {  	_ =	shalt  }
0x5d: {  	_ =	shalt  }
0x5e: {  	_ =	shalt  }
0x5f: {  	_ =	shalt  }
0x60: {  	_ =	shalt  }
0x61: {  	_ =	shalt  }
0x62: {  	_ =	shalt  }
0x63: {  	_ =	shalt  }
0x64: {  	_ =	shalt  }
0x65: {  	_ =	shalt  }
0x66: {  	_ =	shalt  }
0x67: {  	_ =	shalt  }
0x68: {  	_ =	shalt  }
0x69: {  	_ =	shalt  }
0x6a: {  	_ =	shalt  }
0x6b: {  	_ =	shalt  }
0x6c: {  	_ =	shalt  }
0x6d: {  	_ =	shalt  }
0x6e: {  	_ =	shalt  }
0x6f: {  	_ =	shalt  }
0x70: {  	_ =	shalt  }
0x71: {  	_ =	shalt  }
0x72: {  	_ =	shalt  }
0x73: {  	_ =	shalt  }
0x74: {  	_ =	shalt  }
0x75: {  	_ =	shalt  }
0x76: {  	_ =	shalt  }
0x77: {  	_ =	shalt  }
0x78: {  	_ =	shalt  }
0x79: {  	_ =	shalt  }
0x7a: {  	_ =	shalt  }
0x7b: {  	_ =	shalt  }
0x7c: {  	_ =	shalt  }
0x7d: {  	_ =	shalt  }
0x7e: {  	_ =	shalt  }
0x7f: {  	_ =	shalt  }
0x80: {  	_ =	shalt  }
0x81: {  	_ =	shalt  }
0x82: {  	_ =	shalt  }
0x83: {  	_ =	shalt  }
0x84: {  	_ =	shalt  }
0x85: {  	_ =	shalt  }
0x86: {  	_ =	shalt  }
0x87: {  	_ =	shalt  }
.Lfunc_end0:
.L_simem_size_0:
called_computation.1_lowered:
.L_overlay_start_0:
0x88: {  	s2 =	sld [smem:$0x3FD9]  }
0x89: {  	s3 =	sld [smem:$0x3FFE];
	_ =	sdelay $0x1  }
0x8a: {  	s1 =	srdreg.scid  }
0x8b: {  	s0 =	sand.u32 $0x1, s1  }
0x8c: {  	s17 =	sshll.u32 s0, $0xA;
	s2 =	sadd.s32 s3, s2  }
0x8d: {  	s2 =	sadd.s32 s2, s17  }
0x8e: {  	[smem:$0x3FBD] =	sst s2  }
0x8f: {  	_ = 	snop  }
0x90: {  	s2 =	sld [smem:$0x3FD0];
	(tm) =	ssettm $0x1  }
0x91: {  	s18 =	sld [smem:$0x3FFB];
	_ =	sdelay $0x3  }
0x92: {  	_ =	strace s18  }
0x93: {  	s3 =	sld [smem:$0x3FFC];
	_ =	sdelay $0x3  }
0x94: {  	_ =	strace s3  }
0x95: {  	s3 =	sld [smem:$0x3FFD];
	_ =	sdelay $0x3  }
0x96: {  	_ =	strace s3  }
0x97: {  	_ =	strace $0x8FFFFFFF  }
0x98: {  	s19 =	sld [smem:$0x3FDB];
	_ =	sdelay $0x1  }
0x99: {  	s4 =	simm.s32 $_scs_section_size  }
0x9a: {  	s5 =	simm.s32 $_size__tile_overlayer_lowered;
	s6 =	simm.s32 $_tile_overlayer_lowered  }
0x9b: {  	s22 =	simm.s32 $0x1BFF;
	s21 =	sshll.u32 s6, $0x1;
	s3 =	sadd.s32 s4, s19  }
0x9c: {  	s7 =	simm.s32 $0x0;
	s20 =	sshll.u32 s5, $0x1;
	s5 =	sadd.s32 s21, s3  }
0x9d: {  	[timem:s7], [sflag:s22] =	dma.local [hbm:s5], s20  }
0x9e: {  	_ =	swait.ge [sflag:s22], s20  }
0x9f: {  	s4 =	ssub.s32 $0x0, s20;
	[sflag:s22] =	ssyncset.done $0x0  }
0xa0: {  	[sflag:s22] =	ssyncadd.s32 s4;
	_ =	sdelay $0x1  }
0xa1: {  	s23 =	simm.s32 $0x1B8B  }
0xa2: {  	_ =	swait.ge [sflag:s23], $0x1  }
0xa3: {  	[sflag:s23] =	ssyncset.done $0x0  }
0xa4: {  	s25 =	simm.s32 $0x1B8E;
	s24 =	sld [smem:$0x3FFE];
	[sflag:s23] =	ssyncadd.s32 $0xFFFFFFFF  }
0xa5: {  	s26 =	simm.s32 $execute0_lowered;
	[smem:$0x3FD2] =	sst s25  }
0xa6: {  	s5 =	sshll.u32 s26, $0x1;
	_ =	strace $0x80000049;
	[dreg:$0x1] =	wrdreg $0xFFFFFFFF  }
0xa7: {  	s28 =	simm.s32 $_size_execute0_lowered;
	s3 =	sadd.s32 s3, s5;
	[dreg:$0x0] =	wrdreg $0x0  }
0xa8: {  	s5 =	sshll.u32 s28, $0x1;
	[dreg:$0x2] =	wrdreg s3  }
0xa9: {  	[dreg:$0x3] =	wrdreg s5  }
0xaa: {  	[dreg:$0x4] =	wrdreg $0xC0  }
0xab: {  	_ =	task [dreg:s7], $0x5FFFF  }
0xac: {  	[dreg:$0x1] =	wrdreg $0xFFFFFFFF  }
0xad: {  	[dreg:$0x0] =	wrdreg $0x60  }
0xae: {  	[dreg:$0x2] =	wrdreg s2  }
0xaf: {  	[dreg:$0x3] =	wrdreg s24  }
0xb0: {  	[dreg:$0x4] =	wrdreg $0xAA000  }
0xb1: {  	[dreg:$0x5] =	wrdreg $0x9  }
0xb2: {  	_ =	task.clear_ibuf [dreg:s7], $0x6FFFF;
	_ =	strace $0x90000049  }
0xb3: {  	s29 =	simm.s32 $0x9;
	_ =	strace $0x8000004B  }
0xb4: {  	_ =	swait.ge [sflag:s29], $0x1  }
0xb5: {  	[sflag:s29] =	ssyncadd.s32 $0xFFFFFFFF  }
0xb6: {  	_ =	strace $0x9000004B  }
0xb7: {  	_ =	sfence  }
0xb8: {  	s30 =	sld [smem:$0x0];
	_ =	sdelay $0x2  }
0xb9: {  	s31 =	sshll.u32 s1, $0xD;
	s1 =	sshrl.u32 s1, $0x2  }
0xba: {  	s3 =	sand.u32 $0x4000, s31;
	s1 =	sadd.s32 s1, s30  }
0xbb: {  	s0 =	sor.u32 s3, s0;
	s1 =	sshll.u32 s1, $0x11  }
0xbc: {  	s0 =	sor.u32 s1, s0  }
0xbd: {  	s0 =	sadd.s32 $0x8F2B, s0  }
0xbe: {  	[sflag:s0] =	ssyncadd.remote.s32 $0x1  }
0xbf: {  	_ =	sfence.sel $0xFFFF  }
0xc0: {  	[dreg:$0x0] =	wrdreg $0xFFFFFFFF;
	(pc) =	sbr.abs _section_cstart, $3  }
0xc1: {  	[dreg:$0x1] =	wrdreg $0xFFFFFFFF  }
0xc2: {  	_ =	task.clear_ibuf [dreg:s7], $0x2FFFF;
	_ =	strace $0x9FFFFFFF  }
0xc3: {  	(tm) =	ssettm $0x7FFFFFFF  }
tec
execute0_lowered:
.L_overlay_start_1:
0x0: {  	(tag) =	ssettag $0x1  }
0x1: {  	s1 =	rddreg [dreg:$0x0]  }
0x2: {  	s0 =	srdreg.scid;
	s8 =	rddreg [dreg:$0x1]  }
0x3: {  	s11 =	stileid.u32;
	s3 =	rddreg [dreg:$0x2];
	s5 =	simm.s32 $0x0  }
0x4: {  	s18 =	simm.s32 $0x6;
	s28 =	simm.s32 $0x4;
	s29 =	simm.s32 $0x3  }
0x5: {  	s30 =	simm.s32 $0x2;
	s31 =	simm.s32 $0x5;
	s0 =	sand.u32 $0x1, s0  }
0x6: {  	[smem:$0x7FF] =	sst s5;
	s7 =	smul.u32 $0x13C00, s11;
	s6 =	sadd.s32 $0xD000, s8  }
0x7: {  	s2 =	sshll.u32 s0, $0x4;
	s19 =	smul.u32 $0x13C000, s0;
	_ =	strace $0x8000004A  }
0x8: {  	s0 =	ssub.s32 $0x2, s0;
	s2 =	sor.u32 s11, s2;
	s11 =	smul.u32 $0x4F000, s11  }
0x9: {  	s12 =	sshrl.u32 s0, $0x1;
	s4 =	smul.u32 $0x2800, s2;
	s2 =	sadd.s32 s7, s19  }
0xa: {  	s7 =	sadd.s32 $0x3000, s8;
	s0 =	ssub.s32 s0, s12;
	s19 =	simm.s32 $0x2800  }
0xb: {  	s2 =	sshrl.u32 s2, $0x3;
	s20 =	sshrl.u32 s11, $0x2;
	s9 =	sshrl.u32 s4, $0x3  }
0xc: {  	s17 =	smax.u32 s0, $0x1;
	s10 =	sadd.s32 s9, s8;
	s21 =	sadd.s32 s6, s9  }
0xd: {  	s2 =	sadd.s32 s2, s8;
	s10 =	sadd.s32 $0x17000, s10;
	[dreg:$0x5] =	wrdreg s21  }
0xe: {  	s22 =	sadd.s32 s7, s9;
	[dreg:$0x4] =	wrdreg s10;
	s10 =	sadd.s32 s20, s3  }
0xf: {  	s16 =	sadd.s32 $0x21000, s2;
	[dreg:$0x6] =	wrdreg s22;
	s23 =	sadd.s32 $0x4000, s10  }
0x10: {  	s2 =	simm.s32 $0x0;
	s24 =	sadd.s32 $0x8000, s10;
	[dreg:$0x7] =	wrdreg s23  }
0x11: {  	s21 =	simm.s32 $0x80;
	s25 =	sadd.s32 $0xC000, s10;
	[dreg:$0x8] =	wrdreg s24  }
0x12: {  	s22 =	simm.s32 $0x2A00;
	s26 =	sadd.s32 $0x10000, s10;
	[dreg:$0x9] =	wrdreg s25  }
0x13: {  	s20 =	simm.s32 $0x2900;
	[dreg:$0xa] =	wrdreg s26;
	s23 =	simm.s32 $0x6A00  }
0x14: {  	v0 =	vimm.f32 $0.0e+00;
	s24 =	simm.s32 $0x2880;
	s25 =	simm.s32 $0x2980;
	s26 =	simm.s32 $0x1  }
.LBB2_1:
0x15: {  	s0 =	rddreg [dreg:$0x4]  }
0x16: {  	[tilespmem:s5], [sflag:$0x6] =	stream.linear.gather [hbm4b:s0+s5], $0x2780, $0x38;
	[tilespmem:$0x1E600] =	vst v63  }
0x17: {  	_ =	swait.ge [sflag:s18], $0x2780  }
0x18: {  	[sflag:s18] =	ssyncset.done $0x0  }
0x19: {  	s15 =	sand.u32 $0xFE00, s5;
	s13 =	rddreg [dreg:$0x5];
	[sflag:s18] =	ssyncadd.s32 $0xFFFFD880  }
0x1a: {  	[tilespmem:s19], [sflag:$0x4] =	stream.linear.gather [hbm4b:s13+s5], $0x80, $0x38;
	[tilespmem:$0x1E600] =	vst v63  }
0x1b: {  	s8 =	sand.u32 $0x70, s5;
	s9 =	sshrl.u32 s15, $0x2;
	s14 =	rddreg [dreg:$0x6]  }
0x1c: {  	[tilespmem:s20], [sflag:$0x4] =	stream.linear.gather [hbm4b:s14+s5], $0x80, $0x38;
	[tilespmem:$0x1E600] =	vst v63  }
0x1d: {  	s0 =	simm.s32 $0x40;
	s9 =	sor.u32 s8, s9;
	s8 =	simm.s32 $0x0  }
0x1e: {  	[tilespmem:s22], [sflag:$0x1] =	stream.indirect.gather [hbm4b:s1+s21], $0x80, s5, s21, $0xb8;
	[tilespmem:$0x1E600] =	vst v63  }
.LBB2_2:
0x1f: {  	p0 =	sne.s32 s0, $0xFFC0  }
0x20: {  	[tilespmem:s9+$0x6A00] =	vst v0;
	s8 =	sadd.s32 $0x10, s8;
	s9 =	smov.u32 s0;
	s0 =	sadd.s32 $0x40, s0  }
.Ltmp0:
0x21: {  	(pc) =	sbr.rel @p0 .LBB2_2-.Ltmp0, $4  }
0x22: {  	_ = 	snop  }
0x23: {  	s9 =	sand.u32 $0xFE00, s9  }
0x24: {  	s11 =	sand.u32 $0x70, s8;
	s9 =	sshrl.u32 s9, $0x2  }
0x25: {  	s9 =	sor.u32 s11, s9  }
0x26: {  	[tilespmem:s9+$0x6A00] =	vst v0  }
0x27: {  	[spmem:s10] =	stream.linear.scatter [tilespmem:s23], [sflag:$0x6], $0x4000, $0x38;
	[tilespmem:$0x1E600] =	vst v63  }
0x28: {  	_ =	swait.ge [sflag:s18], $0x4000  }
0x29: {  	[sflag:s18] =	ssyncset.done $0x0  }
0x2a: {  	s0 =	rddreg [dreg:$0x7];
	[sflag:s18] =	ssyncadd.s32 $0xFFFFC000  }
0x2b: {  	[spmem:s0] =	stream.linear.scatter [tilespmem:s23], [sflag:$0x6], $0x4000, $0x38;
	[tilespmem:$0x1E600] =	vst v63  }
0x2c: {  	_ =	swait.ge [sflag:s18], $0x4000  }
0x2d: {  	[sflag:s18] =	ssyncset.done $0x0  }
0x2e: {  	s13 =	rddreg [dreg:$0x8];
	[sflag:s18] =	ssyncadd.s32 $0xFFFFC000  }
0x2f: {  	[spmem:s13] =	stream.linear.scatter [tilespmem:s23], [sflag:$0x6], $0x4000, $0x38;
	[tilespmem:$0x1E600] =	vst v63  }
0x30: {  	_ =	swait.ge [sflag:s18], $0x4000  }
0x31: {  	[sflag:s18] =	ssyncset.done $0x0  }
0x32: {  	s14 =	rddreg [dreg:$0x9];
	[sflag:s18] =	ssyncadd.s32 $0xFFFFC000  }
0x33: {  	[spmem:s14] =	stream.linear.scatter [tilespmem:s23], [sflag:$0x6], $0x4000, $0x38;
	[tilespmem:$0x1E600] =	vst v63  }
0x34: {  	_ =	swait.ge [sflag:s18], $0x4000  }
0x35: {  	[sflag:s18] =	ssyncset.done $0x0  }
0x36: {  	s15 =	rddreg [dreg:$0xa];
	[sflag:s18] =	ssyncadd.s32 $0xFFFFC000  }
0x37: {  	[spmem:s15] =	stream.linear.scatter [tilespmem:s23], [sflag:$0x6], $0x3C00, $0x38;
	[tilespmem:$0x1E600] =	vst v63  }
0x38: {  	_ =	swait.ge [sflag:s18], $0x3C00  }
0x39: {  	[sflag:s18] =	ssyncset.done $0x0  }
0x3a: {  	[sflag:s18] =	ssyncadd.s32 $0xFFFFC400  }
0x3b: {  	s8 =	simm.s32 $0x0;
	s0 =	simm.s32 $0x0;
	[bflag:$0x0] =	sbarrier.arrive $0xFFFF  }
.LBB2_4:
0x3c: {  	s9 =	sshll.u32 s8, $0x8  }
0x3d: {  	s11 =	sand.u32 $0x3C00, s9;
	s9 =	sor.u32 $0x80, s9  }
0x3e: {  	s11 =	sadd.s32 s4, s11;
	s12 =	sand.u32 $0x380, s9  }
0x3f: {  	s11 =	sor.u32 s11, s12  }
0x40: {  	s11 =	sshrl.u32 s11, $0x3  }
0x41: {  	s15 =	sadd.s32 s6, s11  }
0x42: {  	[tilespmem:s24], [sflag:$0x5] =	stream.linear.gather [hbm4b:s15+s0], $0x80, $0x38;
	[tilespmem:$0x1E600] =	vst v63  }
0x43: {  	s11 =	sadd.s32 s7, s11  }
0x44: {  	[tilespmem:s25], [sflag:$0x5] =	stream.linear.gather [hbm4b:s11+s0], $0x80, $0x38;
	[tilespmem:$0x1E600] =	vst v63  }
0x45: {  	s9 =	sand.u32 $0x3FFFFF80, s9  }
0x46: {  	[tilespmem:s23], [sflag:$0x2] =	stream.indirect.gather [hbm4b:s1+s21], $0x80, s9, s21, $0xb8;
	[tilespmem:$0x1E600] =	vst v63  }
0x47: {  	_ =	swait.ge [sflag:s26], $0x4000  }
0x48: {  	v1 =	vmov s0;
	s11 =	simm.s32 $0x2;
	[sflag:s26] =	ssyncset.done $0x0  }
0x49: {  	v1 =	vand.u32 $0xFFFFFFFC, v1;
	v2 =	vmov s11;
	[sflag:s26] =	ssyncadd.s32 $0xFFFFC000  }
0x4a: {  	v1 =	vbroadcast v1, $0x0;
	v2 =	vand.u32 $0xFFFFFFFE, v2;
	_ =	swait.ge [sflag:s28], $0x80  }
0x4b: {  	v2 =	vbroadcast v2, $0x0;
	[sflag:s28] =	ssyncset.done $0x0  }
0x4c: {  	[sflag:s28] =	ssyncadd.s32 $0xFFFFFF80  }
0x4d: {  	_ =	swait.ge [sflag:s28], $0x80  }
0x4e: {  	[sflag:s28] =	ssyncset.done $0x0  }
0x4f: {  	[sflag:s28] =	ssyncadd.s32 $0xFFFFFF80  }
0x50: {  	v1 =	vld.idx.msk [tilespmem:v1+s20+$0x0], $0xffff  }
0x51: {  	s12 =	simm.s32 $0x1;
	s11 =	simm.s32 $0x2B00;
	v2 =	vld.idx.msk [tilespmem:v2+s20+$0x0], $0xffff  }
0x52: {  	v3 =	vmov s12;
	v4 =	vld [tilespmem:s11+$0x70]  }
0x53: {  	v3 =	vand.u32 $0xFFFFFFFD, v3;
	v5 =	vld [tilespmem:s11+$0xFFFFFF00]  }
0x54: {  	v3 =	vbroadcast v3, $0x0;
	v6 =	vld [tilespmem:s11+$0xFFFFFF10]  }
0x55: {  	v7 =	vld [tilespmem:s11+$0xFFFFFF20]  }
0x56: {  	v8 =	vld [tilespmem:s11+$0xFFFFFF30]  }
0x57: {  	v9 =	vld [tilespmem:s11+$0xFFFFFF40]  }
0x58: {  	v10 =	vld [tilespmem:s11+$0xFFFFFF50]  }
0x59: {  	v11 =	vld [tilespmem:s11+$0xFFFFFF60];
	v5 =	vmul.f32 v5, v1  }
0x5a: {  	v3 =	vld.idx.msk [tilespmem:v3+s20+$0x0], $0xffff;
	v4 =	vmul.f32 v4, v2  }
0x5b: {  	v13 =	vld [tilespmem:s11+$0x40];
	[tilespmem:s11+$0xFFFFFF00] =	vst v5;
	v5 =	vmul.f32 v6, v1  }
0x5c: {  	v6 =	vld [tilespmem:s11+$0xFFFFFF70];
	[tilespmem:s11+$0x70] =	vst v4;
	v4 =	vmul.f32 v7, v1  }
0x5d: {  	v7 =	vld [tilespmem:s11+$0xFFFFFF80];
	[tilespmem:s11+$0xFFFFFF10] =	vst v5;
	v5 =	vmul.f32 v8, v1  }
0x5e: {  	v8 =	vld [tilespmem:s11+$0xFFFFFF90];
	[tilespmem:s11+$0xFFFFFF20] =	vst v4;
	v4 =	vmul.f32 v9, v1  }
0x5f: {  	v9 =	vld [tilespmem:s11+$0xFFFFFFA0];
	[tilespmem:s11+$0xFFFFFF30] =	vst v5;
	v5 =	vmul.f32 v10, v1  }
0x60: {  	v10 =	vld [tilespmem:s11+$0xFFFFFFB0];
	[tilespmem:s11+$0xFFFFFF40] =	vst v4;
	v4 =	vmul.f32 v11, v1  }
0x61: {  	v11 =	vld [tilespmem:s11+$0xFFFFFFC0];
	v6 =	vmul.f32 v6, v1;
	[tilespmem:s11+$0xFFFFFF50] =	vst v5  }
0x62: {  	v5 =	vmul.f32 v7, v3;
	v7 =	vld [tilespmem:s11+$0xFFFFFFD0];
	[tilespmem:s11+$0xFFFFFF60] =	vst v4  }
0x63: {  	s13 =	simm.s32 $0x3;
	v4 =	vld [tilespmem:s11+$0xFFFFFFE0];
	v8 =	vmul.f32 v8, v3;
	[tilespmem:s11+$0xFFFFFF70] =	vst v6  }
0x64: {  	v12 =	vmov s13;
	v6 =	vld [tilespmem:s11+$0xFFFFFFF0];
	[tilespmem:s11+$0xFFFFFF80] =	vst v5;
	v5 =	vmul.f32 v9, v3  }
0x65: {  	v9 =	vld [tilespmem:s11+$0x0];
	[tilespmem:s11+$0xFFFFFF90] =	vst v8;
	v8 =	vmul.f32 v10, v3  }
0x66: {  	v10 =	vld [tilespmem:s11+$0x10];
	[tilespmem:s11+$0xFFFFFFA0] =	vst v5;
	v5 =	vmul.f32 v11, v3  }
0x67: {  	[tilespmem:s11+$0xFFFFFFB0] =	vst v8;
	v7 =	vmul.f32 v7, v3;
	v8 =	vld [tilespmem:s11+$0x20]  }
0x68: {  	v11 =	vld [tilespmem:s11+$0x30];
	v4 =	vmul.f32 v4, v3;
	[tilespmem:s11+$0xFFFFFFC0] =	vst v5  }
0x69: {  	v1 =	vld.idx.msk [tilespmem:v12+s20+$0x0], $0xffff;
	v3 =	vmul.f32 v6, v3;
	[tilespmem:s11+$0xFFFFFFD0] =	vst v7  }
0x6a: {  	[tilespmem:s11+$0xFFFFFFE0] =	vst v4;
	v5 =	vmul.f32 v9, v2;
	v4 =	vld [tilespmem:s11+$0x50]  }
0x6b: {  	s14 =	simm.s32 $0x4;
	[tilespmem:s11+$0xFFFFFFF0] =	vst v3;
	v6 =	vmul.f32 v10, v2;
	v3 =	vld [tilespmem:s11+$0x60]  }
0x6c: {  	s15 =	simm.s32 $0x7;
	v7 =	vmov s14;
	[tilespmem:s11+$0x0] =	vst v5;
	v9 =	vmul.f32 v8, v2;
	v8 =	vld [tilespmem:s11+$0x80]  }
0x6d: {  	s13 =	simm.s32 $0x5;
	s12 =	simm.s32 $0x2B00;
	v12 =	vand.u32 $0xFFFFFFFC, v7;
	v7 =	vld [tilespmem:s11+$0x90];
	v5 =	vmov s15;
	v10 =	vmul.f32 v11, v2;
	[tilespmem:s11+$0x10] =	vst v6  }
0x6e: {  	s9 =	sshll.u32 s8, $0x1;
	s14 =	simm.s32 $0x6;
	v11 =	vmul.f32 v13, v2;
	v6 =	vbroadcast v12, $0x0;
	v12 =	vmov s13;
	s13 =	simm.s32 $0x8;
	[tilespmem:s11+$0x20] =	vst v9;
	v9 =	vld [tilespmem:s11+$0xA0]  }
.LBB2_5:
0x6f: {  	p0 =	slt.u32 s13, $0x7C;
	v12 =	vand.u32 $0xFFFFFFFD, v12;
	v13 =	vmov s14;
	[tilespmem:s11+$0x30] =	vst v10;
	v4 =	vmul.f32 v4, v2;
	v10 =	vld [tilespmem:s11+$0xB0]  }
0x70: {  	v12 =	vbroadcast v12, $0x0;
	v13 =	vand.u32 $0xFFFFFFFE, v13;
	[tilespmem:s11+$0x40] =	vst v11;
	v2 =	vmul.f32 v3, v2;
	v3 =	vld [tilespmem:s11+$0xC0]  }
0x71: {  	v11 =	vbroadcast v13, $0x0;
	[tilespmem:s11+$0x50] =	vst v4;
	v4 =	vmul.f32 v8, v1;
	v8 =	vld [tilespmem:s11+$0xD0]  }
0x72: {  	[tilespmem:s11+$0x60] =	vst v2;
	v2 =	vmul.f32 v7, v1;
	v7 =	vld [tilespmem:s11+$0xE0]  }
0x73: {  	[tilespmem:s11+$0x80] =	vst v4;
	v4 =	vmul.f32 v9, v1;
	v9 =	vld [tilespmem:s11+$0xF0]  }
0x74: {  	v5 =	vld.idx.msk [tilespmem:v5+s20+$0x0], $0xffff;
	[tilespmem:s11+$0x90] =	vst v2;
	v2 =	vmul.f32 v10, v1  }
0x75: {  	v6 =	vld.idx.msk [tilespmem:v6+s20+$0x0], $0xffff;
	[tilespmem:s11+$0xA0] =	vst v4;
	v3 =	vmul.f32 v3, v1  }
0x76: {  	v4 =	vld.idx.msk [tilespmem:v12+s20+$0x0], $0xffff;
	[tilespmem:s11+$0xB0] =	vst v2;
	v8 =	vmul.f32 v8, v1  }
0x77: {  	s11 =	sadd.s32 $0x200, s11;
	v2 =	vld.idx.msk [tilespmem:v11+s20+$0x0], $0xffff;
	[tilespmem:s12+$0xC0] =	vst v3;
	v3 =	vmul.f32 v7, v1  }
0x78: {  	v7 =	vld [tilespmem:s11+$0x70];
	[tilespmem:s12+$0xD0] =	vst v8;
	v9 =	vmul.f32 v9, v1  }
0x79: {  	v8 =	vld [tilespmem:s11+$0xFFFFFF00];
	[tilespmem:s12+$0xE0] =	vst v3  }
0x7a: {  	v1 =	vmov v5;
	v3 =	vld [tilespmem:s11+$0xFFFFFF10];
	[tilespmem:s12+$0xF0] =	vst v9;
	s12 =	smov.u32 s11  }
0x7b: {  	v5 =	vld [tilespmem:s11+$0xFFFFFF20]  }
0x7c: {  	v9 =	vld [tilespmem:s11+$0xFFFFFF30]  }
0x7d: {  	v10 =	vld [tilespmem:s11+$0xFFFFFF40];
	v7 =	vmul.f32 v7, v2  }
0x7e: {  	v8 =	vmul.f32 v8, v6;
	v11 =	vld [tilespmem:s11+$0xFFFFFF50]  }
0x7f: {  	v3 =	vmul.f32 v3, v6;
	v12 =	vld [tilespmem:s11+$0xFFFFFF60];
	[tilespmem:s11+$0x70] =	vst v7  }
0x80: {  	[tilespmem:s11+$0xFFFFFF00] =	vst v8;
	v5 =	vmul.f32 v5, v6;
	v7 =	vld [tilespmem:s11+$0xFFFFFF70]  }
0x81: {  	[tilespmem:s11+$0xFFFFFF10] =	vst v3;
	v3 =	vmul.f32 v9, v6;
	v8 =	vld [tilespmem:s11+$0xFFFFFF80]  }
0x82: {  	[tilespmem:s11+$0xFFFFFF20] =	vst v5;
	v5 =	vmul.f32 v10, v6;
	v9 =	vld [tilespmem:s11+$0xFFFFFF90]  }
0x83: {  	[tilespmem:s11+$0xFFFFFF30] =	vst v3;
	v3 =	vmul.f32 v11, v6;
	v10 =	vld [tilespmem:s11+$0xFFFFFFA0]  }
0x84: {  	[tilespmem:s11+$0xFFFFFF40] =	vst v5;
	v5 =	vmul.f32 v12, v6;
	v11 =	vld [tilespmem:s11+$0xFFFFFFB0]  }
0x85: {  	[tilespmem:s11+$0xFFFFFF50] =	vst v3;
	v3 =	vmul.f32 v7, v6;
	v6 =	vld [tilespmem:s11+$0xFFFFFFC0]  }
0x86: {  	[tilespmem:s11+$0xFFFFFF60] =	vst v5;
	v5 =	vmul.f32 v8, v4;
	v7 =	vld [tilespmem:s11+$0xFFFFFFD0]  }
0x87: {  	[tilespmem:s11+$0xFFFFFF70] =	vst v3;
	v3 =	vmul.f32 v9, v4;
	v8 =	vld [tilespmem:s11+$0xFFFFFFE0]  }
0x88: {  	[tilespmem:s11+$0xFFFFFF80] =	vst v5;
	v5 =	vmul.f32 v10, v4;
	v9 =	vld [tilespmem:s11+$0xFFFFFFF0]  }
0x89: {  	[tilespmem:s11+$0xFFFFFF90] =	vst v3;
	v3 =	vmul.f32 v11, v4;
	v10 =	vld [tilespmem:s11+$0x0]  }
0x8a: {  	[tilespmem:s11+$0xFFFFFFA0] =	vst v5;
	v5 =	vmul.f32 v6, v4;
	v6 =	vld [tilespmem:s11+$0x10]  }
0x8b: {  	[tilespmem:s11+$0xFFFFFFB0] =	vst v3;
	v3 =	vmul.f32 v7, v4;
	v7 =	vld [tilespmem:s11+$0x20]  }
0x8c: {  	[tilespmem:s11+$0xFFFFFFC0] =	vst v5;
	v5 =	vmul.f32 v8, v4;
	v11 =	vld [tilespmem:s11+$0x30]  }
0x8d: {  	[tilespmem:s11+$0xFFFFFFD0] =	vst v3;
	v3 =	vmul.f32 v9, v4;
	v9 =	vld [tilespmem:s11+$0x40]  }
.Ltmp1:
0x8e: {  	[tilespmem:s11+$0xFFFFFFE0] =	vst v5;
	v5 =	vmul.f32 v10, v2;
	v4 =	vld [tilespmem:s11+$0x50];
	(pc) =	sbr.rel @p0 .LBB2_5-.Ltmp1, $4  }
0x8f: {  	[tilespmem:s11+$0xFFFFFFF0] =	vst v3;
	v6 =	vmul.f32 v6, v2;
	v3 =	vld [tilespmem:s11+$0x60]  }
0x90: {  	s14 =	sadd.s32 $0x3, s13;
	v10 =	vmov s13;
	[tilespmem:s11+$0x0] =	vst v5;
	v13 =	vmul.f32 v7, v2;
	v8 =	vld [tilespmem:s11+$0x80]  }
0x91: {  	s15 =	sadd.s32 $0x1, s13;
	v12 =	vand.u32 $0xFFFFFFFC, v10;
	v5 =	vmov s14;
	[tilespmem:s11+$0x10] =	vst v6;
	v10 =	vmul.f32 v11, v2;
	v7 =	vld [tilespmem:s11+$0x90]  }
0x92: {  	s14 =	sadd.s32 $0x2, s13;
	s13 =	sadd.s32 $0x4, s13;
	v6 =	vbroadcast v12, $0x0;
	v12 =	vmov s15;
	[tilespmem:s11+$0x20] =	vst v13;
	v11 =	vmul.f32 v9, v2;
	v9 =	vld [tilespmem:s11+$0xA0]  }
0x93: {  	v13 =	vld [tilespmem:s11+$0xB0]  }
0x94: {  	v15 =	vld [tilespmem:s11+$0xC0]  }
0x95: {  	v14 =	vmov s14;
	v16 =	vld [tilespmem:s11+$0xD0]  }
0x96: {  	v17 =	vld [tilespmem:s11+$0xE0];
	[tilespmem:s11+$0x30] =	vst v10;
	v4 =	vmul.f32 v4, v2;
	v14 =	vand.u32 $0xFFFFFFFE, v14  }
0x97: {  	v12 =	vand.u32 $0xFFFFFFFD, v12;
	v5 =	vld.idx.msk [tilespmem:v5+s20+$0x0], $0xffff;
	[tilespmem:s11+$0x40] =	vst v11;
	v2 =	vmul.f32 v3, v2;
	v14 =	vbroadcast v14, $0x0  }
0x98: {  	s13 =	sadd.s32 $0x200, s11;
	v12 =	vbroadcast v12, $0x0;
	v3 =	vld.idx.msk [tilespmem:v6+s20+$0x0], $0xffff;
	v8 =	vmul.f32 v8, v1;
	[tilespmem:s11+$0x50] =	vst v4  }
0x99: {  	v10 =	vld [tilespmem:s13+$0xFFFFFF00];
	v4 =	vmul.f32 v7, v1;
	[tilespmem:s11+$0x60] =	vst v2  }
0x9a: {  	[tilespmem:s11+$0x80] =	vst v8;
	v8 =	vld [tilespmem:s11+$0xF0];
	v2 =	vmul.f32 v9, v1  }
0x9b: {  	v11 =	vld [tilespmem:s13+$0xFFFFFF10];
	[tilespmem:s11+$0x90] =	vst v4;
	v4 =	vmul.f32 v13, v1  }
0x9c: {  	v9 =	vld [tilespmem:s13+$0x70];
	[tilespmem:s11+$0xA0] =	vst v2;
	v2 =	vmul.f32 v15, v1  }
0x9d: {  	[tilespmem:s11+$0xB0] =	vst v4;
	v4 =	vmul.f32 v16, v1;
	v7 =	vld.idx.msk [tilespmem:v14+s20+$0x0], $0xffff  }
0x9e: {  	v6 =	vld.idx.msk [tilespmem:v12+s20+$0x0], $0xffff;
	[tilespmem:s12+$0xC0] =	vst v2;
	v2 =	vmul.f32 v17, v1  }
0x9f: {  	v12 =	vld [tilespmem:s13+$0xFFFFFF20];
	[tilespmem:s12+$0xD0] =	vst v4;
	v1 =	vmul.f32 v8, v1  }
0xa0: {  	v4 =	vld [tilespmem:s13+$0xFFFFFF30];
	[tilespmem:s12+$0xE0] =	vst v2  }
0xa1: {  	v2 =	vld [tilespmem:s13+$0xFFFFFF40];
	[tilespmem:s12+$0xF0] =	vst v1;
	v1 =	vmul.f32 v10, v3  }
0xa2: {  	v8 =	vmul.f32 v9, v7;
	v9 =	vld [tilespmem:s13+$0xFFFFFF50]  }
0xa3: {  	v10 =	vmul.f32 v11, v3;
	v11 =	vld [tilespmem:s13+$0xFFFFFF60];
	[tilespmem:s13+$0xFFFFFF00] =	vst v1  }
0xa4: {  	v1 =	vmul.f32 v12, v3;
	[tilespmem:s13+$0x70] =	vst v8;
	v8 =	vld [tilespmem:s13+$0xFFFFFF70]  }
0xa5: {  	[tilespmem:s13+$0xFFFFFF10] =	vst v10;
	v10 =	vld [tilespmem:s13+$0xFFFFFF80];
	v4 =	vmul.f32 v4, v3  }
0xa6: {  	[tilespmem:s13+$0xFFFFFF20] =	vst v1;
	v1 =	vmul.f32 v2, v3;
	v2 =	vld [tilespmem:s13+$0xFFFFFF90]  }
0xa7: {  	[tilespmem:s13+$0xFFFFFF30] =	vst v4;
	v4 =	vmul.f32 v9, v3;
	v9 =	vld [tilespmem:s13+$0xFFFFFFA0]  }
0xa8: {  	[tilespmem:s13+$0xFFFFFF40] =	vst v1;
	v1 =	vmul.f32 v11, v3;
	v11 =	vld [tilespmem:s13+$0xFFFFFFB0]  }
0xa9: {  	[tilespmem:s13+$0xFFFFFF50] =	vst v4;
	v3 =	vmul.f32 v8, v3;
	v4 =	vld [tilespmem:s13+$0xFFFFFFC0]  }
0xaa: {  	[tilespmem:s13+$0xFFFFFF60] =	vst v1;
	v1 =	vmul.f32 v10, v6;
	v8 =	vld [tilespmem:s13+$0xFFFFFFD0]  }
0xab: {  	v2 =	vmul.f32 v2, v6;
	[tilespmem:s13+$0xFFFFFF70] =	vst v3;
	v3 =	vld [tilespmem:s13+$0xFFFFFFE0]  }
0xac: {  	[tilespmem:s13+$0xFFFFFF80] =	vst v1;
	v1 =	vmul.f32 v9, v6;
	v9 =	vld [tilespmem:s13+$0xFFFFFFF0]  }
0xad: {  	v10 =	vld [tilespmem:s13+$0x0];
	[tilespmem:s13+$0xFFFFFF90] =	vst v2;
	v2 =	vmul.f32 v11, v6  }
0xae: {  	[tilespmem:s13+$0xFFFFFFA0] =	vst v1;
	v1 =	vmul.f32 v4, v6;
	v4 =	vld [tilespmem:s13+$0x10]  }
0xaf: {  	[tilespmem:s13+$0xFFFFFFB0] =	vst v2;
	v2 =	vmul.f32 v8, v6;
	v8 =	vld [tilespmem:s13+$0x20]  }
0xb0: {  	[tilespmem:s13+$0xFFFFFFC0] =	vst v1;
	v1 =	vmul.f32 v3, v6;
	v3 =	vld [tilespmem:s13+$0x30]  }
0xb1: {  	[tilespmem:s13+$0xFFFFFFD0] =	vst v2;
	v2 =	vmul.f32 v9, v6;
	v6 =	vld [tilespmem:s13+$0x40]  }
0xb2: {  	v9 =	vld [tilespmem:s13+$0x50];
	[tilespmem:s13+$0xFFFFFFE0] =	vst v1;
	v1 =	vmul.f32 v10, v7  }
0xb3: {  	[tilespmem:s13+$0xFFFFFFF0] =	vst v2;
	v2 =	vmul.f32 v4, v7;
	v4 =	vld [tilespmem:s13+$0x60]  }
0xb4: {  	[tilespmem:s13+$0x0] =	vst v1;
	v1 =	vmul.f32 v8, v7;
	v8 =	vld [tilespmem:s13+$0x80]  }
0xb5: {  	[tilespmem:s13+$0x10] =	vst v2;
	v2 =	vmul.f32 v3, v7;
	v3 =	vld [tilespmem:s13+$0x90]  }
0xb6: {  	[tilespmem:s13+$0x20] =	vst v1;
	v1 =	vmul.f32 v6, v7;
	v6 =	vld [tilespmem:s13+$0xA0]  }
0xb7: {  	[tilespmem:s13+$0x30] =	vst v2;
	v2 =	vmul.f32 v9, v7;
	v9 =	vld [tilespmem:s13+$0xB0]  }
0xb8: {  	[tilespmem:s13+$0x40] =	vst v1;
	v1 =	vmul.f32 v4, v7;
	v4 =	vld [tilespmem:s13+$0xC0]  }
0xb9: {  	v7 =	vld [tilespmem:s13+$0xD0];
	[tilespmem:s13+$0x50] =	vst v2;
	v2 =	vmul.f32 v8, v5  }
0xba: {  	[tilespmem:s13+$0x60] =	vst v1;
	v1 =	vmul.f32 v3, v5;
	v3 =	vld [tilespmem:s13+$0xE0]  }
0xbb: {  	[tilespmem:s13+$0x80] =	vst v2;
	v2 =	vmul.f32 v6, v5;
	v6 =	vld [tilespmem:s13+$0xF0]  }
0xbc: {  	[tilespmem:s13+$0x90] =	vst v1;
	v1 =	vmul.f32 v9, v5  }
0xbd: {  	[tilespmem:s13+$0xA0] =	vst v2;
	v2 =	vmul.f32 v4, v5  }
0xbe: {  	[tilespmem:s13+$0xB0] =	vst v1;
	v1 =	vmul.f32 v7, v5  }
0xbf: {  	s9 =	sshll.u32 s9, $0x7;
	[tilespmem:s13+$0xC0] =	vst v2;
	v2 =	vmul.f32 v3, v5  }
0xc0: {  	s9 =	sadd.s32 $0x100, s9;
	[tilespmem:s13+$0xD0] =	vst v1;
	v1 =	vmul.f32 v6, v5  }
0xc1: {  	s12 =	sand.u32 $0x7C00, s9;
	[tilespmem:s13+$0xE0] =	vst v2  }
0xc2: {  	s11 =	sadd.s32 s4, s12;
	[tilespmem:s13+$0xF0] =	vst v1;
	s13 =	sand.u32 $0x300, s9  }
0xc3: {  	[spmem:s3] =	stream.indirect.scatter.add.f32 [tilespmem:s22], [sflag:$0x3], $0x80, s19, s21, $0xb8;
	[tilespmem:$0x1E600] =	vst v63  }
0xc4: {  	s11 =	sor.u32 s13, s11;
	_ =	swait.ge [sflag:s29], $0x4000  }
0xc5: {  	s11 =	sshrl.u32 s11, $0x3;
	[sflag:s29] =	ssyncset.done $0x0  }
0xc6: {  	s15 =	simm.s32 $0x0;
	s14 =	sadd.s32 s6, s11;
	[sflag:s29] =	ssyncadd.s32 $0xFFFFC000  }
0xc7: {  	[tilespmem:s19], [sflag:$0x4] =	stream.linear.gather [hbm4b:s14+s15], $0x80, $0x38;
	[tilespmem:$0x1E600] =	vst v63  }
0xc8: {  	s11 =	sadd.s32 s7, s11  }
0xc9: {  	[tilespmem:s20], [sflag:$0x4] =	stream.linear.gather [hbm4b:s11+s15], $0x80, $0x38;
	[tilespmem:$0x1E600] =	vst v63  }
0xca: {  	s9 =	sand.u32 $0x3FFFFF80, s9  }
0xcb: {  	[tilespmem:s22], [sflag:$0x1] =	stream.indirect.gather [hbm4b:s1+s21], $0x80, s9, s21, $0xb8;
	[tilespmem:$0x1E600] =	vst v63  }
0xcc: {  	_ =	swait.ge [sflag:s30], $0x4000  }
0xcd: {  	v1 =	vmov s15;
	s14 =	simm.s32 $0x2;
	[sflag:s30] =	ssyncset.done $0x0  }
0xce: {  	v1 =	vand.u32 $0xFFFFFFFC, v1;
	v2 =	vmov s14;
	[sflag:s30] =	ssyncadd.s32 $0xFFFFC000  }
0xcf: {  	v1 =	vbroadcast v1, $0x0;
	v2 =	vand.u32 $0xFFFFFFFE, v2;
	_ =	swait.ge [sflag:s31], $0x80  }
0xd0: {  	v2 =	vbroadcast v2, $0x0;
	[sflag:s31] =	ssyncset.done $0x0  }
0xd1: {  	[sflag:s31] =	ssyncadd.s32 $0xFFFFFF80  }
0xd2: {  	_ =	swait.ge [sflag:s31], $0x80  }
0xd3: {  	[sflag:s31] =	ssyncset.done $0x0  }
0xd4: {  	[sflag:s31] =	ssyncadd.s32 $0xFFFFFF80  }
0xd5: {  	v1 =	vld.idx.msk [tilespmem:v1+s25+$0x0], $0xffff  }
0xd6: {  	s15 =	simm.s32 $0x1;
	s9 =	simm.s32 $0x6B00;
	v2 =	vld.idx.msk [tilespmem:v2+s25+$0x0], $0xffff  }
0xd7: {  	v3 =	vmov s15;
	v4 =	vld [tilespmem:s9+$0x70]  }
0xd8: {  	v3 =	vand.u32 $0xFFFFFFFD, v3;
	v5 =	vld [tilespmem:s9+$0xFFFFFF00]  }
0xd9: {  	v3 =	vbroadcast v3, $0x0;
	v6 =	vld [tilespmem:s9+$0xFFFFFF10]  }
0xda: {  	v7 =	vld [tilespmem:s9+$0xFFFFFF20]  }
0xdb: {  	v8 =	vld [tilespmem:s9+$0xFFFFFF30]  }
0xdc: {  	v9 =	vld [tilespmem:s9+$0xFFFFFF40]  }
0xdd: {  	v10 =	vld [tilespmem:s9+$0xFFFFFF50]  }
0xde: {  	v11 =	vld [tilespmem:s9+$0xFFFFFF60];
	v5 =	vmul.f32 v5, v1  }
0xdf: {  	v3 =	vld.idx.msk [tilespmem:v3+s25+$0x0], $0xffff;
	v4 =	vmul.f32 v4, v2  }
0xe0: {  	v13 =	vld [tilespmem:s9+$0x40];
	[tilespmem:s9+$0xFFFFFF00] =	vst v5;
	v5 =	vmul.f32 v6, v1  }
0xe1: {  	v6 =	vld [tilespmem:s9+$0xFFFFFF70];
	[tilespmem:s9+$0x70] =	vst v4;
	v4 =	vmul.f32 v7, v1  }
0xe2: {  	v7 =	vld [tilespmem:s9+$0xFFFFFF80];
	[tilespmem:s9+$0xFFFFFF10] =	vst v5;
	v5 =	vmul.f32 v8, v1  }
0xe3: {  	v8 =	vld [tilespmem:s9+$0xFFFFFF90];
	[tilespmem:s9+$0xFFFFFF20] =	vst v4;
	v4 =	vmul.f32 v9, v1  }
0xe4: {  	v9 =	vld [tilespmem:s9+$0xFFFFFFA0];
	[tilespmem:s9+$0xFFFFFF30] =	vst v5;
	v5 =	vmul.f32 v10, v1  }
0xe5: {  	v10 =	vld [tilespmem:s9+$0xFFFFFFB0];
	[tilespmem:s9+$0xFFFFFF40] =	vst v4;
	v4 =	vmul.f32 v11, v1  }
0xe6: {  	v11 =	vld [tilespmem:s9+$0xFFFFFFC0];
	v6 =	vmul.f32 v6, v1;
	[tilespmem:s9+$0xFFFFFF50] =	vst v5  }
0xe7: {  	v5 =	vmul.f32 v7, v3;
	v7 =	vld [tilespmem:s9+$0xFFFFFFD0];
	[tilespmem:s9+$0xFFFFFF60] =	vst v4  }
0xe8: {  	s12 =	simm.s32 $0x3;
	v4 =	vld [tilespmem:s9+$0xFFFFFFE0];
	v8 =	vmul.f32 v8, v3;
	[tilespmem:s9+$0xFFFFFF70] =	vst v6  }
0xe9: {  	v12 =	vmov s12;
	v6 =	vld [tilespmem:s9+$0xFFFFFFF0];
	[tilespmem:s9+$0xFFFFFF80] =	vst v5;
	v5 =	vmul.f32 v9, v3  }
0xea: {  	v9 =	vld [tilespmem:s9+$0x0];
	[tilespmem:s9+$0xFFFFFF90] =	vst v8;
	v8 =	vmul.f32 v10, v3  }
0xeb: {  	v10 =	vld [tilespmem:s9+$0x10];
	[tilespmem:s9+$0xFFFFFFA0] =	vst v5;
	v5 =	vmul.f32 v11, v3  }
0xec: {  	[tilespmem:s9+$0xFFFFFFB0] =	vst v8;
	v7 =	vmul.f32 v7, v3;
	v8 =	vld [tilespmem:s9+$0x20]  }
0xed: {  	v11 =	vld [tilespmem:s9+$0x30];
	v4 =	vmul.f32 v4, v3;
	[tilespmem:s9+$0xFFFFFFC0] =	vst v5  }
0xee: {  	v1 =	vld.idx.msk [tilespmem:v12+s25+$0x0], $0xffff;
	v3 =	vmul.f32 v6, v3;
	[tilespmem:s9+$0xFFFFFFD0] =	vst v7  }
0xef: {  	[tilespmem:s9+$0xFFFFFFE0] =	vst v4;
	v5 =	vmul.f32 v9, v2;
	v4 =	vld [tilespmem:s9+$0x50]  }
0xf0: {  	s13 =	simm.s32 $0x4;
	[tilespmem:s9+$0xFFFFFFF0] =	vst v3;
	v6 =	vmul.f32 v10, v2;
	v3 =	vld [tilespmem:s9+$0x60]  }
0xf1: {  	s14 =	simm.s32 $0x7;
	v7 =	vmov s13;
	[tilespmem:s9+$0x0] =	vst v5;
	v9 =	vmul.f32 v8, v2;
	v8 =	vld [tilespmem:s9+$0x80]  }
0xf2: {  	s15 =	simm.s32 $0x5;
	v12 =	vand.u32 $0xFFFFFFFC, v7;
	v7 =	vld [tilespmem:s9+$0x90];
	v5 =	vmov s14;
	v10 =	vmul.f32 v11, v2;
	[tilespmem:s9+$0x10] =	vst v6  }
0xf3: {  	s12 =	simm.s32 $0x8;
	s11 =	simm.s32 $0x6B00;
	s13 =	simm.s32 $0x6;
	v11 =	vmul.f32 v13, v2;
	v6 =	vbroadcast v12, $0x0;
	v12 =	vmov s15;
	[tilespmem:s9+$0x20] =	vst v9;
	v9 =	vld [tilespmem:s9+$0xA0]  }
.LBB2_7:
0xf4: {  	p0 =	slt.u32 s12, $0x7C;
	v12 =	vand.u32 $0xFFFFFFFD, v12;
	v13 =	vmov s13;
	[tilespmem:s9+$0x30] =	vst v10;
	v4 =	vmul.f32 v4, v2;
	v10 =	vld [tilespmem:s9+$0xB0]  }
0xf5: {  	v12 =	vbroadcast v12, $0x0;
	v13 =	vand.u32 $0xFFFFFFFE, v13;
	[tilespmem:s9+$0x40] =	vst v11;
	v2 =	vmul.f32 v3, v2;
	v3 =	vld [tilespmem:s9+$0xC0]  }
0xf6: {  	v11 =	vbroadcast v13, $0x0;
	[tilespmem:s9+$0x50] =	vst v4;
	v4 =	vmul.f32 v8, v1;
	v8 =	vld [tilespmem:s9+$0xD0]  }
0xf7: {  	[tilespmem:s9+$0x60] =	vst v2;
	v2 =	vmul.f32 v7, v1;
	v7 =	vld [tilespmem:s9+$0xE0]  }
0xf8: {  	[tilespmem:s9+$0x80] =	vst v4;
	v4 =	vmul.f32 v9, v1;
	v9 =	vld [tilespmem:s9+$0xF0]  }
0xf9: {  	v5 =	vld.idx.msk [tilespmem:v5+s25+$0x0], $0xffff;
	[tilespmem:s9+$0x90] =	vst v2;
	v2 =	vmul.f32 v10, v1  }
0xfa: {  	v6 =	vld.idx.msk [tilespmem:v6+s25+$0x0], $0xffff;
	[tilespmem:s9+$0xA0] =	vst v4;
	v3 =	vmul.f32 v3, v1  }
0xfb: {  	v4 =	vld.idx.msk [tilespmem:v12+s25+$0x0], $0xffff;
	[tilespmem:s9+$0xB0] =	vst v2;
	v8 =	vmul.f32 v8, v1  }
0xfc: {  	s9 =	sadd.s32 $0x200, s9;
	v2 =	vld.idx.msk [tilespmem:v11+s25+$0x0], $0xffff;
	[tilespmem:s11+$0xC0] =	vst v3;
	v3 =	vmul.f32 v7, v1  }
0xfd: {  	v7 =	vld [tilespmem:s9+$0x70];
	[tilespmem:s11+$0xD0] =	vst v8;
	v9 =	vmul.f32 v9, v1  }
0xfe: {  	v8 =	vld [tilespmem:s9+$0xFFFFFF00];
	[tilespmem:s11+$0xE0] =	vst v3  }
0xff: {  	v1 =	vmov v5;
	v3 =	vld [tilespmem:s9+$0xFFFFFF10];
	[tilespmem:s11+$0xF0] =	vst v9;
	s11 =	smov.u32 s9  }
0x100: {  	v5 =	vld [tilespmem:s9+$0xFFFFFF20]  }
0x101: {  	v9 =	vld [tilespmem:s9+$0xFFFFFF30]  }
0x102: {  	v10 =	vld [tilespmem:s9+$0xFFFFFF40];
	v7 =	vmul.f32 v7, v2  }
0x103: {  	v8 =	vmul.f32 v8, v6;
	v11 =	vld [tilespmem:s9+$0xFFFFFF50]  }
0x104: {  	v3 =	vmul.f32 v3, v6;
	v12 =	vld [tilespmem:s9+$0xFFFFFF60];
	[tilespmem:s9+$0x70] =	vst v7  }
0x105: {  	[tilespmem:s9+$0xFFFFFF00] =	vst v8;
	v5 =	vmul.f32 v5, v6;
	v7 =	vld [tilespmem:s9+$0xFFFFFF70]  }
0x106: {  	[tilespmem:s9+$0xFFFFFF10] =	vst v3;
	v3 =	vmul.f32 v9, v6;
	v8 =	vld [tilespmem:s9+$0xFFFFFF80]  }
0x107: {  	[tilespmem:s9+$0xFFFFFF20] =	vst v5;
	v5 =	vmul.f32 v10, v6;
	v9 =	vld [tilespmem:s9+$0xFFFFFF90]  }
0x108: {  	[tilespmem:s9+$0xFFFFFF30] =	vst v3;
	v3 =	vmul.f32 v11, v6;
	v10 =	vld [tilespmem:s9+$0xFFFFFFA0]  }
0x109: {  	[tilespmem:s9+$0xFFFFFF40] =	vst v5;
	v5 =	vmul.f32 v12, v6;
	v11 =	vld [tilespmem:s9+$0xFFFFFFB0]  }
0x10a: {  	[tilespmem:s9+$0xFFFFFF50] =	vst v3;
	v3 =	vmul.f32 v7, v6;
	v6 =	vld [tilespmem:s9+$0xFFFFFFC0]  }
0x10b: {  	[tilespmem:s9+$0xFFFFFF60] =	vst v5;
	v5 =	vmul.f32 v8, v4;
	v7 =	vld [tilespmem:s9+$0xFFFFFFD0]  }
0x10c: {  	[tilespmem:s9+$0xFFFFFF70] =	vst v3;
	v3 =	vmul.f32 v9, v4;
	v8 =	vld [tilespmem:s9+$0xFFFFFFE0]  }
0x10d: {  	[tilespmem:s9+$0xFFFFFF80] =	vst v5;
	v5 =	vmul.f32 v10, v4;
	v9 =	vld [tilespmem:s9+$0xFFFFFFF0]  }
0x10e: {  	[tilespmem:s9+$0xFFFFFF90] =	vst v3;
	v3 =	vmul.f32 v11, v4;
	v10 =	vld [tilespmem:s9+$0x0]  }
0x10f: {  	[tilespmem:s9+$0xFFFFFFA0] =	vst v5;
	v5 =	vmul.f32 v6, v4;
	v6 =	vld [tilespmem:s9+$0x10]  }
0x110: {  	[tilespmem:s9+$0xFFFFFFB0] =	vst v3;
	v3 =	vmul.f32 v7, v4;
	v7 =	vld [tilespmem:s9+$0x20]  }
0x111: {  	[tilespmem:s9+$0xFFFFFFC0] =	vst v5;
	v5 =	vmul.f32 v8, v4;
	v11 =	vld [tilespmem:s9+$0x30]  }
0x112: {  	[tilespmem:s9+$0xFFFFFFD0] =	vst v3;
	v3 =	vmul.f32 v9, v4;
	v9 =	vld [tilespmem:s9+$0x40]  }
.Ltmp2:
0x113: {  	[tilespmem:s9+$0xFFFFFFE0] =	vst v5;
	v5 =	vmul.f32 v10, v2;
	v4 =	vld [tilespmem:s9+$0x50];
	(pc) =	sbr.rel @p0 .LBB2_7-.Ltmp2, $4  }
0x114: {  	[tilespmem:s9+$0xFFFFFFF0] =	vst v3;
	v6 =	vmul.f32 v6, v2;
	v3 =	vld [tilespmem:s9+$0x60]  }
0x115: {  	s13 =	sadd.s32 $0x3, s12;
	v10 =	vmov s12;
	[tilespmem:s9+$0x0] =	vst v5;
	v13 =	vmul.f32 v7, v2;
	v8 =	vld [tilespmem:s9+$0x80]  }
0x116: {  	s14 =	sadd.s32 $0x1, s12;
	v12 =	vand.u32 $0xFFFFFFFC, v10;
	v5 =	vmov s13;
	[tilespmem:s9+$0x10] =	vst v6;
	v10 =	vmul.f32 v11, v2;
	v7 =	vld [tilespmem:s9+$0x90]  }
0x117: {  	s13 =	sadd.s32 $0x2, s12;
	s12 =	sadd.s32 $0x4, s12;
	v6 =	vbroadcast v12, $0x0;
	v12 =	vmov s14;
	[tilespmem:s9+$0x20] =	vst v13;
	v11 =	vmul.f32 v9, v2;
	v9 =	vld [tilespmem:s9+$0xA0]  }
0x118: {  	v13 =	vld [tilespmem:s9+$0xB0]  }
0x119: {  	v15 =	vld [tilespmem:s9+$0xC0]  }
0x11a: {  	v16 =	vld [tilespmem:s9+$0xD0]  }
0x11b: {  	v17 =	vld [tilespmem:s9+$0xE0]  }
0x11c: {  	v29 =	vld [tilespmem:s9+$0xF0];
	[tilespmem:s9+$0x30] =	vst v10;
	v4 =	vmul.f32 v4, v2  }
0x11d: {  	v5 =	vld.idx.msk [tilespmem:v5+s25+$0x0], $0xffff;
	[tilespmem:s9+$0x40] =	vst v11;
	v2 =	vmul.f32 v3, v2  }
0x11e: {  	s12 =	sadd.s32 $0x200, s9;
	v3 =	vld.idx.msk [tilespmem:v6+s25+$0x0], $0xffff;
	v8 =	vmul.f32 v8, v1;
	[tilespmem:s9+$0x50] =	vst v4  }
0x11f: {  	v14 =	vmov s13;
	v34 =	vld [tilespmem:s12+$0x70];
	v30 =	vmul.f32 v7, v1;
	[tilespmem:s9+$0x60] =	vst v2  }
0x120: {  	v14 =	vand.u32 $0xFFFFFFFE, v14;
	v35 =	vld [tilespmem:s12+$0xFFFFFF00];
	[tilespmem:s9+$0x80] =	vst v8;
	v2 =	vmul.f32 v9, v1  }
0x121: {  	v37 =	vld [tilespmem:s12+$0xFFFFFF10];
	v14 =	vbroadcast v14, $0x0;
	[tilespmem:s9+$0x90] =	vst v30;
	v33 =	vmul.f32 v13, v1  }
0x122: {  	v38 =	vld [tilespmem:s12+$0xFFFFFF20];
	[tilespmem:s9+$0xA0] =	vst v2;
	v2 =	vmul.f32 v15, v1  }
0x123: {  	v12 =	vand.u32 $0xFFFFFFFD, v12;
	v39 =	vld [tilespmem:s12+$0xFFFFFF30];
	v36 =	vmul.f32 v16, v1;
	[tilespmem:s9+$0xB0] =	vst v33  }
0x124: {  	v12 =	vbroadcast v12, $0x0;
	v41 =	vld [tilespmem:s12+$0xFFFFFF50];
	[tilespmem:s11+$0xC0] =	vst v2;
	v2 =	vmul.f32 v17, v1  }
0x125: {  	v43 =	vld [tilespmem:s12+$0xFFFFFF60];
	[tilespmem:s11+$0xD0] =	vst v36;
	v1 =	vmul.f32 v29, v1  }
0x126: {  	v42 =	vmul.f32 v37, v3;
	[tilespmem:s11+$0xE0] =	vst v2;
	v2 =	vld [tilespmem:s12+$0xFFFFFF40]  }
0x127: {  	v32 =	vld.idx.msk [tilespmem:v14+s25+$0x0], $0xffff;
	[tilespmem:s11+$0xF0] =	vst v1;
	v1 =	vmul.f32 v35, v3  }
0x128: {  	v44 =	vld [tilespmem:s12+$0xFFFFFF70];
	v4 =	vmul.f32 v39, v3;
	[tilespmem:s12+$0xFFFFFF10] =	vst v42  }
0x129: {  	v45 =	vld [tilespmem:s12+$0xFFFFFF80];
	[tilespmem:s12+$0xFFFFFF00] =	vst v1;
	v1 =	vmul.f32 v38, v3  }
0x12a: {  	v46 =	vmul.f32 v41, v3;
	v31 =	vld.idx.msk [tilespmem:v12+s25+$0x0], $0xffff;
	[tilespmem:s12+$0xFFFFFF30] =	vst v4  }
0x12b: {  	[tilespmem:s12+$0xFFFFFF20] =	vst v1;
	v1 =	vmul.f32 v2, v3;
	v2 =	vld [tilespmem:s12+$0xFFFFFF90]  }
0x12c: {  	v47 =	vld [tilespmem:s12+$0xFFFFFFA0];
	[tilespmem:s12+$0xFFFFFF50] =	vst v46;
	v40 =	vmul.f32 v34, v32  }
0x12d: {  	v48 =	vld [tilespmem:s12+$0xFFFFFFB0];
	[tilespmem:s12+$0xFFFFFF40] =	vst v1;
	v1 =	vmul.f32 v43, v3  }
0x12e: {  	v49 =	vld [tilespmem:s12+$0xFFFFFFC0];
	[tilespmem:s12+$0x70] =	vst v40;
	v3 =	vmul.f32 v44, v3  }
0x12f: {  	v50 =	vld [tilespmem:s12+$0xFFFFFFD0];
	[tilespmem:s12+$0xFFFFFF60] =	vst v1;
	v1 =	vmul.f32 v45, v31  }
0x130: {  	[tilespmem:s12+$0xFFFFFF70] =	vst v3;
	v3 =	vld [tilespmem:s12+$0xFFFFFFE0];
	v2 =	vmul.f32 v2, v31  }
0x131: {  	v51 =	vld [tilespmem:s12+$0xFFFFFFF0];
	[tilespmem:s12+$0xFFFFFF80] =	vst v1;
	v1 =	vmul.f32 v47, v31  }
0x132: {  	v52 =	vld [tilespmem:s12+$0x0];
	[tilespmem:s12+$0xFFFFFF90] =	vst v2;
	v2 =	vmul.f32 v48, v31  }
0x133: {  	v53 =	vld [tilespmem:s12+$0x10];
	[tilespmem:s12+$0xFFFFFFA0] =	vst v1;
	v1 =	vmul.f32 v49, v31  }
0x134: {  	v54 =	vld [tilespmem:s12+$0x20];
	[tilespmem:s12+$0xFFFFFFB0] =	vst v2;
	v2 =	vmul.f32 v50, v31  }
0x135: {  	[tilespmem:s12+$0xFFFFFFC0] =	vst v1;
	v1 =	vmul.f32 v3, v31;
	v3 =	vld [tilespmem:s12+$0x30]  }
0x136: {  	v55 =	vld [tilespmem:s12+$0x40];
	[tilespmem:s12+$0xFFFFFFD0] =	vst v2;
	v2 =	vmul.f32 v51, v31  }
0x137: {  	v56 =	vld [tilespmem:s12+$0x50];
	[tilespmem:s12+$0xFFFFFFE0] =	vst v1;
	v1 =	vmul.f32 v52, v32  }
0x138: {  	v57 =	vld [tilespmem:s12+$0x60];
	[tilespmem:s12+$0xFFFFFFF0] =	vst v2;
	v2 =	vmul.f32 v53, v32  }
0x139: {  	v58 =	vld [tilespmem:s12+$0x80];
	[tilespmem:s12+$0x0] =	vst v1;
	v1 =	vmul.f32 v54, v32  }
0x13a: {  	[tilespmem:s12+$0x10] =	vst v2;
	v2 =	vmul.f32 v3, v32;
	v3 =	vld [tilespmem:s12+$0x90]  }
0x13b: {  	v59 =	vld [tilespmem:s12+$0xA0];
	[tilespmem:s12+$0x20] =	vst v1;
	v1 =	vmul.f32 v55, v32  }
0x13c: {  	v60 =	vld [tilespmem:s12+$0xB0];
	[tilespmem:s12+$0x30] =	vst v2;
	v2 =	vmul.f32 v56, v32  }
0x13d: {  	v61 =	vld [tilespmem:s12+$0xC0];
	[tilespmem:s12+$0x40] =	vst v1;
	v1 =	vmul.f32 v57, v32  }
0x13e: {  	v62 =	vld [tilespmem:s12+$0xD0];
	[tilespmem:s12+$0x50] =	vst v2;
	v2 =	vmul.f32 v58, v5  }
0x13f: {  	[tilespmem:s12+$0x60] =	vst v1;
	v1 =	vmul.f32 v3, v5;
	v3 =	vld [tilespmem:s12+$0xE0]  }
0x140: {  	v63 =	vld [tilespmem:s12+$0xF0];
	[tilespmem:s12+$0x80] =	vst v2;
	v2 =	vmul.f32 v59, v5  }
0x141: {  	[tilespmem:s12+$0x90] =	vst v1;
	v1 =	vmul.f32 v60, v5  }
0x142: {  	[tilespmem:s12+$0xA0] =	vst v2;
	v2 =	vmul.f32 v61, v5  }
0x143: {  	[tilespmem:s12+$0xB0] =	vst v1;
	v1 =	vmul.f32 v62, v5  }
0x144: {  	[tilespmem:s12+$0xC0] =	vst v2;
	v2 =	vmul.f32 v3, v5  }
0x145: {  	s8 =	sadd.s32 $0x1, s8;
	[tilespmem:s12+$0xD0] =	vst v1;
	v1 =	vmul.f32 v63, v5  }
0x146: {  	p0 =	sne.s32 s8, $0x27;
	[tilespmem:s12+$0xE0] =	vst v2  }
.Ltmp3:
0x147: {  	[tilespmem:s12+$0xF0] =	vst v1;
	(pc) =	sbr.rel @p0 .LBB2_4-.Ltmp3, $4  }
0x148: {  	[spmem:s3] =	stream.indirect.scatter.add.f32 [tilespmem:s23], [sflag:$0x3], $0x80, s24, s21, $0xb8;
	[tilespmem:$0x1E600] =	vst v63  }
0x149: {  	_ =	swait.ge [sflag:s29], $0x4000  }
0x14a: {  	[sflag:s29] =	ssyncset.done $0x0  }
0x14b: {  	[sflag:s29] =	ssyncadd.s32 $0xFFFFC000  }
0x14c: {  	_ =	swait.ge [sflag:s26], $0x4000;
	s0 =	simm.s32 $0x0  }
0x14d: {  	s12 =	simm.s32 $0x2;
	[sflag:s26] =	ssyncset.done $0x0;
	v1 =	vmov s0  }
0x14e: {  	v2 =	vmov s12;
	[sflag:s26] =	ssyncadd.s32 $0xFFFFC000;
	v1 =	vand.u32 $0xFFFFFFFC, v1  }
0x14f: {  	v2 =	vand.u32 $0xFFFFFFFE, v2;
	_ =	swait.ge [sflag:s28], $0x80;
	v1 =	vbroadcast v1, $0x0  }
0x150: {  	v2 =	vbroadcast v2, $0x0;
	[sflag:s28] =	ssyncset.done $0x0  }
0x151: {  	[sflag:s28] =	ssyncadd.s32 $0xFFFFFF80  }
0x152: {  	_ =	swait.ge [sflag:s28], $0x80  }
0x153: {  	[sflag:s28] =	ssyncset.done $0x0  }
0x154: {  	[sflag:s28] =	ssyncadd.s32 $0xFFFFFF80  }
0x155: {  	v1 =	vld.idx.msk [tilespmem:v1+s20+$0x0], $0xffff  }
0x156: {  	s8 =	simm.s32 $0x1;
	s0 =	simm.s32 $0x2B00;
	v2 =	vld.idx.msk [tilespmem:v2+s20+$0x0], $0xffff  }
0x157: {  	v3 =	vmov s8;
	v4 =	vld [tilespmem:s0+$0x70]  }
0x158: {  	v3 =	vand.u32 $0xFFFFFFFD, v3;
	v5 =	vld [tilespmem:s0+$0xFFFFFF00]  }
0x159: {  	v3 =	vbroadcast v3, $0x0;
	v6 =	vld [tilespmem:s0+$0xFFFFFF10]  }
0x15a: {  	v7 =	vld [tilespmem:s0+$0xFFFFFF20]  }
0x15b: {  	v8 =	vld [tilespmem:s0+$0xFFFFFF30]  }
0x15c: {  	v9 =	vld [tilespmem:s0+$0xFFFFFF40]  }
0x15d: {  	v10 =	vld [tilespmem:s0+$0xFFFFFF50]  }
0x15e: {  	v11 =	vld [tilespmem:s0+$0xFFFFFF60];
	v5 =	vmul.f32 v5, v1  }
0x15f: {  	v3 =	vld.idx.msk [tilespmem:v3+s20+$0x0], $0xffff;
	v4 =	vmul.f32 v4, v2  }
0x160: {  	v13 =	vld [tilespmem:s0+$0x40];
	[tilespmem:s0+$0xFFFFFF00] =	vst v5;
	v5 =	vmul.f32 v6, v1  }
0x161: {  	v6 =	vld [tilespmem:s0+$0xFFFFFF70];
	[tilespmem:s0+$0x70] =	vst v4;
	v4 =	vmul.f32 v7, v1  }
0x162: {  	v7 =	vld [tilespmem:s0+$0xFFFFFF80];
	[tilespmem:s0+$0xFFFFFF10] =	vst v5;
	v5 =	vmul.f32 v8, v1  }
0x163: {  	v8 =	vld [tilespmem:s0+$0xFFFFFF90];
	[tilespmem:s0+$0xFFFFFF20] =	vst v4;
	v4 =	vmul.f32 v9, v1  }
0x164: {  	v9 =	vld [tilespmem:s0+$0xFFFFFFA0];
	[tilespmem:s0+$0xFFFFFF30] =	vst v5;
	v5 =	vmul.f32 v10, v1  }
0x165: {  	v10 =	vld [tilespmem:s0+$0xFFFFFFB0];
	[tilespmem:s0+$0xFFFFFF40] =	vst v4;
	v4 =	vmul.f32 v11, v1  }
0x166: {  	v11 =	vld [tilespmem:s0+$0xFFFFFFC0];
	v6 =	vmul.f32 v6, v1;
	[tilespmem:s0+$0xFFFFFF50] =	vst v5  }
0x167: {  	v5 =	vmul.f32 v7, v3;
	v7 =	vld [tilespmem:s0+$0xFFFFFFD0];
	[tilespmem:s0+$0xFFFFFF60] =	vst v4  }
0x168: {  	s13 =	simm.s32 $0x3;
	v4 =	vld [tilespmem:s0+$0xFFFFFFE0];
	v8 =	vmul.f32 v8, v3;
	[tilespmem:s0+$0xFFFFFF70] =	vst v6  }
0x169: {  	v12 =	vmov s13;
	v6 =	vld [tilespmem:s0+$0xFFFFFFF0];
	[tilespmem:s0+$0xFFFFFF80] =	vst v5;
	v5 =	vmul.f32 v9, v3  }
0x16a: {  	v9 =	vld [tilespmem:s0+$0x0];
	[tilespmem:s0+$0xFFFFFF90] =	vst v8;
	v8 =	vmul.f32 v10, v3  }
0x16b: {  	v10 =	vld [tilespmem:s0+$0x10];
	[tilespmem:s0+$0xFFFFFFA0] =	vst v5;
	v5 =	vmul.f32 v11, v3  }
0x16c: {  	[tilespmem:s0+$0xFFFFFFB0] =	vst v8;
	v7 =	vmul.f32 v7, v3;
	v8 =	vld [tilespmem:s0+$0x20]  }
0x16d: {  	v11 =	vld [tilespmem:s0+$0x30];
	v4 =	vmul.f32 v4, v3;
	[tilespmem:s0+$0xFFFFFFC0] =	vst v5  }
0x16e: {  	v1 =	vld.idx.msk [tilespmem:v12+s20+$0x0], $0xffff;
	v3 =	vmul.f32 v6, v3;
	[tilespmem:s0+$0xFFFFFFD0] =	vst v7  }
0x16f: {  	[tilespmem:s0+$0xFFFFFFE0] =	vst v4;
	v5 =	vmul.f32 v9, v2;
	v4 =	vld [tilespmem:s0+$0x50]  }
0x170: {  	s14 =	simm.s32 $0x4;
	[tilespmem:s0+$0xFFFFFFF0] =	vst v3;
	v6 =	vmul.f32 v10, v2;
	v3 =	vld [tilespmem:s0+$0x60]  }
0x171: {  	s15 =	simm.s32 $0x7;
	v7 =	vmov s14;
	[tilespmem:s0+$0x0] =	vst v5;
	v9 =	vmul.f32 v8, v2;
	v8 =	vld [tilespmem:s0+$0x80]  }
0x172: {  	s9 =	simm.s32 $0x5;
	v12 =	vand.u32 $0xFFFFFFFC, v7;
	v7 =	vld [tilespmem:s0+$0x90];
	v5 =	vmov s15;
	v10 =	vmul.f32 v11, v2;
	[tilespmem:s0+$0x10] =	vst v6  }
0x173: {  	s11 =	simm.s32 $0x6;
	s8 =	simm.s32 $0x2B00;
	v11 =	vmul.f32 v13, v2;
	v6 =	vbroadcast v12, $0x0;
	v12 =	vmov s9;
	s9 =	simm.s32 $0x8;
	[tilespmem:s0+$0x20] =	vst v9;
	v9 =	vld [tilespmem:s0+$0xA0]  }
.LBB2_10:
0x174: {  	p0 =	slt.u32 s9, $0x7C;
	v12 =	vand.u32 $0xFFFFFFFD, v12;
	v13 =	vmov s11;
	[tilespmem:s0+$0x30] =	vst v10;
	v4 =	vmul.f32 v4, v2;
	v10 =	vld [tilespmem:s0+$0xB0]  }
0x175: {  	v12 =	vbroadcast v12, $0x0;
	v13 =	vand.u32 $0xFFFFFFFE, v13;
	[tilespmem:s0+$0x40] =	vst v11;
	v2 =	vmul.f32 v3, v2;
	v3 =	vld [tilespmem:s0+$0xC0]  }
0x176: {  	v11 =	vbroadcast v13, $0x0;
	[tilespmem:s0+$0x50] =	vst v4;
	v4 =	vmul.f32 v8, v1;
	v8 =	vld [tilespmem:s0+$0xD0]  }
0x177: {  	[tilespmem:s0+$0x60] =	vst v2;
	v2 =	vmul.f32 v7, v1;
	v7 =	vld [tilespmem:s0+$0xE0]  }
0x178: {  	[tilespmem:s0+$0x80] =	vst v4;
	v4 =	vmul.f32 v9, v1;
	v9 =	vld [tilespmem:s0+$0xF0]  }
0x179: {  	v5 =	vld.idx.msk [tilespmem:v5+s20+$0x0], $0xffff;
	[tilespmem:s0+$0x90] =	vst v2;
	v2 =	vmul.f32 v10, v1  }
0x17a: {  	v6 =	vld.idx.msk [tilespmem:v6+s20+$0x0], $0xffff;
	[tilespmem:s0+$0xA0] =	vst v4;
	v3 =	vmul.f32 v3, v1  }
0x17b: {  	v4 =	vld.idx.msk [tilespmem:v12+s20+$0x0], $0xffff;
	[tilespmem:s0+$0xB0] =	vst v2;
	v8 =	vmul.f32 v8, v1  }
0x17c: {  	s0 =	sadd.s32 $0x200, s0;
	v2 =	vld.idx.msk [tilespmem:v11+s20+$0x0], $0xffff;
	[tilespmem:s8+$0xC0] =	vst v3;
	v3 =	vmul.f32 v7, v1  }
0x17d: {  	v7 =	vld [tilespmem:s0+$0x70];
	[tilespmem:s8+$0xD0] =	vst v8;
	v9 =	vmul.f32 v9, v1  }
0x17e: {  	v8 =	vld [tilespmem:s0+$0xFFFFFF00];
	[tilespmem:s8+$0xE0] =	vst v3  }
0x17f: {  	v1 =	vmov v5;
	v3 =	vld [tilespmem:s0+$0xFFFFFF10];
	[tilespmem:s8+$0xF0] =	vst v9;
	s8 =	smov.u32 s0  }
0x180: {  	v5 =	vld [tilespmem:s0+$0xFFFFFF20]  }
0x181: {  	v9 =	vld [tilespmem:s0+$0xFFFFFF30]  }
0x182: {  	v10 =	vld [tilespmem:s0+$0xFFFFFF40];
	v7 =	vmul.f32 v7, v2  }
0x183: {  	v8 =	vmul.f32 v8, v6;
	v11 =	vld [tilespmem:s0+$0xFFFFFF50]  }
0x184: {  	v3 =	vmul.f32 v3, v6;
	v12 =	vld [tilespmem:s0+$0xFFFFFF60];
	[tilespmem:s0+$0x70] =	vst v7  }
0x185: {  	[tilespmem:s0+$0xFFFFFF00] =	vst v8;
	v5 =	vmul.f32 v5, v6;
	v7 =	vld [tilespmem:s0+$0xFFFFFF70]  }
0x186: {  	[tilespmem:s0+$0xFFFFFF10] =	vst v3;
	v3 =	vmul.f32 v9, v6;
	v8 =	vld [tilespmem:s0+$0xFFFFFF80]  }
0x187: {  	[tilespmem:s0+$0xFFFFFF20] =	vst v5;
	v5 =	vmul.f32 v10, v6;
	v9 =	vld [tilespmem:s0+$0xFFFFFF90]  }
0x188: {  	[tilespmem:s0+$0xFFFFFF30] =	vst v3;
	v3 =	vmul.f32 v11, v6;
	v10 =	vld [tilespmem:s0+$0xFFFFFFA0]  }
0x189: {  	[tilespmem:s0+$0xFFFFFF40] =	vst v5;
	v5 =	vmul.f32 v12, v6;
	v11 =	vld [tilespmem:s0+$0xFFFFFFB0]  }
0x18a: {  	[tilespmem:s0+$0xFFFFFF50] =	vst v3;
	v3 =	vmul.f32 v7, v6;
	v6 =	vld [tilespmem:s0+$0xFFFFFFC0]  }
0x18b: {  	[tilespmem:s0+$0xFFFFFF60] =	vst v5;
	v5 =	vmul.f32 v8, v4;
	v7 =	vld [tilespmem:s0+$0xFFFFFFD0]  }
0x18c: {  	[tilespmem:s0+$0xFFFFFF70] =	vst v3;
	v3 =	vmul.f32 v9, v4;
	v8 =	vld [tilespmem:s0+$0xFFFFFFE0]  }
0x18d: {  	[tilespmem:s0+$0xFFFFFF80] =	vst v5;
	v5 =	vmul.f32 v10, v4;
	v9 =	vld [tilespmem:s0+$0xFFFFFFF0]  }
0x18e: {  	[tilespmem:s0+$0xFFFFFF90] =	vst v3;
	v3 =	vmul.f32 v11, v4;
	v10 =	vld [tilespmem:s0+$0x0]  }
0x18f: {  	[tilespmem:s0+$0xFFFFFFA0] =	vst v5;
	v5 =	vmul.f32 v6, v4;
	v6 =	vld [tilespmem:s0+$0x10]  }
0x190: {  	[tilespmem:s0+$0xFFFFFFB0] =	vst v3;
	v3 =	vmul.f32 v7, v4;
	v7 =	vld [tilespmem:s0+$0x20]  }
0x191: {  	[tilespmem:s0+$0xFFFFFFC0] =	vst v5;
	v5 =	vmul.f32 v8, v4;
	v11 =	vld [tilespmem:s0+$0x30]  }
0x192: {  	[tilespmem:s0+$0xFFFFFFD0] =	vst v3;
	v3 =	vmul.f32 v9, v4;
	v9 =	vld [tilespmem:s0+$0x40]  }
.Ltmp4:
0x193: {  	[tilespmem:s0+$0xFFFFFFE0] =	vst v5;
	v5 =	vmul.f32 v10, v2;
	v4 =	vld [tilespmem:s0+$0x50];
	(pc) =	sbr.rel @p0 .LBB2_10-.Ltmp4, $4  }
0x194: {  	[tilespmem:s0+$0xFFFFFFF0] =	vst v3;
	v6 =	vmul.f32 v6, v2;
	v3 =	vld [tilespmem:s0+$0x60]  }
0x195: {  	s11 =	sadd.s32 $0x3, s9;
	v10 =	vmov s9;
	[tilespmem:s0+$0x0] =	vst v5;
	v13 =	vmul.f32 v7, v2;
	v8 =	vld [tilespmem:s0+$0x80]  }
0x196: {  	s12 =	sadd.s32 $0x1, s9;
	v12 =	vand.u32 $0xFFFFFFFC, v10;
	v5 =	vmov s11;
	[tilespmem:s0+$0x10] =	vst v6;
	v10 =	vmul.f32 v11, v2;
	v7 =	vld [tilespmem:s0+$0x90]  }
0x197: {  	s11 =	sadd.s32 $0x2, s9;
	s9 =	sadd.s32 $0x4, s9;
	v6 =	vbroadcast v12, $0x0;
	v12 =	vmov s12;
	[tilespmem:s0+$0x20] =	vst v13;
	v11 =	vmul.f32 v9, v2;
	v9 =	vld [tilespmem:s0+$0xA0]  }
0x198: {  	v13 =	vld [tilespmem:s0+$0xB0]  }
0x199: {  	v15 =	vld [tilespmem:s0+$0xC0]  }
0x19a: {  	v16 =	vld [tilespmem:s0+$0xD0]  }
0x19b: {  	v17 =	vld [tilespmem:s0+$0xE0]  }
0x19c: {  	v29 =	vld [tilespmem:s0+$0xF0];
	[tilespmem:s0+$0x30] =	vst v10;
	v4 =	vmul.f32 v4, v2  }
0x19d: {  	v5 =	vld.idx.msk [tilespmem:v5+s20+$0x0], $0xffff;
	[tilespmem:s0+$0x40] =	vst v11;
	v2 =	vmul.f32 v3, v2  }
0x19e: {  	s9 =	sadd.s32 $0x200, s0;
	v3 =	vld.idx.msk [tilespmem:v6+s20+$0x0], $0xffff;
	v8 =	vmul.f32 v8, v1;
	[tilespmem:s0+$0x50] =	vst v4  }
0x19f: {  	v14 =	vmov s11;
	v34 =	vld [tilespmem:s9+$0x70];
	v30 =	vmul.f32 v7, v1;
	[tilespmem:s0+$0x60] =	vst v2  }
0x1a0: {  	v14 =	vand.u32 $0xFFFFFFFE, v14;
	v35 =	vld [tilespmem:s9+$0xFFFFFF00];
	[tilespmem:s0+$0x80] =	vst v8;
	v2 =	vmul.f32 v9, v1  }
0x1a1: {  	v37 =	vld [tilespmem:s9+$0xFFFFFF10];
	v14 =	vbroadcast v14, $0x0;
	[tilespmem:s0+$0x90] =	vst v30;
	v33 =	vmul.f32 v13, v1  }
0x1a2: {  	v38 =	vld [tilespmem:s9+$0xFFFFFF20];
	[tilespmem:s0+$0xA0] =	vst v2;
	v2 =	vmul.f32 v15, v1  }
0x1a3: {  	v12 =	vand.u32 $0xFFFFFFFD, v12;
	v39 =	vld [tilespmem:s9+$0xFFFFFF30];
	v36 =	vmul.f32 v16, v1;
	[tilespmem:s0+$0xB0] =	vst v33  }
0x1a4: {  	v12 =	vbroadcast v12, $0x0;
	v41 =	vld [tilespmem:s9+$0xFFFFFF50];
	[tilespmem:s8+$0xC0] =	vst v2;
	v2 =	vmul.f32 v17, v1  }
0x1a5: {  	v43 =	vld [tilespmem:s9+$0xFFFFFF60];
	[tilespmem:s8+$0xD0] =	vst v36;
	v1 =	vmul.f32 v29, v1  }
0x1a6: {  	v42 =	vmul.f32 v37, v3;
	[tilespmem:s8+$0xE0] =	vst v2;
	v2 =	vld [tilespmem:s9+$0xFFFFFF40]  }
0x1a7: {  	v32 =	vld.idx.msk [tilespmem:v14+s20+$0x0], $0xffff;
	[tilespmem:s8+$0xF0] =	vst v1;
	v1 =	vmul.f32 v35, v3  }
0x1a8: {  	v44 =	vld [tilespmem:s9+$0xFFFFFF70];
	v4 =	vmul.f32 v39, v3;
	[tilespmem:s9+$0xFFFFFF10] =	vst v42  }
0x1a9: {  	v45 =	vld [tilespmem:s9+$0xFFFFFF80];
	[tilespmem:s9+$0xFFFFFF00] =	vst v1;
	v1 =	vmul.f32 v38, v3  }
0x1aa: {  	v46 =	vmul.f32 v41, v3;
	v31 =	vld.idx.msk [tilespmem:v12+s20+$0x0], $0xffff;
	[tilespmem:s9+$0xFFFFFF30] =	vst v4  }
0x1ab: {  	[tilespmem:s9+$0xFFFFFF20] =	vst v1;
	v1 =	vmul.f32 v2, v3;
	v2 =	vld [tilespmem:s9+$0xFFFFFF90]  }
0x1ac: {  	v47 =	vld [tilespmem:s9+$0xFFFFFFA0];
	[tilespmem:s9+$0xFFFFFF50] =	vst v46;
	v40 =	vmul.f32 v34, v32  }
0x1ad: {  	v48 =	vld [tilespmem:s9+$0xFFFFFFB0];
	[tilespmem:s9+$0xFFFFFF40] =	vst v1;
	v1 =	vmul.f32 v43, v3  }
0x1ae: {  	v49 =	vld [tilespmem:s9+$0xFFFFFFC0];
	[tilespmem:s9+$0x70] =	vst v40;
	v3 =	vmul.f32 v44, v3  }
0x1af: {  	v50 =	vld [tilespmem:s9+$0xFFFFFFD0];
	[tilespmem:s9+$0xFFFFFF60] =	vst v1;
	v1 =	vmul.f32 v45, v31  }
0x1b0: {  	[tilespmem:s9+$0xFFFFFF70] =	vst v3;
	v3 =	vld [tilespmem:s9+$0xFFFFFFE0];
	v2 =	vmul.f32 v2, v31  }
0x1b1: {  	v51 =	vld [tilespmem:s9+$0xFFFFFFF0];
	[tilespmem:s9+$0xFFFFFF80] =	vst v1;
	v1 =	vmul.f32 v47, v31  }
0x1b2: {  	v52 =	vld [tilespmem:s9+$0x0];
	[tilespmem:s9+$0xFFFFFF90] =	vst v2;
	v2 =	vmul.f32 v48, v31  }
0x1b3: {  	v53 =	vld [tilespmem:s9+$0x10];
	[tilespmem:s9+$0xFFFFFFA0] =	vst v1;
	v1 =	vmul.f32 v49, v31  }
0x1b4: {  	v54 =	vld [tilespmem:s9+$0x20];
	[tilespmem:s9+$0xFFFFFFB0] =	vst v2;
	v2 =	vmul.f32 v50, v31  }
0x1b5: {  	[tilespmem:s9+$0xFFFFFFC0] =	vst v1;
	v1 =	vmul.f32 v3, v31;
	v3 =	vld [tilespmem:s9+$0x30]  }
0x1b6: {  	v55 =	vld [tilespmem:s9+$0x40];
	[tilespmem:s9+$0xFFFFFFD0] =	vst v2;
	v2 =	vmul.f32 v51, v31  }
0x1b7: {  	v56 =	vld [tilespmem:s9+$0x50];
	[tilespmem:s9+$0xFFFFFFE0] =	vst v1;
	v1 =	vmul.f32 v52, v32  }
0x1b8: {  	v57 =	vld [tilespmem:s9+$0x60];
	[tilespmem:s9+$0xFFFFFFF0] =	vst v2;
	v2 =	vmul.f32 v53, v32  }
0x1b9: {  	v58 =	vld [tilespmem:s9+$0x80];
	[tilespmem:s9+$0x0] =	vst v1;
	v1 =	vmul.f32 v54, v32  }
0x1ba: {  	[tilespmem:s9+$0x10] =	vst v2;
	v2 =	vmul.f32 v3, v32;
	v3 =	vld [tilespmem:s9+$0x90]  }
0x1bb: {  	v59 =	vld [tilespmem:s9+$0xA0];
	[tilespmem:s9+$0x20] =	vst v1;
	v1 =	vmul.f32 v55, v32  }
0x1bc: {  	v60 =	vld [tilespmem:s9+$0xB0];
	[tilespmem:s9+$0x30] =	vst v2;
	v2 =	vmul.f32 v56, v32  }
0x1bd: {  	v61 =	vld [tilespmem:s9+$0xC0];
	[tilespmem:s9+$0x40] =	vst v1;
	v1 =	vmul.f32 v57, v32  }
0x1be: {  	v62 =	vld [tilespmem:s9+$0xD0];
	[tilespmem:s9+$0x50] =	vst v2;
	v2 =	vmul.f32 v58, v5  }
0x1bf: {  	[tilespmem:s9+$0x60] =	vst v1;
	v1 =	vmul.f32 v3, v5;
	v3 =	vld [tilespmem:s9+$0xE0]  }
0x1c0: {  	v63 =	vld [tilespmem:s9+$0xF0];
	[tilespmem:s9+$0x80] =	vst v2;
	v2 =	vmul.f32 v59, v5  }
0x1c1: {  	[tilespmem:s9+$0x90] =	vst v1;
	v1 =	vmul.f32 v60, v5  }
0x1c2: {  	[tilespmem:s9+$0xA0] =	vst v2;
	v2 =	vmul.f32 v61, v5  }
0x1c3: {  	[tilespmem:s9+$0xB0] =	vst v1;
	v1 =	vmul.f32 v62, v5  }
0x1c4: {  	[tilespmem:s9+$0xC0] =	vst v2;
	v2 =	vmul.f32 v3, v5  }
0x1c5: {  	[tilespmem:s9+$0xD0] =	vst v1;
	v1 =	vmul.f32 v63, v5  }
0x1c6: {  	[tilespmem:s9+$0xE0] =	vst v2  }
0x1c7: {  	[tilespmem:s9+$0xF0] =	vst v1  }
0x1c8: {  	[spmem:s3] =	stream.indirect.scatter.add.f32 [tilespmem:s22], [sflag:$0x3], $0x80, s19, s21, $0xb8;
	[tilespmem:$0x1E600] =	vst v63  }
0x1c9: {  	s14 =	stileid.u32;
	_ =	swait.ge [sflag:s29], $0x4000  }
0x1ca: {  	s15 =	sshrl.u32 s10, $0x3;
	s2 =	sadd.s32 $0x1, s2;
	[sflag:s29] =	ssyncset.done $0x0  }
0x1cb: {  	p0 =	sne.s32 s2, s17;
	s0 =	sshll.u32 s14, $0x6;
	[sflag:s29] =	ssyncadd.s32 $0xFFFFC000  }
.Ltmp5:
0x1cc: {  	s0 =	sor.u32 $0x1C06, s0;
	[bflag:$0x0] =	sbarrier.arrive $0xFFFF;
	(pc) =	sbr.rel @p0 .LBB2_1-.Ltmp5, $4  }
0x1cd: {  	[hbm:s16], [sflag:s0] =	dma.local [spmem:s15], $0x2780  }
0x1ce: {  	_ =	swait.ge [sflag:s18], $0x2780  }
0x1cf: {  	[sflag:s18] =	ssyncset.done $0x0  }
0x1d0: {  	[sflag:s18] =	ssyncadd.s32 $0xFFFFD880  }
0x1d1: {  	_ =	sfence.sel $0x180000  }
0x1d2: {  	[bflag:$0x0] =	sbarrier.arrive $0xFFFF  }
0x1d3: {  	_ =	strace $0x9000004A  }
0x1d4: {  	s0 =	stileid.u32;
	[bflag:$0x2] =	sbarrier.arrive $0xFFFF  }
0x1d5: {  	p0 =	sne.s32 s0, $0x0;
	s0 =	rddreg [dreg:$0x3]  }
0x1d6: {  	s0 =	sadd.s32 @!p0 $0x100000, s0  }
0x1d7: {  	[sflag:s0] =	ssyncadd.tile.s32 @!p0 $0x1;
	_ =	shalt  }
.Lfunc_end2:
_tile_overlayer_lowered:
.L_overlay_start_2:
0x1d8: {  	(tag) =	ssettag $0x2  }
0x1d9: {  	s0 =	rddreg [dreg:$0x0];
	s2 =	stileid.u32  }
0x1da: {  	s1 =	rddreg [dreg:$0x1];
	p0 =	sne.s32 s2, $0x0  }
0x1db: {  	s3 =	rddreg [dreg:$0x2];
	[bflag:$0x3] =	sbarrier.arrive $0xFFFF;
	s2 =	simm.s32 @!p0 $0x1C06  }
0x1dc: {  	[timem:s3], [sflag:s2] =	dma.local @!p0 [hbm:s0], s1  }
0x1dd: {  	s0 =	simm.s32 @!p0 $0x6  }
0x1de: {  	_ =	swait.ge @!p0 [sflag:s0], s1  }
0x1df: {  	s1 =	ssub.s32 @!p0 $0x0, s1;
	[sflag:s0] =	ssyncset.done @!p0 $0x0  }
0x1e0: {  	[sflag:s0] =	ssyncadd.s32 @!p0 s1  }
0x1e1: {  	[bflag:$0x3] =	sbarrier.arrive $0xFFFF  }
0x1e2: {  	_ =	shalt  }

// kernel: kernel.14.cloned.1.call-start
scs
__scs_entry_jumppad:
0x0: {  	(pc) =	sbr.rel $0x88, $3  }
0x1: {  	(tag) =	ssettag $0x0;
	lr =	simm.s32 $0x1  }
0x2: {  	[smem:$0x3F96] =	sst lr;
	_ =	strace $0xD0000000  }
0x3: {  	_ = 	snop  }
0x4: {  	_ = 	snop  }
0x5: {  	_ = 	snop  }
0x6: {  	_ = 	snop  }
0x7: {  	_ = 	snop  }
__scs_overlays_trampoline_lowered:
0x8: {  	[smem:$0x3FA5] =	sst s0  }
0x9: {  	[smem:$0x3FA6] =	sst s1  }
0xa: {  	[smem:$0x3FA7] =	sst s2  }
0xb: {  	[smem:$0x3FA8] =	sst s3  }
0xc: {  	[smem:$0x3FA9] =	sst s4  }
0xd: {  	[smem:$0x3FAA] =	sst s5  }
0xe: {  	[smem:$0x3FAB] =	sst s6  }
0xf: {  	[smem:$0x3FAC] =	sst s7  }
0x10: {  	[smem:$0x3FAD] =	sst s8  }
0x11: {  	[smem:$0x3FAE] =	sst s9;
	s0 =	simm.s32 @!p0 $0x0  }
0x12: {  	s1 =	sld [smem:$0x3F94];
	s0 =	simm.s32 @p0 $0x1  }
0x13: {  	[smem:$0x3FAF] =	sst s0;
	s0 =	simm.s32 @!p1 $0x0  }
0x14: {  	s2 =	sld [smem:$0x3F93];
	s0 =	simm.s32 @p1 $0x1  }
0x15: {  	[smem:$0x3FB0] =	sst s0;
	s0 =	simm.s32 @!p2 $0x0  }
0x16: {  	s3 =	sld [smem:$0x3FDB];
	s0 =	simm.s32 @p2 $0x1  }
0x17: {  	s4 =	simm.s32 $0x1BF5;
	[smem:$0x3FB2] =	sst s0  }
0x18: {  	s0 =	sld [smem:$0x3F95];
	_ =	swait.ge [sflag:s4], $0x0  }
0x19: {  	s7 =	sld [smem:$0x3F96]  }
0x1a: {  	s8 =	sadd.s32 $0xFFFFE003, lr  }
0x1b: {  	s9 =	sadd.s32 $0xFFFFFEF7, lr;
	s5 =	simm.s32 $0xFFFFFFFF;
	p2 =	slt.u32 s8, $0xFFFFF086  }
0x1c: {  	p1 =	slt.u32 s9, $0xF7A;
	s5 =	simm.s32 @!p2 $0x0  }
0x1d: {  	s5 =	simm.s32 @p1 $0x1;
	p0 =	seq.s32 s7, s2  }
0x1e: {  	s7 =	smul.u32 @!p0 $0xF7A, s2;
	p2 =	seq.s32 @!p0 s5, $0x0  }
0x1f: {  	s9 =	smul.u32 $0xF7A, s1;
	s8 =	simm.s32 @!p0 $0x1BF5;
	p2 =	por !p2, p0  }
0x20: {  	[sflag:s8] =	ssyncset.s32 @!p0 $0xFFFFF086;
	s6 =	sadd.s32 @!p0 s3, s7;
	s7 =	simm.s32 @!p0 $0x108  }
0x21: {  	s3 =	sadd.s32 s3, s9;
	s6 =	sadd.s32 @!p0 $0x88, s6;
	s7 =	simm.s32 @p2 $0x1082  }
0x22: {  	[simem:s7], [sflag:s8] =	dma.local @!p0 [hbm:s6], $0xF7A  }
0x23: {  	s9 =	sor.u32 $0xD0000000, s2;
	s6 =	simm.s32 $0x108;
	_ =	swait.ge @!p0 [sflag:s8], $0x0  }
0x24: {  	s3 =	sadd.s32 $0x88, s3;
	s6 =	simm.s32 @!p1 $0x1082;
	[sflag:s4] =	ssyncset.s32 $0xFFFFF086  }
0x25: {  	[simem:s6], [sflag:s4] =	dma.local [hbm:s3], $0xF7A  }
0x26: {  	[smem:$0x3F96] =	sst s1;
	(tag) =	ssettag s2;
	_ =	strace s9  }
0x27: {  	s1 =	sld [smem:$0x3FA6]  }
0x28: {  	s2 =	sld [smem:$0x3FA7]  }
0x29: {  	s4 =	sld [smem:$0x3FA9]  }
0x2a: {  	p0 =	seq.s32 s5, $0x0;
	s5 =	sld [smem:$0x3FAA]  }
0x2b: {  	s6 =	sld [smem:$0x3FAB]  }
0x2c: {  	s7 =	sld [smem:$0x3FAC]  }
0x2d: {  	s3 =	simm.s32 $0x108;
	s8 =	sld [smem:$0x3FAD]  }
0x2e: {  	s3 =	simm.s32 @!p0 $0x1082;
	s9 =	sld [smem:$0x3FAE]  }
0x2f: {  	lr =	sadd.s32 s0, s3;
	s0 =	sld [smem:$0x3FA5]  }
0x30: {  	s3 =	sld [smem:$0x3FA8]  }
0x31: {  	[smem:$0x3FB1] =	sst s10  }
0x32: {  	s10 =	sld [smem:$0x3FAF];
	_ =	sdelay $0x3  }
0x33: {  	p0 =	seq.s32 s10, $0x1;
	s10 =	sld [smem:$0x3FB1];
	_ =	sdelay $0x3  }
0x34: {  	[smem:$0x3FB1] =	sst s10  }
0x35: {  	s10 =	sld [smem:$0x3FB0];
	_ =	sdelay $0x3  }
0x36: {  	p1 =	seq.s32 s10, $0x1;
	s10 =	sld [smem:$0x3FB1];
	_ =	sdelay $0x3  }
0x37: {  	[smem:$0x3FB1] =	sst s10  }
0x38: {  	s10 =	sld [smem:$0x3FB2]  }
0x39: {  	_ = 	snop;
	(pc) =	sbr.ind lr, $3  }
0x3a: {  	_ = 	snop  }
0x3b: {  	_ = 	snop  }
0x3c: {  	p2 =	seq.s32 s10, $0x1;
	s10 =	sld [smem:$0x3FB1]  }
0x3d: {  	_ =	shalt  }
0x3e: {  	_ =	shalt  }
0x3f: {  	_ =	shalt  }
0x40: {  	_ =	shalt  }
0x41: {  	_ =	shalt  }
0x42: {  	_ =	shalt  }
0x43: {  	_ =	shalt  }
0x44: {  	_ =	shalt  }
0x45: {  	_ =	shalt  }
0x46: {  	_ =	shalt  }
0x47: {  	_ =	shalt  }
0x48: {  	_ =	shalt  }
0x49: {  	_ =	shalt  }
0x4a: {  	_ =	shalt  }
0x4b: {  	_ =	shalt  }
0x4c: {  	_ =	shalt  }
0x4d: {  	_ =	shalt  }
0x4e: {  	_ =	shalt  }
0x4f: {  	_ =	shalt  }
0x50: {  	_ =	shalt  }
0x51: {  	_ =	shalt  }
0x52: {  	_ =	shalt  }
0x53: {  	_ =	shalt  }
0x54: {  	_ =	shalt  }
0x55: {  	_ =	shalt  }
0x56: {  	_ =	shalt  }
0x57: {  	_ =	shalt  }
0x58: {  	_ =	shalt  }
0x59: {  	_ =	shalt  }
0x5a: {  	_ =	shalt  }
0x5b: {  	_ =	shalt  }
0x5c: {  	_ =	shalt  }
0x5d: {  	_ =	shalt  }
0x5e: {  	_ =	shalt  }
0x5f: {  	_ =	shalt  }
0x60: {  	_ =	shalt  }
0x61: {  	_ =	shalt  }
0x62: {  	_ =	shalt  }
0x63: {  	_ =	shalt  }
0x64: {  	_ =	shalt  }
0x65: {  	_ =	shalt  }
0x66: {  	_ =	shalt  }
0x67: {  	_ =	shalt  }
0x68: {  	_ =	shalt  }
0x69: {  	_ =	shalt  }
0x6a: {  	_ =	shalt  }
0x6b: {  	_ =	shalt  }
0x6c: {  	_ =	shalt  }
0x6d: {  	_ =	shalt  }
0x6e: {  	_ =	shalt  }
0x6f: {  	_ =	shalt  }
0x70: {  	_ =	shalt  }
0x71: {  	_ =	shalt  }
0x72: {  	_ =	shalt  }
0x73: {  	_ =	shalt  }
0x74: {  	_ =	shalt  }
0x75: {  	_ =	shalt  }
0x76: {  	_ =	shalt  }
0x77: {  	_ =	shalt  }
0x78: {  	_ =	shalt  }
0x79: {  	_ =	shalt  }
0x7a: {  	_ =	shalt  }
0x7b: {  	_ =	shalt  }
0x7c: {  	_ =	shalt  }
0x7d: {  	_ =	shalt  }
0x7e: {  	_ =	shalt  }
0x7f: {  	_ =	shalt  }
0x80: {  	_ =	shalt  }
0x81: {  	_ =	shalt  }
0x82: {  	_ =	shalt  }
0x83: {  	_ =	shalt  }
0x84: {  	_ =	shalt  }
0x85: {  	_ =	shalt  }
0x86: {  	_ =	shalt  }
0x87: {  	_ =	shalt  }
.Lfunc_end0:
.L_simem_size_0:
called_computation.2_lowered:
.L_overlay_start_0:
0x88: {  	s2 =	sld [smem:$0x3FD9]  }
0x89: {  	s3 =	sld [smem:$0x3FFE];
	_ =	sdelay $0x1  }
0x8a: {  	s1 =	srdreg.scid  }
0x8b: {  	s0 =	sand.u32 $0x1, s1  }
0x8c: {  	s17 =	sshll.u32 s0, $0xA;
	s2 =	sadd.s32 s3, s2  }
0x8d: {  	s2 =	sadd.s32 s2, s17  }
0x8e: {  	[smem:$0x3FBD] =	sst s2  }
0x8f: {  	_ = 	snop  }
0x90: {  	s2 =	sld [smem:$0x3FD0];
	(tm) =	ssettm $0x1  }
0x91: {  	s18 =	sld [smem:$0x3FFB];
	_ =	sdelay $0x3  }
0x92: {  	_ =	strace s18  }
0x93: {  	s3 =	sld [smem:$0x3FFC];
	_ =	sdelay $0x3  }
0x94: {  	_ =	strace s3  }
0x95: {  	s3 =	sld [smem:$0x3FFD];
	_ =	sdelay $0x3  }
0x96: {  	_ =	strace s3  }
0x97: {  	_ =	strace $0x8FFFFFFF  }
0x98: {  	s19 =	sld [smem:$0x3FDB];
	_ =	sdelay $0x1  }
0x99: {  	s4 =	simm.s32 $_scs_section_size  }
0x9a: {  	s5 =	simm.s32 $_size__tile_overlayer_lowered;
	s6 =	simm.s32 $_tile_overlayer_lowered  }
0x9b: {  	s22 =	simm.s32 $0x1BFF;
	s21 =	sshll.u32 s6, $0x1;
	s3 =	sadd.s32 s4, s19  }
0x9c: {  	s7 =	simm.s32 $0x0;
	s20 =	sshll.u32 s5, $0x1;
	s5 =	sadd.s32 s21, s3  }
0x9d: {  	[timem:s7], [sflag:s22] =	dma.local [hbm:s5], s20  }
0x9e: {  	_ =	swait.ge [sflag:s22], s20  }
0x9f: {  	s4 =	ssub.s32 $0x0, s20;
	[sflag:s22] =	ssyncset.done $0x0  }
0xa0: {  	[sflag:s22] =	ssyncadd.s32 s4;
	_ =	sdelay $0x1  }
0xa1: {  	s23 =	simm.s32 $0x1B8B  }
0xa2: {  	_ =	swait.ge [sflag:s23], $0x1  }
0xa3: {  	[sflag:s23] =	ssyncset.done $0x0  }
0xa4: {  	s25 =	simm.s32 $0x1B8E;
	s24 =	sld [smem:$0x3FFE];
	[sflag:s23] =	ssyncadd.s32 $0xFFFFFFFF  }
0xa5: {  	s26 =	simm.s32 $execute0_lowered;
	[smem:$0x3FD2] =	sst s25  }
0xa6: {  	s5 =	sshll.u32 s26, $0x1;
	_ =	strace $0x8000004C;
	[dreg:$0x1] =	wrdreg $0xFFFFFFFF  }
0xa7: {  	s28 =	simm.s32 $_size_execute0_lowered;
	s3 =	sadd.s32 s3, s5;
	[dreg:$0x0] =	wrdreg $0x0  }
0xa8: {  	s5 =	sshll.u32 s28, $0x1;
	[dreg:$0x2] =	wrdreg s3  }
0xa9: {  	[dreg:$0x3] =	wrdreg s5  }
0xaa: {  	[dreg:$0x4] =	wrdreg $0xC0  }
0xab: {  	_ =	task [dreg:s7], $0x5FFFF  }
0xac: {  	[dreg:$0x1] =	wrdreg $0xFFFFFFFF  }
0xad: {  	[dreg:$0x0] =	wrdreg $0x60  }
0xae: {  	[dreg:$0x2] =	wrdreg s2  }
0xaf: {  	[dreg:$0x3] =	wrdreg s24  }
0xb0: {  	[dreg:$0x4] =	wrdreg $0xAA000  }
0xb1: {  	[dreg:$0x5] =	wrdreg $0x9  }
0xb2: {  	_ =	task.clear_ibuf [dreg:s7], $0x6FFFF;
	_ =	strace $0x9000004C  }
0xb3: {  	s29 =	simm.s32 $0x9;
	_ =	strace $0x8000004E  }
0xb4: {  	_ =	swait.ge [sflag:s29], $0x1  }
0xb5: {  	[sflag:s29] =	ssyncadd.s32 $0xFFFFFFFF  }
0xb6: {  	_ =	strace $0x9000004E  }
0xb7: {  	_ =	sfence  }
0xb8: {  	s30 =	sld [smem:$0x0];
	_ =	sdelay $0x2  }
0xb9: {  	s31 =	sshll.u32 s1, $0xD;
	s1 =	sshrl.u32 s1, $0x2  }
0xba: {  	s3 =	sand.u32 $0x4000, s31;
	s1 =	sadd.s32 s1, s30  }
0xbb: {  	s0 =	sor.u32 s3, s0;
	s1 =	sshll.u32 s1, $0x11  }
0xbc: {  	s0 =	sor.u32 s1, s0  }
0xbd: {  	s0 =	sadd.s32 $0x8F2B, s0  }
0xbe: {  	[sflag:s0] =	ssyncadd.remote.s32 $0x1  }
0xbf: {  	_ =	sfence.sel $0xFFFF  }
0xc0: {  	[dreg:$0x0] =	wrdreg $0xFFFFFFFF;
	(pc) =	sbr.abs _section_cstart, $3  }
0xc1: {  	[dreg:$0x1] =	wrdreg $0xFFFFFFFF  }
0xc2: {  	_ =	task.clear_ibuf [dreg:s7], $0x2FFFF;
	_ =	strace $0x9FFFFFFF  }
0xc3: {  	(tm) =	ssettm $0x7FFFFFFF  }
tec
execute0_lowered:
.L_overlay_start_1:
0x0: {  	(tag) =	ssettag $0x1  }
0x1: {  	s1 =	rddreg [dreg:$0x0]  }
0x2: {  	s0 =	srdreg.scid;
	s8 =	rddreg [dreg:$0x1]  }
0x3: {  	s11 =	stileid.u32;
	s3 =	rddreg [dreg:$0x2];
	s5 =	simm.s32 $0x0  }
0x4: {  	s18 =	simm.s32 $0x6;
	s28 =	simm.s32 $0x4;
	s29 =	simm.s32 $0x3  }
0x5: {  	s30 =	simm.s32 $0x2;
	s31 =	simm.s32 $0x5;
	s0 =	sand.u32 $0x1, s0  }
0x6: {  	[smem:$0x7FF] =	sst s5;
	s7 =	smul.u32 $0x13C00, s11;
	s6 =	sadd.s32 $0xD000, s8  }
0x7: {  	s2 =	sshll.u32 s0, $0x4;
	s19 =	smul.u32 $0x13C000, s0;
	_ =	strace $0x8000004D  }
0x8: {  	s0 =	ssub.s32 $0x2, s0;
	s2 =	sor.u32 s11, s2;
	s11 =	smul.u32 $0x4F000, s11  }
0x9: {  	s12 =	sshrl.u32 s0, $0x1;
	s4 =	smul.u32 $0x2800, s2;
	s2 =	sadd.s32 s7, s19  }
0xa: {  	s7 =	sadd.s32 $0x3000, s8;
	s0 =	ssub.s32 s0, s12;
	s19 =	simm.s32 $0x2800  }
0xb: {  	s2 =	sshrl.u32 s2, $0x3;
	s20 =	sshrl.u32 s11, $0x2;
	s9 =	sshrl.u32 s4, $0x3  }
0xc: {  	s17 =	smax.u32 s0, $0x1;
	s10 =	sadd.s32 s9, s8;
	s21 =	sadd.s32 s6, s9  }
0xd: {  	s2 =	sadd.s32 s2, s8;
	s10 =	sadd.s32 $0x17000, s10;
	[dreg:$0x5] =	wrdreg s21  }
0xe: {  	s22 =	sadd.s32 s7, s9;
	[dreg:$0x4] =	wrdreg s10;
	s10 =	sadd.s32 s20, s3  }
0xf: {  	s16 =	sadd.s32 $0x21000, s2;
	[dreg:$0x6] =	wrdreg s22;
	s23 =	sadd.s32 $0x4000, s10  }
0x10: {  	s2 =	simm.s32 $0x0;
	s24 =	sadd.s32 $0x8000, s10;
	[dreg:$0x7] =	wrdreg s23  }
0x11: {  	s21 =	simm.s32 $0x80;
	s25 =	sadd.s32 $0xC000, s10;
	[dreg:$0x8] =	wrdreg s24  }
0x12: {  	s22 =	simm.s32 $0x2A00;
	s26 =	sadd.s32 $0x10000, s10;
	[dreg:$0x9] =	wrdreg s25  }
0x13: {  	s20 =	simm.s32 $0x2900;
	[dreg:$0xa] =	wrdreg s26;
	s23 =	simm.s32 $0x6A00  }
0x14: {  	v0 =	vimm.f32 $0.0e+00;
	s24 =	simm.s32 $0x2880;
	s25 =	simm.s32 $0x2980;
	s26 =	simm.s32 $0x1  }
.LBB2_1:
0x15: {  	s0 =	rddreg [dreg:$0x4]  }
0x16: {  	[tilespmem:s5], [sflag:$0x6] =	stream.linear.gather [hbm4b:s0+s5], $0x2780, $0x38;
	[tilespmem:$0x1E600] =	vst v63  }
0x17: {  	_ =	swait.ge [sflag:s18], $0x2780  }
0x18: {  	[sflag:s18] =	ssyncset.done $0x0  }
0x19: {  	s15 =	sand.u32 $0xFE00, s5;
	s13 =	rddreg [dreg:$0x5];
	[sflag:s18] =	ssyncadd.s32 $0xFFFFD880  }
0x1a: {  	[tilespmem:s19], [sflag:$0x4] =	stream.linear.gather [hbm4b:s13+s5], $0x80, $0x38;
	[tilespmem:$0x1E600] =	vst v63  }
0x1b: {  	s8 =	sand.u32 $0x70, s5;
	s9 =	sshrl.u32 s15, $0x2;
	s14 =	rddreg [dreg:$0x6]  }
0x1c: {  	[tilespmem:s20], [sflag:$0x4] =	stream.linear.gather [hbm4b:s14+s5], $0x80, $0x38;
	[tilespmem:$0x1E600] =	vst v63  }
0x1d: {  	s0 =	simm.s32 $0x40;
	s9 =	sor.u32 s8, s9;
	s8 =	simm.s32 $0x0  }
0x1e: {  	[tilespmem:s22], [sflag:$0x1] =	stream.indirect.gather [hbm4b:s1+s21], $0x80, s5, s21, $0xb8;
	[tilespmem:$0x1E600] =	vst v63  }
.LBB2_2:
0x1f: {  	p0 =	sne.s32 s0, $0xFFC0  }
0x20: {  	[tilespmem:s9+$0x6A00] =	vst v0;
	s8 =	sadd.s32 $0x10, s8;
	s9 =	smov.u32 s0;
	s0 =	sadd.s32 $0x40, s0  }
.Ltmp0:
0x21: {  	(pc) =	sbr.rel @p0 .LBB2_2-.Ltmp0, $4  }
0x22: {  	_ = 	snop  }
0x23: {  	s9 =	sand.u32 $0xFE00, s9  }
0x24: {  	s11 =	sand.u32 $0x70, s8;
	s9 =	sshrl.u32 s9, $0x2  }
0x25: {  	s9 =	sor.u32 s11, s9  }
0x26: {  	[tilespmem:s9+$0x6A00] =	vst v0  }
0x27: {  	[spmem:s10] =	stream.linear.scatter [tilespmem:s23], [sflag:$0x6], $0x4000, $0x38;
	[tilespmem:$0x1E600] =	vst v63  }
0x28: {  	_ =	swait.ge [sflag:s18], $0x4000  }
0x29: {  	[sflag:s18] =	ssyncset.done $0x0  }
0x2a: {  	s0 =	rddreg [dreg:$0x7];
	[sflag:s18] =	ssyncadd.s32 $0xFFFFC000  }
0x2b: {  	[spmem:s0] =	stream.linear.scatter [tilespmem:s23], [sflag:$0x6], $0x4000, $0x38;
	[tilespmem:$0x1E600] =	vst v63  }
0x2c: {  	_ =	swait.ge [sflag:s18], $0x4000  }
0x2d: {  	[sflag:s18] =	ssyncset.done $0x0  }
0x2e: {  	s13 =	rddreg [dreg:$0x8];
	[sflag:s18] =	ssyncadd.s32 $0xFFFFC000  }
0x2f: {  	[spmem:s13] =	stream.linear.scatter [tilespmem:s23], [sflag:$0x6], $0x4000, $0x38;
	[tilespmem:$0x1E600] =	vst v63  }
0x30: {  	_ =	swait.ge [sflag:s18], $0x4000  }
0x31: {  	[sflag:s18] =	ssyncset.done $0x0  }
0x32: {  	s14 =	rddreg [dreg:$0x9];
	[sflag:s18] =	ssyncadd.s32 $0xFFFFC000  }
0x33: {  	[spmem:s14] =	stream.linear.scatter [tilespmem:s23], [sflag:$0x6], $0x4000, $0x38;
	[tilespmem:$0x1E600] =	vst v63  }
0x34: {  	_ =	swait.ge [sflag:s18], $0x4000  }
0x35: {  	[sflag:s18] =	ssyncset.done $0x0  }
0x36: {  	s15 =	rddreg [dreg:$0xa];
	[sflag:s18] =	ssyncadd.s32 $0xFFFFC000  }
0x37: {  	[spmem:s15] =	stream.linear.scatter [tilespmem:s23], [sflag:$0x6], $0x3C00, $0x38;
	[tilespmem:$0x1E600] =	vst v63  }
0x38: {  	_ =	swait.ge [sflag:s18], $0x3C00  }
0x39: {  	[sflag:s18] =	ssyncset.done $0x0  }
0x3a: {  	[sflag:s18] =	ssyncadd.s32 $0xFFFFC400  }
0x3b: {  	s8 =	simm.s32 $0x0;
	s0 =	simm.s32 $0x0;
	[bflag:$0x0] =	sbarrier.arrive $0xFFFF  }
.LBB2_4:
0x3c: {  	s9 =	sshll.u32 s8, $0x8  }
0x3d: {  	s11 =	sand.u32 $0x3C00, s9;
	s9 =	sor.u32 $0x80, s9  }
0x3e: {  	s11 =	sadd.s32 s4, s11;
	s12 =	sand.u32 $0x380, s9  }
0x3f: {  	s11 =	sor.u32 s11, s12  }
0x40: {  	s11 =	sshrl.u32 s11, $0x3  }
0x41: {  	s15 =	sadd.s32 s6, s11  }
0x42: {  	[tilespmem:s24], [sflag:$0x5] =	stream.linear.gather [hbm4b:s15+s0], $0x80, $0x38;
	[tilespmem:$0x1E600] =	vst v63  }
0x43: {  	s11 =	sadd.s32 s7, s11  }
0x44: {  	[tilespmem:s25], [sflag:$0x5] =	stream.linear.gather [hbm4b:s11+s0], $0x80, $0x38;
	[tilespmem:$0x1E600] =	vst v63  }
0x45: {  	s9 =	sand.u32 $0x3FFFFF80, s9  }
0x46: {  	[tilespmem:s23], [sflag:$0x2] =	stream.indirect.gather [hbm4b:s1+s21], $0x80, s9, s21, $0xb8;
	[tilespmem:$0x1E600] =	vst v63  }
0x47: {  	_ =	swait.ge [sflag:s26], $0x4000  }
0x48: {  	v1 =	vmov s0;
	s11 =	simm.s32 $0x2;
	[sflag:s26] =	ssyncset.done $0x0  }
0x49: {  	v1 =	vand.u32 $0xFFFFFFFC, v1;
	v2 =	vmov s11;
	[sflag:s26] =	ssyncadd.s32 $0xFFFFC000  }
0x4a: {  	v1 =	vbroadcast v1, $0x0;
	v2 =	vand.u32 $0xFFFFFFFE, v2;
	_ =	swait.ge [sflag:s28], $0x80  }
0x4b: {  	v2 =	vbroadcast v2, $0x0;
	[sflag:s28] =	ssyncset.done $0x0  }
0x4c: {  	[sflag:s28] =	ssyncadd.s32 $0xFFFFFF80  }
0x4d: {  	_ =	swait.ge [sflag:s28], $0x80  }
0x4e: {  	[sflag:s28] =	ssyncset.done $0x0  }
0x4f: {  	[sflag:s28] =	ssyncadd.s32 $0xFFFFFF80  }
0x50: {  	v1 =	vld.idx.msk [tilespmem:v1+s20+$0x0], $0xffff  }
0x51: {  	s12 =	simm.s32 $0x1;
	s11 =	simm.s32 $0x2B00;
	v2 =	vld.idx.msk [tilespmem:v2+s20+$0x0], $0xffff  }
0x52: {  	v3 =	vmov s12;
	v4 =	vld [tilespmem:s11+$0x70]  }
0x53: {  	v3 =	vand.u32 $0xFFFFFFFD, v3;
	v5 =	vld [tilespmem:s11+$0xFFFFFF00]  }
0x54: {  	v3 =	vbroadcast v3, $0x0;
	v6 =	vld [tilespmem:s11+$0xFFFFFF10]  }
0x55: {  	v7 =	vld [tilespmem:s11+$0xFFFFFF20]  }
0x56: {  	v8 =	vld [tilespmem:s11+$0xFFFFFF30]  }
0x57: {  	v9 =	vld [tilespmem:s11+$0xFFFFFF40]  }
0x58: {  	v10 =	vld [tilespmem:s11+$0xFFFFFF50]  }
0x59: {  	v11 =	vld [tilespmem:s11+$0xFFFFFF60];
	v5 =	vmul.f32 v5, v1  }
0x5a: {  	v3 =	vld.idx.msk [tilespmem:v3+s20+$0x0], $0xffff;
	v4 =	vmul.f32 v4, v2  }
0x5b: {  	v13 =	vld [tilespmem:s11+$0x40];
	[tilespmem:s11+$0xFFFFFF00] =	vst v5;
	v5 =	vmul.f32 v6, v1  }
0x5c: {  	v6 =	vld [tilespmem:s11+$0xFFFFFF70];
	[tilespmem:s11+$0x70] =	vst v4;
	v4 =	vmul.f32 v7, v1  }
0x5d: {  	v7 =	vld [tilespmem:s11+$0xFFFFFF80];
	[tilespmem:s11+$0xFFFFFF10] =	vst v5;
	v5 =	vmul.f32 v8, v1  }
0x5e: {  	v8 =	vld [tilespmem:s11+$0xFFFFFF90];
	[tilespmem:s11+$0xFFFFFF20] =	vst v4;
	v4 =	vmul.f32 v9, v1  }
0x5f: {  	v9 =	vld [tilespmem:s11+$0xFFFFFFA0];
	[tilespmem:s11+$0xFFFFFF30] =	vst v5;
	v5 =	vmul.f32 v10, v1  }
0x60: {  	v10 =	vld [tilespmem:s11+$0xFFFFFFB0];
	[tilespmem:s11+$0xFFFFFF40] =	vst v4;
	v4 =	vmul.f32 v11, v1  }
0x61: {  	v11 =	vld [tilespmem:s11+$0xFFFFFFC0];
	v6 =	vmul.f32 v6, v1;
	[tilespmem:s11+$0xFFFFFF50] =	vst v5  }
0x62: {  	v5 =	vmul.f32 v7, v3;
	v7 =	vld [tilespmem:s11+$0xFFFFFFD0];
	[tilespmem:s11+$0xFFFFFF60] =	vst v4  }
0x63: {  	s13 =	simm.s32 $0x3;
	v4 =	vld [tilespmem:s11+$0xFFFFFFE0];
	v8 =	vmul.f32 v8, v3;
	[tilespmem:s11+$0xFFFFFF70] =	vst v6  }
0x64: {  	v12 =	vmov s13;
	v6 =	vld [tilespmem:s11+$0xFFFFFFF0];
	[tilespmem:s11+$0xFFFFFF80] =	vst v5;
	v5 =	vmul.f32 v9, v3  }
0x65: {  	v9 =	vld [tilespmem:s11+$0x0];
	[tilespmem:s11+$0xFFFFFF90] =	vst v8;
	v8 =	vmul.f32 v10, v3  }
0x66: {  	v10 =	vld [tilespmem:s11+$0x10];
	[tilespmem:s11+$0xFFFFFFA0] =	vst v5;
	v5 =	vmul.f32 v11, v3  }
0x67: {  	[tilespmem:s11+$0xFFFFFFB0] =	vst v8;
	v7 =	vmul.f32 v7, v3;
	v8 =	vld [tilespmem:s11+$0x20]  }
0x68: {  	v11 =	vld [tilespmem:s11+$0x30];
	v4 =	vmul.f32 v4, v3;
	[tilespmem:s11+$0xFFFFFFC0] =	vst v5  }
0x69: {  	v1 =	vld.idx.msk [tilespmem:v12+s20+$0x0], $0xffff;
	v3 =	vmul.f32 v6, v3;
	[tilespmem:s11+$0xFFFFFFD0] =	vst v7  }
0x6a: {  	[tilespmem:s11+$0xFFFFFFE0] =	vst v4;
	v5 =	vmul.f32 v9, v2;
	v4 =	vld [tilespmem:s11+$0x50]  }
0x6b: {  	s14 =	simm.s32 $0x4;
	[tilespmem:s11+$0xFFFFFFF0] =	vst v3;
	v6 =	vmul.f32 v10, v2;
	v3 =	vld [tilespmem:s11+$0x60]  }
0x6c: {  	s15 =	simm.s32 $0x7;
	v7 =	vmov s14;
	[tilespmem:s11+$0x0] =	vst v5;
	v9 =	vmul.f32 v8, v2;
	v8 =	vld [tilespmem:s11+$0x80]  }
0x6d: {  	s13 =	simm.s32 $0x5;
	s12 =	simm.s32 $0x2B00;
	v12 =	vand.u32 $0xFFFFFFFC, v7;
	v7 =	vld [tilespmem:s11+$0x90];
	v5 =	vmov s15;
	v10 =	vmul.f32 v11, v2;
	[tilespmem:s11+$0x10] =	vst v6  }
0x6e: {  	s9 =	sshll.u32 s8, $0x1;
	s14 =	simm.s32 $0x6;
	v11 =	vmul.f32 v13, v2;
	v6 =	vbroadcast v12, $0x0;
	v12 =	vmov s13;
	s13 =	simm.s32 $0x8;
	[tilespmem:s11+$0x20] =	vst v9;
	v9 =	vld [tilespmem:s11+$0xA0]  }
.LBB2_5:
0x6f: {  	p0 =	slt.u32 s13, $0x7C;
	v12 =	vand.u32 $0xFFFFFFFD, v12;
	v13 =	vmov s14;
	[tilespmem:s11+$0x30] =	vst v10;
	v4 =	vmul.f32 v4, v2;
	v10 =	vld [tilespmem:s11+$0xB0]  }
0x70: {  	v12 =	vbroadcast v12, $0x0;
	v13 =	vand.u32 $0xFFFFFFFE, v13;
	[tilespmem:s11+$0x40] =	vst v11;
	v2 =	vmul.f32 v3, v2;
	v3 =	vld [tilespmem:s11+$0xC0]  }
0x71: {  	v11 =	vbroadcast v13, $0x0;
	[tilespmem:s11+$0x50] =	vst v4;
	v4 =	vmul.f32 v8, v1;
	v8 =	vld [tilespmem:s11+$0xD0]  }
0x72: {  	[tilespmem:s11+$0x60] =	vst v2;
	v2 =	vmul.f32 v7, v1;
	v7 =	vld [tilespmem:s11+$0xE0]  }
0x73: {  	[tilespmem:s11+$0x80] =	vst v4;
	v4 =	vmul.f32 v9, v1;
	v9 =	vld [tilespmem:s11+$0xF0]  }
0x74: {  	v5 =	vld.idx.msk [tilespmem:v5+s20+$0x0], $0xffff;
	[tilespmem:s11+$0x90] =	vst v2;
	v2 =	vmul.f32 v10, v1  }
0x75: {  	v6 =	vld.idx.msk [tilespmem:v6+s20+$0x0], $0xffff;
	[tilespmem:s11+$0xA0] =	vst v4;
	v3 =	vmul.f32 v3, v1  }
0x76: {  	v4 =	vld.idx.msk [tilespmem:v12+s20+$0x0], $0xffff;
	[tilespmem:s11+$0xB0] =	vst v2;
	v8 =	vmul.f32 v8, v1  }
0x77: {  	s11 =	sadd.s32 $0x200, s11;
	v2 =	vld.idx.msk [tilespmem:v11+s20+$0x0], $0xffff;
	[tilespmem:s12+$0xC0] =	vst v3;
	v3 =	vmul.f32 v7, v1  }
0x78: {  	v7 =	vld [tilespmem:s11+$0x70];
	[tilespmem:s12+$0xD0] =	vst v8;
	v9 =	vmul.f32 v9, v1  }
0x79: {  	v8 =	vld [tilespmem:s11+$0xFFFFFF00];
	[tilespmem:s12+$0xE0] =	vst v3  }
0x7a: {  	v1 =	vmov v5;
	v3 =	vld [tilespmem:s11+$0xFFFFFF10];
	[tilespmem:s12+$0xF0] =	vst v9;
	s12 =	smov.u32 s11  }
0x7b: {  	v5 =	vld [tilespmem:s11+$0xFFFFFF20]  }
0x7c: {  	v9 =	vld [tilespmem:s11+$0xFFFFFF30]  }
0x7d: {  	v10 =	vld [tilespmem:s11+$0xFFFFFF40];
	v7 =	vmul.f32 v7, v2  }
0x7e: {  	v8 =	vmul.f32 v8, v6;
	v11 =	vld [tilespmem:s11+$0xFFFFFF50]  }
0x7f: {  	v3 =	vmul.f32 v3, v6;
	v12 =	vld [tilespmem:s11+$0xFFFFFF60];
	[tilespmem:s11+$0x70] =	vst v7  }
0x80: {  	[tilespmem:s11+$0xFFFFFF00] =	vst v8;
	v5 =	vmul.f32 v5, v6;
	v7 =	vld [tilespmem:s11+$0xFFFFFF70]  }
0x81: {  	[tilespmem:s11+$0xFFFFFF10] =	vst v3;
	v3 =	vmul.f32 v9, v6;
	v8 =	vld [tilespmem:s11+$0xFFFFFF80]  }
0x82: {  	[tilespmem:s11+$0xFFFFFF20] =	vst v5;
	v5 =	vmul.f32 v10, v6;
	v9 =	vld [tilespmem:s11+$0xFFFFFF90]  }
0x83: {  	[tilespmem:s11+$0xFFFFFF30] =	vst v3;
	v3 =	vmul.f32 v11, v6;
	v10 =	vld [tilespmem:s11+$0xFFFFFFA0]  }
0x84: {  	[tilespmem:s11+$0xFFFFFF40] =	vst v5;
	v5 =	vmul.f32 v12, v6;
	v11 =	vld [tilespmem:s11+$0xFFFFFFB0]  }
0x85: {  	[tilespmem:s11+$0xFFFFFF50] =	vst v3;
	v3 =	vmul.f32 v7, v6;
	v6 =	vld [tilespmem:s11+$0xFFFFFFC0]  }
0x86: {  	[tilespmem:s11+$0xFFFFFF60] =	vst v5;
	v5 =	vmul.f32 v8, v4;
	v7 =	vld [tilespmem:s11+$0xFFFFFFD0]  }
0x87: {  	[tilespmem:s11+$0xFFFFFF70] =	vst v3;
	v3 =	vmul.f32 v9, v4;
	v8 =	vld [tilespmem:s11+$0xFFFFFFE0]  }
0x88: {  	[tilespmem:s11+$0xFFFFFF80] =	vst v5;
	v5 =	vmul.f32 v10, v4;
	v9 =	vld [tilespmem:s11+$0xFFFFFFF0]  }
0x89: {  	[tilespmem:s11+$0xFFFFFF90] =	vst v3;
	v3 =	vmul.f32 v11, v4;
	v10 =	vld [tilespmem:s11+$0x0]  }
0x8a: {  	[tilespmem:s11+$0xFFFFFFA0] =	vst v5;
	v5 =	vmul.f32 v6, v4;
	v6 =	vld [tilespmem:s11+$0x10]  }
0x8b: {  	[tilespmem:s11+$0xFFFFFFB0] =	vst v3;
	v3 =	vmul.f32 v7, v4;
	v7 =	vld [tilespmem:s11+$0x20]  }
0x8c: {  	[tilespmem:s11+$0xFFFFFFC0] =	vst v5;
	v5 =	vmul.f32 v8, v4;
	v11 =	vld [tilespmem:s11+$0x30]  }
0x8d: {  	[tilespmem:s11+$0xFFFFFFD0] =	vst v3;
	v3 =	vmul.f32 v9, v4;
	v9 =	vld [tilespmem:s11+$0x40]  }
.Ltmp1:
0x8e: {  	[tilespmem:s11+$0xFFFFFFE0] =	vst v5;
	v5 =	vmul.f32 v10, v2;
	v4 =	vld [tilespmem:s11+$0x50];
	(pc) =	sbr.rel @p0 .LBB2_5-.Ltmp1, $4  }
0x8f: {  	[tilespmem:s11+$0xFFFFFFF0] =	vst v3;
	v6 =	vmul.f32 v6, v2;
	v3 =	vld [tilespmem:s11+$0x60]  }
0x90: {  	s14 =	sadd.s32 $0x3, s13;
	v10 =	vmov s13;
	[tilespmem:s11+$0x0] =	vst v5;
	v13 =	vmul.f32 v7, v2;
	v8 =	vld [tilespmem:s11+$0x80]  }
0x91: {  	s15 =	sadd.s32 $0x1, s13;
	v12 =	vand.u32 $0xFFFFFFFC, v10;
	v5 =	vmov s14;
	[tilespmem:s11+$0x10] =	vst v6;
	v10 =	vmul.f32 v11, v2;
	v7 =	vld [tilespmem:s11+$0x90]  }
0x92: {  	s14 =	sadd.s32 $0x2, s13;
	s13 =	sadd.s32 $0x4, s13;
	v6 =	vbroadcast v12, $0x0;
	v12 =	vmov s15;
	[tilespmem:s11+$0x20] =	vst v13;
	v11 =	vmul.f32 v9, v2;
	v9 =	vld [tilespmem:s11+$0xA0]  }
0x93: {  	v13 =	vld [tilespmem:s11+$0xB0]  }
0x94: {  	v15 =	vld [tilespmem:s11+$0xC0]  }
0x95: {  	v14 =	vmov s14;
	v16 =	vld [tilespmem:s11+$0xD0]  }
0x96: {  	v17 =	vld [tilespmem:s11+$0xE0];
	[tilespmem:s11+$0x30] =	vst v10;
	v4 =	vmul.f32 v4, v2;
	v14 =	vand.u32 $0xFFFFFFFE, v14  }
0x97: {  	v12 =	vand.u32 $0xFFFFFFFD, v12;
	v5 =	vld.idx.msk [tilespmem:v5+s20+$0x0], $0xffff;
	[tilespmem:s11+$0x40] =	vst v11;
	v2 =	vmul.f32 v3, v2;
	v14 =	vbroadcast v14, $0x0  }
0x98: {  	s13 =	sadd.s32 $0x200, s11;
	v12 =	vbroadcast v12, $0x0;
	v3 =	vld.idx.msk [tilespmem:v6+s20+$0x0], $0xffff;
	v8 =	vmul.f32 v8, v1;
	[tilespmem:s11+$0x50] =	vst v4  }
0x99: {  	v10 =	vld [tilespmem:s13+$0xFFFFFF00];
	v4 =	vmul.f32 v7, v1;
	[tilespmem:s11+$0x60] =	vst v2  }
0x9a: {  	[tilespmem:s11+$0x80] =	vst v8;
	v8 =	vld [tilespmem:s11+$0xF0];
	v2 =	vmul.f32 v9, v1  }
0x9b: {  	v11 =	vld [tilespmem:s13+$0xFFFFFF10];
	[tilespmem:s11+$0x90] =	vst v4;
	v4 =	vmul.f32 v13, v1  }
0x9c: {  	v9 =	vld [tilespmem:s13+$0x70];
	[tilespmem:s11+$0xA0] =	vst v2;
	v2 =	vmul.f32 v15, v1  }
0x9d: {  	[tilespmem:s11+$0xB0] =	vst v4;
	v4 =	vmul.f32 v16, v1;
	v7 =	vld.idx.msk [tilespmem:v14+s20+$0x0], $0xffff  }
0x9e: {  	v6 =	vld.idx.msk [tilespmem:v12+s20+$0x0], $0xffff;
	[tilespmem:s12+$0xC0] =	vst v2;
	v2 =	vmul.f32 v17, v1  }
0x9f: {  	v12 =	vld [tilespmem:s13+$0xFFFFFF20];
	[tilespmem:s12+$0xD0] =	vst v4;
	v1 =	vmul.f32 v8, v1  }
0xa0: {  	v4 =	vld [tilespmem:s13+$0xFFFFFF30];
	[tilespmem:s12+$0xE0] =	vst v2  }
0xa1: {  	v2 =	vld [tilespmem:s13+$0xFFFFFF40];
	[tilespmem:s12+$0xF0] =	vst v1;
	v1 =	vmul.f32 v10, v3  }
0xa2: {  	v8 =	vmul.f32 v9, v7;
	v9 =	vld [tilespmem:s13+$0xFFFFFF50]  }
0xa3: {  	v10 =	vmul.f32 v11, v3;
	v11 =	vld [tilespmem:s13+$0xFFFFFF60];
	[tilespmem:s13+$0xFFFFFF00] =	vst v1  }
0xa4: {  	v1 =	vmul.f32 v12, v3;
	[tilespmem:s13+$0x70] =	vst v8;
	v8 =	vld [tilespmem:s13+$0xFFFFFF70]  }
0xa5: {  	[tilespmem:s13+$0xFFFFFF10] =	vst v10;
	v10 =	vld [tilespmem:s13+$0xFFFFFF80];
	v4 =	vmul.f32 v4, v3  }
0xa6: {  	[tilespmem:s13+$0xFFFFFF20] =	vst v1;
	v1 =	vmul.f32 v2, v3;
	v2 =	vld [tilespmem:s13+$0xFFFFFF90]  }
0xa7: {  	[tilespmem:s13+$0xFFFFFF30] =	vst v4;
	v4 =	vmul.f32 v9, v3;
	v9 =	vld [tilespmem:s13+$0xFFFFFFA0]  }
0xa8: {  	[tilespmem:s13+$0xFFFFFF40] =	vst v1;
	v1 =	vmul.f32 v11, v3;
	v11 =	vld [tilespmem:s13+$0xFFFFFFB0]  }
0xa9: {  	[tilespmem:s13+$0xFFFFFF50] =	vst v4;
	v3 =	vmul.f32 v8, v3;
	v4 =	vld [tilespmem:s13+$0xFFFFFFC0]  }
0xaa: {  	[tilespmem:s13+$0xFFFFFF60] =	vst v1;
	v1 =	vmul.f32 v10, v6;
	v8 =	vld [tilespmem:s13+$0xFFFFFFD0]  }
0xab: {  	v2 =	vmul.f32 v2, v6;
	[tilespmem:s13+$0xFFFFFF70] =	vst v3;
	v3 =	vld [tilespmem:s13+$0xFFFFFFE0]  }
0xac: {  	[tilespmem:s13+$0xFFFFFF80] =	vst v1;
	v1 =	vmul.f32 v9, v6;
	v9 =	vld [tilespmem:s13+$0xFFFFFFF0]  }
0xad: {  	v10 =	vld [tilespmem:s13+$0x0];
	[tilespmem:s13+$0xFFFFFF90] =	vst v2;
	v2 =	vmul.f32 v11, v6  }
0xae: {  	[tilespmem:s13+$0xFFFFFFA0] =	vst v1;
	v1 =	vmul.f32 v4, v6;
	v4 =	vld [tilespmem:s13+$0x10]  }
0xaf: {  	[tilespmem:s13+$0xFFFFFFB0] =	vst v2;
	v2 =	vmul.f32 v8, v6;
	v8 =	vld [tilespmem:s13+$0x20]  }
0xb0: {  	[tilespmem:s13+$0xFFFFFFC0] =	vst v1;
	v1 =	vmul.f32 v3, v6;
	v3 =	vld [tilespmem:s13+$0x30]  }
0xb1: {  	[tilespmem:s13+$0xFFFFFFD0] =	vst v2;
	v2 =	vmul.f32 v9, v6;
	v6 =	vld [tilespmem:s13+$0x40]  }
0xb2: {  	v9 =	vld [tilespmem:s13+$0x50];
	[tilespmem:s13+$0xFFFFFFE0] =	vst v1;
	v1 =	vmul.f32 v10, v7  }
0xb3: {  	[tilespmem:s13+$0xFFFFFFF0] =	vst v2;
	v2 =	vmul.f32 v4, v7;
	v4 =	vld [tilespmem:s13+$0x60]  }
0xb4: {  	[tilespmem:s13+$0x0] =	vst v1;
	v1 =	vmul.f32 v8, v7;
	v8 =	vld [tilespmem:s13+$0x80]  }
0xb5: {  	[tilespmem:s13+$0x10] =	vst v2;
	v2 =	vmul.f32 v3, v7;
	v3 =	vld [tilespmem:s13+$0x90]  }
0xb6: {  	[tilespmem:s13+$0x20] =	vst v1;
	v1 =	vmul.f32 v6, v7;
	v6 =	vld [tilespmem:s13+$0xA0]  }
0xb7: {  	[tilespmem:s13+$0x30] =	vst v2;
	v2 =	vmul.f32 v9, v7;
	v9 =	vld [tilespmem:s13+$0xB0]  }
0xb8: {  	[tilespmem:s13+$0x40] =	vst v1;
	v1 =	vmul.f32 v4, v7;
	v4 =	vld [tilespmem:s13+$0xC0]  }
0xb9: {  	v7 =	vld [tilespmem:s13+$0xD0];
	[tilespmem:s13+$0x50] =	vst v2;
	v2 =	vmul.f32 v8, v5  }
0xba: {  	[tilespmem:s13+$0x60] =	vst v1;
	v1 =	vmul.f32 v3, v5;
	v3 =	vld [tilespmem:s13+$0xE0]  }
0xbb: {  	[tilespmem:s13+$0x80] =	vst v2;
	v2 =	vmul.f32 v6, v5;
	v6 =	vld [tilespmem:s13+$0xF0]  }
0xbc: {  	[tilespmem:s13+$0x90] =	vst v1;
	v1 =	vmul.f32 v9, v5  }
0xbd: {  	[tilespmem:s13+$0xA0] =	vst v2;
	v2 =	vmul.f32 v4, v5  }
0xbe: {  	[tilespmem:s13+$0xB0] =	vst v1;
	v1 =	vmul.f32 v7, v5  }
0xbf: {  	s9 =	sshll.u32 s9, $0x7;
	[tilespmem:s13+$0xC0] =	vst v2;
	v2 =	vmul.f32 v3, v5  }
0xc0: {  	s9 =	sadd.s32 $0x100, s9;
	[tilespmem:s13+$0xD0] =	vst v1;
	v1 =	vmul.f32 v6, v5  }
0xc1: {  	s12 =	sand.u32 $0x7C00, s9;
	[tilespmem:s13+$0xE0] =	vst v2  }
0xc2: {  	s11 =	sadd.s32 s4, s12;
	[tilespmem:s13+$0xF0] =	vst v1;
	s13 =	sand.u32 $0x300, s9  }
0xc3: {  	[spmem:s3] =	stream.indirect.scatter.add.f32 [tilespmem:s22], [sflag:$0x3], $0x80, s19, s21, $0xb8;
	[tilespmem:$0x1E600] =	vst v63  }
0xc4: {  	s11 =	sor.u32 s13, s11;
	_ =	swait.ge [sflag:s29], $0x4000  }
0xc5: {  	s11 =	sshrl.u32 s11, $0x3;
	[sflag:s29] =	ssyncset.done $0x0  }
0xc6: {  	s15 =	simm.s32 $0x0;
	s14 =	sadd.s32 s6, s11;
	[sflag:s29] =	ssyncadd.s32 $0xFFFFC000  }
0xc7: {  	[tilespmem:s19], [sflag:$0x4] =	stream.linear.gather [hbm4b:s14+s15], $0x80, $0x38;
	[tilespmem:$0x1E600] =	vst v63  }
0xc8: {  	s11 =	sadd.s32 s7, s11  }
0xc9: {  	[tilespmem:s20], [sflag:$0x4] =	stream.linear.gather [hbm4b:s11+s15], $0x80, $0x38;
	[tilespmem:$0x1E600] =	vst v63  }
0xca: {  	s9 =	sand.u32 $0x3FFFFF80, s9  }
0xcb: {  	[tilespmem:s22], [sflag:$0x1] =	stream.indirect.gather [hbm4b:s1+s21], $0x80, s9, s21, $0xb8;
	[tilespmem:$0x1E600] =	vst v63  }
0xcc: {  	_ =	swait.ge [sflag:s30], $0x4000  }
0xcd: {  	v1 =	vmov s15;
	s14 =	simm.s32 $0x2;
	[sflag:s30] =	ssyncset.done $0x0  }
0xce: {  	v1 =	vand.u32 $0xFFFFFFFC, v1;
	v2 =	vmov s14;
	[sflag:s30] =	ssyncadd.s32 $0xFFFFC000  }
0xcf: {  	v1 =	vbroadcast v1, $0x0;
	v2 =	vand.u32 $0xFFFFFFFE, v2;
	_ =	swait.ge [sflag:s31], $0x80  }
0xd0: {  	v2 =	vbroadcast v2, $0x0;
	[sflag:s31] =	ssyncset.done $0x0  }
0xd1: {  	[sflag:s31] =	ssyncadd.s32 $0xFFFFFF80  }
0xd2: {  	_ =	swait.ge [sflag:s31], $0x80  }
0xd3: {  	[sflag:s31] =	ssyncset.done $0x0  }
0xd4: {  	[sflag:s31] =	ssyncadd.s32 $0xFFFFFF80  }
0xd5: {  	v1 =	vld.idx.msk [tilespmem:v1+s25+$0x0], $0xffff  }
0xd6: {  	s15 =	simm.s32 $0x1;
	s9 =	simm.s32 $0x6B00;
	v2 =	vld.idx.msk [tilespmem:v2+s25+$0x0], $0xffff  }
0xd7: {  	v3 =	vmov s15;
	v4 =	vld [tilespmem:s9+$0x70]  }
0xd8: {  	v3 =	vand.u32 $0xFFFFFFFD, v3;
	v5 =	vld [tilespmem:s9+$0xFFFFFF00]  }
0xd9: {  	v3 =	vbroadcast v3, $0x0;
	v6 =	vld [tilespmem:s9+$0xFFFFFF10]  }
0xda: {  	v7 =	vld [tilespmem:s9+$0xFFFFFF20]  }
0xdb: {  	v8 =	vld [tilespmem:s9+$0xFFFFFF30]  }
0xdc: {  	v9 =	vld [tilespmem:s9+$0xFFFFFF40]  }
0xdd: {  	v10 =	vld [tilespmem:s9+$0xFFFFFF50]  }
0xde: {  	v11 =	vld [tilespmem:s9+$0xFFFFFF60];
	v5 =	vmul.f32 v5, v1  }
0xdf: {  	v3 =	vld.idx.msk [tilespmem:v3+s25+$0x0], $0xffff;
	v4 =	vmul.f32 v4, v2  }
0xe0: {  	v13 =	vld [tilespmem:s9+$0x40];
	[tilespmem:s9+$0xFFFFFF00] =	vst v5;
	v5 =	vmul.f32 v6, v1  }
0xe1: {  	v6 =	vld [tilespmem:s9+$0xFFFFFF70];
	[tilespmem:s9+$0x70] =	vst v4;
	v4 =	vmul.f32 v7, v1  }
0xe2: {  	v7 =	vld [tilespmem:s9+$0xFFFFFF80];
	[tilespmem:s9+$0xFFFFFF10] =	vst v5;
	v5 =	vmul.f32 v8, v1  }
0xe3: {  	v8 =	vld [tilespmem:s9+$0xFFFFFF90];
	[tilespmem:s9+$0xFFFFFF20] =	vst v4;
	v4 =	vmul.f32 v9, v1  }
0xe4: {  	v9 =	vld [tilespmem:s9+$0xFFFFFFA0];
	[tilespmem:s9+$0xFFFFFF30] =	vst v5;
	v5 =	vmul.f32 v10, v1  }
0xe5: {  	v10 =	vld [tilespmem:s9+$0xFFFFFFB0];
	[tilespmem:s9+$0xFFFFFF40] =	vst v4;
	v4 =	vmul.f32 v11, v1  }
0xe6: {  	v11 =	vld [tilespmem:s9+$0xFFFFFFC0];
	v6 =	vmul.f32 v6, v1;
	[tilespmem:s9+$0xFFFFFF50] =	vst v5  }
0xe7: {  	v5 =	vmul.f32 v7, v3;
	v7 =	vld [tilespmem:s9+$0xFFFFFFD0];
	[tilespmem:s9+$0xFFFFFF60] =	vst v4  }
0xe8: {  	s12 =	simm.s32 $0x3;
	v4 =	vld [tilespmem:s9+$0xFFFFFFE0];
	v8 =	vmul.f32 v8, v3;
	[tilespmem:s9+$0xFFFFFF70] =	vst v6  }
0xe9: {  	v12 =	vmov s12;
	v6 =	vld [tilespmem:s9+$0xFFFFFFF0];
	[tilespmem:s9+$0xFFFFFF80] =	vst v5;
	v5 =	vmul.f32 v9, v3  }
0xea: {  	v9 =	vld [tilespmem:s9+$0x0];
	[tilespmem:s9+$0xFFFFFF90] =	vst v8;
	v8 =	vmul.f32 v10, v3  }
0xeb: {  	v10 =	vld [tilespmem:s9+$0x10];
	[tilespmem:s9+$0xFFFFFFA0] =	vst v5;
	v5 =	vmul.f32 v11, v3  }
0xec: {  	[tilespmem:s9+$0xFFFFFFB0] =	vst v8;
	v7 =	vmul.f32 v7, v3;
	v8 =	vld [tilespmem:s9+$0x20]  }
0xed: {  	v11 =	vld [tilespmem:s9+$0x30];
	v4 =	vmul.f32 v4, v3;
	[tilespmem:s9+$0xFFFFFFC0] =	vst v5  }
0xee: {  	v1 =	vld.idx.msk [tilespmem:v12+s25+$0x0], $0xffff;
	v3 =	vmul.f32 v6, v3;
	[tilespmem:s9+$0xFFFFFFD0] =	vst v7  }
0xef: {  	[tilespmem:s9+$0xFFFFFFE0] =	vst v4;
	v5 =	vmul.f32 v9, v2;
	v4 =	vld [tilespmem:s9+$0x50]  }
0xf0: {  	s13 =	simm.s32 $0x4;
	[tilespmem:s9+$0xFFFFFFF0] =	vst v3;
	v6 =	vmul.f32 v10, v2;
	v3 =	vld [tilespmem:s9+$0x60]  }
0xf1: {  	s14 =	simm.s32 $0x7;
	v7 =	vmov s13;
	[tilespmem:s9+$0x0] =	vst v5;
	v9 =	vmul.f32 v8, v2;
	v8 =	vld [tilespmem:s9+$0x80]  }
0xf2: {  	s15 =	simm.s32 $0x5;
	v12 =	vand.u32 $0xFFFFFFFC, v7;
	v7 =	vld [tilespmem:s9+$0x90];
	v5 =	vmov s14;
	v10 =	vmul.f32 v11, v2;
	[tilespmem:s9+$0x10] =	vst v6  }
0xf3: {  	s12 =	simm.s32 $0x8;
	s11 =	simm.s32 $0x6B00;
	s13 =	simm.s32 $0x6;
	v11 =	vmul.f32 v13, v2;
	v6 =	vbroadcast v12, $0x0;
	v12 =	vmov s15;
	[tilespmem:s9+$0x20] =	vst v9;
	v9 =	vld [tilespmem:s9+$0xA0]  }
.LBB2_7:
0xf4: {  	p0 =	slt.u32 s12, $0x7C;
	v12 =	vand.u32 $0xFFFFFFFD, v12;
	v13 =	vmov s13;
	[tilespmem:s9+$0x30] =	vst v10;
	v4 =	vmul.f32 v4, v2;
	v10 =	vld [tilespmem:s9+$0xB0]  }
0xf5: {  	v12 =	vbroadcast v12, $0x0;
	v13 =	vand.u32 $0xFFFFFFFE, v13;
	[tilespmem:s9+$0x40] =	vst v11;
	v2 =	vmul.f32 v3, v2;
	v3 =	vld [tilespmem:s9+$0xC0]  }
0xf6: {  	v11 =	vbroadcast v13, $0x0;
	[tilespmem:s9+$0x50] =	vst v4;
	v4 =	vmul.f32 v8, v1;
	v8 =	vld [tilespmem:s9+$0xD0]  }
0xf7: {  	[tilespmem:s9+$0x60] =	vst v2;
	v2 =	vmul.f32 v7, v1;
	v7 =	vld [tilespmem:s9+$0xE0]  }
0xf8: {  	[tilespmem:s9+$0x80] =	vst v4;
	v4 =	vmul.f32 v9, v1;
	v9 =	vld [tilespmem:s9+$0xF0]  }
0xf9: {  	v5 =	vld.idx.msk [tilespmem:v5+s25+$0x0], $0xffff;
	[tilespmem:s9+$0x90] =	vst v2;
	v2 =	vmul.f32 v10, v1  }
0xfa: {  	v6 =	vld.idx.msk [tilespmem:v6+s25+$0x0], $0xffff;
	[tilespmem:s9+$0xA0] =	vst v4;
	v3 =	vmul.f32 v3, v1  }
0xfb: {  	v4 =	vld.idx.msk [tilespmem:v12+s25+$0x0], $0xffff;
	[tilespmem:s9+$0xB0] =	vst v2;
	v8 =	vmul.f32 v8, v1  }
0xfc: {  	s9 =	sadd.s32 $0x200, s9;
	v2 =	vld.idx.msk [tilespmem:v11+s25+$0x0], $0xffff;
	[tilespmem:s11+$0xC0] =	vst v3;
	v3 =	vmul.f32 v7, v1  }
0xfd: {  	v7 =	vld [tilespmem:s9+$0x70];
	[tilespmem:s11+$0xD0] =	vst v8;
	v9 =	vmul.f32 v9, v1  }
0xfe: {  	v8 =	vld [tilespmem:s9+$0xFFFFFF00];
	[tilespmem:s11+$0xE0] =	vst v3  }
0xff: {  	v1 =	vmov v5;
	v3 =	vld [tilespmem:s9+$0xFFFFFF10];
	[tilespmem:s11+$0xF0] =	vst v9;
	s11 =	smov.u32 s9  }
0x100: {  	v5 =	vld [tilespmem:s9+$0xFFFFFF20]  }
0x101: {  	v9 =	vld [tilespmem:s9+$0xFFFFFF30]  }
0x102: {  	v10 =	vld [tilespmem:s9+$0xFFFFFF40];
	v7 =	vmul.f32 v7, v2  }
0x103: {  	v8 =	vmul.f32 v8, v6;
	v11 =	vld [tilespmem:s9+$0xFFFFFF50]  }
0x104: {  	v3 =	vmul.f32 v3, v6;
	v12 =	vld [tilespmem:s9+$0xFFFFFF60];
	[tilespmem:s9+$0x70] =	vst v7  }
0x105: {  	[tilespmem:s9+$0xFFFFFF00] =	vst v8;
	v5 =	vmul.f32 v5, v6;
	v7 =	vld [tilespmem:s9+$0xFFFFFF70]  }
0x106: {  	[tilespmem:s9+$0xFFFFFF10] =	vst v3;
	v3 =	vmul.f32 v9, v6;
	v8 =	vld [tilespmem:s9+$0xFFFFFF80]  }
0x107: {  	[tilespmem:s9+$0xFFFFFF20] =	vst v5;
	v5 =	vmul.f32 v10, v6;
	v9 =	vld [tilespmem:s9+$0xFFFFFF90]  }
0x108: {  	[tilespmem:s9+$0xFFFFFF30] =	vst v3;
	v3 =	vmul.f32 v11, v6;
	v10 =	vld [tilespmem:s9+$0xFFFFFFA0]  }
0x109: {  	[tilespmem:s9+$0xFFFFFF40] =	vst v5;
	v5 =	vmul.f32 v12, v6;
	v11 =	vld [tilespmem:s9+$0xFFFFFFB0]  }
0x10a: {  	[tilespmem:s9+$0xFFFFFF50] =	vst v3;
	v3 =	vmul.f32 v7, v6;
	v6 =	vld [tilespmem:s9+$0xFFFFFFC0]  }
0x10b: {  	[tilespmem:s9+$0xFFFFFF60] =	vst v5;
	v5 =	vmul.f32 v8, v4;
	v7 =	vld [tilespmem:s9+$0xFFFFFFD0]  }
0x10c: {  	[tilespmem:s9+$0xFFFFFF70] =	vst v3;
	v3 =	vmul.f32 v9, v4;
	v8 =	vld [tilespmem:s9+$0xFFFFFFE0]  }
0x10d: {  	[tilespmem:s9+$0xFFFFFF80] =	vst v5;
	v5 =	vmul.f32 v10, v4;
	v9 =	vld [tilespmem:s9+$0xFFFFFFF0]  }
0x10e: {  	[tilespmem:s9+$0xFFFFFF90] =	vst v3;
	v3 =	vmul.f32 v11, v4;
	v10 =	vld [tilespmem:s9+$0x0]  }
0x10f: {  	[tilespmem:s9+$0xFFFFFFA0] =	vst v5;
	v5 =	vmul.f32 v6, v4;
	v6 =	vld [tilespmem:s9+$0x10]  }
0x110: {  	[tilespmem:s9+$0xFFFFFFB0] =	vst v3;
	v3 =	vmul.f32 v7, v4;
	v7 =	vld [tilespmem:s9+$0x20]  }
0x111: {  	[tilespmem:s9+$0xFFFFFFC0] =	vst v5;
	v5 =	vmul.f32 v8, v4;
	v11 =	vld [tilespmem:s9+$0x30]  }
0x112: {  	[tilespmem:s9+$0xFFFFFFD0] =	vst v3;
	v3 =	vmul.f32 v9, v4;
	v9 =	vld [tilespmem:s9+$0x40]  }
.Ltmp2:
0x113: {  	[tilespmem:s9+$0xFFFFFFE0] =	vst v5;
	v5 =	vmul.f32 v10, v2;
	v4 =	vld [tilespmem:s9+$0x50];
	(pc) =	sbr.rel @p0 .LBB2_7-.Ltmp2, $4  }
0x114: {  	[tilespmem:s9+$0xFFFFFFF0] =	vst v3;
	v6 =	vmul.f32 v6, v2;
	v3 =	vld [tilespmem:s9+$0x60]  }
0x115: {  	s13 =	sadd.s32 $0x3, s12;
	v10 =	vmov s12;
	[tilespmem:s9+$0x0] =	vst v5;
	v13 =	vmul.f32 v7, v2;
	v8 =	vld [tilespmem:s9+$0x80]  }
0x116: {  	s14 =	sadd.s32 $0x1, s12;
	v12 =	vand.u32 $0xFFFFFFFC, v10;
	v5 =	vmov s13;
	[tilespmem:s9+$0x10] =	vst v6;
	v10 =	vmul.f32 v11, v2;
	v7 =	vld [tilespmem:s9+$0x90]  }
0x117: {  	s13 =	sadd.s32 $0x2, s12;
	s12 =	sadd.s32 $0x4, s12;
	v6 =	vbroadcast v12, $0x0;
	v12 =	vmov s14;
	[tilespmem:s9+$0x20] =	vst v13;
	v11 =	vmul.f32 v9, v2;
	v9 =	vld [tilespmem:s9+$0xA0]  }
0x118: {  	v13 =	vld [tilespmem:s9+$0xB0]  }
0x119: {  	v15 =	vld [tilespmem:s9+$0xC0]  }
0x11a: {  	v16 =	vld [tilespmem:s9+$0xD0]  }
0x11b: {  	v17 =	vld [tilespmem:s9+$0xE0]  }
0x11c: {  	v29 =	vld [tilespmem:s9+$0xF0];
	[tilespmem:s9+$0x30] =	vst v10;
	v4 =	vmul.f32 v4, v2  }
0x11d: {  	v5 =	vld.idx.msk [tilespmem:v5+s25+$0x0], $0xffff;
	[tilespmem:s9+$0x40] =	vst v11;
	v2 =	vmul.f32 v3, v2  }
0x11e: {  	s12 =	sadd.s32 $0x200, s9;
	v3 =	vld.idx.msk [tilespmem:v6+s25+$0x0], $0xffff;
	v8 =	vmul.f32 v8, v1;
	[tilespmem:s9+$0x50] =	vst v4  }
0x11f: {  	v14 =	vmov s13;
	v34 =	vld [tilespmem:s12+$0x70];
	v30 =	vmul.f32 v7, v1;
	[tilespmem:s9+$0x60] =	vst v2  }
0x120: {  	v14 =	vand.u32 $0xFFFFFFFE, v14;
	v35 =	vld [tilespmem:s12+$0xFFFFFF00];
	[tilespmem:s9+$0x80] =	vst v8;
	v2 =	vmul.f32 v9, v1  }
0x121: {  	v37 =	vld [tilespmem:s12+$0xFFFFFF10];
	v14 =	vbroadcast v14, $0x0;
	[tilespmem:s9+$0x90] =	vst v30;
	v33 =	vmul.f32 v13, v1  }
0x122: {  	v38 =	vld [tilespmem:s12+$0xFFFFFF20];
	[tilespmem:s9+$0xA0] =	vst v2;
	v2 =	vmul.f32 v15, v1  }
0x123: {  	v12 =	vand.u32 $0xFFFFFFFD, v12;
	v39 =	vld [tilespmem:s12+$0xFFFFFF30];
	v36 =	vmul.f32 v16, v1;
	[tilespmem:s9+$0xB0] =	vst v33  }
0x124: {  	v12 =	vbroadcast v12, $0x0;
	v41 =	vld [tilespmem:s12+$0xFFFFFF50];
	[tilespmem:s11+$0xC0] =	vst v2;
	v2 =	vmul.f32 v17, v1  }
0x125: {  	v43 =	vld [tilespmem:s12+$0xFFFFFF60];
	[tilespmem:s11+$0xD0] =	vst v36;
	v1 =	vmul.f32 v29, v1  }
0x126: {  	v42 =	vmul.f32 v37, v3;
	[tilespmem:s11+$0xE0] =	vst v2;
	v2 =	vld [tilespmem:s12+$0xFFFFFF40]  }
0x127: {  	v32 =	vld.idx.msk [tilespmem:v14+s25+$0x0], $0xffff;
	[tilespmem:s11+$0xF0] =	vst v1;
	v1 =	vmul.f32 v35, v3  }
0x128: {  	v44 =	vld [tilespmem:s12+$0xFFFFFF70];
	v4 =	vmul.f32 v39, v3;
	[tilespmem:s12+$0xFFFFFF10] =	vst v42  }
0x129: {  	v45 =	vld [tilespmem:s12+$0xFFFFFF80];
	[tilespmem:s12+$0xFFFFFF00] =	vst v1;
	v1 =	vmul.f32 v38, v3  }
0x12a: {  	v46 =	vmul.f32 v41, v3;
	v31 =	vld.idx.msk [tilespmem:v12+s25+$0x0], $0xffff;
	[tilespmem:s12+$0xFFFFFF30] =	vst v4  }
0x12b: {  	[tilespmem:s12+$0xFFFFFF20] =	vst v1;
	v1 =	vmul.f32 v2, v3;
	v2 =	vld [tilespmem:s12+$0xFFFFFF90]  }
0x12c: {  	v47 =	vld [tilespmem:s12+$0xFFFFFFA0];
	[tilespmem:s12+$0xFFFFFF50] =	vst v46;
	v40 =	vmul.f32 v34, v32  }
0x12d: {  	v48 =	vld [tilespmem:s12+$0xFFFFFFB0];
	[tilespmem:s12+$0xFFFFFF40] =	vst v1;
	v1 =	vmul.f32 v43, v3  }
0x12e: {  	v49 =	vld [tilespmem:s12+$0xFFFFFFC0];
	[tilespmem:s12+$0x70] =	vst v40;
	v3 =	vmul.f32 v44, v3  }
0x12f: {  	v50 =	vld [tilespmem:s12+$0xFFFFFFD0];
	[tilespmem:s12+$0xFFFFFF60] =	vst v1;
	v1 =	vmul.f32 v45, v31  }
0x130: {  	[tilespmem:s12+$0xFFFFFF70] =	vst v3;
	v3 =	vld [tilespmem:s12+$0xFFFFFFE0];
	v2 =	vmul.f32 v2, v31  }
0x131: {  	v51 =	vld [tilespmem:s12+$0xFFFFFFF0];
	[tilespmem:s12+$0xFFFFFF80] =	vst v1;
	v1 =	vmul.f32 v47, v31  }
0x132: {  	v52 =	vld [tilespmem:s12+$0x0];
	[tilespmem:s12+$0xFFFFFF90] =	vst v2;
	v2 =	vmul.f32 v48, v31  }
0x133: {  	v53 =	vld [tilespmem:s12+$0x10];
	[tilespmem:s12+$0xFFFFFFA0] =	vst v1;
	v1 =	vmul.f32 v49, v31  }
0x134: {  	v54 =	vld [tilespmem:s12+$0x20];
	[tilespmem:s12+$0xFFFFFFB0] =	vst v2;
	v2 =	vmul.f32 v50, v31  }
0x135: {  	[tilespmem:s12+$0xFFFFFFC0] =	vst v1;
	v1 =	vmul.f32 v3, v31;
	v3 =	vld [tilespmem:s12+$0x30]  }
0x136: {  	v55 =	vld [tilespmem:s12+$0x40];
	[tilespmem:s12+$0xFFFFFFD0] =	vst v2;
	v2 =	vmul.f32 v51, v31  }
0x137: {  	v56 =	vld [tilespmem:s12+$0x50];
	[tilespmem:s12+$0xFFFFFFE0] =	vst v1;
	v1 =	vmul.f32 v52, v32  }
0x138: {  	v57 =	vld [tilespmem:s12+$0x60];
	[tilespmem:s12+$0xFFFFFFF0] =	vst v2;
	v2 =	vmul.f32 v53, v32  }
0x139: {  	v58 =	vld [tilespmem:s12+$0x80];
	[tilespmem:s12+$0x0] =	vst v1;
	v1 =	vmul.f32 v54, v32  }
0x13a: {  	[tilespmem:s12+$0x10] =	vst v2;
	v2 =	vmul.f32 v3, v32;
	v3 =	vld [tilespmem:s12+$0x90]  }
0x13b: {  	v59 =	vld [tilespmem:s12+$0xA0];
	[tilespmem:s12+$0x20] =	vst v1;
	v1 =	vmul.f32 v55, v32  }
0x13c: {  	v60 =	vld [tilespmem:s12+$0xB0];
	[tilespmem:s12+$0x30] =	vst v2;
	v2 =	vmul.f32 v56, v32  }
0x13d: {  	v61 =	vld [tilespmem:s12+$0xC0];
	[tilespmem:s12+$0x40] =	vst v1;
	v1 =	vmul.f32 v57, v32  }
0x13e: {  	v62 =	vld [tilespmem:s12+$0xD0];
	[tilespmem:s12+$0x50] =	vst v2;
	v2 =	vmul.f32 v58, v5  }
0x13f: {  	[tilespmem:s12+$0x60] =	vst v1;
	v1 =	vmul.f32 v3, v5;
	v3 =	vld [tilespmem:s12+$0xE0]  }
0x140: {  	v63 =	vld [tilespmem:s12+$0xF0];
	[tilespmem:s12+$0x80] =	vst v2;
	v2 =	vmul.f32 v59, v5  }
0x141: {  	[tilespmem:s12+$0x90] =	vst v1;
	v1 =	vmul.f32 v60, v5  }
0x142: {  	[tilespmem:s12+$0xA0] =	vst v2;
	v2 =	vmul.f32 v61, v5  }
0x143: {  	[tilespmem:s12+$0xB0] =	vst v1;
	v1 =	vmul.f32 v62, v5  }
0x144: {  	[tilespmem:s12+$0xC0] =	vst v2;
	v2 =	vmul.f32 v3, v5  }
0x145: {  	s8 =	sadd.s32 $0x1, s8;
	[tilespmem:s12+$0xD0] =	vst v1;
	v1 =	vmul.f32 v63, v5  }
0x146: {  	p0 =	sne.s32 s8, $0x27;
	[tilespmem:s12+$0xE0] =	vst v2  }
.Ltmp3:
0x147: {  	[tilespmem:s12+$0xF0] =	vst v1;
	(pc) =	sbr.rel @p0 .LBB2_4-.Ltmp3, $4  }
0x148: {  	[spmem:s3] =	stream.indirect.scatter.add.f32 [tilespmem:s23], [sflag:$0x3], $0x80, s24, s21, $0xb8;
	[tilespmem:$0x1E600] =	vst v63  }
0x149: {  	_ =	swait.ge [sflag:s29], $0x4000  }
0x14a: {  	[sflag:s29] =	ssyncset.done $0x0  }
0x14b: {  	[sflag:s29] =	ssyncadd.s32 $0xFFFFC000  }
0x14c: {  	_ =	swait.ge [sflag:s26], $0x4000;
	s0 =	simm.s32 $0x0  }
0x14d: {  	s12 =	simm.s32 $0x2;
	[sflag:s26] =	ssyncset.done $0x0;
	v1 =	vmov s0  }
0x14e: {  	v2 =	vmov s12;
	[sflag:s26] =	ssyncadd.s32 $0xFFFFC000;
	v1 =	vand.u32 $0xFFFFFFFC, v1  }
0x14f: {  	v2 =	vand.u32 $0xFFFFFFFE, v2;
	_ =	swait.ge [sflag:s28], $0x80;
	v1 =	vbroadcast v1, $0x0  }
0x150: {  	v2 =	vbroadcast v2, $0x0;
	[sflag:s28] =	ssyncset.done $0x0  }
0x151: {  	[sflag:s28] =	ssyncadd.s32 $0xFFFFFF80  }
0x152: {  	_ =	swait.ge [sflag:s28], $0x80  }
0x153: {  	[sflag:s28] =	ssyncset.done $0x0  }
0x154: {  	[sflag:s28] =	ssyncadd.s32 $0xFFFFFF80  }
0x155: {  	v1 =	vld.idx.msk [tilespmem:v1+s20+$0x0], $0xffff  }
0x156: {  	s8 =	simm.s32 $0x1;
	s0 =	simm.s32 $0x2B00;
	v2 =	vld.idx.msk [tilespmem:v2+s20+$0x0], $0xffff  }
0x157: {  	v3 =	vmov s8;
	v4 =	vld [tilespmem:s0+$0x70]  }
0x158: {  	v3 =	vand.u32 $0xFFFFFFFD, v3;
	v5 =	vld [tilespmem:s0+$0xFFFFFF00]  }
0x159: {  	v3 =	vbroadcast v3, $0x0;
	v6 =	vld [tilespmem:s0+$0xFFFFFF10]  }
0x15a: {  	v7 =	vld [tilespmem:s0+$0xFFFFFF20]  }
0x15b: {  	v8 =	vld [tilespmem:s0+$0xFFFFFF30]  }
0x15c: {  	v9 =	vld [tilespmem:s0+$0xFFFFFF40]  }
0x15d: {  	v10 =	vld [tilespmem:s0+$0xFFFFFF50]  }
0x15e: {  	v11 =	vld [tilespmem:s0+$0xFFFFFF60];
	v5 =	vmul.f32 v5, v1  }
0x15f: {  	v3 =	vld.idx.msk [tilespmem:v3+s20+$0x0], $0xffff;
	v4 =	vmul.f32 v4, v2  }
0x160: {  	v13 =	vld [tilespmem:s0+$0x40];
	[tilespmem:s0+$0xFFFFFF00] =	vst v5;
	v5 =	vmul.f32 v6, v1  }
0x161: {  	v6 =	vld [tilespmem:s0+$0xFFFFFF70];
	[tilespmem:s0+$0x70] =	vst v4;
	v4 =	vmul.f32 v7, v1  }
0x162: {  	v7 =	vld [tilespmem:s0+$0xFFFFFF80];
	[tilespmem:s0+$0xFFFFFF10] =	vst v5;
	v5 =	vmul.f32 v8, v1  }
0x163: {  	v8 =	vld [tilespmem:s0+$0xFFFFFF90];
	[tilespmem:s0+$0xFFFFFF20] =	vst v4;
	v4 =	vmul.f32 v9, v1  }
0x164: {  	v9 =	vld [tilespmem:s0+$0xFFFFFFA0];
	[tilespmem:s0+$0xFFFFFF30] =	vst v5;
	v5 =	vmul.f32 v10, v1  }
0x165: {  	v10 =	vld [tilespmem:s0+$0xFFFFFFB0];
	[tilespmem:s0+$0xFFFFFF40] =	vst v4;
	v4 =	vmul.f32 v11, v1  }
0x166: {  	v11 =	vld [tilespmem:s0+$0xFFFFFFC0];
	v6 =	vmul.f32 v6, v1;
	[tilespmem:s0+$0xFFFFFF50] =	vst v5  }
0x167: {  	v5 =	vmul.f32 v7, v3;
	v7 =	vld [tilespmem:s0+$0xFFFFFFD0];
	[tilespmem:s0+$0xFFFFFF60] =	vst v4  }
0x168: {  	s13 =	simm.s32 $0x3;
	v4 =	vld [tilespmem:s0+$0xFFFFFFE0];
	v8 =	vmul.f32 v8, v3;
	[tilespmem:s0+$0xFFFFFF70] =	vst v6  }
0x169: {  	v12 =	vmov s13;
	v6 =	vld [tilespmem:s0+$0xFFFFFFF0];
	[tilespmem:s0+$0xFFFFFF80] =	vst v5;
	v5 =	vmul.f32 v9, v3  }
0x16a: {  	v9 =	vld [tilespmem:s0+$0x0];
	[tilespmem:s0+$0xFFFFFF90] =	vst v8;
	v8 =	vmul.f32 v10, v3  }
0x16b: {  	v10 =	vld [tilespmem:s0+$0x10];
	[tilespmem:s0+$0xFFFFFFA0] =	vst v5;
	v5 =	vmul.f32 v11, v3  }
0x16c: {  	[tilespmem:s0+$0xFFFFFFB0] =	vst v8;
	v7 =	vmul.f32 v7, v3;
	v8 =	vld [tilespmem:s0+$0x20]  }
0x16d: {  	v11 =	vld [tilespmem:s0+$0x30];
	v4 =	vmul.f32 v4, v3;
	[tilespmem:s0+$0xFFFFFFC0] =	vst v5  }
0x16e: {  	v1 =	vld.idx.msk [tilespmem:v12+s20+$0x0], $0xffff;
	v3 =	vmul.f32 v6, v3;
	[tilespmem:s0+$0xFFFFFFD0] =	vst v7  }
0x16f: {  	[tilespmem:s0+$0xFFFFFFE0] =	vst v4;
	v5 =	vmul.f32 v9, v2;
	v4 =	vld [tilespmem:s0+$0x50]  }
0x170: {  	s14 =	simm.s32 $0x4;
	[tilespmem:s0+$0xFFFFFFF0] =	vst v3;
	v6 =	vmul.f32 v10, v2;
	v3 =	vld [tilespmem:s0+$0x60]  }
0x171: {  	s15 =	simm.s32 $0x7;
	v7 =	vmov s14;
	[tilespmem:s0+$0x0] =	vst v5;
	v9 =	vmul.f32 v8, v2;
	v8 =	vld [tilespmem:s0+$0x80]  }
0x172: {  	s9 =	simm.s32 $0x5;
	v12 =	vand.u32 $0xFFFFFFFC, v7;
	v7 =	vld [tilespmem:s0+$0x90];
	v5 =	vmov s15;
	v10 =	vmul.f32 v11, v2;
	[tilespmem:s0+$0x10] =	vst v6  }
0x173: {  	s11 =	simm.s32 $0x6;
	s8 =	simm.s32 $0x2B00;
	v11 =	vmul.f32 v13, v2;
	v6 =	vbroadcast v12, $0x0;
	v12 =	vmov s9;
	s9 =	simm.s32 $0x8;
	[tilespmem:s0+$0x20] =	vst v9;
	v9 =	vld [tilespmem:s0+$0xA0]  }
.LBB2_10:
0x174: {  	p0 =	slt.u32 s9, $0x7C;
	v12 =	vand.u32 $0xFFFFFFFD, v12;
	v13 =	vmov s11;
	[tilespmem:s0+$0x30] =	vst v10;
	v4 =	vmul.f32 v4, v2;
	v10 =	vld [tilespmem:s0+$0xB0]  }
0x175: {  	v12 =	vbroadcast v12, $0x0;
	v13 =	vand.u32 $0xFFFFFFFE, v13;
	[tilespmem:s0+$0x40] =	vst v11;
	v2 =	vmul.f32 v3, v2;
	v3 =	vld [tilespmem:s0+$0xC0]  }
0x176: {  	v11 =	vbroadcast v13, $0x0;
	[tilespmem:s0+$0x50] =	vst v4;
	v4 =	vmul.f32 v8, v1;
	v8 =	vld [tilespmem:s0+$0xD0]  }
0x177: {  	[tilespmem:s0+$0x60] =	vst v2;
	v2 =	vmul.f32 v7, v1;
	v7 =	vld [tilespmem:s0+$0xE0]  }
0x178: {  	[tilespmem:s0+$0x80] =	vst v4;
	v4 =	vmul.f32 v9, v1;
	v9 =	vld [tilespmem:s0+$0xF0]  }
0x179: {  	v5 =	vld.idx.msk [tilespmem:v5+s20+$0x0], $0xffff;
	[tilespmem:s0+$0x90] =	vst v2;
	v2 =	vmul.f32 v10, v1  }
0x17a: {  	v6 =	vld.idx.msk [tilespmem:v6+s20+$0x0], $0xffff;
	[tilespmem:s0+$0xA0] =	vst v4;
	v3 =	vmul.f32 v3, v1  }
0x17b: {  	v4 =	vld.idx.msk [tilespmem:v12+s20+$0x0], $0xffff;
	[tilespmem:s0+$0xB0] =	vst v2;
	v8 =	vmul.f32 v8, v1  }
0x17c: {  	s0 =	sadd.s32 $0x200, s0;
	v2 =	vld.idx.msk [tilespmem:v11+s20+$0x0], $0xffff;
	[tilespmem:s8+$0xC0] =	vst v3;
	v3 =	vmul.f32 v7, v1  }
0x17d: {  	v7 =	vld [tilespmem:s0+$0x70];
	[tilespmem:s8+$0xD0] =	vst v8;
	v9 =	vmul.f32 v9, v1  }
0x17e: {  	v8 =	vld [tilespmem:s0+$0xFFFFFF00];
	[tilespmem:s8+$0xE0] =	vst v3  }
0x17f: {  	v1 =	vmov v5;
	v3 =	vld [tilespmem:s0+$0xFFFFFF10];
	[tilespmem:s8+$0xF0] =	vst v9;
	s8 =	smov.u32 s0  }
0x180: {  	v5 =	vld [tilespmem:s0+$0xFFFFFF20]  }
0x181: {  	v9 =	vld [tilespmem:s0+$0xFFFFFF30]  }
0x182: {  	v10 =	vld [tilespmem:s0+$0xFFFFFF40];
	v7 =	vmul.f32 v7, v2  }
0x183: {  	v8 =	vmul.f32 v8, v6;
	v11 =	vld [tilespmem:s0+$0xFFFFFF50]  }
0x184: {  	v3 =	vmul.f32 v3, v6;
	v12 =	vld [tilespmem:s0+$0xFFFFFF60];
	[tilespmem:s0+$0x70] =	vst v7  }
0x185: {  	[tilespmem:s0+$0xFFFFFF00] =	vst v8;
	v5 =	vmul.f32 v5, v6;
	v7 =	vld [tilespmem:s0+$0xFFFFFF70]  }
0x186: {  	[tilespmem:s0+$0xFFFFFF10] =	vst v3;
	v3 =	vmul.f32 v9, v6;
	v8 =	vld [tilespmem:s0+$0xFFFFFF80]  }
0x187: {  	[tilespmem:s0+$0xFFFFFF20] =	vst v5;
	v5 =	vmul.f32 v10, v6;
	v9 =	vld [tilespmem:s0+$0xFFFFFF90]  }
0x188: {  	[tilespmem:s0+$0xFFFFFF30] =	vst v3;
	v3 =	vmul.f32 v11, v6;
	v10 =	vld [tilespmem:s0+$0xFFFFFFA0]  }
0x189: {  	[tilespmem:s0+$0xFFFFFF40] =	vst v5;
	v5 =	vmul.f32 v12, v6;
	v11 =	vld [tilespmem:s0+$0xFFFFFFB0]  }
0x18a: {  	[tilespmem:s0+$0xFFFFFF50] =	vst v3;
	v3 =	vmul.f32 v7, v6;
	v6 =	vld [tilespmem:s0+$0xFFFFFFC0]  }
0x18b: {  	[tilespmem:s0+$0xFFFFFF60] =	vst v5;
	v5 =	vmul.f32 v8, v4;
	v7 =	vld [tilespmem:s0+$0xFFFFFFD0]  }
0x18c: {  	[tilespmem:s0+$0xFFFFFF70] =	vst v3;
	v3 =	vmul.f32 v9, v4;
	v8 =	vld [tilespmem:s0+$0xFFFFFFE0]  }
0x18d: {  	[tilespmem:s0+$0xFFFFFF80] =	vst v5;
	v5 =	vmul.f32 v10, v4;
	v9 =	vld [tilespmem:s0+$0xFFFFFFF0]  }
0x18e: {  	[tilespmem:s0+$0xFFFFFF90] =	vst v3;
	v3 =	vmul.f32 v11, v4;
	v10 =	vld [tilespmem:s0+$0x0]  }
0x18f: {  	[tilespmem:s0+$0xFFFFFFA0] =	vst v5;
	v5 =	vmul.f32 v6, v4;
	v6 =	vld [tilespmem:s0+$0x10]  }
0x190: {  	[tilespmem:s0+$0xFFFFFFB0] =	vst v3;
	v3 =	vmul.f32 v7, v4;
	v7 =	vld [tilespmem:s0+$0x20]  }
0x191: {  	[tilespmem:s0+$0xFFFFFFC0] =	vst v5;
	v5 =	vmul.f32 v8, v4;
	v11 =	vld [tilespmem:s0+$0x30]  }
0x192: {  	[tilespmem:s0+$0xFFFFFFD0] =	vst v3;
	v3 =	vmul.f32 v9, v4;
	v9 =	vld [tilespmem:s0+$0x40]  }
.Ltmp4:
0x193: {  	[tilespmem:s0+$0xFFFFFFE0] =	vst v5;
	v5 =	vmul.f32 v10, v2;
	v4 =	vld [tilespmem:s0+$0x50];
	(pc) =	sbr.rel @p0 .LBB2_10-.Ltmp4, $4  }
0x194: {  	[tilespmem:s0+$0xFFFFFFF0] =	vst v3;
	v6 =	vmul.f32 v6, v2;
	v3 =	vld [tilespmem:s0+$0x60]  }
0x195: {  	s11 =	sadd.s32 $0x3, s9;
	v10 =	vmov s9;
	[tilespmem:s0+$0x0] =	vst v5;
	v13 =	vmul.f32 v7, v2;
	v8 =	vld [tilespmem:s0+$0x80]  }
0x196: {  	s12 =	sadd.s32 $0x1, s9;
	v12 =	vand.u32 $0xFFFFFFFC, v10;
	v5 =	vmov s11;
	[tilespmem:s0+$0x10] =	vst v6;
	v10 =	vmul.f32 v11, v2;
	v7 =	vld [tilespmem:s0+$0x90]  }
0x197: {  	s11 =	sadd.s32 $0x2, s9;
	s9 =	sadd.s32 $0x4, s9;
	v6 =	vbroadcast v12, $0x0;
	v12 =	vmov s12;
	[tilespmem:s0+$0x20] =	vst v13;
	v11 =	vmul.f32 v9, v2;
	v9 =	vld [tilespmem:s0+$0xA0]  }
0x198: {  	v13 =	vld [tilespmem:s0+$0xB0]  }
0x199: {  	v15 =	vld [tilespmem:s0+$0xC0]  }
0x19a: {  	v16 =	vld [tilespmem:s0+$0xD0]  }
0x19b: {  	v17 =	vld [tilespmem:s0+$0xE0]  }
0x19c: {  	v29 =	vld [tilespmem:s0+$0xF0];
	[tilespmem:s0+$0x30] =	vst v10;
	v4 =	vmul.f32 v4, v2  }
0x19d: {  	v5 =	vld.idx.msk [tilespmem:v5+s20+$0x0], $0xffff;
	[tilespmem:s0+$0x40] =	vst v11;
	v2 =	vmul.f32 v3, v2  }
0x19e: {  	s9 =	sadd.s32 $0x200, s0;
	v3 =	vld.idx.msk [tilespmem:v6+s20+$0x0], $0xffff;
	v8 =	vmul.f32 v8, v1;
	[tilespmem:s0+$0x50] =	vst v4  }
0x19f: {  	v14 =	vmov s11;
	v34 =	vld [tilespmem:s9+$0x70];
	v30 =	vmul.f32 v7, v1;
	[tilespmem:s0+$0x60] =	vst v2  }
0x1a0: {  	v14 =	vand.u32 $0xFFFFFFFE, v14;
	v35 =	vld [tilespmem:s9+$0xFFFFFF00];
	[tilespmem:s0+$0x80] =	vst v8;
	v2 =	vmul.f32 v9, v1  }
0x1a1: {  	v37 =	vld [tilespmem:s9+$0xFFFFFF10];
	v14 =	vbroadcast v14, $0x0;
	[tilespmem:s0+$0x90] =	vst v30;
	v33 =	vmul.f32 v13, v1  }
0x1a2: {  	v38 =	vld [tilespmem:s9+$0xFFFFFF20];
	[tilespmem:s0+$0xA0] =	vst v2;
	v2 =	vmul.f32 v15, v1  }
0x1a3: {  	v12 =	vand.u32 $0xFFFFFFFD, v12;
	v39 =	vld [tilespmem:s9+$0xFFFFFF30];
	v36 =	vmul.f32 v16, v1;
	[tilespmem:s0+$0xB0] =	vst v33  }
0x1a4: {  	v12 =	vbroadcast v12, $0x0;
	v41 =	vld [tilespmem:s9+$0xFFFFFF50];
	[tilespmem:s8+$0xC0] =	vst v2;
	v2 =	vmul.f32 v17, v1  }
0x1a5: {  	v43 =	vld [tilespmem:s9+$0xFFFFFF60];
	[tilespmem:s8+$0xD0] =	vst v36;
	v1 =	vmul.f32 v29, v1  }
0x1a6: {  	v42 =	vmul.f32 v37, v3;
	[tilespmem:s8+$0xE0] =	vst v2;
	v2 =	vld [tilespmem:s9+$0xFFFFFF40]  }
0x1a7: {  	v32 =	vld.idx.msk [tilespmem:v14+s20+$0x0], $0xffff;
	[tilespmem:s8+$0xF0] =	vst v1;
	v1 =	vmul.f32 v35, v3  }
0x1a8: {  	v44 =	vld [tilespmem:s9+$0xFFFFFF70];
	v4 =	vmul.f32 v39, v3;
	[tilespmem:s9+$0xFFFFFF10] =	vst v42  }
0x1a9: {  	v45 =	vld [tilespmem:s9+$0xFFFFFF80];
	[tilespmem:s9+$0xFFFFFF00] =	vst v1;
	v1 =	vmul.f32 v38, v3  }
0x1aa: {  	v46 =	vmul.f32 v41, v3;
	v31 =	vld.idx.msk [tilespmem:v12+s20+$0x0], $0xffff;
	[tilespmem:s9+$0xFFFFFF30] =	vst v4  }
0x1ab: {  	[tilespmem:s9+$0xFFFFFF20] =	vst v1;
	v1 =	vmul.f32 v2, v3;
	v2 =	vld [tilespmem:s9+$0xFFFFFF90]  }
0x1ac: {  	v47 =	vld [tilespmem:s9+$0xFFFFFFA0];
	[tilespmem:s9+$0xFFFFFF50] =	vst v46;
	v40 =	vmul.f32 v34, v32  }
0x1ad: {  	v48 =	vld [tilespmem:s9+$0xFFFFFFB0];
	[tilespmem:s9+$0xFFFFFF40] =	vst v1;
	v1 =	vmul.f32 v43, v3  }
0x1ae: {  	v49 =	vld [tilespmem:s9+$0xFFFFFFC0];
	[tilespmem:s9+$0x70] =	vst v40;
	v3 =	vmul.f32 v44, v3  }
0x1af: {  	v50 =	vld [tilespmem:s9+$0xFFFFFFD0];
	[tilespmem:s9+$0xFFFFFF60] =	vst v1;
	v1 =	vmul.f32 v45, v31  }
0x1b0: {  	[tilespmem:s9+$0xFFFFFF70] =	vst v3;
	v3 =	vld [tilespmem:s9+$0xFFFFFFE0];
	v2 =	vmul.f32 v2, v31  }
0x1b1: {  	v51 =	vld [tilespmem:s9+$0xFFFFFFF0];
	[tilespmem:s9+$0xFFFFFF80] =	vst v1;
	v1 =	vmul.f32 v47, v31  }
0x1b2: {  	v52 =	vld [tilespmem:s9+$0x0];
	[tilespmem:s9+$0xFFFFFF90] =	vst v2;
	v2 =	vmul.f32 v48, v31  }
0x1b3: {  	v53 =	vld [tilespmem:s9+$0x10];
	[tilespmem:s9+$0xFFFFFFA0] =	vst v1;
	v1 =	vmul.f32 v49, v31  }
0x1b4: {  	v54 =	vld [tilespmem:s9+$0x20];
	[tilespmem:s9+$0xFFFFFFB0] =	vst v2;
	v2 =	vmul.f32 v50, v31  }
0x1b5: {  	[tilespmem:s9+$0xFFFFFFC0] =	vst v1;
	v1 =	vmul.f32 v3, v31;
	v3 =	vld [tilespmem:s9+$0x30]  }
0x1b6: {  	v55 =	vld [tilespmem:s9+$0x40];
	[tilespmem:s9+$0xFFFFFFD0] =	vst v2;
	v2 =	vmul.f32 v51, v31  }
0x1b7: {  	v56 =	vld [tilespmem:s9+$0x50];
	[tilespmem:s9+$0xFFFFFFE0] =	vst v1;
	v1 =	vmul.f32 v52, v32  }
0x1b8: {  	v57 =	vld [tilespmem:s9+$0x60];
	[tilespmem:s9+$0xFFFFFFF0] =	vst v2;
	v2 =	vmul.f32 v53, v32  }
0x1b9: {  	v58 =	vld [tilespmem:s9+$0x80];
	[tilespmem:s9+$0x0] =	vst v1;
	v1 =	vmul.f32 v54, v32  }
0x1ba: {  	[tilespmem:s9+$0x10] =	vst v2;
	v2 =	vmul.f32 v3, v32;
	v3 =	vld [tilespmem:s9+$0x90]  }
0x1bb: {  	v59 =	vld [tilespmem:s9+$0xA0];
	[tilespmem:s9+$0x20] =	vst v1;
	v1 =	vmul.f32 v55, v32  }
0x1bc: {  	v60 =	vld [tilespmem:s9+$0xB0];
	[tilespmem:s9+$0x30] =	vst v2;
	v2 =	vmul.f32 v56, v32  }
0x1bd: {  	v61 =	vld [tilespmem:s9+$0xC0];
	[tilespmem:s9+$0x40] =	vst v1;
	v1 =	vmul.f32 v57, v32  }
0x1be: {  	v62 =	vld [tilespmem:s9+$0xD0];
	[tilespmem:s9+$0x50] =	vst v2;
	v2 =	vmul.f32 v58, v5  }
0x1bf: {  	[tilespmem:s9+$0x60] =	vst v1;
	v1 =	vmul.f32 v3, v5;
	v3 =	vld [tilespmem:s9+$0xE0]  }
0x1c0: {  	v63 =	vld [tilespmem:s9+$0xF0];
	[tilespmem:s9+$0x80] =	vst v2;
	v2 =	vmul.f32 v59, v5  }
0x1c1: {  	[tilespmem:s9+$0x90] =	vst v1;
	v1 =	vmul.f32 v60, v5  }
0x1c2: {  	[tilespmem:s9+$0xA0] =	vst v2;
	v2 =	vmul.f32 v61, v5  }
0x1c3: {  	[tilespmem:s9+$0xB0] =	vst v1;
	v1 =	vmul.f32 v62, v5  }
0x1c4: {  	[tilespmem:s9+$0xC0] =	vst v2;
	v2 =	vmul.f32 v3, v5  }
0x1c5: {  	[tilespmem:s9+$0xD0] =	vst v1;
	v1 =	vmul.f32 v63, v5  }
0x1c6: {  	[tilespmem:s9+$0xE0] =	vst v2  }
0x1c7: {  	[tilespmem:s9+$0xF0] =	vst v1  }
0x1c8: {  	[spmem:s3] =	stream.indirect.scatter.add.f32 [tilespmem:s22], [sflag:$0x3], $0x80, s19, s21, $0xb8;
	[tilespmem:$0x1E600] =	vst v63  }
0x1c9: {  	s14 =	stileid.u32;
	_ =	swait.ge [sflag:s29], $0x4000  }
0x1ca: {  	s15 =	sshrl.u32 s10, $0x3;
	s2 =	sadd.s32 $0x1, s2;
	[sflag:s29] =	ssyncset.done $0x0  }
0x1cb: {  	p0 =	sne.s32 s2, s17;
	s0 =	sshll.u32 s14, $0x6;
	[sflag:s29] =	ssyncadd.s32 $0xFFFFC000  }
.Ltmp5:
0x1cc: {  	s0 =	sor.u32 $0x1C06, s0;
	[bflag:$0x0] =	sbarrier.arrive $0xFFFF;
	(pc) =	sbr.rel @p0 .LBB2_1-.Ltmp5, $4  }
0x1cd: {  	[hbm:s16], [sflag:s0] =	dma.local [spmem:s15], $0x2780  }
0x1ce: {  	_ =	swait.ge [sflag:s18], $0x2780  }
0x1cf: {  	[sflag:s18] =	ssyncset.done $0x0  }
0x1d0: {  	[sflag:s18] =	ssyncadd.s32 $0xFFFFD880  }
0x1d1: {  	_ =	sfence.sel $0x180000  }
0x1d2: {  	[bflag:$0x0] =	sbarrier.arrive $0xFFFF  }
0x1d3: {  	_ =	strace $0x9000004D  }
0x1d4: {  	s0 =	stileid.u32;
	[bflag:$0x2] =	sbarrier.arrive $0xFFFF  }
0x1d5: {  	p0 =	sne.s32 s0, $0x0;
	s0 =	rddreg [dreg:$0x3]  }
0x1d6: {  	s0 =	sadd.s32 @!p0 $0x100000, s0  }
0x1d7: {  	[sflag:s0] =	ssyncadd.tile.s32 @!p0 $0x1;
	_ =	shalt  }
.Lfunc_end2:
_tile_overlayer_lowered:
.L_overlay_start_2:
0x1d8: {  	(tag) =	ssettag $0x2  }
0x1d9: {  	s0 =	rddreg [dreg:$0x0];
	s2 =	stileid.u32  }
0x1da: {  	s1 =	rddreg [dreg:$0x1];
	p0 =	sne.s32 s2, $0x0  }
0x1db: {  	s3 =	rddreg [dreg:$0x2];
	[bflag:$0x3] =	sbarrier.arrive $0xFFFF;
	s2 =	simm.s32 @!p0 $0x1C06  }
0x1dc: {  	[timem:s3], [sflag:s2] =	dma.local @!p0 [hbm:s0], s1  }
0x1dd: {  	s0 =	simm.s32 @!p0 $0x6  }
0x1de: {  	_ =	swait.ge @!p0 [sflag:s0], s1  }
0x1df: {  	s1 =	ssub.s32 @!p0 $0x0, s1;
	[sflag:s0] =	ssyncset.done @!p0 $0x0  }
0x1e0: {  	[sflag:s0] =	ssyncadd.s32 @!p0 s1  }
0x1e1: {  	[bflag:$0x3] =	sbarrier.arrive $0xFFFF  }
0x1e2: {  	_ =	shalt  }

// kernel: kernel.8.cloned.1.call-start
scs
__scs_entry_jumppad:
0x0: {  	(pc) =	sbr.rel $0x88, $3  }
0x1: {  	(tag) =	ssettag $0x0;
	lr =	simm.s32 $0x1  }
0x2: {  	[smem:$0x3F96] =	sst lr;
	_ =	strace $0xD0000000  }
0x3: {  	_ = 	snop  }
0x4: {  	_ = 	snop  }
0x5: {  	_ = 	snop  }
0x6: {  	_ = 	snop  }
0x7: {  	_ = 	snop  }
__scs_overlays_trampoline_lowered:
0x8: {  	[smem:$0x3FA5] =	sst s0  }
0x9: {  	[smem:$0x3FA6] =	sst s1  }
0xa: {  	[smem:$0x3FA7] =	sst s2  }
0xb: {  	[smem:$0x3FA8] =	sst s3  }
0xc: {  	[smem:$0x3FA9] =	sst s4  }
0xd: {  	[smem:$0x3FAA] =	sst s5  }
0xe: {  	[smem:$0x3FAB] =	sst s6  }
0xf: {  	[smem:$0x3FAC] =	sst s7  }
0x10: {  	[smem:$0x3FAD] =	sst s8  }
0x11: {  	[smem:$0x3FAE] =	sst s9;
	s0 =	simm.s32 @!p0 $0x0  }
0x12: {  	s1 =	sld [smem:$0x3F94];
	s0 =	simm.s32 @p0 $0x1  }
0x13: {  	[smem:$0x3FAF] =	sst s0;
	s0 =	simm.s32 @!p1 $0x0  }
0x14: {  	s2 =	sld [smem:$0x3F93];
	s0 =	simm.s32 @p1 $0x1  }
0x15: {  	[smem:$0x3FB0] =	sst s0;
	s0 =	simm.s32 @!p2 $0x0  }
0x16: {  	s3 =	sld [smem:$0x3FDB];
	s0 =	simm.s32 @p2 $0x1  }
0x17: {  	s4 =	simm.s32 $0x1BF5;
	[smem:$0x3FB2] =	sst s0  }
0x18: {  	s0 =	sld [smem:$0x3F95];
	_ =	swait.ge [sflag:s4], $0x0  }
0x19: {  	s7 =	sld [smem:$0x3F96]  }
0x1a: {  	s8 =	sadd.s32 $0xFFFFE003, lr  }
0x1b: {  	s9 =	sadd.s32 $0xFFFFFEF7, lr;
	s5 =	simm.s32 $0xFFFFFFFF;
	p2 =	slt.u32 s8, $0xFFFFF086  }
0x1c: {  	p1 =	slt.u32 s9, $0xF7A;
	s5 =	simm.s32 @!p2 $0x0  }
0x1d: {  	s5 =	simm.s32 @p1 $0x1;
	p0 =	seq.s32 s7, s2  }
0x1e: {  	s7 =	smul.u32 @!p0 $0xF7A, s2;
	p2 =	seq.s32 @!p0 s5, $0x0  }
0x1f: {  	s9 =	smul.u32 $0xF7A, s1;
	s8 =	simm.s32 @!p0 $0x1BF5;
	p2 =	por !p2, p0  }
0x20: {  	[sflag:s8] =	ssyncset.s32 @!p0 $0xFFFFF086;
	s6 =	sadd.s32 @!p0 s3, s7;
	s7 =	simm.s32 @!p0 $0x108  }
0x21: {  	s3 =	sadd.s32 s3, s9;
	s6 =	sadd.s32 @!p0 $0x88, s6;
	s7 =	simm.s32 @p2 $0x1082  }
0x22: {  	[simem:s7], [sflag:s8] =	dma.local @!p0 [hbm:s6], $0xF7A  }
0x23: {  	s9 =	sor.u32 $0xD0000000, s2;
	s6 =	simm.s32 $0x108;
	_ =	swait.ge @!p0 [sflag:s8], $0x0  }
0x24: {  	s3 =	sadd.s32 $0x88, s3;
	s6 =	simm.s32 @!p1 $0x1082;
	[sflag:s4] =	ssyncset.s32 $0xFFFFF086  }
0x25: {  	[simem:s6], [sflag:s4] =	dma.local [hbm:s3], $0xF7A  }
0x26: {  	[smem:$0x3F96] =	sst s1;
	(tag) =	ssettag s2;
	_ =	strace s9  }
0x27: {  	s1 =	sld [smem:$0x3FA6]  }
0x28: {  	s2 =	sld [smem:$0x3FA7]  }
0x29: {  	s4 =	sld [smem:$0x3FA9]  }
0x2a: {  	p0 =	seq.s32 s5, $0x0;
	s5 =	sld [smem:$0x3FAA]  }
0x2b: {  	s6 =	sld [smem:$0x3FAB]  }
0x2c: {  	s7 =	sld [smem:$0x3FAC]  }
0x2d: {  	s3 =	simm.s32 $0x108;
	s8 =	sld [smem:$0x3FAD]  }
0x2e: {  	s3 =	simm.s32 @!p0 $0x1082;
	s9 =	sld [smem:$0x3FAE]  }
0x2f: {  	lr =	sadd.s32 s0, s3;
	s0 =	sld [smem:$0x3FA5]  }
0x30: {  	s3 =	sld [smem:$0x3FA8]  }
0x31: {  	[smem:$0x3FB1] =	sst s10  }
0x32: {  	s10 =	sld [smem:$0x3FAF];
	_ =	sdelay $0x3  }
0x33: {  	p0 =	seq.s32 s10, $0x1;
	s10 =	sld [smem:$0x3FB1];
	_ =	sdelay $0x3  }
0x34: {  	[smem:$0x3FB1] =	sst s10  }
0x35: {  	s10 =	sld [smem:$0x3FB0];
	_ =	sdelay $0x3  }
0x36: {  	p1 =	seq.s32 s10, $0x1;
	s10 =	sld [smem:$0x3FB1];
	_ =	sdelay $0x3  }
0x37: {  	[smem:$0x3FB1] =	sst s10  }
0x38: {  	s10 =	sld [smem:$0x3FB2]  }
0x39: {  	_ = 	snop;
	(pc) =	sbr.ind lr, $3  }
0x3a: {  	_ = 	snop  }
0x3b: {  	_ = 	snop  }
0x3c: {  	p2 =	seq.s32 s10, $0x1;
	s10 =	sld [smem:$0x3FB1]  }
0x3d: {  	_ =	shalt  }
0x3e: {  	_ =	shalt  }
0x3f: {  	_ =	shalt  }
0x40: {  	_ =	shalt  }
0x41: {  	_ =	shalt  }
0x42: {  	_ =	shalt  }
0x43: {  	_ =	shalt  }
0x44: {  	_ =	shalt  }
0x45: {  	_ =	shalt  }
0x46: {  	_ =	shalt  }
0x47: {  	_ =	shalt  }
0x48: {  	_ =	shalt  }
0x49: {  	_ =	shalt  }
0x4a: {  	_ =	shalt  }
0x4b: {  	_ =	shalt  }
0x4c: {  	_ =	shalt  }
0x4d: {  	_ =	shalt  }
0x4e: {  	_ =	shalt  }
0x4f: {  	_ =	shalt  }
0x50: {  	_ =	shalt  }
0x51: {  	_ =	shalt  }
0x52: {  	_ =	shalt  }
0x53: {  	_ =	shalt  }
0x54: {  	_ =	shalt  }
0x55: {  	_ =	shalt  }
0x56: {  	_ =	shalt  }
0x57: {  	_ =	shalt  }
0x58: {  	_ =	shalt  }
0x59: {  	_ =	shalt  }
0x5a: {  	_ =	shalt  }
0x5b: {  	_ =	shalt  }
0x5c: {  	_ =	shalt  }
0x5d: {  	_ =	shalt  }
0x5e: {  	_ =	shalt  }
0x5f: {  	_ =	shalt  }
0x60: {  	_ =	shalt  }
0x61: {  	_ =	shalt  }
0x62: {  	_ =	shalt  }
0x63: {  	_ =	shalt  }
0x64: {  	_ =	shalt  }
0x65: {  	_ =	shalt  }
0x66: {  	_ =	shalt  }
0x67: {  	_ =	shalt  }
0x68: {  	_ =	shalt  }
0x69: {  	_ =	shalt  }
0x6a: {  	_ =	shalt  }
0x6b: {  	_ =	shalt  }
0x6c: {  	_ =	shalt  }
0x6d: {  	_ =	shalt  }
0x6e: {  	_ =	shalt  }
0x6f: {  	_ =	shalt  }
0x70: {  	_ =	shalt  }
0x71: {  	_ =	shalt  }
0x72: {  	_ =	shalt  }
0x73: {  	_ =	shalt  }
0x74: {  	_ =	shalt  }
0x75: {  	_ =	shalt  }
0x76: {  	_ =	shalt  }
0x77: {  	_ =	shalt  }
0x78: {  	_ =	shalt  }
0x79: {  	_ =	shalt  }
0x7a: {  	_ =	shalt  }
0x7b: {  	_ =	shalt  }
0x7c: {  	_ =	shalt  }
0x7d: {  	_ =	shalt  }
0x7e: {  	_ =	shalt  }
0x7f: {  	_ =	shalt  }
0x80: {  	_ =	shalt  }
0x81: {  	_ =	shalt  }
0x82: {  	_ =	shalt  }
0x83: {  	_ =	shalt  }
0x84: {  	_ =	shalt  }
0x85: {  	_ =	shalt  }
0x86: {  	_ =	shalt  }
0x87: {  	_ =	shalt  }
.Lfunc_end0:
.L_simem_size_0:
called_computation_lowered:
.L_overlay_start_0:
0x88: {  	s2 =	sld [smem:$0x3FD9]  }
0x89: {  	s3 =	sld [smem:$0x3FFE];
	_ =	sdelay $0x1  }
0x8a: {  	s1 =	srdreg.scid  }
0x8b: {  	s0 =	sand.u32 $0x1, s1  }
0x8c: {  	s17 =	sshll.u32 s0, $0xA;
	s2 =	sadd.s32 s3, s2  }
0x8d: {  	s2 =	sadd.s32 s2, s17  }
0x8e: {  	[smem:$0x3FBD] =	sst s2  }
0x8f: {  	_ = 	snop  }
0x90: {  	s2 =	sld [smem:$0x3FD0];
	(tm) =	ssettm $0x1  }
0x91: {  	s18 =	sld [smem:$0x3FFB];
	_ =	sdelay $0x3  }
0x92: {  	_ =	strace s18  }
0x93: {  	s3 =	sld [smem:$0x3FFC];
	_ =	sdelay $0x3  }
0x94: {  	_ =	strace s3  }
0x95: {  	s3 =	sld [smem:$0x3FFD];
	_ =	sdelay $0x3  }
0x96: {  	_ =	strace s3  }
0x97: {  	_ =	strace $0x8FFFFFFF  }
0x98: {  	s19 =	sld [smem:$0x3FDB];
	_ =	sdelay $0x1  }
0x99: {  	s4 =	simm.s32 $_scs_section_size  }
0x9a: {  	s5 =	simm.s32 $_size__tile_overlayer_lowered;
	s6 =	simm.s32 $_tile_overlayer_lowered  }
0x9b: {  	s22 =	simm.s32 $0x1BFF;
	s21 =	sshll.u32 s6, $0x1;
	s3 =	sadd.s32 s4, s19  }
0x9c: {  	s7 =	simm.s32 $0x0;
	s20 =	sshll.u32 s5, $0x1;
	s5 =	sadd.s32 s21, s3  }
0x9d: {  	[timem:s7], [sflag:s22] =	dma.local [hbm:s5], s20  }
0x9e: {  	_ =	swait.ge [sflag:s22], s20  }
0x9f: {  	s4 =	ssub.s32 $0x0, s20;
	[sflag:s22] =	ssyncset.done $0x0  }
0xa0: {  	[sflag:s22] =	ssyncadd.s32 s4;
	_ =	sdelay $0x1  }
0xa1: {  	s23 =	simm.s32 $0x1B8B  }
0xa2: {  	_ =	swait.ge [sflag:s23], $0x1  }
0xa3: {  	[sflag:s23] =	ssyncset.done $0x0  }
0xa4: {  	s25 =	simm.s32 $0x1B8E;
	s24 =	sld [smem:$0x3FFE];
	[sflag:s23] =	ssyncadd.s32 $0xFFFFFFFF  }
0xa5: {  	s26 =	simm.s32 $execute0_lowered;
	[smem:$0x3FD2] =	sst s25  }
0xa6: {  	s5 =	sshll.u32 s26, $0x1;
	_ =	strace $0x80000046;
	[dreg:$0x1] =	wrdreg $0xFFFFFFFF  }
0xa7: {  	s28 =	simm.s32 $_size_execute0_lowered;
	s3 =	sadd.s32 s3, s5;
	[dreg:$0x0] =	wrdreg $0x0  }
0xa8: {  	s5 =	sshll.u32 s28, $0x1;
	[dreg:$0x2] =	wrdreg s3  }
0xa9: {  	[dreg:$0x3] =	wrdreg s5  }
0xaa: {  	[dreg:$0x4] =	wrdreg $0xC0  }
0xab: {  	_ =	task [dreg:s7], $0x5FFFF  }
0xac: {  	[dreg:$0x1] =	wrdreg $0xFFFFFFFF  }
0xad: {  	[dreg:$0x0] =	wrdreg $0x60  }
0xae: {  	[dreg:$0x2] =	wrdreg s24  }
0xaf: {  	[dreg:$0x3] =	wrdreg s2  }
0xb0: {  	[dreg:$0x4] =	wrdreg $0x9  }
0xb1: {  	_ =	task.clear_ibuf [dreg:s7], $0x5FFFF;
	_ =	strace $0x90000046  }
0xb2: {  	s29 =	simm.s32 $0x9;
	_ =	strace $0x80000048  }
0xb3: {  	_ =	swait.ge [sflag:s29], $0x1  }
0xb4: {  	[sflag:s29] =	ssyncadd.s32 $0xFFFFFFFF  }
0xb5: {  	_ =	strace $0x90000048  }
0xb6: {  	_ =	sfence  }
0xb7: {  	s30 =	sld [smem:$0x0];
	_ =	sdelay $0x2  }
0xb8: {  	s31 =	sshll.u32 s1, $0xD;
	s1 =	sshrl.u32 s1, $0x2  }
0xb9: {  	s3 =	sand.u32 $0x4000, s31;
	s1 =	sadd.s32 s1, s30  }
0xba: {  	s0 =	sor.u32 s3, s0;
	s1 =	sshll.u32 s1, $0x11  }
0xbb: {  	s0 =	sor.u32 s1, s0  }
0xbc: {  	s0 =	sadd.s32 $0x8F2B, s0  }
0xbd: {  	[sflag:s0] =	ssyncadd.remote.s32 $0x1  }
0xbe: {  	_ =	sfence.sel $0xFFFF  }
0xbf: {  	[dreg:$0x0] =	wrdreg $0xFFFFFFFF;
	(pc) =	sbr.abs _section_cstart, $3  }
0xc0: {  	[dreg:$0x1] =	wrdreg $0xFFFFFFFF  }
0xc1: {  	_ =	task.clear_ibuf [dreg:s7], $0x2FFFF;
	_ =	strace $0x9FFFFFFF  }
0xc2: {  	(tm) =	ssettm $0x7FFFFFFF  }
0xc3: {  	_ =	shalt  }
tec
execute0_lowered:
.L_overlay_start_1:
0x0: {  	(tag) =	ssettag $0x1  }
0x1: {  	s0 =	srdreg.scid;
	s3 =	rddreg [dreg:$0x0]  }
0x2: {  	s5 =	rddreg [dreg:$0x1];
	s1 =	stileid.u32;
	s9 =	simm.s32 $0x5000  }
0x3: {  	s10 =	simm.s32 $0x80;
	s11 =	simm.s32 $0x400;
	s4 =	sand.u32 $0x1, s0  }
0x4: {  	s12 =	simm.s32 $0x0;
	s0 =	rddreg [dreg:$0x2];
	s2 =	sshll.u32 s4, $0x4  }
0x5: {  	s8 =	sshll.u32 s1, $0x7;
	s4 =	ssub.s32 $0x2, s4;
	s6 =	sor.u32 s1, s2  }
0x6: {  	s8 =	sand.u32 $0x380, s8;
	s7 =	smul.u32 $0x500, s6;
	s6 =	sshrl.u32 s6, $0x3  }
0x7: {  	s2 =	simm.s32 $0x0;
	s30 =	sshrl.u32 s4, $0x1;
	s6 =	smul.u32 $0x13C00, s6  }
0x8: {  	[smem:$0x7FF] =	sst s2;
	s31 =	ssub.s32 s4, s30;
	s7 =	sadd.s32 s7, s3  }
0x9: {  	_ =	strace $0x80000047;
	s6 =	sor.u32 s8, s6;
	s3 =	sadd.s32 $0xD000, s7  }
0xa: {  	s4 =	sadd.s32 $0x3000, s7;
	s7 =	simm.s32 $0x1;
	s6 =	sshrl.u32 s6, $0x3  }
0xb: {  	v0 =	vimm.f32 $0.0e+00;
	s8 =	simm.s32 $0x2800;
	s5 =	sadd.s32 s5, s6;
	s6 =	smax.u32 s31, $0x1  }
.LBB2_1:
0xc: {  	[tilespmem:s2], [sflag:$0x1] =	stream.linear.gather [hbm4b:s3+s2], $0x2780, $0x38;
	[tilespmem:$0x7780] =	vst v63  }
0xd: {  	_ =	swait.ge [sflag:s7], $0x2780  }
0xe: {  	[sflag:s7] =	ssyncset.done $0x0  }
0xf: {  	[sflag:s7] =	ssyncadd.s32 $0xFFFFD880  }
0x10: {  	[tilespmem:s8], [sflag:$0x1] =	stream.linear.gather [hbm4b:s4+s2], $0x2780, $0x38;
	[tilespmem:$0x7780] =	vst v63  }
0x11: {  	_ =	swait.ge [sflag:s7], $0x2780  }
0x12: {  	[sflag:s7] =	ssyncset.done $0x0  }
0x13: {  	s13 =	simm.s32 $0x0;
	[sflag:s7] =	ssyncadd.s32 $0xFFFFD880  }
.LBB2_2:
0x14: {  	p0 =	sne.s32 s13, $0x9DC0  }
.Ltmp0:
0x15: {  	_ = 	snop;
	(pc) =	sbr.rel @p0 .LBB2_2-.Ltmp0, $3  }
0x16: {  	_ =	sdelay $0x1  }
0x17: {  	s14 =	sshra.s32 s13, $0x2  }
0x18: {  	s13 =	sadd.s32 $0x40, s13;
	[tilespmem:s14+$0x5000] =	vst v0  }
0x19: {  	s14 =	simm.s32 $0x0;
	s13 =	simm.s32 $0x40  }
.LBB2_4:
0x1a: {  	p0 =	sne.s32 s13, $0x9DC0;
	v1 =	vld [tilespmem:s14+$0x0];
	_ =	sdelay $0x2  }
0x1b: {  	v2 =	vld [tilespmem:s14+$0x2800]  }
.Ltmp1:
0x1c: {  	(pc) =	sbr.rel @p0 .LBB2_4-.Ltmp1, $2  }
0x1d: {  	_ =	sdelay $0x2  }
0x1e: {  	s14 =	sshra.s32 s13, $0x2;
	s13 =	sadd.s32 $0x40, s13;
	[tilespmem:v1+s9+$0x0] =	vst.idx.add.f32.msk $0xffff, v2  }
0x1f: {  	v1 =	vld [tilespmem:s14+$0x0];
	_ =	sdelay $0x2  }
0x20: {  	v2 =	vld [tilespmem:s14+$0x2800];
	_ =	sdelay $0x2  }
0x21: {  	s12 =	sadd.s32 $0x1, s12  }
0x22: {  	p0 =	sne.s32 s12, s6  }
.Ltmp2:
0x23: {  	[tilespmem:v1+s9+$0x0] =	vst.idx.add.f32.msk $0xffff, v2;
	(pc) =	sbr.rel @p0 .LBB2_1-.Ltmp2, $4  }
0x24: {  	[hbm4b:s5+s10] =	stream.strided.scatter [tilespmem:s9], [sflag:$0x1], $0x2780, s11, s10, $0x38;
	[tilespmem:$0x7780] =	vst v63  }
0x25: {  	_ =	swait.ge [sflag:s7], $0x2780  }
0x26: {  	[sflag:s7] =	ssyncset.done $0x0  }
0x27: {  	[sflag:s7] =	ssyncadd.s32 $0xFFFFD880  }
0x28: {  	_ =	sfence.sel $0x180000  }
0x29: {  	[bflag:$0x0] =	sbarrier.arrive $0xFFFF  }
0x2a: {  	p0 =	sne.s32 s1, $0x0;
	_ =	strace $0x90000047  }
0x2b: {  	s0 =	sadd.s32 @!p0 $0x100000, s0;
	[bflag:$0x2] =	sbarrier.arrive $0xFFFF  }
0x2c: {  	[sflag:s0] =	ssyncadd.tile.s32 @!p0 $0x1;
	_ =	shalt  }
.Lfunc_end2:
_tile_overlayer_lowered:
.L_overlay_start_2:
0x2d: {  	(tag) =	ssettag $0x2  }
0x2e: {  	s0 =	rddreg [dreg:$0x0];
	s2 =	stileid.u32  }
0x2f: {  	s1 =	rddreg [dreg:$0x1];
	p0 =	sne.s32 s2, $0x0  }
0x30: {  	s3 =	rddreg [dreg:$0x2];
	[bflag:$0x3] =	sbarrier.arrive $0xFFFF;
	s2 =	simm.s32 @!p0 $0x1C01  }
0x31: {  	[timem:s3], [sflag:s2] =	dma.local @!p0 [hbm:s0], s1  }
0x32: {  	s0 =	simm.s32 @!p0 $0x1  }
0x33: {  	_ =	swait.ge @!p0 [sflag:s0], s1  }
0x34: {  	s1 =	ssub.s32 @!p0 $0x0, s1;
	[sflag:s0] =	ssyncset.done @!p0 $0x0  }
0x35: {  	[sflag:s0] =	ssyncadd.s32 @!p0 s1  }
0x36: {  	[bflag:$0x3] =	sbarrier.arrive $0xFFFF  }
0x37: {  	_ =	shalt  }

</sc_bundles>
